<compile_context>
chip_gen: v7x
topology: tpu7x:2x2x1
jax: 0.10.2.dev20260603
libtpu: 0.0.44.dev20260713+nightly
codegen_flags: <defaults>
</compile_context>

<pallas_src>
import functools
import math

import jax
import jax.numpy as jnp
from jax import lax
from jax.experimental import pallas as pl
from jax.experimental.pallas import tpu as pltpu
from jax.experimental.pallas import tpu_sc as plsc

_B, _C1, _C, _N, _T = 8, 8, 32, 500, 24
_O = 10
_K = 5
_KP = 8
_INV_SQRT10 = 1.0 / math.sqrt(10.0)
_G = _B * _C1
_LANES = 16
_RB = (_N + _LANES - 1) // _LANES


def _tc_body(A_ref, mask_ref, W_ref, b_ref, a1_ref, a2_ref,
             acc_ref, idx_ref):
    N = _N
    Af = A_ref[...]
    rows = lax.broadcasted_iota(jnp.int32, (N, N), 0)
    cols = lax.broadcasted_iota(jnp.int32, (N, N), 1)
    colf = cols.astype(jnp.float32)
    colk = lax.broadcasted_iota(jnp.int32, (N, _KP), 1)
    big = jnp.float32(1e9)
    alpha_term = 0.001 * (
        jnp.where(cols > rows, a1_ref[...], 0.0)
        + jnp.where(cols <= rows, a2_ref[...], 0.0)
    )
    bias = b_ref[0]
    W = W_ref[...]

    acc = jnp.zeros((N, N), jnp.float32)
    for c1 in range(_C1):
        m = mask_ref[0, c1]
        P = lax.dot_general(m, W, (((1,), (1,)), ((), ())),
                            preferred_element_type=jnp.float32) + bias
        S = lax.dot_general(P, P, (((1,), (1,)), ((), ())),
                            preferred_element_type=jnp.float32)
        mw = jax.nn.sigmoid((S + alpha_term) * _INV_SQRT10)
        A4 = Af + 0.002 * mw
        acc = acc + A4

        idx_arr = jnp.zeros((N, _KP), jnp.float32)
        picked = []
        for j in range(_K):
            am = A4
            for f in picked:
                am = jnp.where(colf == f, -jnp.inf, am)
            mx = jnp.max(am, axis=1, keepdims=True)
            first = jnp.min(jnp.where(am >= mx, colf, big), axis=1,
                            keepdims=True)
            idx_arr = jnp.where(colk == j, first, idx_arr)
            picked.append(first)
        idx_ref[0, c1] = idx_arr.astype(jnp.int32)

    acc_ref[0] = acc


def _tc_einsum_body(acc_ref, xt_ref, xo_ref):
    xo_ref[0] = jnp.dot(acc_ref[0], xt_ref[0],
                        preferred_element_type=jnp.float32)


def _sc_body(groups_per_w, num_cores, mask_hbm, idx_hbm, out_hbm,
             mask_v, idx_v, out_v):
    c = lax.axis_index("c")
    s = lax.axis_index("s")
    wid = s * num_cores + c
    lane = lax.iota(jnp.int32, _LANES)
    for gi in range(groups_per_w):
        g = wid * groups_per_w + gi
        pltpu.sync_copy(mask_hbm.at[g], mask_v)
        pltpu.sync_copy(idx_hbm.at[g], idx_v)

        def body(rb, carry):
            rvec = rb * _LANES + lane
            valid = rvec < _N
            rbase = rvec * _KP
            acc = [None] * _T
            for k in range(_K):
                jvec = plsc.load_gather(idx_v, [rbase + k], mask=valid)
                jb = jvec * _T
                for t in range(_T):
                    val = plsc.load_gather(mask_v, [jb + t], mask=valid)
                    acc[t] = val if k == 0 else jnp.maximum(acc[t], val)
            obase = rvec * _T
            for t in range(_T):
                plsc.store_scatter(out_v, [obase + t], acc[t], mask=valid)
            return carry

        lax.fori_loop(0, _RB, body, 0)
        pltpu.sync_copy(out_v, out_hbm.at[g])


@jax.jit
def kernel(x, A, mask, k, W_mlp, b_mlp, alpha1, alpha2):
    B, C, N, T = x.shape
    C1 = mask.shape[1]
    O = W_mlp.shape[0]
    x_t = jnp.transpose(x, (0, 2, 1, 3)).reshape(B, N, C * T)
    b2 = b_mlp.reshape(1, O)

    acc, topk_idx = pl.pallas_call(
        _tc_body,
        grid=(B,),
        in_specs=[
            pl.BlockSpec((N, N), lambda b: (0, 0)),
            pl.BlockSpec((1, C1, N, T), lambda b: (b, 0, 0, 0)),
            pl.BlockSpec((O, T), lambda b: (0, 0)),
            pl.BlockSpec((1, O), lambda b: (0, 0)),
            pl.BlockSpec((N, N), lambda b: (0, 0)),
            pl.BlockSpec((N, N), lambda b: (0, 0)),
        ],
        out_specs=[
            pl.BlockSpec((1, N, N), lambda b: (b, 0, 0)),
            pl.BlockSpec((1, C1, N, _KP), lambda b: (b, 0, 0, 0)),
        ],
        out_shape=[
            jax.ShapeDtypeStruct((B, N, N), jnp.float32),
            jax.ShapeDtypeStruct((B, C1, N, _KP), jnp.int32),
        ],
    )(A, mask, W_mlp, b2, alpha1, alpha2)

    mesh = plsc.VectorSubcoreMesh(core_axis_name="c", subcore_axis_name="s")
    num_workers = mesh.num_cores * mesh.num_subcores
    groups_per_w = _G // num_workers
    mask2 = mask.reshape(_G, N * T)
    idx2 = topk_idx.reshape(_G, N * _KP)

    sc_fn = pl.kernel(
        functools.partial(_sc_body, groups_per_w, mesh.num_cores),
        out_type=jax.ShapeDtypeStruct((_G, N * T), jnp.float32),
        mesh=mesh,
        compiler_params=pltpu.CompilerParams(needs_layout_passes=False),
        scratch_types=[
            pltpu.VMEM((N * T,), jnp.float32),
            pltpu.VMEM((N * _KP,), jnp.int32),
            pltpu.VMEM((N * T,), jnp.float32),
        ],
    )
    mask_out = sc_fn(mask2, idx2).reshape(B, C1, N, T)
    x_out_t = pl.pallas_call(
        _tc_einsum_body,
        grid=(B,),
        in_specs=[
            pl.BlockSpec((1, N, N), lambda b: (b, 0, 0)),
            pl.BlockSpec((1, N, C * T), lambda b: (b, 0, 0)),
        ],
        out_specs=pl.BlockSpec((1, N, C * T), lambda b: (b, 0, 0)),
        out_shape=jax.ShapeDtypeStruct((B, N, C * T), jnp.float32),
    )(acc, x_t)

    x_out = x_out_t.reshape(B, N, C, T).transpose(0, 2, 1, 3)

    return x_out, mask_out

# --- scband reference (transcript-rebuilt; emitter-appended) ---
"""Pipeline reference for scband-nconv-33122787787064 (READ-ONLY COPY).

The authoritative reference and input builder live on the scoring server;
editing this copy changes nothing except your own understanding.
"""

import jax, jax.numpy as jnp
import numpy as np

B, C1, C, N, T = 8, 8, 32, 500, 24

def setup_inputs(seed: int = 0) -> dict:
    key = jax.random.key(seed)
    ks = jax.random.split(key, 6)
    x = jax.random.normal(ks[0], (B, C, N, T), dtype=jnp.float32)
    A = jax.random.uniform(ks[1], (N, N), dtype=jnp.float32)
    mask = jax.random.uniform(ks[2], (B, C1, N, T), dtype=jnp.float32)
    W_mlp = jax.random.normal(ks[3], (10, T), dtype=jnp.float32) * (1.0 / np.sqrt(T))
    b_mlp = jnp.zeros((10,), dtype=jnp.float32)
    alpha1 = jnp.zeros((N, N), dtype=jnp.float32)
    alpha2 = jnp.zeros((N, N), dtype=jnp.float32)
    return {"x": x, "A": A, "mask": mask, "k": 5, "W_mlp": W_mlp, "b_mlp": b_mlp, "alpha1": alpha1, "alpha2": alpha2}

def reference(x, A, mask, k, W_mlp, b_mlp, alpha1, alpha2):
    n_nodes = alpha1.shape[0]
    triu_m = jnp.triu(jnp.ones((n_nodes, n_nodes), dtype=jnp.float32), 1)
    tril_m = jnp.tril(jnp.ones((n_nodes, n_nodes), dtype=jnp.float32), 1)
    # mlp projection of mask: Linear(T -> 10)
    mask_projection = jnp.einsum('bcnt,ot->bcno', mask, W_mlp) + b_mlp
    mask_weight = jnp.matmul(mask_projection, jnp.swapaxes(mask_projection, -2, -1))
    mask_weight = mask_weight + 0.001 * triu_m * jnp.triu(alpha1) + 0.001 * tril_m * jnp.tril(alpha2)
    mask_weight = jax.nn.sigmoid(mask_weight / jnp.sqrt(jnp.float32(10.0)))
    A4 = A[None, None, :, :] + 0.002 * mask_weight  # [B, C1, N, N]
    _, topk_idx = jax.lax.top_k(A4, 5)  # [B, C1, N, 5] (torch.topk with k=5 hardcoded)
    # gather: mask_select[b,c,v,j,t] = mask[b,c, topk_idx[b,c,v,j], t]
    gathered = jax.vmap(jax.vmap(lambda m, i: jnp.take(m, i, axis=0)))(mask, topk_idx)  # [B, C1, N, 5, T]
    mask_out = jnp.max(gathered, axis=-2)  # [B, C1, N, T]
    x_out = jnp.einsum('ncwl,nbvw->ncvl', x, A4)  # [B, C, N, T]
    return x_out, mask_out

if __name__ == "__main__":
    import jax
    _d = setup_inputs()
    print(jax.jit(kernel)(*tuple(_d.values())))

</pallas_src>

<mosaic_0001>
#map = affine_map<(d0, d1) -> (0, 0)>
module attributes {stable_mosaic.version = 14 : i64} {
  func.func @_sc_body(%arg0: i32, %arg1: i32, %arg2: memref<64x12000xf32, #tpu.memory_space<hbm>>, %arg3: memref<64x4000xi32, #tpu.memory_space<hbm>>, %arg4: memref<64x12000xf32, #tpu.memory_space<hbm>>, %arg5: memref<12000xf32, #tpu.memory_space<vmem>>, %arg6: memref<4000xi32, #tpu.memory_space<vmem>>, %arg7: memref<12000xf32, #tpu.memory_space<vmem>>) attributes {dimension_semantics = [#tpu.dimension_semantics<core_parallel>, #tpu.dimension_semantics<subcore_parallel>], iteration_bounds = array<i64: 2, 16>, scalar_prefetch = 0 : i64, scratch_operands = 3 : i64, tpu.core_type = #tpu.core_type<sc_vector_subcore>, window_params = [{transform_indices = #map}, {transform_indices = #map}, {transform_indices = #map}]} {
    %mul3A = arith.constant 2 : i32
    %mul3A_0 = arith.muli %arg1, %mul3A : i32
    %add3A = arith.addi %mul3A_0, %arg0 : i32
    %iota3A = tpu.iota {dimensions = array<i32: 0>} : vector<16xi32>
    %mul3A_1 = arith.constant 2 : i32
    %mul3A_2 = arith.muli %add3A, %mul3A_1 : i32
    %add3A_3 = arith.constant 0 : i32
    %add3A_4 = arith.addi %mul3A_2, %add3A_3 : i32
    "tpu.region"() ({
      %run_scoped3A = tpu.sem_alloc : memref<!tpu.dma_semaphore, #tpu.memory_space<semaphore_mem>>
      %dma_start3A = arith.constant 0 : i32
      %dma_start3A_20 = tpu.memref_slice %arg2[%add3A_4, %dma_start3A] : memref<64x12000xf32, #tpu.memory_space<hbm>> -> memref<1x12000xf32, #tpu.memory_space<hbm>>
      %dma_start3A_21 = tpu.memref_squeeze %dma_start3A_20 : memref<1x12000xf32, #tpu.memory_space<hbm>> -> memref<12000xf32, #tpu.memory_space<hbm>>
      %dma_start3A_22 = arith.constant 0 : i32
      %dma_start3A_23 = tpu.memref_slice %arg2[%add3A_4, %dma_start3A_22] : memref<64x12000xf32, #tpu.memory_space<hbm>> -> memref<1x12000xf32, #tpu.memory_space<hbm>>
      %dma_start3A_24 = tpu.memref_squeeze %dma_start3A_23 : memref<1x12000xf32, #tpu.memory_space<hbm>> -> memref<12000xf32, #tpu.memory_space<hbm>>
      tpu.enqueue_dma source(%dma_start3A_24 : memref<12000xf32, #tpu.memory_space<hbm>>) target(%arg5 : memref<12000xf32, #tpu.memory_space<vmem>>) target_semaphore(%run_scoped3A : memref<!tpu.dma_semaphore, #tpu.memory_space<semaphore_mem>>)
      %dma_wait3A = arith.constant 0 : i32
      %dma_wait3A_25 = tpu.memref_slice %arg2[%add3A_4, %dma_wait3A] : memref<64x12000xf32, #tpu.memory_space<hbm>> -> memref<1x12000xf32, #tpu.memory_space<hbm>>
      %dma_wait3A_26 = tpu.memref_squeeze %dma_wait3A_25 : memref<1x12000xf32, #tpu.memory_space<hbm>> -> memref<12000xf32, #tpu.memory_space<hbm>>
      %dma_wait3A_27 = arith.constant 0 : i32
      %dma_wait3A_28 = tpu.memref_slice %arg2[%add3A_4, %dma_wait3A_27] : memref<64x12000xf32, #tpu.memory_space<hbm>> -> memref<1x12000xf32, #tpu.memory_space<hbm>>
      %dma_wait3A_29 = tpu.memref_squeeze %dma_wait3A_28 : memref<1x12000xf32, #tpu.memory_space<hbm>> -> memref<12000xf32, #tpu.memory_space<hbm>>
      tpu.wait_dma2 semaphore(%run_scoped3A : memref<!tpu.dma_semaphore, #tpu.memory_space<semaphore_mem>>) src(%dma_wait3A_29 : memref<12000xf32, #tpu.memory_space<hbm>>) dst(%arg5 : memref<12000xf32, #tpu.memory_space<vmem>>)
      tpu.yield
    }) : () -> ()
    "tpu.region"() ({
      %run_scoped3A = tpu.sem_alloc : memref<!tpu.dma_semaphore, #tpu.memory_space<semaphore_mem>>
      %dma_start3A = arith.constant 0 : i32
      %dma_start3A_20 = tpu.memref_slice %arg3[%add3A_4, %dma_start3A] : memref<64x4000xi32, #tpu.memory_space<hbm>> -> memref<1x4000xi32, #tpu.memory_space<hbm>>
      %dma_start3A_21 = tpu.memref_squeeze %dma_start3A_20 : memref<1x4000xi32, #tpu.memory_space<hbm>> -> memref<4000xi32, #tpu.memory_space<hbm>>
      %dma_start3A_22 = arith.constant 0 : i32
      %dma_start3A_23 = tpu.memref_slice %arg3[%add3A_4, %dma_start3A_22] : memref<64x4000xi32, #tpu.memory_space<hbm>> -> memref<1x4000xi32, #tpu.memory_space<hbm>>
      %dma_start3A_24 = tpu.memref_squeeze %dma_start3A_23 : memref<1x4000xi32, #tpu.memory_space<hbm>> -> memref<4000xi32, #tpu.memory_space<hbm>>
      tpu.enqueue_dma source(%dma_start3A_24 : memref<4000xi32, #tpu.memory_space<hbm>>) target(%arg6 : memref<4000xi32, #tpu.memory_space<vmem>>) target_semaphore(%run_scoped3A : memref<!tpu.dma_semaphore, #tpu.memory_space<semaphore_mem>>)
      %dma_wait3A = arith.constant 0 : i32
      %dma_wait3A_25 = tpu.memref_slice %arg3[%add3A_4, %dma_wait3A] : memref<64x4000xi32, #tpu.memory_space<hbm>> -> memref<1x4000xi32, #tpu.memory_space<hbm>>
      %dma_wait3A_26 = tpu.memref_squeeze %dma_wait3A_25 : memref<1x4000xi32, #tpu.memory_space<hbm>> -> memref<4000xi32, #tpu.memory_space<hbm>>
      %dma_wait3A_27 = arith.constant 0 : i32
      %dma_wait3A_28 = tpu.memref_slice %arg3[%add3A_4, %dma_wait3A_27] : memref<64x4000xi32, #tpu.memory_space<hbm>> -> memref<1x4000xi32, #tpu.memory_space<hbm>>
      %dma_wait3A_29 = tpu.memref_squeeze %dma_wait3A_28 : memref<1x4000xi32, #tpu.memory_space<hbm>> -> memref<4000xi32, #tpu.memory_space<hbm>>
      tpu.wait_dma2 semaphore(%run_scoped3A : memref<!tpu.dma_semaphore, #tpu.memory_space<semaphore_mem>>) src(%dma_wait3A_29 : memref<4000xi32, #tpu.memory_space<hbm>>) dst(%arg6 : memref<4000xi32, #tpu.memory_space<vmem>>)
      tpu.yield
    }) : () -> ()
    %scan3A = arith.constant 0 : i32
    %scan3A_5 = arith.constant 0 : i32
    %scan3A_6 = arith.constant 32 : i32
    %scan3A_7 = arith.addi %scan3A_5, %scan3A_6 : i32
    %scan3A_8 = arith.constant 1 : i32
    scf.for %scan3A_20 = %scan3A_5 to %scan3A_7 step %scan3A_8  : i32 {
      %mul3A_21 = arith.constant 16 : i32
      %mul3A_22 = arith.muli %scan3A_20, %mul3A_21 : i32
      %add3A_23 = vector.broadcast %mul3A_22 : i32 to vector<16xi32>
      %add3A_24 = arith.addi %add3A_23, %iota3A : vector<16xi32>
      %lt3A = arith.constant 500 : i32
      %lt3A_25 = vector.broadcast %lt3A : i32 to vector<16xi32>
      %lt3A_26 = arith.cmpi slt, %add3A_24, %lt3A_25 : vector<16xi32>
      %mul3A_27 = arith.constant 8 : i32
      %mul3A_28 = vector.broadcast %mul3A_27 : i32 to vector<16xi32>
      %mul3A_29 = arith.muli %add3A_24, %mul3A_28 : vector<16xi32>
      %add3A_30 = arith.constant 0 : i32
      %add3A_31 = vector.broadcast %add3A_30 : i32 to vector<16xi32>
      %add3A_32 = arith.addi %mul3A_29, %add3A_31 : vector<16xi32>
      %gather3A = tpu.vector_load_idx %arg6[%add3A_32] masked %lt3A_26 : memref<4000xi32, #tpu.memory_space<vmem>>[vector<16xi32>], vector<16xi32>, vector<16xi1>
      %mul3A_33 = arith.constant 24 : i32
      %mul3A_34 = vector.broadcast %mul3A_33 : i32 to vector<16xi32>
      %mul3A_35 = arith.muli %gather3A, %mul3A_34 : vector<16xi32>
      %add3A_36 = arith.constant 0 : i32
      %add3A_37 = vector.broadcast %add3A_36 : i32 to vector<16xi32>
      %add3A_38 = arith.addi %mul3A_35, %add3A_37 : vector<16xi32>
      %gather3A_39 = tpu.vector_load_idx %arg5[%add3A_38] masked %lt3A_26 : memref<12000xf32, #tpu.memory_space<vmem>>[vector<16xi32>], vector<16xf32>, vector<16xi1>
      %add3A_40 = arith.constant 1 : i32
      %add3A_41 = vector.broadcast %add3A_40 : i32 to vector<16xi32>
      %add3A_42 = arith.addi %mul3A_35, %add3A_41 : vector<16xi32>
      %gather3A_43 = tpu.vector_load_idx %arg5[%add3A_42] masked %lt3A_26 : memref<12000xf32, #tpu.memory_space<vmem>>[vector<16xi32>], vector<16xf32>, vector<16xi1>
      %add3A_44 = arith.constant 2 : i32
      %add3A_45 = vector.broadcast %add3A_44 : i32 to vector<16xi32>
      %add3A_46 = arith.addi %mul3A_35, %add3A_45 : vector<16xi32>
      %gather3A_47 = tpu.vector_load_idx %arg5[%add3A_46] masked %lt3A_26 : memref<12000xf32, #tpu.memory_space<vmem>>[vector<16xi32>], vector<16xf32>, vector<16xi1>
      %add3A_48 = arith.constant 3 : i32
      %add3A_49 = vector.broadcast %add3A_48 : i32 to vector<16xi32>
      %add3A_50 = arith.addi %mul3A_35, %add3A_49 : vector<16xi32>
      %gather3A_51 = tpu.vector_load_idx %arg5[%add3A_50] masked %lt3A_26 : memref<12000xf32, #tpu.memory_space<vmem>>[vector<16xi32>], vector<16xf32>, vector<16xi1>
      %add3A_52 = arith.constant 4 : i32
      %add3A_53 = vector.broadcast %add3A_52 : i32 to vector<16xi32>
      %add3A_54 = arith.addi %mul3A_35, %add3A_53 : vector<16xi32>
      %gather3A_55 = tpu.vector_load_idx %arg5[%add3A_54] masked %lt3A_26 : memref<12000xf32, #tpu.memory_space<vmem>>[vector<16xi32>], vector<16xf32>, vector<16xi1>
      %add3A_56 = arith.constant 5 : i32
      %add3A_57 = vector.broadcast %add3A_56 : i32 to vector<16xi32>
      %add3A_58 = arith.addi %mul3A_35, %add3A_57 : vector<16xi32>
      %gather3A_59 = tpu.vector_load_idx %arg5[%add3A_58] masked %lt3A_26 : memref<12000xf32, #tpu.memory_space<vmem>>[vector<16xi32>], vector<16xf32>, vector<16xi1>
      %add3A_60 = arith.constant 6 : i32
      %add3A_61 = vector.broadcast %add3A_60 : i32 to vector<16xi32>
      %add3A_62 = arith.addi %mul3A_35, %add3A_61 : vector<16xi32>
      %gather3A_63 = tpu.vector_load_idx %arg5[%add3A_62] masked %lt3A_26 : memref<12000xf32, #tpu.memory_space<vmem>>[vector<16xi32>], vector<16xf32>, vector<16xi1>
      %add3A_64 = arith.constant 7 : i32
      %add3A_65 = vector.broadcast %add3A_64 : i32 to vector<16xi32>
      %add3A_66 = arith.addi %mul3A_35, %add3A_65 : vector<16xi32>
      %gather3A_67 = tpu.vector_load_idx %arg5[%add3A_66] masked %lt3A_26 : memref<12000xf32, #tpu.memory_space<vmem>>[vector<16xi32>], vector<16xf32>, vector<16xi1>
      %add3A_68 = arith.constant 8 : i32
      %add3A_69 = vector.broadcast %add3A_68 : i32 to vector<16xi32>
      %add3A_70 = arith.addi %mul3A_35, %add3A_69 : vector<16xi32>
      %gather3A_71 = tpu.vector_load_idx %arg5[%add3A_70] masked %lt3A_26 : memref<12000xf32, #tpu.memory_space<vmem>>[vector<16xi32>], vector<16xf32>, vector<16xi1>
      %add3A_72 = arith.constant 9 : i32
      %add3A_73 = vector.broadcast %add3A_72 : i32 to vector<16xi32>
      %add3A_74 = arith.addi %mul3A_35, %add3A_73 : vector<16xi32>
      %gather3A_75 = tpu.vector_load_idx %arg5[%add3A_74] masked %lt3A_26 : memref<12000xf32, #tpu.memory_space<vmem>>[vector<16xi32>], vector<16xf32>, vector<16xi1>
      %add3A_76 = arith.constant 10 : i32
      %add3A_77 = vector.broadcast %add3A_76 : i32 to vector<16xi32>
      %add3A_78 = arith.addi %mul3A_35, %add3A_77 : vector<16xi32>
      %gather3A_79 = tpu.vector_load_idx %arg5[%add3A_78] masked %lt3A_26 : memref<12000xf32, #tpu.memory_space<vmem>>[vector<16xi32>], vector<16xf32>, vector<16xi1>
      %add3A_80 = arith.constant 11 : i32
      %add3A_81 = vector.broadcast %add3A_80 : i32 to vector<16xi32>
      %add3A_82 = arith.addi %mul3A_35, %add3A_81 : vector<16xi32>
      %gather3A_83 = tpu.vector_load_idx %arg5[%add3A_82] masked %lt3A_26 : memref<12000xf32, #tpu.memory_space<vmem>>[vector<16xi32>], vector<16xf32>, vector<16xi1>
      %add3A_84 = arith.constant 12 : i32
      %add3A_85 = vector.broadcast %add3A_84 : i32 to vector<16xi32>
      %add3A_86 = arith.addi %mul3A_35, %add3A_85 : vector<16xi32>
      %gather3A_87 = tpu.vector_load_idx %arg5[%add3A_86] masked %lt3A_26 : memref<12000xf32, #tpu.memory_space<vmem>>[vector<16xi32>], vector<16xf32>, vector<16xi1>
      %add3A_88 = arith.constant 13 : i32
      %add3A_89 = vector.broadcast %add3A_88 : i32 to vector<16xi32>
      %add3A_90 = arith.addi %mul3A_35, %add3A_89 : vector<16xi32>
      %gather3A_91 = tpu.vector_load_idx %arg5[%add3A_90] masked %lt3A_26 : memref<12000xf32, #tpu.memory_space<vmem>>[vector<16xi32>], vector<16xf32>, vector<16xi1>
      %add3A_92 = arith.constant 14 : i32
      %add3A_93 = vector.broadcast %add3A_92 : i32 to vector<16xi32>
      %add3A_94 = arith.addi %mul3A_35, %add3A_93 : vector<16xi32>
      %gather3A_95 = tpu.vector_load_idx %arg5[%add3A_94] masked %lt3A_26 : memref<12000xf32, #tpu.memory_space<vmem>>[vector<16xi32>], vector<16xf32>, vector<16xi1>
      %add3A_96 = arith.constant 15 : i32
      %add3A_97 = vector.broadcast %add3A_96 : i32 to vector<16xi32>
      %add3A_98 = arith.addi %mul3A_35, %add3A_97 : vector<16xi32>
      %gather3A_99 = tpu.vector_load_idx %arg5[%add3A_98] masked %lt3A_26 : memref<12000xf32, #tpu.memory_space<vmem>>[vector<16xi32>], vector<16xf32>, vector<16xi1>
      %add3A_100 = arith.constant 16 : i32
      %add3A_101 = vector.broadcast %add3A_100 : i32 to vector<16xi32>
      %add3A_102 = arith.addi %mul3A_35, %add3A_101 : vector<16xi32>
      %gather3A_103 = tpu.vector_load_idx %arg5[%add3A_102] masked %lt3A_26 : memref<12000xf32, #tpu.memory_space<vmem>>[vector<16xi32>], vector<16xf32>, vector<16xi1>
      %add3A_104 = arith.constant 17 : i32
      %add3A_105 = vector.broadcast %add3A_104 : i32 to vector<16xi32>
      %add3A_106 = arith.addi %mul3A_35, %add3A_105 : vector<16xi32>
      %gather3A_107 = tpu.vector_load_idx %arg5[%add3A_106] masked %lt3A_26 : memref<12000xf32, #tpu.memory_space<vmem>>[vector<16xi32>], vector<16xf32>, vector<16xi1>
      %add3A_108 = arith.constant 18 : i32
      %add3A_109 = vector.broadcast %add3A_108 : i32 to vector<16xi32>
      %add3A_110 = arith.addi %mul3A_35, %add3A_109 : vector<16xi32>
      %gather3A_111 = tpu.vector_load_idx %arg5[%add3A_110] masked %lt3A_26 : memref<12000xf32, #tpu.memory_space<vmem>>[vector<16xi32>], vector<16xf32>, vector<16xi1>
      %add3A_112 = arith.constant 19 : i32
      %add3A_113 = vector.broadcast %add3A_112 : i32 to vector<16xi32>
      %add3A_114 = arith.addi %mul3A_35, %add3A_113 : vector<16xi32>
      %gather3A_115 = tpu.vector_load_idx %arg5[%add3A_114] masked %lt3A_26 : memref<12000xf32, #tpu.memory_space<vmem>>[vector<16xi32>], vector<16xf32>, vector<16xi1>
      %add3A_116 = arith.constant 20 : i32
      %add3A_117 = vector.broadcast %add3A_116 : i32 to vector<16xi32>
      %add3A_118 = arith.addi %mul3A_35, %add3A_117 : vector<16xi32>
      %gather3A_119 = tpu.vector_load_idx %arg5[%add3A_118] masked %lt3A_26 : memref<12000xf32, #tpu.memory_space<vmem>>[vector<16xi32>], vector<16xf32>, vector<16xi1>
      %add3A_120 = arith.constant 21 : i32
      %add3A_121 = vector.broadcast %add3A_120 : i32 to vector<16xi32>
      %add3A_122 = arith.addi %mul3A_35, %add3A_121 : vector<16xi32>
      %gather3A_123 = tpu.vector_load_idx %arg5[%add3A_122] masked %lt3A_26 : memref<12000xf32, #tpu.memory_space<vmem>>[vector<16xi32>], vector<16xf32>, vector<16xi1>
      %add3A_124 = arith.constant 22 : i32
      %add3A_125 = vector.broadcast %add3A_124 : i32 to vector<16xi32>
      %add3A_126 = arith.addi %mul3A_35, %add3A_125 : vector<16xi32>
      %gather3A_127 = tpu.vector_load_idx %arg5[%add3A_126] masked %lt3A_26 : memref<12000xf32, #tpu.memory_space<vmem>>[vector<16xi32>], vector<16xf32>, vector<16xi1>
      %add3A_128 = arith.constant 23 : i32
      %add3A_129 = vector.broadcast %add3A_128 : i32 to vector<16xi32>
      %add3A_130 = arith.addi %mul3A_35, %add3A_129 : vector<16xi32>
      %gather3A_131 = tpu.vector_load_idx %arg5[%add3A_130] masked %lt3A_26 : memref<12000xf32, #tpu.memory_space<vmem>>[vector<16xi32>], vector<16xf32>, vector<16xi1>
      %add3A_132 = arith.constant 1 : i32
      %add3A_133 = vector.broadcast %add3A_132 : i32 to vector<16xi32>
      %add3A_134 = arith.addi %mul3A_29, %add3A_133 : vector<16xi32>
      %gather3A_135 = tpu.vector_load_idx %arg6[%add3A_134] masked %lt3A_26 : memref<4000xi32, #tpu.memory_space<vmem>>[vector<16xi32>], vector<16xi32>, vector<16xi1>
      %mul3A_136 = arith.constant 24 : i32
      %mul3A_137 = vector.broadcast %mul3A_136 : i32 to vector<16xi32>
      %mul3A_138 = arith.muli %gather3A_135, %mul3A_137 : vector<16xi32>
      %add3A_139 = arith.constant 0 : i32
      %add3A_140 = vector.broadcast %add3A_139 : i32 to vector<16xi32>
      %add3A_141 = arith.addi %mul3A_138, %add3A_140 : vector<16xi32>
      %gather3A_142 = tpu.vector_load_idx %arg5[%add3A_141] masked %lt3A_26 : memref<12000xf32, #tpu.memory_space<vmem>>[vector<16xi32>], vector<16xf32>, vector<16xi1>
      %max3A = arith.maximumf %gather3A_39, %gather3A_142 : vector<16xf32>
      %add3A_143 = arith.constant 1 : i32
      %add3A_144 = vector.broadcast %add3A_143 : i32 to vector<16xi32>
      %add3A_145 = arith.addi %mul3A_138, %add3A_144 : vector<16xi32>
      %gather3A_146 = tpu.vector_load_idx %arg5[%add3A_145] masked %lt3A_26 : memref<12000xf32, #tpu.memory_space<vmem>>[vector<16xi32>], vector<16xf32>, vector<16xi1>
      %max3A_147 = arith.maximumf %gather3A_43, %gather3A_146 : vector<16xf32>
      %add3A_148 = arith.constant 2 : i32
      %add3A_149 = vector.broadcast %add3A_148 : i32 to vector<16xi32>
      %add3A_150 = arith.addi %mul3A_138, %add3A_149 : vector<16xi32>
      %gather3A_151 = tpu.vector_load_idx %arg5[%add3A_150] masked %lt3A_26 : memref<12000xf32, #tpu.memory_space<vmem>>[vector<16xi32>], vector<16xf32>, vector<16xi1>
      %max3A_152 = arith.maximumf %gather3A_47, %gather3A_151 : vector<16xf32>
      %add3A_153 = arith.constant 3 : i32
      %add3A_154 = vector.broadcast %add3A_153 : i32 to vector<16xi32>
      %add3A_155 = arith.addi %mul3A_138, %add3A_154 : vector<16xi32>
      %gather3A_156 = tpu.vector_load_idx %arg5[%add3A_155] masked %lt3A_26 : memref<12000xf32, #tpu.memory_space<vmem>>[vector<16xi32>], vector<16xf32>, vector<16xi1>
      %max3A_157 = arith.maximumf %gather3A_51, %gather3A_156 : vector<16xf32>
      %add3A_158 = arith.constant 4 : i32
      %add3A_159 = vector.broadcast %add3A_158 : i32 to vector<16xi32>
      %add3A_160 = arith.addi %mul3A_138, %add3A_159 : vector<16xi32>
      %gather3A_161 = tpu.vector_load_idx %arg5[%add3A_160] masked %lt3A_26 : memref<12000xf32, #tpu.memory_space<vmem>>[vector<16xi32>], vector<16xf32>, vector<16xi1>
      %max3A_162 = arith.maximumf %gather3A_55, %gather3A_161 : vector<16xf32>
      %add3A_163 = arith.constant 5 : i32
      %add3A_164 = vector.broadcast %add3A_163 : i32 to vector<16xi32>
      %add3A_165 = arith.addi %mul3A_138, %add3A_164 : vector<16xi32>
      %gather3A_166 = tpu.vector_load_idx %arg5[%add3A_165] masked %lt3A_26 : memref<12000xf32, #tpu.memory_space<vmem>>[vector<16xi32>], vector<16xf32>, vector<16xi1>
      %max3A_167 = arith.maximumf %gather3A_59, %gather3A_166 : vector<16xf32>
      %add3A_168 = arith.constant 6 : i32
      %add3A_169 = vector.broadcast %add3A_168 : i32 to vector<16xi32>
      %add3A_170 = arith.addi %mul3A_138, %add3A_169 : vector<16xi32>
      %gather3A_171 = tpu.vector_load_idx %arg5[%add3A_170] masked %lt3A_26 : memref<12000xf32, #tpu.memory_space<vmem>>[vector<16xi32>], vector<16xf32>, vector<16xi1>
      %max3A_172 = arith.maximumf %gather3A_63, %gather3A_171 : vector<16xf32>
      %add3A_173 = arith.constant 7 : i32
      %add3A_174 = vector.broadcast %add3A_173 : i32 to vector<16xi32>
      %add3A_175 = arith.addi %mul3A_138, %add3A_174 : vector<16xi32>
      %gather3A_176 = tpu.vector_load_idx %arg5[%add3A_175] masked %lt3A_26 : memref<12000xf32, #tpu.memory_space<vmem>>[vector<16xi32>], vector<16xf32>, vector<16xi1>
      %max3A_177 = arith.maximumf %gather3A_67, %gather3A_176 : vector<16xf32>
      %add3A_178 = arith.constant 8 : i32
      %add3A_179 = vector.broadcast %add3A_178 : i32 to vector<16xi32>
      %add3A_180 = arith.addi %mul3A_138, %add3A_179 : vector<16xi32>
      %gather3A_181 = tpu.vector_load_idx %arg5[%add3A_180] masked %lt3A_26 : memref<12000xf32, #tpu.memory_space<vmem>>[vector<16xi32>], vector<16xf32>, vector<16xi1>
      %max3A_182 = arith.maximumf %gather3A_71, %gather3A_181 : vector<16xf32>
      %add3A_183 = arith.constant 9 : i32
      %add3A_184 = vector.broadcast %add3A_183 : i32 to vector<16xi32>
      %add3A_185 = arith.addi %mul3A_138, %add3A_184 : vector<16xi32>
      %gather3A_186 = tpu.vector_load_idx %arg5[%add3A_185] masked %lt3A_26 : memref<12000xf32, #tpu.memory_space<vmem>>[vector<16xi32>], vector<16xf32>, vector<16xi1>
      %max3A_187 = arith.maximumf %gather3A_75, %gather3A_186 : vector<16xf32>
      %add3A_188 = arith.constant 10 : i32
      %add3A_189 = vector.broadcast %add3A_188 : i32 to vector<16xi32>
      %add3A_190 = arith.addi %mul3A_138, %add3A_189 : vector<16xi32>
      %gather3A_191 = tpu.vector_load_idx %arg5[%add3A_190] masked %lt3A_26 : memref<12000xf32, #tpu.memory_space<vmem>>[vector<16xi32>], vector<16xf32>, vector<16xi1>
      %max3A_192 = arith.maximumf %gather3A_79, %gather3A_191 : vector<16xf32>
      %add3A_193 = arith.constant 11 : i32
      %add3A_194 = vector.broadcast %add3A_193 : i32 to vector<16xi32>
      %add3A_195 = arith.addi %mul3A_138, %add3A_194 : vector<16xi32>
      %gather3A_196 = tpu.vector_load_idx %arg5[%add3A_195] masked %lt3A_26 : memref<12000xf32, #tpu.memory_space<vmem>>[vector<16xi32>], vector<16xf32>, vector<16xi1>
      %max3A_197 = arith.maximumf %gather3A_83, %gather3A_196 : vector<16xf32>
      %add3A_198 = arith.constant 12 : i32
      %add3A_199 = vector.broadcast %add3A_198 : i32 to vector<16xi32>
      %add3A_200 = arith.addi %mul3A_138, %add3A_199 : vector<16xi32>
      %gather3A_201 = tpu.vector_load_idx %arg5[%add3A_200] masked %lt3A_26 : memref<12000xf32, #tpu.memory_space<vmem>>[vector<16xi32>], vector<16xf32>, vector<16xi1>
      %max3A_202 = arith.maximumf %gather3A_87, %gather3A_201 : vector<16xf32>
      %add3A_203 = arith.constant 13 : i32
      %add3A_204 = vector.broadcast %add3A_203 : i32 to vector<16xi32>
      %add3A_205 = arith.addi %mul3A_138, %add3A_204 : vector<16xi32>
      %gather3A_206 = tpu.vector_load_idx %arg5[%add3A_205] masked %lt3A_26 : memref<12000xf32, #tpu.memory_space<vmem>>[vector<16xi32>], vector<16xf32>, vector<16xi1>
      %max3A_207 = arith.maximumf %gather3A_91, %gather3A_206 : vector<16xf32>
      %add3A_208 = arith.constant 14 : i32
      %add3A_209 = vector.broadcast %add3A_208 : i32 to vector<16xi32>
      %add3A_210 = arith.addi %mul3A_138, %add3A_209 : vector<16xi32>
      %gather3A_211 = tpu.vector_load_idx %arg5[%add3A_210] masked %lt3A_26 : memref<12000xf32, #tpu.memory_space<vmem>>[vector<16xi32>], vector<16xf32>, vector<16xi1>
      %max3A_212 = arith.maximumf %gather3A_95, %gather3A_211 : vector<16xf32>
      %add3A_213 = arith.constant 15 : i32
      %add3A_214 = vector.broadcast %add3A_213 : i32 to vector<16xi32>
      %add3A_215 = arith.addi %mul3A_138, %add3A_214 : vector<16xi32>
      %gather3A_216 = tpu.vector_load_idx %arg5[%add3A_215] masked %lt3A_26 : memref<12000xf32, #tpu.memory_space<vmem>>[vector<16xi32>], vector<16xf32>, vector<16xi1>
      %max3A_217 = arith.maximumf %gather3A_99, %gather3A_216 : vector<16xf32>
      %add3A_218 = arith.constant 16 : i32
      %add3A_219 = vector.broadcast %add3A_218 : i32 to vector<16xi32>
      %add3A_220 = arith.addi %mul3A_138, %add3A_219 : vector<16xi32>
      %gather3A_221 = tpu.vector_load_idx %arg5[%add3A_220] masked %lt3A_26 : memref<12000xf32, #tpu.memory_space<vmem>>[vector<16xi32>], vector<16xf32>, vector<16xi1>
      %max3A_222 = arith.maximumf %gather3A_103, %gather3A_221 : vector<16xf32>
      %add3A_223 = arith.constant 17 : i32
      %add3A_224 = vector.broadcast %add3A_223 : i32 to vector<16xi32>
      %add3A_225 = arith.addi %mul3A_138, %add3A_224 : vector<16xi32>
      %gather3A_226 = tpu.vector_load_idx %arg5[%add3A_225] masked %lt3A_26 : memref<12000xf32, #tpu.memory_space<vmem>>[vector<16xi32>], vector<16xf32>, vector<16xi1>
      %max3A_227 = arith.maximumf %gather3A_107, %gather3A_226 : vector<16xf32>
      %add3A_228 = arith.constant 18 : i32
      %add3A_229 = vector.broadcast %add3A_228 : i32 to vector<16xi32>
      %add3A_230 = arith.addi %mul3A_138, %add3A_229 : vector<16xi32>
      %gather3A_231 = tpu.vector_load_idx %arg5[%add3A_230] masked %lt3A_26 : memref<12000xf32, #tpu.memory_space<vmem>>[vector<16xi32>], vector<16xf32>, vector<16xi1>
      %max3A_232 = arith.maximumf %gather3A_111, %gather3A_231 : vector<16xf32>
      %add3A_233 = arith.constant 19 : i32
      %add3A_234 = vector.broadcast %add3A_233 : i32 to vector<16xi32>
      %add3A_235 = arith.addi %mul3A_138, %add3A_234 : vector<16xi32>
      %gather3A_236 = tpu.vector_load_idx %arg5[%add3A_235] masked %lt3A_26 : memref<12000xf32, #tpu.memory_space<vmem>>[vector<16xi32>], vector<16xf32>, vector<16xi1>
      %max3A_237 = arith.maximumf %gather3A_115, %gather3A_236 : vector<16xf32>
      %add3A_238 = arith.constant 20 : i32
      %add3A_239 = vector.broadcast %add3A_238 : i32 to vector<16xi32>
      %add3A_240 = arith.addi %mul3A_138, %add3A_239 : vector<16xi32>
      %gather3A_241 = tpu.vector_load_idx %arg5[%add3A_240] masked %lt3A_26 : memref<12000xf32, #tpu.memory_space<vmem>>[vector<16xi32>], vector<16xf32>, vector<16xi1>
      %max3A_242 = arith.maximumf %gather3A_119, %gather3A_241 : vector<16xf32>
      %add3A_243 = arith.constant 21 : i32
      %add3A_244 = vector.broadcast %add3A_243 : i32 to vector<16xi32>
      %add3A_245 = arith.addi %mul3A_138, %add3A_244 : vector<16xi32>
      %gather3A_246 = tpu.vector_load_idx %arg5[%add3A_245] masked %lt3A_26 : memref<12000xf32, #tpu.memory_space<vmem>>[vector<16xi32>], vector<16xf32>, vector<16xi1>
      %max3A_247 = arith.maximumf %gather3A_123, %gather3A_246 : vector<16xf32>
      %add3A_248 = arith.constant 22 : i32
      %add3A_249 = vector.broadcast %add3A_248 : i32 to vector<16xi32>
      %add3A_250 = arith.addi %mul3A_138, %add3A_249 : vector<16xi32>
      %gather3A_251 = tpu.vector_load_idx %arg5[%add3A_250] masked %lt3A_26 : memref<12000xf32, #tpu.memory_space<vmem>>[vector<16xi32>], vector<16xf32>, vector<16xi1>
      %max3A_252 = arith.maximumf %gather3A_127, %gather3A_251 : vector<16xf32>
      %add3A_253 = arith.constant 23 : i32
      %add3A_254 = vector.broadcast %add3A_253 : i32 to vector<16xi32>
      %add3A_255 = arith.addi %mul3A_138, %add3A_254 : vector<16xi32>
      %gather3A_256 = tpu.vector_load_idx %arg5[%add3A_255] masked %lt3A_26 : memref<12000xf32, #tpu.memory_space<vmem>>[vector<16xi32>], vector<16xf32>, vector<16xi1>
      %max3A_257 = arith.maximumf %gather3A_131, %gather3A_256 : vector<16xf32>
      %add3A_258 = arith.constant 2 : i32
      %add3A_259 = vector.broadcast %add3A_258 : i32 to vector<16xi32>
      %add3A_260 = arith.addi %mul3A_29, %add3A_259 : vector<16xi32>
      %gather3A_261 = tpu.vector_load_idx %arg6[%add3A_260] masked %lt3A_26 : memref<4000xi32, #tpu.memory_space<vmem>>[vector<16xi32>], vector<16xi32>, vector<16xi1>
      %mul3A_262 = arith.constant 24 : i32
      %mul3A_263 = vector.broadcast %mul3A_262 : i32 to vector<16xi32>
      %mul3A_264 = arith.muli %gather3A_261, %mul3A_263 : vector<16xi32>
      %add3A_265 = arith.constant 0 : i32
      %add3A_266 = vector.broadcast %add3A_265 : i32 to vector<16xi32>
      %add3A_267 = arith.addi %mul3A_264, %add3A_266 : vector<16xi32>
      %gather3A_268 = tpu.vector_load_idx %arg5[%add3A_267] masked %lt3A_26 : memref<12000xf32, #tpu.memory_space<vmem>>[vector<16xi32>], vector<16xf32>, vector<16xi1>
      %max3A_269 = arith.maximumf %max3A, %gather3A_268 : vector<16xf32>
      %add3A_270 = arith.constant 1 : i32
      %add3A_271 = vector.broadcast %add3A_270 : i32 to vector<16xi32>
      %add3A_272 = arith.addi %mul3A_264, %add3A_271 : vector<16xi32>
      %gather3A_273 = tpu.vector_load_idx %arg5[%add3A_272] masked %lt3A_26 : memref<12000xf32, #tpu.memory_space<vmem>>[vector<16xi32>], vector<16xf32>, vector<16xi1>
      %max3A_274 = arith.maximumf %max3A_147, %gather3A_273 : vector<16xf32>
      %add3A_275 = arith.constant 2 : i32
      %add3A_276 = vector.broadcast %add3A_275 : i32 to vector<16xi32>
      %add3A_277 = arith.addi %mul3A_264, %add3A_276 : vector<16xi32>
      %gather3A_278 = tpu.vector_load_idx %arg5[%add3A_277] masked %lt3A_26 : memref<12000xf32, #tpu.memory_space<vmem>>[vector<16xi32>], vector<16xf32>, vector<16xi1>
      %max3A_279 = arith.maximumf %max3A_152, %gather3A_278 : vector<16xf32>
      %add3A_280 = arith.constant 3 : i32
      %add3A_281 = vector.broadcast %add3A_280 : i32 to vector<16xi32>
      %add3A_282 = arith.addi %mul3A_264, %add3A_281 : vector<16xi32>
      %gather3A_283 = tpu.vector_load_idx %arg5[%add3A_282] masked %lt3A_26 : memref<12000xf32, #tpu.memory_space<vmem>>[vector<16xi32>], vector<16xf32>, vector<16xi1>
      %max3A_284 = arith.maximumf %max3A_157, %gather3A_283 : vector<16xf32>
      %add3A_285 = arith.constant 4 : i32
      %add3A_286 = vector.broadcast %add3A_285 : i32 to vector<16xi32>
      %add3A_287 = arith.addi %mul3A_264, %add3A_286 : vector<16xi32>
      %gather3A_288 = tpu.vector_load_idx %arg5[%add3A_287] masked %lt3A_26 : memref<12000xf32, #tpu.memory_space<vmem>>[vector<16xi32>], vector<16xf32>, vector<16xi1>
      %max3A_289 = arith.maximumf %max3A_162, %gather3A_288 : vector<16xf32>
      %add3A_290 = arith.constant 5 : i32
      %add3A_291 = vector.broadcast %add3A_290 : i32 to vector<16xi32>
      %add3A_292 = arith.addi %mul3A_264, %add3A_291 : vector<16xi32>
      %gather3A_293 = tpu.vector_load_idx %arg5[%add3A_292] masked %lt3A_26 : memref<12000xf32, #tpu.memory_space<vmem>>[vector<16xi32>], vector<16xf32>, vector<16xi1>
      %max3A_294 = arith.maximumf %max3A_167, %gather3A_293 : vector<16xf32>
      %add3A_295 = arith.constant 6 : i32
      %add3A_296 = vector.broadcast %add3A_295 : i32 to vector<16xi32>
      %add3A_297 = arith.addi %mul3A_264, %add3A_296 : vector<16xi32>
      %gather3A_298 = tpu.vector_load_idx %arg5[%add3A_297] masked %lt3A_26 : memref<12000xf32, #tpu.memory_space<vmem>>[vector<16xi32>], vector<16xf32>, vector<16xi1>
      %max3A_299 = arith.maximumf %max3A_172, %gather3A_298 : vector<16xf32>
      %add3A_300 = arith.constant 7 : i32
      %add3A_301 = vector.broadcast %add3A_300 : i32 to vector<16xi32>
      %add3A_302 = arith.addi %mul3A_264, %add3A_301 : vector<16xi32>
      %gather3A_303 = tpu.vector_load_idx %arg5[%add3A_302] masked %lt3A_26 : memref<12000xf32, #tpu.memory_space<vmem>>[vector<16xi32>], vector<16xf32>, vector<16xi1>
      %max3A_304 = arith.maximumf %max3A_177, %gather3A_303 : vector<16xf32>
      %add3A_305 = arith.constant 8 : i32
      %add3A_306 = vector.broadcast %add3A_305 : i32 to vector<16xi32>
      %add3A_307 = arith.addi %mul3A_264, %add3A_306 : vector<16xi32>
      %gather3A_308 = tpu.vector_load_idx %arg5[%add3A_307] masked %lt3A_26 : memref<12000xf32, #tpu.memory_space<vmem>>[vector<16xi32>], vector<16xf32>, vector<16xi1>
      %max3A_309 = arith.maximumf %max3A_182, %gather3A_308 : vector<16xf32>
      %add3A_310 = arith.constant 9 : i32
      %add3A_311 = vector.broadcast %add3A_310 : i32 to vector<16xi32>
      %add3A_312 = arith.addi %mul3A_264, %add3A_311 : vector<16xi32>
      %gather3A_313 = tpu.vector_load_idx %arg5[%add3A_312] masked %lt3A_26 : memref<12000xf32, #tpu.memory_space<vmem>>[vector<16xi32>], vector<16xf32>, vector<16xi1>
      %max3A_314 = arith.maximumf %max3A_187, %gather3A_313 : vector<16xf32>
      %add3A_315 = arith.constant 10 : i32
      %add3A_316 = vector.broadcast %add3A_315 : i32 to vector<16xi32>
      %add3A_317 = arith.addi %mul3A_264, %add3A_316 : vector<16xi32>
      %gather3A_318 = tpu.vector_load_idx %arg5[%add3A_317] masked %lt3A_26 : memref<12000xf32, #tpu.memory_space<vmem>>[vector<16xi32>], vector<16xf32>, vector<16xi1>
      %max3A_319 = arith.maximumf %max3A_192, %gather3A_318 : vector<16xf32>
      %add3A_320 = arith.constant 11 : i32
      %add3A_321 = vector.broadcast %add3A_320 : i32 to vector<16xi32>
      %add3A_322 = arith.addi %mul3A_264, %add3A_321 : vector<16xi32>
      %gather3A_323 = tpu.vector_load_idx %arg5[%add3A_322] masked %lt3A_26 : memref<12000xf32, #tpu.memory_space<vmem>>[vector<16xi32>], vector<16xf32>, vector<16xi1>
      %max3A_324 = arith.maximumf %max3A_197, %gather3A_323 : vector<16xf32>
      %add3A_325 = arith.constant 12 : i32
      %add3A_326 = vector.broadcast %add3A_325 : i32 to vector<16xi32>
      %add3A_327 = arith.addi %mul3A_264, %add3A_326 : vector<16xi32>
      %gather3A_328 = tpu.vector_load_idx %arg5[%add3A_327] masked %lt3A_26 : memref<12000xf32, #tpu.memory_space<vmem>>[vector<16xi32>], vector<16xf32>, vector<16xi1>
      %max3A_329 = arith.maximumf %max3A_202, %gather3A_328 : vector<16xf32>
      %add3A_330 = arith.constant 13 : i32
      %add3A_331 = vector.broadcast %add3A_330 : i32 to vector<16xi32>
      %add3A_332 = arith.addi %mul3A_264, %add3A_331 : vector<16xi32>
      %gather3A_333 = tpu.vector_load_idx %arg5[%add3A_332] masked %lt3A_26 : memref<12000xf32, #tpu.memory_space<vmem>>[vector<16xi32>], vector<16xf32>, vector<16xi1>
      %max3A_334 = arith.maximumf %max3A_207, %gather3A_333 : vector<16xf32>
      %add3A_335 = arith.constant 14 : i32
      %add3A_336 = vector.broadcast %add3A_335 : i32 to vector<16xi32>
      %add3A_337 = arith.addi %mul3A_264, %add3A_336 : vector<16xi32>
      %gather3A_338 = tpu.vector_load_idx %arg5[%add3A_337] masked %lt3A_26 : memref<12000xf32, #tpu.memory_space<vmem>>[vector<16xi32>], vector<16xf32>, vector<16xi1>
      %max3A_339 = arith.maximumf %max3A_212, %gather3A_338 : vector<16xf32>
      %add3A_340 = arith.constant 15 : i32
      %add3A_341 = vector.broadcast %add3A_340 : i32 to vector<16xi32>
      %add3A_342 = arith.addi %mul3A_264, %add3A_341 : vector<16xi32>
      %gather3A_343 = tpu.vector_load_idx %arg5[%add3A_342] masked %lt3A_26 : memref<12000xf32, #tpu.memory_space<vmem>>[vector<16xi32>], vector<16xf32>, vector<16xi1>
      %max3A_344 = arith.maximumf %max3A_217, %gather3A_343 : vector<16xf32>
      %add3A_345 = arith.constant 16 : i32
      %add3A_346 = vector.broadcast %add3A_345 : i32 to vector<16xi32>
      %add3A_347 = arith.addi %mul3A_264, %add3A_346 : vector<16xi32>
      %gather3A_348 = tpu.vector_load_idx %arg5[%add3A_347] masked %lt3A_26 : memref<12000xf32, #tpu.memory_space<vmem>>[vector<16xi32>], vector<16xf32>, vector<16xi1>
      %max3A_349 = arith.maximumf %max3A_222, %gather3A_348 : vector<16xf32>
      %add3A_350 = arith.constant 17 : i32
      %add3A_351 = vector.broadcast %add3A_350 : i32 to vector<16xi32>
      %add3A_352 = arith.addi %mul3A_264, %add3A_351 : vector<16xi32>
      %gather3A_353 = tpu.vector_load_idx %arg5[%add3A_352] masked %lt3A_26 : memref<12000xf32, #tpu.memory_space<vmem>>[vector<16xi32>], vector<16xf32>, vector<16xi1>
      %max3A_354 = arith.maximumf %max3A_227, %gather3A_353 : vector<16xf32>
      %add3A_355 = arith.constant 18 : i32
      %add3A_356 = vector.broadcast %add3A_355 : i32 to vector<16xi32>
      %add3A_357 = arith.addi %mul3A_264, %add3A_356 : vector<16xi32>
      %gather3A_358 = tpu.vector_load_idx %arg5[%add3A_357] masked %lt3A_26 : memref<12000xf32, #tpu.memory_space<vmem>>[vector<16xi32>], vector<16xf32>, vector<16xi1>
      %max3A_359 = arith.maximumf %max3A_232, %gather3A_358 : vector<16xf32>
      %add3A_360 = arith.constant 19 : i32
      %add3A_361 = vector.broadcast %add3A_360 : i32 to vector<16xi32>
      %add3A_362 = arith.addi %mul3A_264, %add3A_361 : vector<16xi32>
      %gather3A_363 = tpu.vector_load_idx %arg5[%add3A_362] masked %lt3A_26 : memref<12000xf32, #tpu.memory_space<vmem>>[vector<16xi32>], vector<16xf32>, vector<16xi1>
      %max3A_364 = arith.maximumf %max3A_237, %gather3A_363 : vector<16xf32>
      %add3A_365 = arith.constant 20 : i32
      %add3A_366 = vector.broadcast %add3A_365 : i32 to vector<16xi32>
      %add3A_367 = arith.addi %mul3A_264, %add3A_366 : vector<16xi32>
      %gather3A_368 = tpu.vector_load_idx %arg5[%add3A_367] masked %lt3A_26 : memref<12000xf32, #tpu.memory_space<vmem>>[vector<16xi32>], vector<16xf32>, vector<16xi1>
      %max3A_369 = arith.maximumf %max3A_242, %gather3A_368 : vector<16xf32>
      %add3A_370 = arith.constant 21 : i32
      %add3A_371 = vector.broadcast %add3A_370 : i32 to vector<16xi32>
      %add3A_372 = arith.addi %mul3A_264, %add3A_371 : vector<16xi32>
      %gather3A_373 = tpu.vector_load_idx %arg5[%add3A_372] masked %lt3A_26 : memref<12000xf32, #tpu.memory_space<vmem>>[vector<16xi32>], vector<16xf32>, vector<16xi1>
      %max3A_374 = arith.maximumf %max3A_247, %gather3A_373 : vector<16xf32>
      %add3A_375 = arith.constant 22 : i32
      %add3A_376 = vector.broadcast %add3A_375 : i32 to vector<16xi32>
      %add3A_377 = arith.addi %mul3A_264, %add3A_376 : vector<16xi32>
      %gather3A_378 = tpu.vector_load_idx %arg5[%add3A_377] masked %lt3A_26 : memref<12000xf32, #tpu.memory_space<vmem>>[vector<16xi32>], vector<16xf32>, vector<16xi1>
      %max3A_379 = arith.maximumf %max3A_252, %gather3A_378 : vector<16xf32>
      %add3A_380 = arith.constant 23 : i32
      %add3A_381 = vector.broadcast %add3A_380 : i32 to vector<16xi32>
      %add3A_382 = arith.addi %mul3A_264, %add3A_381 : vector<16xi32>
      %gather3A_383 = tpu.vector_load_idx %arg5[%add3A_382] masked %lt3A_26 : memref<12000xf32, #tpu.memory_space<vmem>>[vector<16xi32>], vector<16xf32>, vector<16xi1>
      %max3A_384 = arith.maximumf %max3A_257, %gather3A_383 : vector<16xf32>
      %add3A_385 = arith.constant 3 : i32
      %add3A_386 = vector.broadcast %add3A_385 : i32 to vector<16xi32>
      %add3A_387 = arith.addi %mul3A_29, %add3A_386 : vector<16xi32>
      %gather3A_388 = tpu.vector_load_idx %arg6[%add3A_387] masked %lt3A_26 : memref<4000xi32, #tpu.memory_space<vmem>>[vector<16xi32>], vector<16xi32>, vector<16xi1>
      %mul3A_389 = arith.constant 24 : i32
      %mul3A_390 = vector.broadcast %mul3A_389 : i32 to vector<16xi32>
      %mul3A_391 = arith.muli %gather3A_388, %mul3A_390 : vector<16xi32>
      %add3A_392 = arith.constant 0 : i32
      %add3A_393 = vector.broadcast %add3A_392 : i32 to vector<16xi32>
      %add3A_394 = arith.addi %mul3A_391, %add3A_393 : vector<16xi32>
      %gather3A_395 = tpu.vector_load_idx %arg5[%add3A_394] masked %lt3A_26 : memref<12000xf32, #tpu.memory_space<vmem>>[vector<16xi32>], vector<16xf32>, vector<16xi1>
      %max3A_396 = arith.maximumf %max3A_269, %gather3A_395 : vector<16xf32>
      %add3A_397 = arith.constant 1 : i32
      %add3A_398 = vector.broadcast %add3A_397 : i32 to vector<16xi32>
      %add3A_399 = arith.addi %mul3A_391, %add3A_398 : vector<16xi32>
      %gather3A_400 = tpu.vector_load_idx %arg5[%add3A_399] masked %lt3A_26 : memref<12000xf32, #tpu.memory_space<vmem>>[vector<16xi32>], vector<16xf32>, vector<16xi1>
      %max3A_401 = arith.maximumf %max3A_274, %gather3A_400 : vector<16xf32>
      %add3A_402 = arith.constant 2 : i32
      %add3A_403 = vector.broadcast %add3A_402 : i32 to vector<16xi32>
      %add3A_404 = arith.addi %mul3A_391, %add3A_403 : vector<16xi32>
      %gather3A_405 = tpu.vector_load_idx %arg5[%add3A_404] masked %lt3A_26 : memref<12000xf32, #tpu.memory_space<vmem>>[vector<16xi32>], vector<16xf32>, vector<16xi1>
      %max3A_406 = arith.maximumf %max3A_279, %gather3A_405 : vector<16xf32>
      %add3A_407 = arith.constant 3 : i32
      %add3A_408 = vector.broadcast %add3A_407 : i32 to vector<16xi32>
      %add3A_409 = arith.addi %mul3A_391, %add3A_408 : vector<16xi32>
      %gather3A_410 = tpu.vector_load_idx %arg5[%add3A_409] masked %lt3A_26 : memref<12000xf32, #tpu.memory_space<vmem>>[vector<16xi32>], vector<16xf32>, vector<16xi1>
      %max3A_411 = arith.maximumf %max3A_284, %gather3A_410 : vector<16xf32>
      %add3A_412 = arith.constant 4 : i32
      %add3A_413 = vector.broadcast %add3A_412 : i32 to vector<16xi32>
      %add3A_414 = arith.addi %mul3A_391, %add3A_413 : vector<16xi32>
      %gather3A_415 = tpu.vector_load_idx %arg5[%add3A_414] masked %lt3A_26 : memref<12000xf32, #tpu.memory_space<vmem>>[vector<16xi32>], vector<16xf32>, vector<16xi1>
      %max3A_416 = arith.maximumf %max3A_289, %gather3A_415 : vector<16xf32>
      %add3A_417 = arith.constant 5 : i32
      %add3A_418 = vector.broadcast %add3A_417 : i32 to vector<16xi32>
      %add3A_419 = arith.addi %mul3A_391, %add3A_418 : vector<16xi32>
      %gather3A_420 = tpu.vector_load_idx %arg5[%add3A_419] masked %lt3A_26 : memref<12000xf32, #tpu.memory_space<vmem>>[vector<16xi32>], vector<16xf32>, vector<16xi1>
      %max3A_421 = arith.maximumf %max3A_294, %gather3A_420 : vector<16xf32>
      %add3A_422 = arith.constant 6 : i32
      %add3A_423 = vector.broadcast %add3A_422 : i32 to vector<16xi32>
      %add3A_424 = arith.addi %mul3A_391, %add3A_423 : vector<16xi32>
      %gather3A_425 = tpu.vector_load_idx %arg5[%add3A_424] masked %lt3A_26 : memref<12000xf32, #tpu.memory_space<vmem>>[vector<16xi32>], vector<16xf32>, vector<16xi1>
      %max3A_426 = arith.maximumf %max3A_299, %gather3A_425 : vector<16xf32>
      %add3A_427 = arith.constant 7 : i32
      %add3A_428 = vector.broadcast %add3A_427 : i32 to vector<16xi32>
      %add3A_429 = arith.addi %mul3A_391, %add3A_428 : vector<16xi32>
      %gather3A_430 = tpu.vector_load_idx %arg5[%add3A_429] masked %lt3A_26 : memref<12000xf32, #tpu.memory_space<vmem>>[vector<16xi32>], vector<16xf32>, vector<16xi1>
      %max3A_431 = arith.maximumf %max3A_304, %gather3A_430 : vector<16xf32>
      %add3A_432 = arith.constant 8 : i32
      %add3A_433 = vector.broadcast %add3A_432 : i32 to vector<16xi32>
      %add3A_434 = arith.addi %mul3A_391, %add3A_433 : vector<16xi32>
      %gather3A_435 = tpu.vector_load_idx %arg5[%add3A_434] masked %lt3A_26 : memref<12000xf32, #tpu.memory_space<vmem>>[vector<16xi32>], vector<16xf32>, vector<16xi1>
      %max3A_436 = arith.maximumf %max3A_309, %gather3A_435 : vector<16xf32>
      %add3A_437 = arith.constant 9 : i32
      %add3A_438 = vector.broadcast %add3A_437 : i32 to vector<16xi32>
      %add3A_439 = arith.addi %mul3A_391, %add3A_438 : vector<16xi32>
      %gather3A_440 = tpu.vector_load_idx %arg5[%add3A_439] masked %lt3A_26 : memref<12000xf32, #tpu.memory_space<vmem>>[vector<16xi32>], vector<16xf32>, vector<16xi1>
      %max3A_441 = arith.maximumf %max3A_314, %gather3A_440 : vector<16xf32>
      %add3A_442 = arith.constant 10 : i32
      %add3A_443 = vector.broadcast %add3A_442 : i32 to vector<16xi32>
      %add3A_444 = arith.addi %mul3A_391, %add3A_443 : vector<16xi32>
      %gather3A_445 = tpu.vector_load_idx %arg5[%add3A_444] masked %lt3A_26 : memref<12000xf32, #tpu.memory_space<vmem>>[vector<16xi32>], vector<16xf32>, vector<16xi1>
      %max3A_446 = arith.maximumf %max3A_319, %gather3A_445 : vector<16xf32>
      %add3A_447 = arith.constant 11 : i32
      %add3A_448 = vector.broadcast %add3A_447 : i32 to vector<16xi32>
      %add3A_449 = arith.addi %mul3A_391, %add3A_448 : vector<16xi32>
      %gather3A_450 = tpu.vector_load_idx %arg5[%add3A_449] masked %lt3A_26 : memref<12000xf32, #tpu.memory_space<vmem>>[vector<16xi32>], vector<16xf32>, vector<16xi1>
      %max3A_451 = arith.maximumf %max3A_324, %gather3A_450 : vector<16xf32>
      %add3A_452 = arith.constant 12 : i32
      %add3A_453 = vector.broadcast %add3A_452 : i32 to vector<16xi32>
      %add3A_454 = arith.addi %mul3A_391, %add3A_453 : vector<16xi32>
      %gather3A_455 = tpu.vector_load_idx %arg5[%add3A_454] masked %lt3A_26 : memref<12000xf32, #tpu.memory_space<vmem>>[vector<16xi32>], vector<16xf32>, vector<16xi1>
      %max3A_456 = arith.maximumf %max3A_329, %gather3A_455 : vector<16xf32>
      %add3A_457 = arith.constant 13 : i32
      %add3A_458 = vector.broadcast %add3A_457 : i32 to vector<16xi32>
      %add3A_459 = arith.addi %mul3A_391, %add3A_458 : vector<16xi32>
      %gather3A_460 = tpu.vector_load_idx %arg5[%add3A_459] masked %lt3A_26 : memref<12000xf32, #tpu.memory_space<vmem>>[vector<16xi32>], vector<16xf32>, vector<16xi1>
      %max3A_461 = arith.maximumf %max3A_334, %gather3A_460 : vector<16xf32>
      %add3A_462 = arith.constant 14 : i32
      %add3A_463 = vector.broadcast %add3A_462 : i32 to vector<16xi32>
      %add3A_464 = arith.addi %mul3A_391, %add3A_463 : vector<16xi32>
      %gather3A_465 = tpu.vector_load_idx %arg5[%add3A_464] masked %lt3A_26 : memref<12000xf32, #tpu.memory_space<vmem>>[vector<16xi32>], vector<16xf32>, vector<16xi1>
      %max3A_466 = arith.maximumf %max3A_339, %gather3A_465 : vector<16xf32>
      %add3A_467 = arith.constant 15 : i32
      %add3A_468 = vector.broadcast %add3A_467 : i32 to vector<16xi32>
      %add3A_469 = arith.addi %mul3A_391, %add3A_468 : vector<16xi32>
      %gather3A_470 = tpu.vector_load_idx %arg5[%add3A_469] masked %lt3A_26 : memref<12000xf32, #tpu.memory_space<vmem>>[vector<16xi32>], vector<16xf32>, vector<16xi1>
      %max3A_471 = arith.maximumf %max3A_344, %gather3A_470 : vector<16xf32>
      %add3A_472 = arith.constant 16 : i32
      %add3A_473 = vector.broadcast %add3A_472 : i32 to vector<16xi32>
      %add3A_474 = arith.addi %mul3A_391, %add3A_473 : vector<16xi32>
      %gather3A_475 = tpu.vector_load_idx %arg5[%add3A_474] masked %lt3A_26 : memref<12000xf32, #tpu.memory_space<vmem>>[vector<16xi32>], vector<16xf32>, vector<16xi1>
      %max3A_476 = arith.maximumf %max3A_349, %gather3A_475 : vector<16xf32>
      %add3A_477 = arith.constant 17 : i32
      %add3A_478 = vector.broadcast %add3A_477 : i32 to vector<16xi32>
      %add3A_479 = arith.addi %mul3A_391, %add3A_478 : vector<16xi32>
      %gather3A_480 = tpu.vector_load_idx %arg5[%add3A_479] masked %lt3A_26 : memref<12000xf32, #tpu.memory_space<vmem>>[vector<16xi32>], vector<16xf32>, vector<16xi1>
      %max3A_481 = arith.maximumf %max3A_354, %gather3A_480 : vector<16xf32>
      %add3A_482 = arith.constant 18 : i32
      %add3A_483 = vector.broadcast %add3A_482 : i32 to vector<16xi32>
      %add3A_484 = arith.addi %mul3A_391, %add3A_483 : vector<16xi32>
      %gather3A_485 = tpu.vector_load_idx %arg5[%add3A_484] masked %lt3A_26 : memref<12000xf32, #tpu.memory_space<vmem>>[vector<16xi32>], vector<16xf32>, vector<16xi1>
      %max3A_486 = arith.maximumf %max3A_359, %gather3A_485 : vector<16xf32>
      %add3A_487 = arith.constant 19 : i32
      %add3A_488 = vector.broadcast %add3A_487 : i32 to vector<16xi32>
      %add3A_489 = arith.addi %mul3A_391, %add3A_488 : vector<16xi32>
      %gather3A_490 = tpu.vector_load_idx %arg5[%add3A_489] masked %lt3A_26 : memref<12000xf32, #tpu.memory_space<vmem>>[vector<16xi32>], vector<16xf32>, vector<16xi1>
      %max3A_491 = arith.maximumf %max3A_364, %gather3A_490 : vector<16xf32>
      %add3A_492 = arith.constant 20 : i32
      %add3A_493 = vector.broadcast %add3A_492 : i32 to vector<16xi32>
      %add3A_494 = arith.addi %mul3A_391, %add3A_493 : vector<16xi32>
      %gather3A_495 = tpu.vector_load_idx %arg5[%add3A_494] masked %lt3A_26 : memref<12000xf32, #tpu.memory_space<vmem>>[vector<16xi32>], vector<16xf32>, vector<16xi1>
      %max3A_496 = arith.maximumf %max3A_369, %gather3A_495 : vector<16xf32>
      %add3A_497 = arith.constant 21 : i32
      %add3A_498 = vector.broadcast %add3A_497 : i32 to vector<16xi32>
      %add3A_499 = arith.addi %mul3A_391, %add3A_498 : vector<16xi32>
      %gather3A_500 = tpu.vector_load_idx %arg5[%add3A_499] masked %lt3A_26 : memref<12000xf32, #tpu.memory_space<vmem>>[vector<16xi32>], vector<16xf32>, vector<16xi1>
      %max3A_501 = arith.maximumf %max3A_374, %gather3A_500 : vector<16xf32>
      %add3A_502 = arith.constant 22 : i32
      %add3A_503 = vector.broadcast %add3A_502 : i32 to vector<16xi32>
      %add3A_504 = arith.addi %mul3A_391, %add3A_503 : vector<16xi32>
      %gather3A_505 = tpu.vector_load_idx %arg5[%add3A_504] masked %lt3A_26 : memref<12000xf32, #tpu.memory_space<vmem>>[vector<16xi32>], vector<16xf32>, vector<16xi1>
      %max3A_506 = arith.maximumf %max3A_379, %gather3A_505 : vector<16xf32>
      %add3A_507 = arith.constant 23 : i32
      %add3A_508 = vector.broadcast %add3A_507 : i32 to vector<16xi32>
      %add3A_509 = arith.addi %mul3A_391, %add3A_508 : vector<16xi32>
      %gather3A_510 = tpu.vector_load_idx %arg5[%add3A_509] masked %lt3A_26 : memref<12000xf32, #tpu.memory_space<vmem>>[vector<16xi32>], vector<16xf32>, vector<16xi1>
      %max3A_511 = arith.maximumf %max3A_384, %gather3A_510 : vector<16xf32>
      %add3A_512 = arith.constant 4 : i32
      %add3A_513 = vector.broadcast %add3A_512 : i32 to vector<16xi32>
      %add3A_514 = arith.addi %mul3A_29, %add3A_513 : vector<16xi32>
      %gather3A_515 = tpu.vector_load_idx %arg6[%add3A_514] masked %lt3A_26 : memref<4000xi32, #tpu.memory_space<vmem>>[vector<16xi32>], vector<16xi32>, vector<16xi1>
      %mul3A_516 = arith.constant 24 : i32
      %mul3A_517 = vector.broadcast %mul3A_516 : i32 to vector<16xi32>
      %mul3A_518 = arith.muli %gather3A_515, %mul3A_517 : vector<16xi32>
      %add3A_519 = arith.constant 0 : i32
      %add3A_520 = vector.broadcast %add3A_519 : i32 to vector<16xi32>
      %add3A_521 = arith.addi %mul3A_518, %add3A_520 : vector<16xi32>
      %gather3A_522 = tpu.vector_load_idx %arg5[%add3A_521] masked %lt3A_26 : memref<12000xf32, #tpu.memory_space<vmem>>[vector<16xi32>], vector<16xf32>, vector<16xi1>
      %max3A_523 = arith.maximumf %max3A_396, %gather3A_522 : vector<16xf32>
      %add3A_524 = arith.constant 1 : i32
      %add3A_525 = vector.broadcast %add3A_524 : i32 to vector<16xi32>
      %add3A_526 = arith.addi %mul3A_518, %add3A_525 : vector<16xi32>
      %gather3A_527 = tpu.vector_load_idx %arg5[%add3A_526] masked %lt3A_26 : memref<12000xf32, #tpu.memory_space<vmem>>[vector<16xi32>], vector<16xf32>, vector<16xi1>
      %max3A_528 = arith.maximumf %max3A_401, %gather3A_527 : vector<16xf32>
      %add3A_529 = arith.constant 2 : i32
      %add3A_530 = vector.broadcast %add3A_529 : i32 to vector<16xi32>
      %add3A_531 = arith.addi %mul3A_518, %add3A_530 : vector<16xi32>
      %gather3A_532 = tpu.vector_load_idx %arg5[%add3A_531] masked %lt3A_26 : memref<12000xf32, #tpu.memory_space<vmem>>[vector<16xi32>], vector<16xf32>, vector<16xi1>
      %max3A_533 = arith.maximumf %max3A_406, %gather3A_532 : vector<16xf32>
      %add3A_534 = arith.constant 3 : i32
      %add3A_535 = vector.broadcast %add3A_534 : i32 to vector<16xi32>
      %add3A_536 = arith.addi %mul3A_518, %add3A_535 : vector<16xi32>
      %gather3A_537 = tpu.vector_load_idx %arg5[%add3A_536] masked %lt3A_26 : memref<12000xf32, #tpu.memory_space<vmem>>[vector<16xi32>], vector<16xf32>, vector<16xi1>
      %max3A_538 = arith.maximumf %max3A_411, %gather3A_537 : vector<16xf32>
      %add3A_539 = arith.constant 4 : i32
      %add3A_540 = vector.broadcast %add3A_539 : i32 to vector<16xi32>
      %add3A_541 = arith.addi %mul3A_518, %add3A_540 : vector<16xi32>
      %gather3A_542 = tpu.vector_load_idx %arg5[%add3A_541] masked %lt3A_26 : memref<12000xf32, #tpu.memory_space<vmem>>[vector<16xi32>], vector<16xf32>, vector<16xi1>
      %max3A_543 = arith.maximumf %max3A_416, %gather3A_542 : vector<16xf32>
      %add3A_544 = arith.constant 5 : i32
      %add3A_545 = vector.broadcast %add3A_544 : i32 to vector<16xi32>
      %add3A_546 = arith.addi %mul3A_518, %add3A_545 : vector<16xi32>
      %gather3A_547 = tpu.vector_load_idx %arg5[%add3A_546] masked %lt3A_26 : memref<12000xf32, #tpu.memory_space<vmem>>[vector<16xi32>], vector<16xf32>, vector<16xi1>
      %max3A_548 = arith.maximumf %max3A_421, %gather3A_547 : vector<16xf32>
      %add3A_549 = arith.constant 6 : i32
      %add3A_550 = vector.broadcast %add3A_549 : i32 to vector<16xi32>
      %add3A_551 = arith.addi %mul3A_518, %add3A_550 : vector<16xi32>
      %gather3A_552 = tpu.vector_load_idx %arg5[%add3A_551] masked %lt3A_26 : memref<12000xf32, #tpu.memory_space<vmem>>[vector<16xi32>], vector<16xf32>, vector<16xi1>
      %max3A_553 = arith.maximumf %max3A_426, %gather3A_552 : vector<16xf32>
      %add3A_554 = arith.constant 7 : i32
      %add3A_555 = vector.broadcast %add3A_554 : i32 to vector<16xi32>
      %add3A_556 = arith.addi %mul3A_518, %add3A_555 : vector<16xi32>
      %gather3A_557 = tpu.vector_load_idx %arg5[%add3A_556] masked %lt3A_26 : memref<12000xf32, #tpu.memory_space<vmem>>[vector<16xi32>], vector<16xf32>, vector<16xi1>
      %max3A_558 = arith.maximumf %max3A_431, %gather3A_557 : vector<16xf32>
      %add3A_559 = arith.constant 8 : i32
      %add3A_560 = vector.broadcast %add3A_559 : i32 to vector<16xi32>
      %add3A_561 = arith.addi %mul3A_518, %add3A_560 : vector<16xi32>
      %gather3A_562 = tpu.vector_load_idx %arg5[%add3A_561] masked %lt3A_26 : memref<12000xf32, #tpu.memory_space<vmem>>[vector<16xi32>], vector<16xf32>, vector<16xi1>
      %max3A_563 = arith.maximumf %max3A_436, %gather3A_562 : vector<16xf32>
      %add3A_564 = arith.constant 9 : i32
      %add3A_565 = vector.broadcast %add3A_564 : i32 to vector<16xi32>
      %add3A_566 = arith.addi %mul3A_518, %add3A_565 : vector<16xi32>
      %gather3A_567 = tpu.vector_load_idx %arg5[%add3A_566] masked %lt3A_26 : memref<12000xf32, #tpu.memory_space<vmem>>[vector<16xi32>], vector<16xf32>, vector<16xi1>
      %max3A_568 = arith.maximumf %max3A_441, %gather3A_567 : vector<16xf32>
      %add3A_569 = arith.constant 10 : i32
      %add3A_570 = vector.broadcast %add3A_569 : i32 to vector<16xi32>
      %add3A_571 = arith.addi %mul3A_518, %add3A_570 : vector<16xi32>
      %gather3A_572 = tpu.vector_load_idx %arg5[%add3A_571] masked %lt3A_26 : memref<12000xf32, #tpu.memory_space<vmem>>[vector<16xi32>], vector<16xf32>, vector<16xi1>
      %max3A_573 = arith.maximumf %max3A_446, %gather3A_572 : vector<16xf32>
      %add3A_574 = arith.constant 11 : i32
      %add3A_575 = vector.broadcast %add3A_574 : i32 to vector<16xi32>
      %add3A_576 = arith.addi %mul3A_518, %add3A_575 : vector<16xi32>
      %gather3A_577 = tpu.vector_load_idx %arg5[%add3A_576] masked %lt3A_26 : memref<12000xf32, #tpu.memory_space<vmem>>[vector<16xi32>], vector<16xf32>, vector<16xi1>
      %max3A_578 = arith.maximumf %max3A_451, %gather3A_577 : vector<16xf32>
      %add3A_579 = arith.constant 12 : i32
      %add3A_580 = vector.broadcast %add3A_579 : i32 to vector<16xi32>
      %add3A_581 = arith.addi %mul3A_518, %add3A_580 : vector<16xi32>
      %gather3A_582 = tpu.vector_load_idx %arg5[%add3A_581] masked %lt3A_26 : memref<12000xf32, #tpu.memory_space<vmem>>[vector<16xi32>], vector<16xf32>, vector<16xi1>
      %max3A_583 = arith.maximumf %max3A_456, %gather3A_582 : vector<16xf32>
      %add3A_584 = arith.constant 13 : i32
      %add3A_585 = vector.broadcast %add3A_584 : i32 to vector<16xi32>
      %add3A_586 = arith.addi %mul3A_518, %add3A_585 : vector<16xi32>
      %gather3A_587 = tpu.vector_load_idx %arg5[%add3A_586] masked %lt3A_26 : memref<12000xf32, #tpu.memory_space<vmem>>[vector<16xi32>], vector<16xf32>, vector<16xi1>
      %max3A_588 = arith.maximumf %max3A_461, %gather3A_587 : vector<16xf32>
      %add3A_589 = arith.constant 14 : i32
      %add3A_590 = vector.broadcast %add3A_589 : i32 to vector<16xi32>
      %add3A_591 = arith.addi %mul3A_518, %add3A_590 : vector<16xi32>
      %gather3A_592 = tpu.vector_load_idx %arg5[%add3A_591] masked %lt3A_26 : memref<12000xf32, #tpu.memory_space<vmem>>[vector<16xi32>], vector<16xf32>, vector<16xi1>
      %max3A_593 = arith.maximumf %max3A_466, %gather3A_592 : vector<16xf32>
      %add3A_594 = arith.constant 15 : i32
      %add3A_595 = vector.broadcast %add3A_594 : i32 to vector<16xi32>
      %add3A_596 = arith.addi %mul3A_518, %add3A_595 : vector<16xi32>
      %gather3A_597 = tpu.vector_load_idx %arg5[%add3A_596] masked %lt3A_26 : memref<12000xf32, #tpu.memory_space<vmem>>[vector<16xi32>], vector<16xf32>, vector<16xi1>
      %max3A_598 = arith.maximumf %max3A_471, %gather3A_597 : vector<16xf32>
      %add3A_599 = arith.constant 16 : i32
      %add3A_600 = vector.broadcast %add3A_599 : i32 to vector<16xi32>
      %add3A_601 = arith.addi %mul3A_518, %add3A_600 : vector<16xi32>
      %gather3A_602 = tpu.vector_load_idx %arg5[%add3A_601] masked %lt3A_26 : memref<12000xf32, #tpu.memory_space<vmem>>[vector<16xi32>], vector<16xf32>, vector<16xi1>
      %max3A_603 = arith.maximumf %max3A_476, %gather3A_602 : vector<16xf32>
      %add3A_604 = arith.constant 17 : i32
      %add3A_605 = vector.broadcast %add3A_604 : i32 to vector<16xi32>
      %add3A_606 = arith.addi %mul3A_518, %add3A_605 : vector<16xi32>
      %gather3A_607 = tpu.vector_load_idx %arg5[%add3A_606] masked %lt3A_26 : memref<12000xf32, #tpu.memory_space<vmem>>[vector<16xi32>], vector<16xf32>, vector<16xi1>
      %max3A_608 = arith.maximumf %max3A_481, %gather3A_607 : vector<16xf32>
      %add3A_609 = arith.constant 18 : i32
      %add3A_610 = vector.broadcast %add3A_609 : i32 to vector<16xi32>
      %add3A_611 = arith.addi %mul3A_518, %add3A_610 : vector<16xi32>
      %gather3A_612 = tpu.vector_load_idx %arg5[%add3A_611] masked %lt3A_26 : memref<12000xf32, #tpu.memory_space<vmem>>[vector<16xi32>], vector<16xf32>, vector<16xi1>
      %max3A_613 = arith.maximumf %max3A_486, %gather3A_612 : vector<16xf32>
      %add3A_614 = arith.constant 19 : i32
      %add3A_615 = vector.broadcast %add3A_614 : i32 to vector<16xi32>
      %add3A_616 = arith.addi %mul3A_518, %add3A_615 : vector<16xi32>
      %gather3A_617 = tpu.vector_load_idx %arg5[%add3A_616] masked %lt3A_26 : memref<12000xf32, #tpu.memory_space<vmem>>[vector<16xi32>], vector<16xf32>, vector<16xi1>
      %max3A_618 = arith.maximumf %max3A_491, %gather3A_617 : vector<16xf32>
      %add3A_619 = arith.constant 20 : i32
      %add3A_620 = vector.broadcast %add3A_619 : i32 to vector<16xi32>
      %add3A_621 = arith.addi %mul3A_518, %add3A_620 : vector<16xi32>
      %gather3A_622 = tpu.vector_load_idx %arg5[%add3A_621] masked %lt3A_26 : memref<12000xf32, #tpu.memory_space<vmem>>[vector<16xi32>], vector<16xf32>, vector<16xi1>
      %max3A_623 = arith.maximumf %max3A_496, %gather3A_622 : vector<16xf32>
      %add3A_624 = arith.constant 21 : i32
      %add3A_625 = vector.broadcast %add3A_624 : i32 to vector<16xi32>
      %add3A_626 = arith.addi %mul3A_518, %add3A_625 : vector<16xi32>
      %gather3A_627 = tpu.vector_load_idx %arg5[%add3A_626] masked %lt3A_26 : memref<12000xf32, #tpu.memory_space<vmem>>[vector<16xi32>], vector<16xf32>, vector<16xi1>
      %max3A_628 = arith.maximumf %max3A_501, %gather3A_627 : vector<16xf32>
      %add3A_629 = arith.constant 22 : i32
      %add3A_630 = vector.broadcast %add3A_629 : i32 to vector<16xi32>
      %add3A_631 = arith.addi %mul3A_518, %add3A_630 : vector<16xi32>
      %gather3A_632 = tpu.vector_load_idx %arg5[%add3A_631] masked %lt3A_26 : memref<12000xf32, #tpu.memory_space<vmem>>[vector<16xi32>], vector<16xf32>, vector<16xi1>
      %max3A_633 = arith.maximumf %max3A_506, %gather3A_632 : vector<16xf32>
      %add3A_634 = arith.constant 23 : i32
      %add3A_635 = vector.broadcast %add3A_634 : i32 to vector<16xi32>
      %add3A_636 = arith.addi %mul3A_518, %add3A_635 : vector<16xi32>
      %gather3A_637 = tpu.vector_load_idx %arg5[%add3A_636] masked %lt3A_26 : memref<12000xf32, #tpu.memory_space<vmem>>[vector<16xi32>], vector<16xf32>, vector<16xi1>
      %max3A_638 = arith.maximumf %max3A_511, %gather3A_637 : vector<16xf32>
      %mul3A_639 = arith.constant 24 : i32
      %mul3A_640 = vector.broadcast %mul3A_639 : i32 to vector<16xi32>
      %mul3A_641 = arith.muli %add3A_24, %mul3A_640 : vector<16xi32>
      %add3A_642 = arith.constant 0 : i32
      %add3A_643 = vector.broadcast %add3A_642 : i32 to vector<16xi32>
      %add3A_644 = arith.addi %mul3A_641, %add3A_643 : vector<16xi32>
      tpu.vector_store_idx %arg7[%add3A_644], %max3A_523 masked %lt3A_26 : memref<12000xf32, #tpu.memory_space<vmem>>[vector<16xi32>], vector<16xf32>, vector<16xi1>
      %add3A_645 = arith.constant 1 : i32
      %add3A_646 = vector.broadcast %add3A_645 : i32 to vector<16xi32>
      %add3A_647 = arith.addi %mul3A_641, %add3A_646 : vector<16xi32>
      tpu.vector_store_idx %arg7[%add3A_647], %max3A_528 masked %lt3A_26 : memref<12000xf32, #tpu.memory_space<vmem>>[vector<16xi32>], vector<16xf32>, vector<16xi1>
      %add3A_648 = arith.constant 2 : i32
      %add3A_649 = vector.broadcast %add3A_648 : i32 to vector<16xi32>
      %add3A_650 = arith.addi %mul3A_641, %add3A_649 : vector<16xi32>
      tpu.vector_store_idx %arg7[%add3A_650], %max3A_533 masked %lt3A_26 : memref<12000xf32, #tpu.memory_space<vmem>>[vector<16xi32>], vector<16xf32>, vector<16xi1>
      %add3A_651 = arith.constant 3 : i32
      %add3A_652 = vector.broadcast %add3A_651 : i32 to vector<16xi32>
      %add3A_653 = arith.addi %mul3A_641, %add3A_652 : vector<16xi32>
      tpu.vector_store_idx %arg7[%add3A_653], %max3A_538 masked %lt3A_26 : memref<12000xf32, #tpu.memory_space<vmem>>[vector<16xi32>], vector<16xf32>, vector<16xi1>
      %add3A_654 = arith.constant 4 : i32
      %add3A_655 = vector.broadcast %add3A_654 : i32 to vector<16xi32>
      %add3A_656 = arith.addi %mul3A_641, %add3A_655 : vector<16xi32>
      tpu.vector_store_idx %arg7[%add3A_656], %max3A_543 masked %lt3A_26 : memref<12000xf32, #tpu.memory_space<vmem>>[vector<16xi32>], vector<16xf32>, vector<16xi1>
      %add3A_657 = arith.constant 5 : i32
      %add3A_658 = vector.broadcast %add3A_657 : i32 to vector<16xi32>
      %add3A_659 = arith.addi %mul3A_641, %add3A_658 : vector<16xi32>
      tpu.vector_store_idx %arg7[%add3A_659], %max3A_548 masked %lt3A_26 : memref<12000xf32, #tpu.memory_space<vmem>>[vector<16xi32>], vector<16xf32>, vector<16xi1>
      %add3A_660 = arith.constant 6 : i32
      %add3A_661 = vector.broadcast %add3A_660 : i32 to vector<16xi32>
      %add3A_662 = arith.addi %mul3A_641, %add3A_661 : vector<16xi32>
      tpu.vector_store_idx %arg7[%add3A_662], %max3A_553 masked %lt3A_26 : memref<12000xf32, #tpu.memory_space<vmem>>[vector<16xi32>], vector<16xf32>, vector<16xi1>
      %add3A_663 = arith.constant 7 : i32
      %add3A_664 = vector.broadcast %add3A_663 : i32 to vector<16xi32>
      %add3A_665 = arith.addi %mul3A_641, %add3A_664 : vector<16xi32>
      tpu.vector_store_idx %arg7[%add3A_665], %max3A_558 masked %lt3A_26 : memref<12000xf32, #tpu.memory_space<vmem>>[vector<16xi32>], vector<16xf32>, vector<16xi1>
      %add3A_666 = arith.constant 8 : i32
      %add3A_667 = vector.broadcast %add3A_666 : i32 to vector<16xi32>
      %add3A_668 = arith.addi %mul3A_641, %add3A_667 : vector<16xi32>
      tpu.vector_store_idx %arg7[%add3A_668], %max3A_563 masked %lt3A_26 : memref<12000xf32, #tpu.memory_space<vmem>>[vector<16xi32>], vector<16xf32>, vector<16xi1>
      %add3A_669 = arith.constant 9 : i32
      %add3A_670 = vector.broadcast %add3A_669 : i32 to vector<16xi32>
      %add3A_671 = arith.addi %mul3A_641, %add3A_670 : vector<16xi32>
      tpu.vector_store_idx %arg7[%add3A_671], %max3A_568 masked %lt3A_26 : memref<12000xf32, #tpu.memory_space<vmem>>[vector<16xi32>], vector<16xf32>, vector<16xi1>
      %add3A_672 = arith.constant 10 : i32
      %add3A_673 = vector.broadcast %add3A_672 : i32 to vector<16xi32>
      %add3A_674 = arith.addi %mul3A_641, %add3A_673 : vector<16xi32>
      tpu.vector_store_idx %arg7[%add3A_674], %max3A_573 masked %lt3A_26 : memref<12000xf32, #tpu.memory_space<vmem>>[vector<16xi32>], vector<16xf32>, vector<16xi1>
      %add3A_675 = arith.constant 11 : i32
      %add3A_676 = vector.broadcast %add3A_675 : i32 to vector<16xi32>
      %add3A_677 = arith.addi %mul3A_641, %add3A_676 : vector<16xi32>
      tpu.vector_store_idx %arg7[%add3A_677], %max3A_578 masked %lt3A_26 : memref<12000xf32, #tpu.memory_space<vmem>>[vector<16xi32>], vector<16xf32>, vector<16xi1>
      %add3A_678 = arith.constant 12 : i32
      %add3A_679 = vector.broadcast %add3A_678 : i32 to vector<16xi32>
      %add3A_680 = arith.addi %mul3A_641, %add3A_679 : vector<16xi32>
      tpu.vector_store_idx %arg7[%add3A_680], %max3A_583 masked %lt3A_26 : memref<12000xf32, #tpu.memory_space<vmem>>[vector<16xi32>], vector<16xf32>, vector<16xi1>
      %add3A_681 = arith.constant 13 : i32
      %add3A_682 = vector.broadcast %add3A_681 : i32 to vector<16xi32>
      %add3A_683 = arith.addi %mul3A_641, %add3A_682 : vector<16xi32>
      tpu.vector_store_idx %arg7[%add3A_683], %max3A_588 masked %lt3A_26 : memref<12000xf32, #tpu.memory_space<vmem>>[vector<16xi32>], vector<16xf32>, vector<16xi1>
      %add3A_684 = arith.constant 14 : i32
      %add3A_685 = vector.broadcast %add3A_684 : i32 to vector<16xi32>
      %add3A_686 = arith.addi %mul3A_641, %add3A_685 : vector<16xi32>
      tpu.vector_store_idx %arg7[%add3A_686], %max3A_593 masked %lt3A_26 : memref<12000xf32, #tpu.memory_space<vmem>>[vector<16xi32>], vector<16xf32>, vector<16xi1>
      %add3A_687 = arith.constant 15 : i32
      %add3A_688 = vector.broadcast %add3A_687 : i32 to vector<16xi32>
      %add3A_689 = arith.addi %mul3A_641, %add3A_688 : vector<16xi32>
      tpu.vector_store_idx %arg7[%add3A_689], %max3A_598 masked %lt3A_26 : memref<12000xf32, #tpu.memory_space<vmem>>[vector<16xi32>], vector<16xf32>, vector<16xi1>
      %add3A_690 = arith.constant 16 : i32
      %add3A_691 = vector.broadcast %add3A_690 : i32 to vector<16xi32>
      %add3A_692 = arith.addi %mul3A_641, %add3A_691 : vector<16xi32>
      tpu.vector_store_idx %arg7[%add3A_692], %max3A_603 masked %lt3A_26 : memref<12000xf32, #tpu.memory_space<vmem>>[vector<16xi32>], vector<16xf32>, vector<16xi1>
      %add3A_693 = arith.constant 17 : i32
      %add3A_694 = vector.broadcast %add3A_693 : i32 to vector<16xi32>
      %add3A_695 = arith.addi %mul3A_641, %add3A_694 : vector<16xi32>
      tpu.vector_store_idx %arg7[%add3A_695], %max3A_608 masked %lt3A_26 : memref<12000xf32, #tpu.memory_space<vmem>>[vector<16xi32>], vector<16xf32>, vector<16xi1>
      %add3A_696 = arith.constant 18 : i32
      %add3A_697 = vector.broadcast %add3A_696 : i32 to vector<16xi32>
      %add3A_698 = arith.addi %mul3A_641, %add3A_697 : vector<16xi32>
      tpu.vector_store_idx %arg7[%add3A_698], %max3A_613 masked %lt3A_26 : memref<12000xf32, #tpu.memory_space<vmem>>[vector<16xi32>], vector<16xf32>, vector<16xi1>
      %add3A_699 = arith.constant 19 : i32
      %add3A_700 = vector.broadcast %add3A_699 : i32 to vector<16xi32>
      %add3A_701 = arith.addi %mul3A_641, %add3A_700 : vector<16xi32>
      tpu.vector_store_idx %arg7[%add3A_701], %max3A_618 masked %lt3A_26 : memref<12000xf32, #tpu.memory_space<vmem>>[vector<16xi32>], vector<16xf32>, vector<16xi1>
      %add3A_702 = arith.constant 20 : i32
      %add3A_703 = vector.broadcast %add3A_702 : i32 to vector<16xi32>
      %add3A_704 = arith.addi %mul3A_641, %add3A_703 : vector<16xi32>
      tpu.vector_store_idx %arg7[%add3A_704], %max3A_623 masked %lt3A_26 : memref<12000xf32, #tpu.memory_space<vmem>>[vector<16xi32>], vector<16xf32>, vector<16xi1>
      %add3A_705 = arith.constant 21 : i32
      %add3A_706 = vector.broadcast %add3A_705 : i32 to vector<16xi32>
      %add3A_707 = arith.addi %mul3A_641, %add3A_706 : vector<16xi32>
      tpu.vector_store_idx %arg7[%add3A_707], %max3A_628 masked %lt3A_26 : memref<12000xf32, #tpu.memory_space<vmem>>[vector<16xi32>], vector<16xf32>, vector<16xi1>
      %add3A_708 = arith.constant 22 : i32
      %add3A_709 = vector.broadcast %add3A_708 : i32 to vector<16xi32>
      %add3A_710 = arith.addi %mul3A_641, %add3A_709 : vector<16xi32>
      tpu.vector_store_idx %arg7[%add3A_710], %max3A_633 masked %lt3A_26 : memref<12000xf32, #tpu.memory_space<vmem>>[vector<16xi32>], vector<16xf32>, vector<16xi1>
      %add3A_711 = arith.constant 23 : i32
      %add3A_712 = vector.broadcast %add3A_711 : i32 to vector<16xi32>
      %add3A_713 = arith.addi %mul3A_641, %add3A_712 : vector<16xi32>
      tpu.vector_store_idx %arg7[%add3A_713], %max3A_638 masked %lt3A_26 : memref<12000xf32, #tpu.memory_space<vmem>>[vector<16xi32>], vector<16xf32>, vector<16xi1>
    }
    %scan3A_9 = arith.constant 32 : i32
    "tpu.region"() ({
      %run_scoped3A = tpu.sem_alloc : memref<!tpu.dma_semaphore, #tpu.memory_space<semaphore_mem>>
      %dma_start3A = arith.constant 0 : i32
      %dma_start3A_20 = tpu.memref_slice %arg4[%add3A_4, %dma_start3A] : memref<64x12000xf32, #tpu.memory_space<hbm>> -> memref<1x12000xf32, #tpu.memory_space<hbm>>
      %dma_start3A_21 = tpu.memref_squeeze %dma_start3A_20 : memref<1x12000xf32, #tpu.memory_space<hbm>> -> memref<12000xf32, #tpu.memory_space<hbm>>
      %dma_start3A_22 = arith.constant 0 : i32
      %dma_start3A_23 = tpu.memref_slice %arg4[%add3A_4, %dma_start3A_22] : memref<64x12000xf32, #tpu.memory_space<hbm>> -> memref<1x12000xf32, #tpu.memory_space<hbm>>
      %dma_start3A_24 = tpu.memref_squeeze %dma_start3A_23 : memref<1x12000xf32, #tpu.memory_space<hbm>> -> memref<12000xf32, #tpu.memory_space<hbm>>
      tpu.enqueue_dma source(%arg7 : memref<12000xf32, #tpu.memory_space<vmem>>) target(%dma_start3A_24 : memref<12000xf32, #tpu.memory_space<hbm>>) target_semaphore(%run_scoped3A : memref<!tpu.dma_semaphore, #tpu.memory_space<semaphore_mem>>)
      %dma_wait3A = arith.constant 0 : i32
      %dma_wait3A_25 = tpu.memref_slice %arg4[%add3A_4, %dma_wait3A] : memref<64x12000xf32, #tpu.memory_space<hbm>> -> memref<1x12000xf32, #tpu.memory_space<hbm>>
      %dma_wait3A_26 = tpu.memref_squeeze %dma_wait3A_25 : memref<1x12000xf32, #tpu.memory_space<hbm>> -> memref<12000xf32, #tpu.memory_space<hbm>>
      %dma_wait3A_27 = arith.constant 0 : i32
      %dma_wait3A_28 = tpu.memref_slice %arg4[%add3A_4, %dma_wait3A_27] : memref<64x12000xf32, #tpu.memory_space<hbm>> -> memref<1x12000xf32, #tpu.memory_space<hbm>>
      %dma_wait3A_29 = tpu.memref_squeeze %dma_wait3A_28 : memref<1x12000xf32, #tpu.memory_space<hbm>> -> memref<12000xf32, #tpu.memory_space<hbm>>
      tpu.wait_dma2 semaphore(%run_scoped3A : memref<!tpu.dma_semaphore, #tpu.memory_space<semaphore_mem>>) src(%arg7 : memref<12000xf32, #tpu.memory_space<vmem>>) dst(%dma_wait3A_29 : memref<12000xf32, #tpu.memory_space<hbm>>)
      tpu.yield
    }) : () -> ()
    %mul3A_10 = arith.constant 2 : i32
    %mul3A_11 = arith.muli %add3A, %mul3A_10 : i32
    %add3A_12 = arith.constant 1 : i32
    %add3A_13 = arith.addi %mul3A_11, %add3A_12 : i32
    "tpu.region"() ({
      %run_scoped3A = tpu.sem_alloc : memref<!tpu.dma_semaphore, #tpu.memory_space<semaphore_mem>>
      %dma_start3A = arith.constant 0 : i32
      %dma_start3A_20 = tpu.memref_slice %arg2[%add3A_13, %dma_start3A] : memref<64x12000xf32, #tpu.memory_space<hbm>> -> memref<1x12000xf32, #tpu.memory_space<hbm>>
      %dma_start3A_21 = tpu.memref_squeeze %dma_start3A_20 : memref<1x12000xf32, #tpu.memory_space<hbm>> -> memref<12000xf32, #tpu.memory_space<hbm>>
      %dma_start3A_22 = arith.constant 0 : i32
      %dma_start3A_23 = tpu.memref_slice %arg2[%add3A_13, %dma_start3A_22] : memref<64x12000xf32, #tpu.memory_space<hbm>> -> memref<1x12000xf32, #tpu.memory_space<hbm>>
      %dma_start3A_24 = tpu.memref_squeeze %dma_start3A_23 : memref<1x12000xf32, #tpu.memory_space<hbm>> -> memref<12000xf32, #tpu.memory_space<hbm>>
      tpu.enqueue_dma source(%dma_start3A_24 : memref<12000xf32, #tpu.memory_space<hbm>>) target(%arg5 : memref<12000xf32, #tpu.memory_space<vmem>>) target_semaphore(%run_scoped3A : memref<!tpu.dma_semaphore, #tpu.memory_space<semaphore_mem>>)
      %dma_wait3A = arith.constant 0 : i32
      %dma_wait3A_25 = tpu.memref_slice %arg2[%add3A_13, %dma_wait3A] : memref<64x12000xf32, #tpu.memory_space<hbm>> -> memref<1x12000xf32, #tpu.memory_space<hbm>>
      %dma_wait3A_26 = tpu.memref_squeeze %dma_wait3A_25 : memref<1x12000xf32, #tpu.memory_space<hbm>> -> memref<12000xf32, #tpu.memory_space<hbm>>
      %dma_wait3A_27 = arith.constant 0 : i32
      %dma_wait3A_28 = tpu.memref_slice %arg2[%add3A_13, %dma_wait3A_27] : memref<64x12000xf32, #tpu.memory_space<hbm>> -> memref<1x12000xf32, #tpu.memory_space<hbm>>
      %dma_wait3A_29 = tpu.memref_squeeze %dma_wait3A_28 : memref<1x12000xf32, #tpu.memory_space<hbm>> -> memref<12000xf32, #tpu.memory_space<hbm>>
      tpu.wait_dma2 semaphore(%run_scoped3A : memref<!tpu.dma_semaphore, #tpu.memory_space<semaphore_mem>>) src(%dma_wait3A_29 : memref<12000xf32, #tpu.memory_space<hbm>>) dst(%arg5 : memref<12000xf32, #tpu.memory_space<vmem>>)
      tpu.yield
    }) : () -> ()
    "tpu.region"() ({
      %run_scoped3A = tpu.sem_alloc : memref<!tpu.dma_semaphore, #tpu.memory_space<semaphore_mem>>
      %dma_start3A = arith.constant 0 : i32
      %dma_start3A_20 = tpu.memref_slice %arg3[%add3A_13, %dma_start3A] : memref<64x4000xi32, #tpu.memory_space<hbm>> -> memref<1x4000xi32, #tpu.memory_space<hbm>>
      %dma_start3A_21 = tpu.memref_squeeze %dma_start3A_20 : memref<1x4000xi32, #tpu.memory_space<hbm>> -> memref<4000xi32, #tpu.memory_space<hbm>>
      %dma_start3A_22 = arith.constant 0 : i32
      %dma_start3A_23 = tpu.memref_slice %arg3[%add3A_13, %dma_start3A_22] : memref<64x4000xi32, #tpu.memory_space<hbm>> -> memref<1x4000xi32, #tpu.memory_space<hbm>>
      %dma_start3A_24 = tpu.memref_squeeze %dma_start3A_23 : memref<1x4000xi32, #tpu.memory_space<hbm>> -> memref<4000xi32, #tpu.memory_space<hbm>>
      tpu.enqueue_dma source(%dma_start3A_24 : memref<4000xi32, #tpu.memory_space<hbm>>) target(%arg6 : memref<4000xi32, #tpu.memory_space<vmem>>) target_semaphore(%run_scoped3A : memref<!tpu.dma_semaphore, #tpu.memory_space<semaphore_mem>>)
      %dma_wait3A = arith.constant 0 : i32
      %dma_wait3A_25 = tpu.memref_slice %arg3[%add3A_13, %dma_wait3A] : memref<64x4000xi32, #tpu.memory_space<hbm>> -> memref<1x4000xi32, #tpu.memory_space<hbm>>
      %dma_wait3A_26 = tpu.memref_squeeze %dma_wait3A_25 : memref<1x4000xi32, #tpu.memory_space<hbm>> -> memref<4000xi32, #tpu.memory_space<hbm>>
      %dma_wait3A_27 = arith.constant 0 : i32
      %dma_wait3A_28 = tpu.memref_slice %arg3[%add3A_13, %dma_wait3A_27] : memref<64x4000xi32, #tpu.memory_space<hbm>> -> memref<1x4000xi32, #tpu.memory_space<hbm>>
      %dma_wait3A_29 = tpu.memref_squeeze %dma_wait3A_28 : memref<1x4000xi32, #tpu.memory_space<hbm>> -> memref<4000xi32, #tpu.memory_space<hbm>>
      tpu.wait_dma2 semaphore(%run_scoped3A : memref<!tpu.dma_semaphore, #tpu.memory_space<semaphore_mem>>) src(%dma_wait3A_29 : memref<4000xi32, #tpu.memory_space<hbm>>) dst(%arg6 : memref<4000xi32, #tpu.memory_space<vmem>>)
      tpu.yield
    }) : () -> ()
    %scan3A_14 = arith.constant 0 : i32
    %scan3A_15 = arith.constant 0 : i32
    %scan3A_16 = arith.constant 32 : i32
    %scan3A_17 = arith.addi %scan3A_15, %scan3A_16 : i32
    %scan3A_18 = arith.constant 1 : i32
    scf.for %scan3A_20 = %scan3A_15 to %scan3A_17 step %scan3A_18  : i32 {
      %mul3A_21 = arith.constant 16 : i32
      %mul3A_22 = arith.muli %scan3A_20, %mul3A_21 : i32
      %add3A_23 = vector.broadcast %mul3A_22 : i32 to vector<16xi32>
      %add3A_24 = arith.addi %add3A_23, %iota3A : vector<16xi32>
      %lt3A = arith.constant 500 : i32
      %lt3A_25 = vector.broadcast %lt3A : i32 to vector<16xi32>
      %lt3A_26 = arith.cmpi slt, %add3A_24, %lt3A_25 : vector<16xi32>
      %mul3A_27 = arith.constant 8 : i32
      %mul3A_28 = vector.broadcast %mul3A_27 : i32 to vector<16xi32>
      %mul3A_29 = arith.muli %add3A_24, %mul3A_28 : vector<16xi32>
      %add3A_30 = arith.constant 0 : i32
      %add3A_31 = vector.broadcast %add3A_30 : i32 to vector<16xi32>
      %add3A_32 = arith.addi %mul3A_29, %add3A_31 : vector<16xi32>
      %gather3A = tpu.vector_load_idx %arg6[%add3A_32] masked %lt3A_26 : memref<4000xi32, #tpu.memory_space<vmem>>[vector<16xi32>], vector<16xi32>, vector<16xi1>
      %mul3A_33 = arith.constant 24 : i32
      %mul3A_34 = vector.broadcast %mul3A_33 : i32 to vector<16xi32>
      %mul3A_35 = arith.muli %gather3A, %mul3A_34 : vector<16xi32>
      %add3A_36 = arith.constant 0 : i32
      %add3A_37 = vector.broadcast %add3A_36 : i32 to vector<16xi32>
      %add3A_38 = arith.addi %mul3A_35, %add3A_37 : vector<16xi32>
      %gather3A_39 = tpu.vector_load_idx %arg5[%add3A_38] masked %lt3A_26 : memref<12000xf32, #tpu.memory_space<vmem>>[vector<16xi32>], vector<16xf32>, vector<16xi1>
      %add3A_40 = arith.constant 1 : i32
      %add3A_41 = vector.broadcast %add3A_40 : i32 to vector<16xi32>
      %add3A_42 = arith.addi %mul3A_35, %add3A_41 : vector<16xi32>
      %gather3A_43 = tpu.vector_load_idx %arg5[%add3A_42] masked %lt3A_26 : memref<12000xf32, #tpu.memory_space<vmem>>[vector<16xi32>], vector<16xf32>, vector<16xi1>
      %add3A_44 = arith.constant 2 : i32
      %add3A_45 = vector.broadcast %add3A_44 : i32 to vector<16xi32>
      %add3A_46 = arith.addi %mul3A_35, %add3A_45 : vector<16xi32>
      %gather3A_47 = tpu.vector_load_idx %arg5[%add3A_46] masked %lt3A_26 : memref<12000xf32, #tpu.memory_space<vmem>>[vector<16xi32>], vector<16xf32>, vector<16xi1>
      %add3A_48 = arith.constant 3 : i32
      %add3A_49 = vector.broadcast %add3A_48 : i32 to vector<16xi32>
      %add3A_50 = arith.addi %mul3A_35, %add3A_49 : vector<16xi32>
      %gather3A_51 = tpu.vector_load_idx %arg5[%add3A_50] masked %lt3A_26 : memref<12000xf32, #tpu.memory_space<vmem>>[vector<16xi32>], vector<16xf32>, vector<16xi1>
      %add3A_52 = arith.constant 4 : i32
      %add3A_53 = vector.broadcast %add3A_52 : i32 to vector<16xi32>
      %add3A_54 = arith.addi %mul3A_35, %add3A_53 : vector<16xi32>
      %gather3A_55 = tpu.vector_load_idx %arg5[%add3A_54] masked %lt3A_26 : memref<12000xf32, #tpu.memory_space<vmem>>[vector<16xi32>], vector<16xf32>, vector<16xi1>
      %add3A_56 = arith.constant 5 : i32
      %add3A_57 = vector.broadcast %add3A_56 : i32 to vector<16xi32>
      %add3A_58 = arith.addi %mul3A_35, %add3A_57 : vector<16xi32>
      %gather3A_59 = tpu.vector_load_idx %arg5[%add3A_58] masked %lt3A_26 : memref<12000xf32, #tpu.memory_space<vmem>>[vector<16xi32>], vector<16xf32>, vector<16xi1>
      %add3A_60 = arith.constant 6 : i32
      %add3A_61 = vector.broadcast %add3A_60 : i32 to vector<16xi32>
      %add3A_62 = arith.addi %mul3A_35, %add3A_61 : vector<16xi32>
      %gather3A_63 = tpu.vector_load_idx %arg5[%add3A_62] masked %lt3A_26 : memref<12000xf32, #tpu.memory_space<vmem>>[vector<16xi32>], vector<16xf32>, vector<16xi1>
      %add3A_64 = arith.constant 7 : i32
      %add3A_65 = vector.broadcast %add3A_64 : i32 to vector<16xi32>
      %add3A_66 = arith.addi %mul3A_35, %add3A_65 : vector<16xi32>
      %gather3A_67 = tpu.vector_load_idx %arg5[%add3A_66] masked %lt3A_26 : memref<12000xf32, #tpu.memory_space<vmem>>[vector<16xi32>], vector<16xf32>, vector<16xi1>
      %add3A_68 = arith.constant 8 : i32
      %add3A_69 = vector.broadcast %add3A_68 : i32 to vector<16xi32>
      %add3A_70 = arith.addi %mul3A_35, %add3A_69 : vector<16xi32>
      %gather3A_71 = tpu.vector_load_idx %arg5[%add3A_70] masked %lt3A_26 : memref<12000xf32, #tpu.memory_space<vmem>>[vector<16xi32>], vector<16xf32>, vector<16xi1>
      %add3A_72 = arith.constant 9 : i32
      %add3A_73 = vector.broadcast %add3A_72 : i32 to vector<16xi32>
      %add3A_74 = arith.addi %mul3A_35, %add3A_73 : vector<16xi32>
      %gather3A_75 = tpu.vector_load_idx %arg5[%add3A_74] masked %lt3A_26 : memref<12000xf32, #tpu.memory_space<vmem>>[vector<16xi32>], vector<16xf32>, vector<16xi1>
      %add3A_76 = arith.constant 10 : i32
      %add3A_77 = vector.broadcast %add3A_76 : i32 to vector<16xi32>
      %add3A_78 = arith.addi %mul3A_35, %add3A_77 : vector<16xi32>
      %gather3A_79 = tpu.vector_load_idx %arg5[%add3A_78] masked %lt3A_26 : memref<12000xf32, #tpu.memory_space<vmem>>[vector<16xi32>], vector<16xf32>, vector<16xi1>
      %add3A_80 = arith.constant 11 : i32
      %add3A_81 = vector.broadcast %add3A_80 : i32 to vector<16xi32>
      %add3A_82 = arith.addi %mul3A_35, %add3A_81 : vector<16xi32>
      %gather3A_83 = tpu.vector_load_idx %arg5[%add3A_82] masked %lt3A_26 : memref<12000xf32, #tpu.memory_space<vmem>>[vector<16xi32>], vector<16xf32>, vector<16xi1>
      %add3A_84 = arith.constant 12 : i32
      %add3A_85 = vector.broadcast %add3A_84 : i32 to vector<16xi32>
      %add3A_86 = arith.addi %mul3A_35, %add3A_85 : vector<16xi32>
      %gather3A_87 = tpu.vector_load_idx %arg5[%add3A_86] masked %lt3A_26 : memref<12000xf32, #tpu.memory_space<vmem>>[vector<16xi32>], vector<16xf32>, vector<16xi1>
      %add3A_88 = arith.constant 13 : i32
      %add3A_89 = vector.broadcast %add3A_88 : i32 to vector<16xi32>
      %add3A_90 = arith.addi %mul3A_35, %add3A_89 : vector<16xi32>
      %gather3A_91 = tpu.vector_load_idx %arg5[%add3A_90] masked %lt3A_26 : memref<12000xf32, #tpu.memory_space<vmem>>[vector<16xi32>], vector<16xf32>, vector<16xi1>
      %add3A_92 = arith.constant 14 : i32
      %add3A_93 = vector.broadcast %add3A_92 : i32 to vector<16xi32>
      %add3A_94 = arith.addi %mul3A_35, %add3A_93 : vector<16xi32>
      %gather3A_95 = tpu.vector_load_idx %arg5[%add3A_94] masked %lt3A_26 : memref<12000xf32, #tpu.memory_space<vmem>>[vector<16xi32>], vector<16xf32>, vector<16xi1>
      %add3A_96 = arith.constant 15 : i32
      %add3A_97 = vector.broadcast %add3A_96 : i32 to vector<16xi32>
      %add3A_98 = arith.addi %mul3A_35, %add3A_97 : vector<16xi32>
      %gather3A_99 = tpu.vector_load_idx %arg5[%add3A_98] masked %lt3A_26 : memref<12000xf32, #tpu.memory_space<vmem>>[vector<16xi32>], vector<16xf32>, vector<16xi1>
      %add3A_100 = arith.constant 16 : i32
      %add3A_101 = vector.broadcast %add3A_100 : i32 to vector<16xi32>
      %add3A_102 = arith.addi %mul3A_35, %add3A_101 : vector<16xi32>
      %gather3A_103 = tpu.vector_load_idx %arg5[%add3A_102] masked %lt3A_26 : memref<12000xf32, #tpu.memory_space<vmem>>[vector<16xi32>], vector<16xf32>, vector<16xi1>
      %add3A_104 = arith.constant 17 : i32
      %add3A_105 = vector.broadcast %add3A_104 : i32 to vector<16xi32>
      %add3A_106 = arith.addi %mul3A_35, %add3A_105 : vector<16xi32>
      %gather3A_107 = tpu.vector_load_idx %arg5[%add3A_106] masked %lt3A_26 : memref<12000xf32, #tpu.memory_space<vmem>>[vector<16xi32>], vector<16xf32>, vector<16xi1>
      %add3A_108 = arith.constant 18 : i32
      %add3A_109 = vector.broadcast %add3A_108 : i32 to vector<16xi32>
      %add3A_110 = arith.addi %mul3A_35, %add3A_109 : vector<16xi32>
      %gather3A_111 = tpu.vector_load_idx %arg5[%add3A_110] masked %lt3A_26 : memref<12000xf32, #tpu.memory_space<vmem>>[vector<16xi32>], vector<16xf32>, vector<16xi1>
      %add3A_112 = arith.constant 19 : i32
      %add3A_113 = vector.broadcast %add3A_112 : i32 to vector<16xi32>
      %add3A_114 = arith.addi %mul3A_35, %add3A_113 : vector<16xi32>
      %gather3A_115 = tpu.vector_load_idx %arg5[%add3A_114] masked %lt3A_26 : memref<12000xf32, #tpu.memory_space<vmem>>[vector<16xi32>], vector<16xf32>, vector<16xi1>
      %add3A_116 = arith.constant 20 : i32
      %add3A_117 = vector.broadcast %add3A_116 : i32 to vector<16xi32>
      %add3A_118 = arith.addi %mul3A_35, %add3A_117 : vector<16xi32>
      %gather3A_119 = tpu.vector_load_idx %arg5[%add3A_118] masked %lt3A_26 : memref<12000xf32, #tpu.memory_space<vmem>>[vector<16xi32>], vector<16xf32>, vector<16xi1>
      %add3A_120 = arith.constant 21 : i32
      %add3A_121 = vector.broadcast %add3A_120 : i32 to vector<16xi32>
      %add3A_122 = arith.addi %mul3A_35, %add3A_121 : vector<16xi32>
      %gather3A_123 = tpu.vector_load_idx %arg5[%add3A_122] masked %lt3A_26 : memref<12000xf32, #tpu.memory_space<vmem>>[vector<16xi32>], vector<16xf32>, vector<16xi1>
      %add3A_124 = arith.constant 22 : i32
      %add3A_125 = vector.broadcast %add3A_124 : i32 to vector<16xi32>
      %add3A_126 = arith.addi %mul3A_35, %add3A_125 : vector<16xi32>
      %gather3A_127 = tpu.vector_load_idx %arg5[%add3A_126] masked %lt3A_26 : memref<12000xf32, #tpu.memory_space<vmem>>[vector<16xi32>], vector<16xf32>, vector<16xi1>
      %add3A_128 = arith.constant 23 : i32
      %add3A_129 = vector.broadcast %add3A_128 : i32 to vector<16xi32>
      %add3A_130 = arith.addi %mul3A_35, %add3A_129 : vector<16xi32>
      %gather3A_131 = tpu.vector_load_idx %arg5[%add3A_130] masked %lt3A_26 : memref<12000xf32, #tpu.memory_space<vmem>>[vector<16xi32>], vector<16xf32>, vector<16xi1>
      %add3A_132 = arith.constant 1 : i32
      %add3A_133 = vector.broadcast %add3A_132 : i32 to vector<16xi32>
      %add3A_134 = arith.addi %mul3A_29, %add3A_133 : vector<16xi32>
      %gather3A_135 = tpu.vector_load_idx %arg6[%add3A_134] masked %lt3A_26 : memref<4000xi32, #tpu.memory_space<vmem>>[vector<16xi32>], vector<16xi32>, vector<16xi1>
      %mul3A_136 = arith.constant 24 : i32
      %mul3A_137 = vector.broadcast %mul3A_136 : i32 to vector<16xi32>
      %mul3A_138 = arith.muli %gather3A_135, %mul3A_137 : vector<16xi32>
      %add3A_139 = arith.constant 0 : i32
      %add3A_140 = vector.broadcast %add3A_139 : i32 to vector<16xi32>
      %add3A_141 = arith.addi %mul3A_138, %add3A_140 : vector<16xi32>
      %gather3A_142 = tpu.vector_load_idx %arg5[%add3A_141] masked %lt3A_26 : memref<12000xf32, #tpu.memory_space<vmem>>[vector<16xi32>], vector<16xf32>, vector<16xi1>
      %max3A = arith.maximumf %gather3A_39, %gather3A_142 : vector<16xf32>
      %add3A_143 = arith.constant 1 : i32
      %add3A_144 = vector.broadcast %add3A_143 : i32 to vector<16xi32>
      %add3A_145 = arith.addi %mul3A_138, %add3A_144 : vector<16xi32>
      %gather3A_146 = tpu.vector_load_idx %arg5[%add3A_145] masked %lt3A_26 : memref<12000xf32, #tpu.memory_space<vmem>>[vector<16xi32>], vector<16xf32>, vector<16xi1>
      %max3A_147 = arith.maximumf %gather3A_43, %gather3A_146 : vector<16xf32>
      %add3A_148 = arith.constant 2 : i32
      %add3A_149 = vector.broadcast %add3A_148 : i32 to vector<16xi32>
      %add3A_150 = arith.addi %mul3A_138, %add3A_149 : vector<16xi32>
      %gather3A_151 = tpu.vector_load_idx %arg5[%add3A_150] masked %lt3A_26 : memref<12000xf32, #tpu.memory_space<vmem>>[vector<16xi32>], vector<16xf32>, vector<16xi1>
      %max3A_152 = arith.maximumf %gather3A_47, %gather3A_151 : vector<16xf32>
      %add3A_153 = arith.constant 3 : i32
      %add3A_154 = vector.broadcast %add3A_153 : i32 to vector<16xi32>
      %add3A_155 = arith.addi %mul3A_138, %add3A_154 : vector<16xi32>
      %gather3A_156 = tpu.vector_load_idx %arg5[%add3A_155] masked %lt3A_26 : memref<12000xf32, #tpu.memory_space<vmem>>[vector<16xi32>], vector<16xf32>, vector<16xi1>
      %max3A_157 = arith.maximumf %gather3A_51, %gather3A_156 : vector<16xf32>
      %add3A_158 = arith.constant 4 : i32
      %add3A_159 = vector.broadcast %add3A_158 : i32 to vector<16xi32>
      %add3A_160 = arith.addi %mul3A_138, %add3A_159 : vector<16xi32>
      %gather3A_161 = tpu.vector_load_idx %arg5[%add3A_160] masked %lt3A_26 : memref<12000xf32, #tpu.memory_space<vmem>>[vector<16xi32>], vector<16xf32>, vector<16xi1>
      %max3A_162 = arith.maximumf %gather3A_55, %gather3A_161 : vector<16xf32>
      %add3A_163 = arith.constant 5 : i32
      %add3A_164 = vector.broadcast %add3A_163 : i32 to vector<16xi32>
      %add3A_165 = arith.addi %mul3A_138, %add3A_164 : vector<16xi32>
      %gather3A_166 = tpu.vector_load_idx %arg5[%add3A_165] masked %lt3A_26 : memref<12000xf32, #tpu.memory_space<vmem>>[vector<16xi32>], vector<16xf32>, vector<16xi1>
      %max3A_167 = arith.maximumf %gather3A_59, %gather3A_166 : vector<16xf32>
      %add3A_168 = arith.constant 6 : i32
      %add3A_169 = vector.broadcast %add3A_168 : i32 to vector<16xi32>
      %add3A_170 = arith.addi %mul3A_138, %add3A_169 : vector<16xi32>
      %gather3A_171 = tpu.vector_load_idx %arg5[%add3A_170] masked %lt3A_26 : memref<12000xf32, #tpu.memory_space<vmem>>[vector<16xi32>], vector<16xf32>, vector<16xi1>
      %max3A_172 = arith.maximumf %gather3A_63, %gather3A_171 : vector<16xf32>
      %add3A_173 = arith.constant 7 : i32
      %add3A_174 = vector.broadcast %add3A_173 : i32 to vector<16xi32>
      %add3A_175 = arith.addi %mul3A_138, %add3A_174 : vector<16xi32>
      %gather3A_176 = tpu.vector_load_idx %arg5[%add3A_175] masked %lt3A_26 : memref<12000xf32, #tpu.memory_space<vmem>>[vector<16xi32>], vector<16xf32>, vector<16xi1>
      %max3A_177 = arith.maximumf %gather3A_67, %gather3A_176 : vector<16xf32>
      %add3A_178 = arith.constant 8 : i32
      %add3A_179 = vector.broadcast %add3A_178 : i32 to vector<16xi32>
      %add3A_180 = arith.addi %mul3A_138, %add3A_179 : vector<16xi32>
      %gather3A_181 = tpu.vector_load_idx %arg5[%add3A_180] masked %lt3A_26 : memref<12000xf32, #tpu.memory_space<vmem>>[vector<16xi32>], vector<16xf32>, vector<16xi1>
      %max3A_182 = arith.maximumf %gather3A_71, %gather3A_181 : vector<16xf32>
      %add3A_183 = arith.constant 9 : i32
      %add3A_184 = vector.broadcast %add3A_183 : i32 to vector<16xi32>
      %add3A_185 = arith.addi %mul3A_138, %add3A_184 : vector<16xi32>
      %gather3A_186 = tpu.vector_load_idx %arg5[%add3A_185] masked %lt3A_26 : memref<12000xf32, #tpu.memory_space<vmem>>[vector<16xi32>], vector<16xf32>, vector<16xi1>
      %max3A_187 = arith.maximumf %gather3A_75, %gather3A_186 : vector<16xf32>
      %add3A_188 = arith.constant 10 : i32
      %add3A_189 = vector.broadcast %add3A_188 : i32 to vector<16xi32>
      %add3A_190 = arith.addi %mul3A_138, %add3A_189 : vector<16xi32>
      %gather3A_191 = tpu.vector_load_idx %arg5[%add3A_190] masked %lt3A_26 : memref<12000xf32, #tpu.memory_space<vmem>>[vector<16xi32>], vector<16xf32>, vector<16xi1>
      %max3A_192 = arith.maximumf %gather3A_79, %gather3A_191 : vector<16xf32>
      %add3A_193 = arith.constant 11 : i32
      %add3A_194 = vector.broadcast %add3A_193 : i32 to vector<16xi32>
      %add3A_195 = arith.addi %mul3A_138, %add3A_194 : vector<16xi32>
      %gather3A_196 = tpu.vector_load_idx %arg5[%add3A_195] masked %lt3A_26 : memref<12000xf32, #tpu.memory_space<vmem>>[vector<16xi32>], vector<16xf32>, vector<16xi1>
      %max3A_197 = arith.maximumf %gather3A_83, %gather3A_196 : vector<16xf32>
      %add3A_198 = arith.constant 12 : i32
      %add3A_199 = vector.broadcast %add3A_198 : i32 to vector<16xi32>
      %add3A_200 = arith.addi %mul3A_138, %add3A_199 : vector<16xi32>
      %gather3A_201 = tpu.vector_load_idx %arg5[%add3A_200] masked %lt3A_26 : memref<12000xf32, #tpu.memory_space<vmem>>[vector<16xi32>], vector<16xf32>, vector<16xi1>
      %max3A_202 = arith.maximumf %gather3A_87, %gather3A_201 : vector<16xf32>
      %add3A_203 = arith.constant 13 : i32
      %add3A_204 = vector.broadcast %add3A_203 : i32 to vector<16xi32>
      %add3A_205 = arith.addi %mul3A_138, %add3A_204 : vector<16xi32>
      %gather3A_206 = tpu.vector_load_idx %arg5[%add3A_205] masked %lt3A_26 : memref<12000xf32, #tpu.memory_space<vmem>>[vector<16xi32>], vector<16xf32>, vector<16xi1>
      %max3A_207 = arith.maximumf %gather3A_91, %gather3A_206 : vector<16xf32>
      %add3A_208 = arith.constant 14 : i32
      %add3A_209 = vector.broadcast %add3A_208 : i32 to vector<16xi32>
      %add3A_210 = arith.addi %mul3A_138, %add3A_209 : vector<16xi32>
      %gather3A_211 = tpu.vector_load_idx %arg5[%add3A_210] masked %lt3A_26 : memref<12000xf32, #tpu.memory_space<vmem>>[vector<16xi32>], vector<16xf32>, vector<16xi1>
      %max3A_212 = arith.maximumf %gather3A_95, %gather3A_211 : vector<16xf32>
      %add3A_213 = arith.constant 15 : i32
      %add3A_214 = vector.broadcast %add3A_213 : i32 to vector<16xi32>
      %add3A_215 = arith.addi %mul3A_138, %add3A_214 : vector<16xi32>
      %gather3A_216 = tpu.vector_load_idx %arg5[%add3A_215] masked %lt3A_26 : memref<12000xf32, #tpu.memory_space<vmem>>[vector<16xi32>], vector<16xf32>, vector<16xi1>
      %max3A_217 = arith.maximumf %gather3A_99, %gather3A_216 : vector<16xf32>
      %add3A_218 = arith.constant 16 : i32
      %add3A_219 = vector.broadcast %add3A_218 : i32 to vector<16xi32>
      %add3A_220 = arith.addi %mul3A_138, %add3A_219 : vector<16xi32>
      %gather3A_221 = tpu.vector_load_idx %arg5[%add3A_220] masked %lt3A_26 : memref<12000xf32, #tpu.memory_space<vmem>>[vector<16xi32>], vector<16xf32>, vector<16xi1>
      %max3A_222 = arith.maximumf %gather3A_103, %gather3A_221 : vector<16xf32>
      %add3A_223 = arith.constant 17 : i32
      %add3A_224 = vector.broadcast %add3A_223 : i32 to vector<16xi32>
      %add3A_225 = arith.addi %mul3A_138, %add3A_224 : vector<16xi32>
      %gather3A_226 = tpu.vector_load_idx %arg5[%add3A_225] masked %lt3A_26 : memref<12000xf32, #tpu.memory_space<vmem>>[vector<16xi32>], vector<16xf32>, vector<16xi1>
      %max3A_227 = arith.maximumf %gather3A_107, %gather3A_226 : vector<16xf32>
      %add3A_228 = arith.constant 18 : i32
      %add3A_229 = vector.broadcast %add3A_228 : i32 to vector<16xi32>
      %add3A_230 = arith.addi %mul3A_138, %add3A_229 : vector<16xi32>
      %gather3A_231 = tpu.vector_load_idx %arg5[%add3A_230] masked %lt3A_26 : memref<12000xf32, #tpu.memory_space<vmem>>[vector<16xi32>], vector<16xf32>, vector<16xi1>
      %max3A_232 = arith.maximumf %gather3A_111, %gather3A_231 : vector<16xf32>
      %add3A_233 = arith.constant 19 : i32
      %add3A_234 = vector.broadcast %add3A_233 : i32 to vector<16xi32>
      %add3A_235 = arith.addi %mul3A_138, %add3A_234 : vector<16xi32>
      %gather3A_236 = tpu.vector_load_idx %arg5[%add3A_235] masked %lt3A_26 : memref<12000xf32, #tpu.memory_space<vmem>>[vector<16xi32>], vector<16xf32>, vector<16xi1>
      %max3A_237 = arith.maximumf %gather3A_115, %gather3A_236 : vector<16xf32>
      %add3A_238 = arith.constant 20 : i32
      %add3A_239 = vector.broadcast %add3A_238 : i32 to vector<16xi32>
      %add3A_240 = arith.addi %mul3A_138, %add3A_239 : vector<16xi32>
      %gather3A_241 = tpu.vector_load_idx %arg5[%add3A_240] masked %lt3A_26 : memref<12000xf32, #tpu.memory_space<vmem>>[vector<16xi32>], vector<16xf32>, vector<16xi1>
      %max3A_242 = arith.maximumf %gather3A_119, %gather3A_241 : vector<16xf32>
      %add3A_243 = arith.constant 21 : i32
      %add3A_244 = vector.broadcast %add3A_243 : i32 to vector<16xi32>
      %add3A_245 = arith.addi %mul3A_138, %add3A_244 : vector<16xi32>
      %gather3A_246 = tpu.vector_load_idx %arg5[%add3A_245] masked %lt3A_26 : memref<12000xf32, #tpu.memory_space<vmem>>[vector<16xi32>], vector<16xf32>, vector<16xi1>
      %max3A_247 = arith.maximumf %gather3A_123, %gather3A_246 : vector<16xf32>
      %add3A_248 = arith.constant 22 : i32
      %add3A_249 = vector.broadcast %add3A_248 : i32 to vector<16xi32>
      %add3A_250 = arith.addi %mul3A_138, %add3A_249 : vector<16xi32>
      %gather3A_251 = tpu.vector_load_idx %arg5[%add3A_250] masked %lt3A_26 : memref<12000xf32, #tpu.memory_space<vmem>>[vector<16xi32>], vector<16xf32>, vector<16xi1>
      %max3A_252 = arith.maximumf %gather3A_127, %gather3A_251 : vector<16xf32>
      %add3A_253 = arith.constant 23 : i32
      %add3A_254 = vector.broadcast %add3A_253 : i32 to vector<16xi32>
      %add3A_255 = arith.addi %mul3A_138, %add3A_254 : vector<16xi32>
      %gather3A_256 = tpu.vector_load_idx %arg5[%add3A_255] masked %lt3A_26 : memref<12000xf32, #tpu.memory_space<vmem>>[vector<16xi32>], vector<16xf32>, vector<16xi1>
      %max3A_257 = arith.maximumf %gather3A_131, %gather3A_256 : vector<16xf32>
      %add3A_258 = arith.constant 2 : i32
      %add3A_259 = vector.broadcast %add3A_258 : i32 to vector<16xi32>
      %add3A_260 = arith.addi %mul3A_29, %add3A_259 : vector<16xi32>
      %gather3A_261 = tpu.vector_load_idx %arg6[%add3A_260] masked %lt3A_26 : memref<4000xi32, #tpu.memory_space<vmem>>[vector<16xi32>], vector<16xi32>, vector<16xi1>
      %mul3A_262 = arith.constant 24 : i32
      %mul3A_263 = vector.broadcast %mul3A_262 : i32 to vector<16xi32>
      %mul3A_264 = arith.muli %gather3A_261, %mul3A_263 : vector<16xi32>
      %add3A_265 = arith.constant 0 : i32
      %add3A_266 = vector.broadcast %add3A_265 : i32 to vector<16xi32>
      %add3A_267 = arith.addi %mul3A_264, %add3A_266 : vector<16xi32>
      %gather3A_268 = tpu.vector_load_idx %arg5[%add3A_267] masked %lt3A_26 : memref<12000xf32, #tpu.memory_space<vmem>>[vector<16xi32>], vector<16xf32>, vector<16xi1>
      %max3A_269 = arith.maximumf %max3A, %gather3A_268 : vector<16xf32>
      %add3A_270 = arith.constant 1 : i32
      %add3A_271 = vector.broadcast %add3A_270 : i32 to vector<16xi32>
      %add3A_272 = arith.addi %mul3A_264, %add3A_271 : vector<16xi32>
      %gather3A_273 = tpu.vector_load_idx %arg5[%add3A_272] masked %lt3A_26 : memref<12000xf32, #tpu.memory_space<vmem>>[vector<16xi32>], vector<16xf32>, vector<16xi1>
      %max3A_274 = arith.maximumf %max3A_147, %gather3A_273 : vector<16xf32>
      %add3A_275 = arith.constant 2 : i32
      %add3A_276 = vector.broadcast %add3A_275 : i32 to vector<16xi32>
      %add3A_277 = arith.addi %mul3A_264, %add3A_276 : vector<16xi32>
      %gather3A_278 = tpu.vector_load_idx %arg5[%add3A_277] masked %lt3A_26 : memref<12000xf32, #tpu.memory_space<vmem>>[vector<16xi32>], vector<16xf32>, vector<16xi1>
      %max3A_279 = arith.maximumf %max3A_152, %gather3A_278 : vector<16xf32>
      %add3A_280 = arith.constant 3 : i32
      %add3A_281 = vector.broadcast %add3A_280 : i32 to vector<16xi32>
      %add3A_282 = arith.addi %mul3A_264, %add3A_281 : vector<16xi32>
      %gather3A_283 = tpu.vector_load_idx %arg5[%add3A_282] masked %lt3A_26 : memref<12000xf32, #tpu.memory_space<vmem>>[vector<16xi32>], vector<16xf32>, vector<16xi1>
      %max3A_284 = arith.maximumf %max3A_157, %gather3A_283 : vector<16xf32>
      %add3A_285 = arith.constant 4 : i32
      %add3A_286 = vector.broadcast %add3A_285 : i32 to vector<16xi32>
      %add3A_287 = arith.addi %mul3A_264, %add3A_286 : vector<16xi32>
      %gather3A_288 = tpu.vector_load_idx %arg5[%add3A_287] masked %lt3A_26 : memref<12000xf32, #tpu.memory_space<vmem>>[vector<16xi32>], vector<16xf32>, vector<16xi1>
      %max3A_289 = arith.maximumf %max3A_162, %gather3A_288 : vector<16xf32>
      %add3A_290 = arith.constant 5 : i32
      %add3A_291 = vector.broadcast %add3A_290 : i32 to vector<16xi32>
      %add3A_292 = arith.addi %mul3A_264, %add3A_291 : vector<16xi32>
      %gather3A_293 = tpu.vector_load_idx %arg5[%add3A_292] masked %lt3A_26 : memref<12000xf32, #tpu.memory_space<vmem>>[vector<16xi32>], vector<16xf32>, vector<16xi1>
      %max3A_294 = arith.maximumf %max3A_167, %gather3A_293 : vector<16xf32>
      %add3A_295 = arith.constant 6 : i32
      %add3A_296 = vector.broadcast %add3A_295 : i32 to vector<16xi32>
      %add3A_297 = arith.addi %mul3A_264, %add3A_296 : vector<16xi32>
      %gather3A_298 = tpu.vector_load_idx %arg5[%add3A_297] masked %lt3A_26 : memref<12000xf32, #tpu.memory_space<vmem>>[vector<16xi32>], vector<16xf32>, vector<16xi1>
      %max3A_299 = arith.maximumf %max3A_172, %gather3A_298 : vector<16xf32>
      %add3A_300 = arith.constant 7 : i32
      %add3A_301 = vector.broadcast %add3A_300 : i32 to vector<16xi32>
      %add3A_302 = arith.addi %mul3A_264, %add3A_301 : vector<16xi32>
      %gather3A_303 = tpu.vector_load_idx %arg5[%add3A_302] masked %lt3A_26 : memref<12000xf32, #tpu.memory_space<vmem>>[vector<16xi32>], vector<16xf32>, vector<16xi1>
      %max3A_304 = arith.maximumf %max3A_177, %gather3A_303 : vector<16xf32>
      %add3A_305 = arith.constant 8 : i32
      %add3A_306 = vector.broadcast %add3A_305 : i32 to vector<16xi32>
      %add3A_307 = arith.addi %mul3A_264, %add3A_306 : vector<16xi32>
      %gather3A_308 = tpu.vector_load_idx %arg5[%add3A_307] masked %lt3A_26 : memref<12000xf32, #tpu.memory_space<vmem>>[vector<16xi32>], vector<16xf32>, vector<16xi1>
      %max3A_309 = arith.maximumf %max3A_182, %gather3A_308 : vector<16xf32>
      %add3A_310 = arith.constant 9 : i32
      %add3A_311 = vector.broadcast %add3A_310 : i32 to vector<16xi32>
      %add3A_312 = arith.addi %mul3A_264, %add3A_311 : vector<16xi32>
      %gather3A_313 = tpu.vector_load_idx %arg5[%add3A_312] masked %lt3A_26 : memref<12000xf32, #tpu.memory_space<vmem>>[vector<16xi32>], vector<16xf32>, vector<16xi1>
      %max3A_314 = arith.maximumf %max3A_187, %gather3A_313 : vector<16xf32>
      %add3A_315 = arith.constant 10 : i32
      %add3A_316 = vector.broadcast %add3A_315 : i32 to vector<16xi32>
      %add3A_317 = arith.addi %mul3A_264, %add3A_316 : vector<16xi32>
      %gather3A_318 = tpu.vector_load_idx %arg5[%add3A_317] masked %lt3A_26 : memref<12000xf32, #tpu.memory_space<vmem>>[vector<16xi32>], vector<16xf32>, vector<16xi1>
      %max3A_319 = arith.maximumf %max3A_192, %gather3A_318 : vector<16xf32>
      %add3A_320 = arith.constant 11 : i32
      %add3A_321 = vector.broadcast %add3A_320 : i32 to vector<16xi32>
      %add3A_322 = arith.addi %mul3A_264, %add3A_321 : vector<16xi32>
      %gather3A_323 = tpu.vector_load_idx %arg5[%add3A_322] masked %lt3A_26 : memref<12000xf32, #tpu.memory_space<vmem>>[vector<16xi32>], vector<16xf32>, vector<16xi1>
      %max3A_324 = arith.maximumf %max3A_197, %gather3A_323 : vector<16xf32>
      %add3A_325 = arith.constant 12 : i32
      %add3A_326 = vector.broadcast %add3A_325 : i32 to vector<16xi32>
      %add3A_327 = arith.addi %mul3A_264, %add3A_326 : vector<16xi32>
      %gather3A_328 = tpu.vector_load_idx %arg5[%add3A_327] masked %lt3A_26 : memref<12000xf32, #tpu.memory_space<vmem>>[vector<16xi32>], vector<16xf32>, vector<16xi1>
      %max3A_329 = arith.maximumf %max3A_202, %gather3A_328 : vector<16xf32>
      %add3A_330 = arith.constant 13 : i32
      %add3A_331 = vector.broadcast %add3A_330 : i32 to vector<16xi32>
      %add3A_332 = arith.addi %mul3A_264, %add3A_331 : vector<16xi32>
      %gather3A_333 = tpu.vector_load_idx %arg5[%add3A_332] masked %lt3A_26 : memref<12000xf32, #tpu.memory_space<vmem>>[vector<16xi32>], vector<16xf32>, vector<16xi1>
      %max3A_334 = arith.maximumf %max3A_207, %gather3A_333 : vector<16xf32>
      %add3A_335 = arith.constant 14 : i32
      %add3A_336 = vector.broadcast %add3A_335 : i32 to vector<16xi32>
      %add3A_337 = arith.addi %mul3A_264, %add3A_336 : vector<16xi32>
      %gather3A_338 = tpu.vector_load_idx %arg5[%add3A_337] masked %lt3A_26 : memref<12000xf32, #tpu.memory_space<vmem>>[vector<16xi32>], vector<16xf32>, vector<16xi1>
      %max3A_339 = arith.maximumf %max3A_212, %gather3A_338 : vector<16xf32>
      %add3A_340 = arith.constant 15 : i32
      %add3A_341 = vector.broadcast %add3A_340 : i32 to vector<16xi32>
      %add3A_342 = arith.addi %mul3A_264, %add3A_341 : vector<16xi32>
      %gather3A_343 = tpu.vector_load_idx %arg5[%add3A_342] masked %lt3A_26 : memref<12000xf32, #tpu.memory_space<vmem>>[vector<16xi32>], vector<16xf32>, vector<16xi1>
      %max3A_344 = arith.maximumf %max3A_217, %gather3A_343 : vector<16xf32>
      %add3A_345 = arith.constant 16 : i32
      %add3A_346 = vector.broadcast %add3A_345 : i32 to vector<16xi32>
      %add3A_347 = arith.addi %mul3A_264, %add3A_346 : vector<16xi32>
      %gather3A_348 = tpu.vector_load_idx %arg5[%add3A_347] masked %lt3A_26 : memref<12000xf32, #tpu.memory_space<vmem>>[vector<16xi32>], vector<16xf32>, vector<16xi1>
      %max3A_349 = arith.maximumf %max3A_222, %gather3A_348 : vector<16xf32>
      %add3A_350 = arith.constant 17 : i32
      %add3A_351 = vector.broadcast %add3A_350 : i32 to vector<16xi32>
      %add3A_352 = arith.addi %mul3A_264, %add3A_351 : vector<16xi32>
      %gather3A_353 = tpu.vector_load_idx %arg5[%add3A_352] masked %lt3A_26 : memref<12000xf32, #tpu.memory_space<vmem>>[vector<16xi32>], vector<16xf32>, vector<16xi1>
      %max3A_354 = arith.maximumf %max3A_227, %gather3A_353 : vector<16xf32>
      %add3A_355 = arith.constant 18 : i32
      %add3A_356 = vector.broadcast %add3A_355 : i32 to vector<16xi32>
      %add3A_357 = arith.addi %mul3A_264, %add3A_356 : vector<16xi32>
      %gather3A_358 = tpu.vector_load_idx %arg5[%add3A_357] masked %lt3A_26 : memref<12000xf32, #tpu.memory_space<vmem>>[vector<16xi32>], vector<16xf32>, vector<16xi1>
      %max3A_359 = arith.maximumf %max3A_232, %gather3A_358 : vector<16xf32>
      %add3A_360 = arith.constant 19 : i32
      %add3A_361 = vector.broadcast %add3A_360 : i32 to vector<16xi32>
      %add3A_362 = arith.addi %mul3A_264, %add3A_361 : vector<16xi32>
      %gather3A_363 = tpu.vector_load_idx %arg5[%add3A_362] masked %lt3A_26 : memref<12000xf32, #tpu.memory_space<vmem>>[vector<16xi32>], vector<16xf32>, vector<16xi1>
      %max3A_364 = arith.maximumf %max3A_237, %gather3A_363 : vector<16xf32>
      %add3A_365 = arith.constant 20 : i32
      %add3A_366 = vector.broadcast %add3A_365 : i32 to vector<16xi32>
      %add3A_367 = arith.addi %mul3A_264, %add3A_366 : vector<16xi32>
      %gather3A_368 = tpu.vector_load_idx %arg5[%add3A_367] masked %lt3A_26 : memref<12000xf32, #tpu.memory_space<vmem>>[vector<16xi32>], vector<16xf32>, vector<16xi1>
      %max3A_369 = arith.maximumf %max3A_242, %gather3A_368 : vector<16xf32>
      %add3A_370 = arith.constant 21 : i32
      %add3A_371 = vector.broadcast %add3A_370 : i32 to vector<16xi32>
      %add3A_372 = arith.addi %mul3A_264, %add3A_371 : vector<16xi32>
      %gather3A_373 = tpu.vector_load_idx %arg5[%add3A_372] masked %lt3A_26 : memref<12000xf32, #tpu.memory_space<vmem>>[vector<16xi32>], vector<16xf32>, vector<16xi1>
      %max3A_374 = arith.maximumf %max3A_247, %gather3A_373 : vector<16xf32>
      %add3A_375 = arith.constant 22 : i32
      %add3A_376 = vector.broadcast %add3A_375 : i32 to vector<16xi32>
      %add3A_377 = arith.addi %mul3A_264, %add3A_376 : vector<16xi32>
      %gather3A_378 = tpu.vector_load_idx %arg5[%add3A_377] masked %lt3A_26 : memref<12000xf32, #tpu.memory_space<vmem>>[vector<16xi32>], vector<16xf32>, vector<16xi1>
      %max3A_379 = arith.maximumf %max3A_252, %gather3A_378 : vector<16xf32>
      %add3A_380 = arith.constant 23 : i32
      %add3A_381 = vector.broadcast %add3A_380 : i32 to vector<16xi32>
      %add3A_382 = arith.addi %mul3A_264, %add3A_381 : vector<16xi32>
      %gather3A_383 = tpu.vector_load_idx %arg5[%add3A_382] masked %lt3A_26 : memref<12000xf32, #tpu.memory_space<vmem>>[vector<16xi32>], vector<16xf32>, vector<16xi1>
      %max3A_384 = arith.maximumf %max3A_257, %gather3A_383 : vector<16xf32>
      %add3A_385 = arith.constant 3 : i32
      %add3A_386 = vector.broadcast %add3A_385 : i32 to vector<16xi32>
      %add3A_387 = arith.addi %mul3A_29, %add3A_386 : vector<16xi32>
      %gather3A_388 = tpu.vector_load_idx %arg6[%add3A_387] masked %lt3A_26 : memref<4000xi32, #tpu.memory_space<vmem>>[vector<16xi32>], vector<16xi32>, vector<16xi1>
      %mul3A_389 = arith.constant 24 : i32
      %mul3A_390 = vector.broadcast %mul3A_389 : i32 to vector<16xi32>
      %mul3A_391 = arith.muli %gather3A_388, %mul3A_390 : vector<16xi32>
      %add3A_392 = arith.constant 0 : i32
      %add3A_393 = vector.broadcast %add3A_392 : i32 to vector<16xi32>
      %add3A_394 = arith.addi %mul3A_391, %add3A_393 : vector<16xi32>
      %gather3A_395 = tpu.vector_load_idx %arg5[%add3A_394] masked %lt3A_26 : memref<12000xf32, #tpu.memory_space<vmem>>[vector<16xi32>], vector<16xf32>, vector<16xi1>
      %max3A_396 = arith.maximumf %max3A_269, %gather3A_395 : vector<16xf32>
      %add3A_397 = arith.constant 1 : i32
      %add3A_398 = vector.broadcast %add3A_397 : i32 to vector<16xi32>
      %add3A_399 = arith.addi %mul3A_391, %add3A_398 : vector<16xi32>
      %gather3A_400 = tpu.vector_load_idx %arg5[%add3A_399] masked %lt3A_26 : memref<12000xf32, #tpu.memory_space<vmem>>[vector<16xi32>], vector<16xf32>, vector<16xi1>
      %max3A_401 = arith.maximumf %max3A_274, %gather3A_400 : vector<16xf32>
      %add3A_402 = arith.constant 2 : i32
      %add3A_403 = vector.broadcast %add3A_402 : i32 to vector<16xi32>
      %add3A_404 = arith.addi %mul3A_391, %add3A_403 : vector<16xi32>
      %gather3A_405 = tpu.vector_load_idx %arg5[%add3A_404] masked %lt3A_26 : memref<12000xf32, #tpu.memory_space<vmem>>[vector<16xi32>], vector<16xf32>, vector<16xi1>
      %max3A_406 = arith.maximumf %max3A_279, %gather3A_405 : vector<16xf32>
      %add3A_407 = arith.constant 3 : i32
      %add3A_408 = vector.broadcast %add3A_407 : i32 to vector<16xi32>
      %add3A_409 = arith.addi %mul3A_391, %add3A_408 : vector<16xi32>
      %gather3A_410 = tpu.vector_load_idx %arg5[%add3A_409] masked %lt3A_26 : memref<12000xf32, #tpu.memory_space<vmem>>[vector<16xi32>], vector<16xf32>, vector<16xi1>
      %max3A_411 = arith.maximumf %max3A_284, %gather3A_410 : vector<16xf32>
      %add3A_412 = arith.constant 4 : i32
      %add3A_413 = vector.broadcast %add3A_412 : i32 to vector<16xi32>
      %add3A_414 = arith.addi %mul3A_391, %add3A_413 : vector<16xi32>
      %gather3A_415 = tpu.vector_load_idx %arg5[%add3A_414] masked %lt3A_26 : memref<12000xf32, #tpu.memory_space<vmem>>[vector<16xi32>], vector<16xf32>, vector<16xi1>
      %max3A_416 = arith.maximumf %max3A_289, %gather3A_415 : vector<16xf32>
      %add3A_417 = arith.constant 5 : i32
      %add3A_418 = vector.broadcast %add3A_417 : i32 to vector<16xi32>
      %add3A_419 = arith.addi %mul3A_391, %add3A_418 : vector<16xi32>
      %gather3A_420 = tpu.vector_load_idx %arg5[%add3A_419] masked %lt3A_26 : memref<12000xf32, #tpu.memory_space<vmem>>[vector<16xi32>], vector<16xf32>, vector<16xi1>
      %max3A_421 = arith.maximumf %max3A_294, %gather3A_420 : vector<16xf32>
      %add3A_422 = arith.constant 6 : i32
      %add3A_423 = vector.broadcast %add3A_422 : i32 to vector<16xi32>
      %add3A_424 = arith.addi %mul3A_391, %add3A_423 : vector<16xi32>
      %gather3A_425 = tpu.vector_load_idx %arg5[%add3A_424] masked %lt3A_26 : memref<12000xf32, #tpu.memory_space<vmem>>[vector<16xi32>], vector<16xf32>, vector<16xi1>
      %max3A_426 = arith.maximumf %max3A_299, %gather3A_425 : vector<16xf32>
      %add3A_427 = arith.constant 7 : i32
      %add3A_428 = vector.broadcast %add3A_427 : i32 to vector<16xi32>
      %add3A_429 = arith.addi %mul3A_391, %add3A_428 : vector<16xi32>
      %gather3A_430 = tpu.vector_load_idx %arg5[%add3A_429] masked %lt3A_26 : memref<12000xf32, #tpu.memory_space<vmem>>[vector<16xi32>], vector<16xf32>, vector<16xi1>
      %max3A_431 = arith.maximumf %max3A_304, %gather3A_430 : vector<16xf32>
      %add3A_432 = arith.constant 8 : i32
      %add3A_433 = vector.broadcast %add3A_432 : i32 to vector<16xi32>
      %add3A_434 = arith.addi %mul3A_391, %add3A_433 : vector<16xi32>
      %gather3A_435 = tpu.vector_load_idx %arg5[%add3A_434] masked %lt3A_26 : memref<12000xf32, #tpu.memory_space<vmem>>[vector<16xi32>], vector<16xf32>, vector<16xi1>
      %max3A_436 = arith.maximumf %max3A_309, %gather3A_435 : vector<16xf32>
      %add3A_437 = arith.constant 9 : i32
      %add3A_438 = vector.broadcast %add3A_437 : i32 to vector<16xi32>
      %add3A_439 = arith.addi %mul3A_391, %add3A_438 : vector<16xi32>
      %gather3A_440 = tpu.vector_load_idx %arg5[%add3A_439] masked %lt3A_26 : memref<12000xf32, #tpu.memory_space<vmem>>[vector<16xi32>], vector<16xf32>, vector<16xi1>
      %max3A_441 = arith.maximumf %max3A_314, %gather3A_440 : vector<16xf32>
      %add3A_442 = arith.constant 10 : i32
      %add3A_443 = vector.broadcast %add3A_442 : i32 to vector<16xi32>
      %add3A_444 = arith.addi %mul3A_391, %add3A_443 : vector<16xi32>
      %gather3A_445 = tpu.vector_load_idx %arg5[%add3A_444] masked %lt3A_26 : memref<12000xf32, #tpu.memory_space<vmem>>[vector<16xi32>], vector<16xf32>, vector<16xi1>
      %max3A_446 = arith.maximumf %max3A_319, %gather3A_445 : vector<16xf32>
      %add3A_447 = arith.constant 11 : i32
      %add3A_448 = vector.broadcast %add3A_447 : i32 to vector<16xi32>
      %add3A_449 = arith.addi %mul3A_391, %add3A_448 : vector<16xi32>
      %gather3A_450 = tpu.vector_load_idx %arg5[%add3A_449] masked %lt3A_26 : memref<12000xf32, #tpu.memory_space<vmem>>[vector<16xi32>], vector<16xf32>, vector<16xi1>
      %max3A_451 = arith.maximumf %max3A_324, %gather3A_450 : vector<16xf32>
      %add3A_452 = arith.constant 12 : i32
      %add3A_453 = vector.broadcast %add3A_452 : i32 to vector<16xi32>
      %add3A_454 = arith.addi %mul3A_391, %add3A_453 : vector<16xi32>
      %gather3A_455 = tpu.vector_load_idx %arg5[%add3A_454] masked %lt3A_26 : memref<12000xf32, #tpu.memory_space<vmem>>[vector<16xi32>], vector<16xf32>, vector<16xi1>
      %max3A_456 = arith.maximumf %max3A_329, %gather3A_455 : vector<16xf32>
      %add3A_457 = arith.constant 13 : i32
      %add3A_458 = vector.broadcast %add3A_457 : i32 to vector<16xi32>
      %add3A_459 = arith.addi %mul3A_391, %add3A_458 : vector<16xi32>
      %gather3A_460 = tpu.vector_load_idx %arg5[%add3A_459] masked %lt3A_26 : memref<12000xf32, #tpu.memory_space<vmem>>[vector<16xi32>], vector<16xf32>, vector<16xi1>
      %max3A_461 = arith.maximumf %max3A_334, %gather3A_460 : vector<16xf32>
      %add3A_462 = arith.constant 14 : i32
      %add3A_463 = vector.broadcast %add3A_462 : i32 to vector<16xi32>
      %add3A_464 = arith.addi %mul3A_391, %add3A_463 : vector<16xi32>
      %gather3A_465 = tpu.vector_load_idx %arg5[%add3A_464] masked %lt3A_26 : memref<12000xf32, #tpu.memory_space<vmem>>[vector<16xi32>], vector<16xf32>, vector<16xi1>
      %max3A_466 = arith.maximumf %max3A_339, %gather3A_465 : vector<16xf32>
      %add3A_467 = arith.constant 15 : i32
      %add3A_468 = vector.broadcast %add3A_467 : i32 to vector<16xi32>
      %add3A_469 = arith.addi %mul3A_391, %add3A_468 : vector<16xi32>
      %gather3A_470 = tpu.vector_load_idx %arg5[%add3A_469] masked %lt3A_26 : memref<12000xf32, #tpu.memory_space<vmem>>[vector<16xi32>], vector<16xf32>, vector<16xi1>
      %max3A_471 = arith.maximumf %max3A_344, %gather3A_470 : vector<16xf32>
      %add3A_472 = arith.constant 16 : i32
      %add3A_473 = vector.broadcast %add3A_472 : i32 to vector<16xi32>
      %add3A_474 = arith.addi %mul3A_391, %add3A_473 : vector<16xi32>
      %gather3A_475 = tpu.vector_load_idx %arg5[%add3A_474] masked %lt3A_26 : memref<12000xf32, #tpu.memory_space<vmem>>[vector<16xi32>], vector<16xf32>, vector<16xi1>
      %max3A_476 = arith.maximumf %max3A_349, %gather3A_475 : vector<16xf32>
      %add3A_477 = arith.constant 17 : i32
      %add3A_478 = vector.broadcast %add3A_477 : i32 to vector<16xi32>
      %add3A_479 = arith.addi %mul3A_391, %add3A_478 : vector<16xi32>
      %gather3A_480 = tpu.vector_load_idx %arg5[%add3A_479] masked %lt3A_26 : memref<12000xf32, #tpu.memory_space<vmem>>[vector<16xi32>], vector<16xf32>, vector<16xi1>
      %max3A_481 = arith.maximumf %max3A_354, %gather3A_480 : vector<16xf32>
      %add3A_482 = arith.constant 18 : i32
      %add3A_483 = vector.broadcast %add3A_482 : i32 to vector<16xi32>
      %add3A_484 = arith.addi %mul3A_391, %add3A_483 : vector<16xi32>
      %gather3A_485 = tpu.vector_load_idx %arg5[%add3A_484] masked %lt3A_26 : memref<12000xf32, #tpu.memory_space<vmem>>[vector<16xi32>], vector<16xf32>, vector<16xi1>
      %max3A_486 = arith.maximumf %max3A_359, %gather3A_485 : vector<16xf32>
      %add3A_487 = arith.constant 19 : i32
      %add3A_488 = vector.broadcast %add3A_487 : i32 to vector<16xi32>
      %add3A_489 = arith.addi %mul3A_391, %add3A_488 : vector<16xi32>
      %gather3A_490 = tpu.vector_load_idx %arg5[%add3A_489] masked %lt3A_26 : memref<12000xf32, #tpu.memory_space<vmem>>[vector<16xi32>], vector<16xf32>, vector<16xi1>
      %max3A_491 = arith.maximumf %max3A_364, %gather3A_490 : vector<16xf32>
      %add3A_492 = arith.constant 20 : i32
      %add3A_493 = vector.broadcast %add3A_492 : i32 to vector<16xi32>
      %add3A_494 = arith.addi %mul3A_391, %add3A_493 : vector<16xi32>
      %gather3A_495 = tpu.vector_load_idx %arg5[%add3A_494] masked %lt3A_26 : memref<12000xf32, #tpu.memory_space<vmem>>[vector<16xi32>], vector<16xf32>, vector<16xi1>
      %max3A_496 = arith.maximumf %max3A_369, %gather3A_495 : vector<16xf32>
      %add3A_497 = arith.constant 21 : i32
      %add3A_498 = vector.broadcast %add3A_497 : i32 to vector<16xi32>
      %add3A_499 = arith.addi %mul3A_391, %add3A_498 : vector<16xi32>
      %gather3A_500 = tpu.vector_load_idx %arg5[%add3A_499] masked %lt3A_26 : memref<12000xf32, #tpu.memory_space<vmem>>[vector<16xi32>], vector<16xf32>, vector<16xi1>
      %max3A_501 = arith.maximumf %max3A_374, %gather3A_500 : vector<16xf32>
      %add3A_502 = arith.constant 22 : i32
      %add3A_503 = vector.broadcast %add3A_502 : i32 to vector<16xi32>
      %add3A_504 = arith.addi %mul3A_391, %add3A_503 : vector<16xi32>
      %gather3A_505 = tpu.vector_load_idx %arg5[%add3A_504] masked %lt3A_26 : memref<12000xf32, #tpu.memory_space<vmem>>[vector<16xi32>], vector<16xf32>, vector<16xi1>
      %max3A_506 = arith.maximumf %max3A_379, %gather3A_505 : vector<16xf32>
      %add3A_507 = arith.constant 23 : i32
      %add3A_508 = vector.broadcast %add3A_507 : i32 to vector<16xi32>
      %add3A_509 = arith.addi %mul3A_391, %add3A_508 : vector<16xi32>
      %gather3A_510 = tpu.vector_load_idx %arg5[%add3A_509] masked %lt3A_26 : memref<12000xf32, #tpu.memory_space<vmem>>[vector<16xi32>], vector<16xf32>, vector<16xi1>
      %max3A_511 = arith.maximumf %max3A_384, %gather3A_510 : vector<16xf32>
      %add3A_512 = arith.constant 4 : i32
      %add3A_513 = vector.broadcast %add3A_512 : i32 to vector<16xi32>
      %add3A_514 = arith.addi %mul3A_29, %add3A_513 : vector<16xi32>
      %gather3A_515 = tpu.vector_load_idx %arg6[%add3A_514] masked %lt3A_26 : memref<4000xi32, #tpu.memory_space<vmem>>[vector<16xi32>], vector<16xi32>, vector<16xi1>
      %mul3A_516 = arith.constant 24 : i32
      %mul3A_517 = vector.broadcast %mul3A_516 : i32 to vector<16xi32>
      %mul3A_518 = arith.muli %gather3A_515, %mul3A_517 : vector<16xi32>
      %add3A_519 = arith.constant 0 : i32
      %add3A_520 = vector.broadcast %add3A_519 : i32 to vector<16xi32>
      %add3A_521 = arith.addi %mul3A_518, %add3A_520 : vector<16xi32>
      %gather3A_522 = tpu.vector_load_idx %arg5[%add3A_521] masked %lt3A_26 : memref<12000xf32, #tpu.memory_space<vmem>>[vector<16xi32>], vector<16xf32>, vector<16xi1>
      %max3A_523 = arith.maximumf %max3A_396, %gather3A_522 : vector<16xf32>
      %add3A_524 = arith.constant 1 : i32
      %add3A_525 = vector.broadcast %add3A_524 : i32 to vector<16xi32>
      %add3A_526 = arith.addi %mul3A_518, %add3A_525 : vector<16xi32>
      %gather3A_527 = tpu.vector_load_idx %arg5[%add3A_526] masked %lt3A_26 : memref<12000xf32, #tpu.memory_space<vmem>>[vector<16xi32>], vector<16xf32>, vector<16xi1>
      %max3A_528 = arith.maximumf %max3A_401, %gather3A_527 : vector<16xf32>
      %add3A_529 = arith.constant 2 : i32
      %add3A_530 = vector.broadcast %add3A_529 : i32 to vector<16xi32>
      %add3A_531 = arith.addi %mul3A_518, %add3A_530 : vector<16xi32>
      %gather3A_532 = tpu.vector_load_idx %arg5[%add3A_531] masked %lt3A_26 : memref<12000xf32, #tpu.memory_space<vmem>>[vector<16xi32>], vector<16xf32>, vector<16xi1>
      %max3A_533 = arith.maximumf %max3A_406, %gather3A_532 : vector<16xf32>
      %add3A_534 = arith.constant 3 : i32
      %add3A_535 = vector.broadcast %add3A_534 : i32 to vector<16xi32>
      %add3A_536 = arith.addi %mul3A_518, %add3A_535 : vector<16xi32>
      %gather3A_537 = tpu.vector_load_idx %arg5[%add3A_536] masked %lt3A_26 : memref<12000xf32, #tpu.memory_space<vmem>>[vector<16xi32>], vector<16xf32>, vector<16xi1>
      %max3A_538 = arith.maximumf %max3A_411, %gather3A_537 : vector<16xf32>
      %add3A_539 = arith.constant 4 : i32
      %add3A_540 = vector.broadcast %add3A_539 : i32 to vector<16xi32>
      %add3A_541 = arith.addi %mul3A_518, %add3A_540 : vector<16xi32>
      %gather3A_542 = tpu.vector_load_idx %arg5[%add3A_541] masked %lt3A_26 : memref<12000xf32, #tpu.memory_space<vmem>>[vector<16xi32>], vector<16xf32>, vector<16xi1>
      %max3A_543 = arith.maximumf %max3A_416, %gather3A_542 : vector<16xf32>
      %add3A_544 = arith.constant 5 : i32
      %add3A_545 = vector.broadcast %add3A_544 : i32 to vector<16xi32>
      %add3A_546 = arith.addi %mul3A_518, %add3A_545 : vector<16xi32>
      %gather3A_547 = tpu.vector_load_idx %arg5[%add3A_546] masked %lt3A_26 : memref<12000xf32, #tpu.memory_space<vmem>>[vector<16xi32>], vector<16xf32>, vector<16xi1>
      %max3A_548 = arith.maximumf %max3A_421, %gather3A_547 : vector<16xf32>
      %add3A_549 = arith.constant 6 : i32
      %add3A_550 = vector.broadcast %add3A_549 : i32 to vector<16xi32>
      %add3A_551 = arith.addi %mul3A_518, %add3A_550 : vector<16xi32>
      %gather3A_552 = tpu.vector_load_idx %arg5[%add3A_551] masked %lt3A_26 : memref<12000xf32, #tpu.memory_space<vmem>>[vector<16xi32>], vector<16xf32>, vector<16xi1>
      %max3A_553 = arith.maximumf %max3A_426, %gather3A_552 : vector<16xf32>
      %add3A_554 = arith.constant 7 : i32
      %add3A_555 = vector.broadcast %add3A_554 : i32 to vector<16xi32>
      %add3A_556 = arith.addi %mul3A_518, %add3A_555 : vector<16xi32>
      %gather3A_557 = tpu.vector_load_idx %arg5[%add3A_556] masked %lt3A_26 : memref<12000xf32, #tpu.memory_space<vmem>>[vector<16xi32>], vector<16xf32>, vector<16xi1>
      %max3A_558 = arith.maximumf %max3A_431, %gather3A_557 : vector<16xf32>
      %add3A_559 = arith.constant 8 : i32
      %add3A_560 = vector.broadcast %add3A_559 : i32 to vector<16xi32>
      %add3A_561 = arith.addi %mul3A_518, %add3A_560 : vector<16xi32>
      %gather3A_562 = tpu.vector_load_idx %arg5[%add3A_561] masked %lt3A_26 : memref<12000xf32, #tpu.memory_space<vmem>>[vector<16xi32>], vector<16xf32>, vector<16xi1>
      %max3A_563 = arith.maximumf %max3A_436, %gather3A_562 : vector<16xf32>
      %add3A_564 = arith.constant 9 : i32
      %add3A_565 = vector.broadcast %add3A_564 : i32 to vector<16xi32>
      %add3A_566 = arith.addi %mul3A_518, %add3A_565 : vector<16xi32>
      %gather3A_567 = tpu.vector_load_idx %arg5[%add3A_566] masked %lt3A_26 : memref<12000xf32, #tpu.memory_space<vmem>>[vector<16xi32>], vector<16xf32>, vector<16xi1>
      %max3A_568 = arith.maximumf %max3A_441, %gather3A_567 : vector<16xf32>
      %add3A_569 = arith.constant 10 : i32
      %add3A_570 = vector.broadcast %add3A_569 : i32 to vector<16xi32>
      %add3A_571 = arith.addi %mul3A_518, %add3A_570 : vector<16xi32>
      %gather3A_572 = tpu.vector_load_idx %arg5[%add3A_571] masked %lt3A_26 : memref<12000xf32, #tpu.memory_space<vmem>>[vector<16xi32>], vector<16xf32>, vector<16xi1>
      %max3A_573 = arith.maximumf %max3A_446, %gather3A_572 : vector<16xf32>
      %add3A_574 = arith.constant 11 : i32
      %add3A_575 = vector.broadcast %add3A_574 : i32 to vector<16xi32>
      %add3A_576 = arith.addi %mul3A_518, %add3A_575 : vector<16xi32>
      %gather3A_577 = tpu.vector_load_idx %arg5[%add3A_576] masked %lt3A_26 : memref<12000xf32, #tpu.memory_space<vmem>>[vector<16xi32>], vector<16xf32>, vector<16xi1>
      %max3A_578 = arith.maximumf %max3A_451, %gather3A_577 : vector<16xf32>
      %add3A_579 = arith.constant 12 : i32
      %add3A_580 = vector.broadcast %add3A_579 : i32 to vector<16xi32>
      %add3A_581 = arith.addi %mul3A_518, %add3A_580 : vector<16xi32>
      %gather3A_582 = tpu.vector_load_idx %arg5[%add3A_581] masked %lt3A_26 : memref<12000xf32, #tpu.memory_space<vmem>>[vector<16xi32>], vector<16xf32>, vector<16xi1>
      %max3A_583 = arith.maximumf %max3A_456, %gather3A_582 : vector<16xf32>
      %add3A_584 = arith.constant 13 : i32
      %add3A_585 = vector.broadcast %add3A_584 : i32 to vector<16xi32>
      %add3A_586 = arith.addi %mul3A_518, %add3A_585 : vector<16xi32>
      %gather3A_587 = tpu.vector_load_idx %arg5[%add3A_586] masked %lt3A_26 : memref<12000xf32, #tpu.memory_space<vmem>>[vector<16xi32>], vector<16xf32>, vector<16xi1>
      %max3A_588 = arith.maximumf %max3A_461, %gather3A_587 : vector<16xf32>
      %add3A_589 = arith.constant 14 : i32
      %add3A_590 = vector.broadcast %add3A_589 : i32 to vector<16xi32>
      %add3A_591 = arith.addi %mul3A_518, %add3A_590 : vector<16xi32>
      %gather3A_592 = tpu.vector_load_idx %arg5[%add3A_591] masked %lt3A_26 : memref<12000xf32, #tpu.memory_space<vmem>>[vector<16xi32>], vector<16xf32>, vector<16xi1>
      %max3A_593 = arith.maximumf %max3A_466, %gather3A_592 : vector<16xf32>
      %add3A_594 = arith.constant 15 : i32
      %add3A_595 = vector.broadcast %add3A_594 : i32 to vector<16xi32>
      %add3A_596 = arith.addi %mul3A_518, %add3A_595 : vector<16xi32>
      %gather3A_597 = tpu.vector_load_idx %arg5[%add3A_596] masked %lt3A_26 : memref<12000xf32, #tpu.memory_space<vmem>>[vector<16xi32>], vector<16xf32>, vector<16xi1>
      %max3A_598 = arith.maximumf %max3A_471, %gather3A_597 : vector<16xf32>
      %add3A_599 = arith.constant 16 : i32
      %add3A_600 = vector.broadcast %add3A_599 : i32 to vector<16xi32>
      %add3A_601 = arith.addi %mul3A_518, %add3A_600 : vector<16xi32>
      %gather3A_602 = tpu.vector_load_idx %arg5[%add3A_601] masked %lt3A_26 : memref<12000xf32, #tpu.memory_space<vmem>>[vector<16xi32>], vector<16xf32>, vector<16xi1>
      %max3A_603 = arith.maximumf %max3A_476, %gather3A_602 : vector<16xf32>
      %add3A_604 = arith.constant 17 : i32
      %add3A_605 = vector.broadcast %add3A_604 : i32 to vector<16xi32>
      %add3A_606 = arith.addi %mul3A_518, %add3A_605 : vector<16xi32>
      %gather3A_607 = tpu.vector_load_idx %arg5[%add3A_606] masked %lt3A_26 : memref<12000xf32, #tpu.memory_space<vmem>>[vector<16xi32>], vector<16xf32>, vector<16xi1>
      %max3A_608 = arith.maximumf %max3A_481, %gather3A_607 : vector<16xf32>
      %add3A_609 = arith.constant 18 : i32
      %add3A_610 = vector.broadcast %add3A_609 : i32 to vector<16xi32>
      %add3A_611 = arith.addi %mul3A_518, %add3A_610 : vector<16xi32>
      %gather3A_612 = tpu.vector_load_idx %arg5[%add3A_611] masked %lt3A_26 : memref<12000xf32, #tpu.memory_space<vmem>>[vector<16xi32>], vector<16xf32>, vector<16xi1>
      %max3A_613 = arith.maximumf %max3A_486, %gather3A_612 : vector<16xf32>
      %add3A_614 = arith.constant 19 : i32
      %add3A_615 = vector.broadcast %add3A_614 : i32 to vector<16xi32>
      %add3A_616 = arith.addi %mul3A_518, %add3A_615 : vector<16xi32>
      %gather3A_617 = tpu.vector_load_idx %arg5[%add3A_616] masked %lt3A_26 : memref<12000xf32, #tpu.memory_space<vmem>>[vector<16xi32>], vector<16xf32>, vector<16xi1>
      %max3A_618 = arith.maximumf %max3A_491, %gather3A_617 : vector<16xf32>
      %add3A_619 = arith.constant 20 : i32
      %add3A_620 = vector.broadcast %add3A_619 : i32 to vector<16xi32>
      %add3A_621 = arith.addi %mul3A_518, %add3A_620 : vector<16xi32>
      %gather3A_622 = tpu.vector_load_idx %arg5[%add3A_621] masked %lt3A_26 : memref<12000xf32, #tpu.memory_space<vmem>>[vector<16xi32>], vector<16xf32>, vector<16xi1>
      %max3A_623 = arith.maximumf %max3A_496, %gather3A_622 : vector<16xf32>
      %add3A_624 = arith.constant 21 : i32
      %add3A_625 = vector.broadcast %add3A_624 : i32 to vector<16xi32>
      %add3A_626 = arith.addi %mul3A_518, %add3A_625 : vector<16xi32>
      %gather3A_627 = tpu.vector_load_idx %arg5[%add3A_626] masked %lt3A_26 : memref<12000xf32, #tpu.memory_space<vmem>>[vector<16xi32>], vector<16xf32>, vector<16xi1>
      %max3A_628 = arith.maximumf %max3A_501, %gather3A_627 : vector<16xf32>
      %add3A_629 = arith.constant 22 : i32
      %add3A_630 = vector.broadcast %add3A_629 : i32 to vector<16xi32>
      %add3A_631 = arith.addi %mul3A_518, %add3A_630 : vector<16xi32>
      %gather3A_632 = tpu.vector_load_idx %arg5[%add3A_631] masked %lt3A_26 : memref<12000xf32, #tpu.memory_space<vmem>>[vector<16xi32>], vector<16xf32>, vector<16xi1>
      %max3A_633 = arith.maximumf %max3A_506, %gather3A_632 : vector<16xf32>
      %add3A_634 = arith.constant 23 : i32
      %add3A_635 = vector.broadcast %add3A_634 : i32 to vector<16xi32>
      %add3A_636 = arith.addi %mul3A_518, %add3A_635 : vector<16xi32>
      %gather3A_637 = tpu.vector_load_idx %arg5[%add3A_636] masked %lt3A_26 : memref<12000xf32, #tpu.memory_space<vmem>>[vector<16xi32>], vector<16xf32>, vector<16xi1>
      %max3A_638 = arith.maximumf %max3A_511, %gather3A_637 : vector<16xf32>
      %mul3A_639 = arith.constant 24 : i32
      %mul3A_640 = vector.broadcast %mul3A_639 : i32 to vector<16xi32>
      %mul3A_641 = arith.muli %add3A_24, %mul3A_640 : vector<16xi32>
      %add3A_642 = arith.constant 0 : i32
      %add3A_643 = vector.broadcast %add3A_642 : i32 to vector<16xi32>
      %add3A_644 = arith.addi %mul3A_641, %add3A_643 : vector<16xi32>
      tpu.vector_store_idx %arg7[%add3A_644], %max3A_523 masked %lt3A_26 : memref<12000xf32, #tpu.memory_space<vmem>>[vector<16xi32>], vector<16xf32>, vector<16xi1>
      %add3A_645 = arith.constant 1 : i32
      %add3A_646 = vector.broadcast %add3A_645 : i32 to vector<16xi32>
      %add3A_647 = arith.addi %mul3A_641, %add3A_646 : vector<16xi32>
      tpu.vector_store_idx %arg7[%add3A_647], %max3A_528 masked %lt3A_26 : memref<12000xf32, #tpu.memory_space<vmem>>[vector<16xi32>], vector<16xf32>, vector<16xi1>
      %add3A_648 = arith.constant 2 : i32
      %add3A_649 = vector.broadcast %add3A_648 : i32 to vector<16xi32>
      %add3A_650 = arith.addi %mul3A_641, %add3A_649 : vector<16xi32>
      tpu.vector_store_idx %arg7[%add3A_650], %max3A_533 masked %lt3A_26 : memref<12000xf32, #tpu.memory_space<vmem>>[vector<16xi32>], vector<16xf32>, vector<16xi1>
      %add3A_651 = arith.constant 3 : i32
      %add3A_652 = vector.broadcast %add3A_651 : i32 to vector<16xi32>
      %add3A_653 = arith.addi %mul3A_641, %add3A_652 : vector<16xi32>
      tpu.vector_store_idx %arg7[%add3A_653], %max3A_538 masked %lt3A_26 : memref<12000xf32, #tpu.memory_space<vmem>>[vector<16xi32>], vector<16xf32>, vector<16xi1>
      %add3A_654 = arith.constant 4 : i32
      %add3A_655 = vector.broadcast %add3A_654 : i32 to vector<16xi32>
      %add3A_656 = arith.addi %mul3A_641, %add3A_655 : vector<16xi32>
      tpu.vector_store_idx %arg7[%add3A_656], %max3A_543 masked %lt3A_26 : memref<12000xf32, #tpu.memory_space<vmem>>[vector<16xi32>], vector<16xf32>, vector<16xi1>
      %add3A_657 = arith.constant 5 : i32
      %add3A_658 = vector.broadcast %add3A_657 : i32 to vector<16xi32>
      %add3A_659 = arith.addi %mul3A_641, %add3A_658 : vector<16xi32>
      tpu.vector_store_idx %arg7[%add3A_659], %max3A_548 masked %lt3A_26 : memref<12000xf32, #tpu.memory_space<vmem>>[vector<16xi32>], vector<16xf32>, vector<16xi1>
      %add3A_660 = arith.constant 6 : i32
      %add3A_661 = vector.broadcast %add3A_660 : i32 to vector<16xi32>
      %add3A_662 = arith.addi %mul3A_641, %add3A_661 : vector<16xi32>
      tpu.vector_store_idx %arg7[%add3A_662], %max3A_553 masked %lt3A_26 : memref<12000xf32, #tpu.memory_space<vmem>>[vector<16xi32>], vector<16xf32>, vector<16xi1>
      %add3A_663 = arith.constant 7 : i32
      %add3A_664 = vector.broadcast %add3A_663 : i32 to vector<16xi32>
      %add3A_665 = arith.addi %mul3A_641, %add3A_664 : vector<16xi32>
      tpu.vector_store_idx %arg7[%add3A_665], %max3A_558 masked %lt3A_26 : memref<12000xf32, #tpu.memory_space<vmem>>[vector<16xi32>], vector<16xf32>, vector<16xi1>
      %add3A_666 = arith.constant 8 : i32
      %add3A_667 = vector.broadcast %add3A_666 : i32 to vector<16xi32>
      %add3A_668 = arith.addi %mul3A_641, %add3A_667 : vector<16xi32>
      tpu.vector_store_idx %arg7[%add3A_668], %max3A_563 masked %lt3A_26 : memref<12000xf32, #tpu.memory_space<vmem>>[vector<16xi32>], vector<16xf32>, vector<16xi1>
      %add3A_669 = arith.constant 9 : i32
      %add3A_670 = vector.broadcast %add3A_669 : i32 to vector<16xi32>
      %add3A_671 = arith.addi %mul3A_641, %add3A_670 : vector<16xi32>
      tpu.vector_store_idx %arg7[%add3A_671], %max3A_568 masked %lt3A_26 : memref<12000xf32, #tpu.memory_space<vmem>>[vector<16xi32>], vector<16xf32>, vector<16xi1>
      %add3A_672 = arith.constant 10 : i32
      %add3A_673 = vector.broadcast %add3A_672 : i32 to vector<16xi32>
      %add3A_674 = arith.addi %mul3A_641, %add3A_673 : vector<16xi32>
      tpu.vector_store_idx %arg7[%add3A_674], %max3A_573 masked %lt3A_26 : memref<12000xf32, #tpu.memory_space<vmem>>[vector<16xi32>], vector<16xf32>, vector<16xi1>
      %add3A_675 = arith.constant 11 : i32
      %add3A_676 = vector.broadcast %add3A_675 : i32 to vector<16xi32>
      %add3A_677 = arith.addi %mul3A_641, %add3A_676 : vector<16xi32>
      tpu.vector_store_idx %arg7[%add3A_677], %max3A_578 masked %lt3A_26 : memref<12000xf32, #tpu.memory_space<vmem>>[vector<16xi32>], vector<16xf32>, vector<16xi1>
      %add3A_678 = arith.constant 12 : i32
      %add3A_679 = vector.broadcast %add3A_678 : i32 to vector<16xi32>
      %add3A_680 = arith.addi %mul3A_641, %add3A_679 : vector<16xi32>
      tpu.vector_store_idx %arg7[%add3A_680], %max3A_583 masked %lt3A_26 : memref<12000xf32, #tpu.memory_space<vmem>>[vector<16xi32>], vector<16xf32>, vector<16xi1>
      %add3A_681 = arith.constant 13 : i32
      %add3A_682 = vector.broadcast %add3A_681 : i32 to vector<16xi32>
      %add3A_683 = arith.addi %mul3A_641, %add3A_682 : vector<16xi32>
      tpu.vector_store_idx %arg7[%add3A_683], %max3A_588 masked %lt3A_26 : memref<12000xf32, #tpu.memory_space<vmem>>[vector<16xi32>], vector<16xf32>, vector<16xi1>
      %add3A_684 = arith.constant 14 : i32
      %add3A_685 = vector.broadcast %add3A_684 : i32 to vector<16xi32>
      %add3A_686 = arith.addi %mul3A_641, %add3A_685 : vector<16xi32>
      tpu.vector_store_idx %arg7[%add3A_686], %max3A_593 masked %lt3A_26 : memref<12000xf32, #tpu.memory_space<vmem>>[vector<16xi32>], vector<16xf32>, vector<16xi1>
      %add3A_687 = arith.constant 15 : i32
      %add3A_688 = vector.broadcast %add3A_687 : i32 to vector<16xi32>
      %add3A_689 = arith.addi %mul3A_641, %add3A_688 : vector<16xi32>
      tpu.vector_store_idx %arg7[%add3A_689], %max3A_598 masked %lt3A_26 : memref<12000xf32, #tpu.memory_space<vmem>>[vector<16xi32>], vector<16xf32>, vector<16xi1>
      %add3A_690 = arith.constant 16 : i32
      %add3A_691 = vector.broadcast %add3A_690 : i32 to vector<16xi32>
      %add3A_692 = arith.addi %mul3A_641, %add3A_691 : vector<16xi32>
      tpu.vector_store_idx %arg7[%add3A_692], %max3A_603 masked %lt3A_26 : memref<12000xf32, #tpu.memory_space<vmem>>[vector<16xi32>], vector<16xf32>, vector<16xi1>
      %add3A_693 = arith.constant 17 : i32
      %add3A_694 = vector.broadcast %add3A_693 : i32 to vector<16xi32>
      %add3A_695 = arith.addi %mul3A_641, %add3A_694 : vector<16xi32>
      tpu.vector_store_idx %arg7[%add3A_695], %max3A_608 masked %lt3A_26 : memref<12000xf32, #tpu.memory_space<vmem>>[vector<16xi32>], vector<16xf32>, vector<16xi1>
      %add3A_696 = arith.constant 18 : i32
      %add3A_697 = vector.broadcast %add3A_696 : i32 to vector<16xi32>
      %add3A_698 = arith.addi %mul3A_641, %add3A_697 : vector<16xi32>
      tpu.vector_store_idx %arg7[%add3A_698], %max3A_613 masked %lt3A_26 : memref<12000xf32, #tpu.memory_space<vmem>>[vector<16xi32>], vector<16xf32>, vector<16xi1>
      %add3A_699 = arith.constant 19 : i32
      %add3A_700 = vector.broadcast %add3A_699 : i32 to vector<16xi32>
      %add3A_701 = arith.addi %mul3A_641, %add3A_700 : vector<16xi32>
      tpu.vector_store_idx %arg7[%add3A_701], %max3A_618 masked %lt3A_26 : memref<12000xf32, #tpu.memory_space<vmem>>[vector<16xi32>], vector<16xf32>, vector<16xi1>
      %add3A_702 = arith.constant 20 : i32
      %add3A_703 = vector.broadcast %add3A_702 : i32 to vector<16xi32>
      %add3A_704 = arith.addi %mul3A_641, %add3A_703 : vector<16xi32>
      tpu.vector_store_idx %arg7[%add3A_704], %max3A_623 masked %lt3A_26 : memref<12000xf32, #tpu.memory_space<vmem>>[vector<16xi32>], vector<16xf32>, vector<16xi1>
      %add3A_705 = arith.constant 21 : i32
      %add3A_706 = vector.broadcast %add3A_705 : i32 to vector<16xi32>
      %add3A_707 = arith.addi %mul3A_641, %add3A_706 : vector<16xi32>
      tpu.vector_store_idx %arg7[%add3A_707], %max3A_628 masked %lt3A_26 : memref<12000xf32, #tpu.memory_space<vmem>>[vector<16xi32>], vector<16xf32>, vector<16xi1>
      %add3A_708 = arith.constant 22 : i32
      %add3A_709 = vector.broadcast %add3A_708 : i32 to vector<16xi32>
      %add3A_710 = arith.addi %mul3A_641, %add3A_709 : vector<16xi32>
      tpu.vector_store_idx %arg7[%add3A_710], %max3A_633 masked %lt3A_26 : memref<12000xf32, #tpu.memory_space<vmem>>[vector<16xi32>], vector<16xf32>, vector<16xi1>
      %add3A_711 = arith.constant 23 : i32
      %add3A_712 = vector.broadcast %add3A_711 : i32 to vector<16xi32>
      %add3A_713 = arith.addi %mul3A_641, %add3A_712 : vector<16xi32>
      tpu.vector_store_idx %arg7[%add3A_713], %max3A_638 masked %lt3A_26 : memref<12000xf32, #tpu.memory_space<vmem>>[vector<16xi32>], vector<16xf32>, vector<16xi1>
    }
    %scan3A_19 = arith.constant 32 : i32
    "tpu.region"() ({
      %run_scoped3A = tpu.sem_alloc : memref<!tpu.dma_semaphore, #tpu.memory_space<semaphore_mem>>
      %dma_start3A = arith.constant 0 : i32
      %dma_start3A_20 = tpu.memref_slice %arg4[%add3A_13, %dma_start3A] : memref<64x12000xf32, #tpu.memory_space<hbm>> -> memref<1x12000xf32, #tpu.memory_space<hbm>>
      %dma_start3A_21 = tpu.memref_squeeze %dma_start3A_20 : memref<1x12000xf32, #tpu.memory_space<hbm>> -> memref<12000xf32, #tpu.memory_space<hbm>>
      %dma_start3A_22 = arith.constant 0 : i32
      %dma_start3A_23 = tpu.memref_slice %arg4[%add3A_13, %dma_start3A_22] : memref<64x12000xf32, #tpu.memory_space<hbm>> -> memref<1x12000xf32, #tpu.memory_space<hbm>>
      %dma_start3A_24 = tpu.memref_squeeze %dma_start3A_23 : memref<1x12000xf32, #tpu.memory_space<hbm>> -> memref<12000xf32, #tpu.memory_space<hbm>>
      tpu.enqueue_dma source(%arg7 : memref<12000xf32, #tpu.memory_space<vmem>>) target(%dma_start3A_24 : memref<12000xf32, #tpu.memory_space<hbm>>) target_semaphore(%run_scoped3A : memref<!tpu.dma_semaphore, #tpu.memory_space<semaphore_mem>>)
      %dma_wait3A = arith.constant 0 : i32
      %dma_wait3A_25 = tpu.memref_slice %arg4[%add3A_13, %dma_wait3A] : memref<64x12000xf32, #tpu.memory_space<hbm>> -> memref<1x12000xf32, #tpu.memory_space<hbm>>
      %dma_wait3A_26 = tpu.memref_squeeze %dma_wait3A_25 : memref<1x12000xf32, #tpu.memory_space<hbm>> -> memref<12000xf32, #tpu.memory_space<hbm>>
      %dma_wait3A_27 = arith.constant 0 : i32
      %dma_wait3A_28 = tpu.memref_slice %arg4[%add3A_13, %dma_wait3A_27] : memref<64x12000xf32, #tpu.memory_space<hbm>> -> memref<1x12000xf32, #tpu.memory_space<hbm>>
      %dma_wait3A_29 = tpu.memref_squeeze %dma_wait3A_28 : memref<1x12000xf32, #tpu.memory_space<hbm>> -> memref<12000xf32, #tpu.memory_space<hbm>>
      tpu.wait_dma2 semaphore(%run_scoped3A : memref<!tpu.dma_semaphore, #tpu.memory_space<semaphore_mem>>) src(%arg7 : memref<12000xf32, #tpu.memory_space<vmem>>) dst(%dma_wait3A_29 : memref<12000xf32, #tpu.memory_space<hbm>>)
      tpu.yield
    }) : () -> ()
    return
  }
}

module attributes {stable_mosaic.version = 14 : i64} {
  func.func @_tc_body(%arg0: i32, %arg1: memref<500x500xf32, #tpu.memory_space<vmem>>, %arg2: memref<1x8x500x24xf32, #tpu.memory_space<vmem>>, %arg3: memref<10x24xf32, #tpu.memory_space<vmem>>, %arg4: memref<1x10xf32, #tpu.memory_space<vmem>>, %arg5: memref<500x500xf32, #tpu.memory_space<vmem>>, %arg6: memref<500x500xf32, #tpu.memory_space<vmem>>, %arg7: memref<1x500x500xf32, #tpu.memory_space<vmem>>, %arg8: memref<1x8x500x8xi32, #tpu.memory_space<vmem>>) attributes {dimension_semantics = [#tpu.dimension_semantics<arbitrary>], iteration_bounds = array<i64: 8>, scalar_prefetch = 0 : i64, scratch_operands = 0 : i64, tpu.core_type = #tpu.core_type<tc>, window_params = [{pipeline_mode = #tpu.pipeline_mode<synchronous>, transform_indices = @transform_0, window_bounds = array<i64: 500, 500>}, {transform_indices = @transform_1, window_bounds = array<i64: 1, 8, 500, 24>}, {pipeline_mode = #tpu.pipeline_mode<synchronous>, transform_indices = @transform_2, window_bounds = array<i64: 10, 24>}, {pipeline_mode = #tpu.pipeline_mode<synchronous>, transform_indices = @transform_3, window_bounds = array<i64: 1, 10>}, {pipeline_mode = #tpu.pipeline_mode<synchronous>, transform_indices = @transform_4, window_bounds = array<i64: 500, 500>}, {pipeline_mode = #tpu.pipeline_mode<synchronous>, transform_indices = @transform_5, window_bounds = array<i64: 500, 500>}, {transform_indices = @transform_6, window_bounds = array<i64: 1, 500, 500>}, {transform_indices = @transform_7, window_bounds = array<i64: 1, 8, 500, 8>}]} {
    %get3A = arith.constant 0 : index
    %get3A_0 = arith.constant 0 : index
    %get3A_1 = vector.load %arg1[%get3A, %get3A_0] : memref<500x500xf32, #tpu.memory_space<vmem>>, vector<500x500xf32>
    %iota3A = tpu.iota {dimensions = array<i32: 0>} : vector<500x500xi32>
    %iota3A_2 = tpu.iota {dimensions = array<i32: 1>} : vector<500x500xi32>
    %convert_element_type3A = arith.sitofp %iota3A_2 : vector<500x500xi32> to vector<500x500xf32>
    %iota3A_3 = tpu.iota {dimensions = array<i32: 1>} : vector<500x8xi32>
    %gt3A = arith.cmpi sgt, %iota3A_2, %iota3A : vector<500x500xi32>
    %get3A_4 = arith.constant 0 : index
    %get3A_5 = arith.constant 0 : index
    %get3A_6 = vector.load %arg5[%get3A_4, %get3A_5] : memref<500x500xf32, #tpu.memory_space<vmem>>, vector<500x500xf32>
    %jit3A = arith.constant 0.000000e+00 : f32
    %broadcast_in_dim3A = vector.broadcast %jit3A : f32 to vector<500x500xf32>
    %select_n3A = arith.select %gt3A, %get3A_6, %broadcast_in_dim3A : vector<500x500xi1>, vector<500x500xf32>
    %le3A = arith.cmpi sle, %iota3A_2, %iota3A : vector<500x500xi32>
    %get3A_7 = arith.constant 0 : index
    %get3A_8 = arith.constant 0 : index
    %get3A_9 = vector.load %arg6[%get3A_7, %get3A_8] : memref<500x500xf32, #tpu.memory_space<vmem>>, vector<500x500xf32>
    %jit3A_10 = arith.constant 0.000000e+00 : f32
    %broadcast_in_dim3A_11 = vector.broadcast %jit3A_10 : f32 to vector<500x500xf32>
    %select_n3A_12 = arith.select %le3A, %get3A_9, %broadcast_in_dim3A_11 : vector<500x500xi1>, vector<500x500xf32>
    %add3A = arith.addf %select_n3A, %select_n3A_12 : vector<500x500xf32>
    %mul3A = arith.constant 1.000000e-03 : f32
    %mul3A_13 = vector.broadcast %mul3A : f32 to vector<500x500xf32>
    %mul3A_14 = arith.mulf %mul3A_13, %add3A : vector<500x500xf32>
    %get3A_15 = arith.constant 0 : index
    %get3A_16 = arith.constant 0 : index
    %get3A_17 = vector.load %arg4[%get3A_15, %get3A_16] : memref<1x10xf32, #tpu.memory_space<vmem>>, vector<1x10xf32>
    %get3A_18 = vector.shape_cast %get3A_17 : vector<1x10xf32> to vector<10xf32>
    %get3A_19 = arith.constant 0 : index
    %get3A_20 = arith.constant 0 : index
    %get3A_21 = vector.load %arg3[%get3A_19, %get3A_20] : memref<10x24xf32, #tpu.memory_space<vmem>>, vector<10x24xf32>
    %broadcast_in_dim3A_22 = arith.constant 0.000000e+00 : f32
    %broadcast_in_dim3A_23 = vector.broadcast %broadcast_in_dim3A_22 : f32 to vector<500x500xf32>
    %get3A_24 = arith.constant 0 : index
    %get3A_25 = arith.constant 0 : index
    %get3A_26 = arith.constant 0 : index
    %get3A_27 = arith.constant 0 : index
    %get3A_28 = vector.load %arg2[%get3A_24, %get3A_25, %get3A_26, %get3A_27] : memref<1x8x500x24xf32, #tpu.memory_space<vmem>>, vector<1x1x500x24xf32>
    %get3A_29 = vector.shape_cast %get3A_28 : vector<1x1x500x24xf32> to vector<500x24xf32>
    %dot_general3A = arith.constant dense<0.000000e+00> : vector<500x10xf32>
    %dot_general3A_30 = tpu.matmul %get3A_29, %get3A_21, %dot_general3A {dimension_numbers = #tpu.dot_dimension_numbers<[1], [1], [0], [0], [0, 0, 1, 0], [], []>, transpose_lhs_hint = false} : vector<500x24xf32>, vector<10x24xf32>, vector<500x10xf32> -> vector<500x10xf32>
    %broadcast_in_dim3A_31 = vector.shape_cast %get3A_18 : vector<10xf32> to vector<1x10xf32>
    %add3A_32 = vector.broadcast %broadcast_in_dim3A_31 : vector<1x10xf32> to vector<500x10xf32>
    %add3A_33 = arith.addf %dot_general3A_30, %add3A_32 : vector<500x10xf32>
    %dot_general3A_34 = arith.constant dense<0.000000e+00> : vector<500x500xf32>
    %dot_general3A_35 = tpu.matmul %add3A_33, %add3A_33, %dot_general3A_34 {dimension_numbers = #tpu.dot_dimension_numbers<[1], [1], [0], [0], [0, 0, 1, 0], [], []>, transpose_lhs_hint = false} : vector<500x10xf32>, vector<500x10xf32>, vector<500x500xf32> -> vector<500x500xf32>
    %add3A_36 = arith.addf %dot_general3A_35, %mul3A_14 : vector<500x500xf32>
    %mul3A_37 = arith.constant 0.316227764 : f32
    %mul3A_38 = vector.broadcast %mul3A_37 : f32 to vector<500x500xf32>
    %mul3A_39 = arith.mulf %add3A_36, %mul3A_38 : vector<500x500xf32>
    %logistic3A = arith.negf %mul3A_39 : vector<500x500xf32>
    %logistic3A_40 = math.exp %logistic3A : vector<500x500xf32>
    %logistic3A_41 = arith.constant 1.000000e+00 : f32
    %logistic3A_42 = vector.broadcast %logistic3A_41 : f32 to vector<500x500xf32>
    %logistic3A_43 = arith.addf %logistic3A_42, %logistic3A_40 : vector<500x500xf32>
    %logistic3A_44 = arith.divf %logistic3A_42, %logistic3A_43 : vector<500x500xf32>
    %mul3A_45 = arith.constant 2.000000e-03 : f32
    %mul3A_46 = vector.broadcast %mul3A_45 : f32 to vector<500x500xf32>
    %mul3A_47 = arith.mulf %mul3A_46, %logistic3A_44 : vector<500x500xf32>
    %add3A_48 = arith.addf %get3A_1, %mul3A_47 : vector<500x500xf32>
    %add3A_49 = arith.addf %broadcast_in_dim3A_23, %add3A_48 : vector<500x500xf32>
    %broadcast_in_dim3A_50 = arith.constant 0.000000e+00 : f32
    %broadcast_in_dim3A_51 = vector.broadcast %broadcast_in_dim3A_50 : f32 to vector<500x8xf32>
    %reduce_max3A = arith.constant dense<0xFF800000> : vector<500xf32>
    %reduce_max3A_52 = vector.multi_reduction <maximumf>, %add3A_48, %reduce_max3A [1] : vector<500x500xf32> to vector<500xf32>
    %broadcast_in_dim3A_53 = vector.shape_cast %reduce_max3A_52 : vector<500xf32> to vector<500x1xf32>
    %ge3A = vector.broadcast %broadcast_in_dim3A_53 : vector<500x1xf32> to vector<500x500xf32>
    %ge3A_54 = arith.cmpf oge, %add3A_48, %ge3A : vector<500x500xf32>
    %jit3A_55 = arith.constant 1.000000e+09 : f32
    %broadcast_in_dim3A_56 = vector.broadcast %jit3A_55 : f32 to vector<500x500xf32>
    %select_n3A_57 = arith.select %ge3A_54, %convert_element_type3A, %broadcast_in_dim3A_56 : vector<500x500xi1>, vector<500x500xf32>
    %reduce_min3A = arith.constant dense<0x7F800000> : vector<500xf32>
    %reduce_min3A_58 = vector.multi_reduction <minimumf>, %select_n3A_57, %reduce_min3A [1] : vector<500x500xf32> to vector<500xf32>
    %broadcast_in_dim3A_59 = vector.shape_cast %reduce_min3A_58 : vector<500xf32> to vector<500x1xf32>
    %eq3A = arith.constant 0 : i32
    %eq3A_60 = vector.broadcast %eq3A : i32 to vector<500x8xi32>
    %eq3A_61 = arith.cmpi eq, %iota3A_3, %eq3A_60 : vector<500x8xi32>
    %broadcast_in_dim3A_62 = vector.shape_cast %broadcast_in_dim3A_59 : vector<500x1xf32> to vector<500x1xf32>
    %broadcast_in_dim3A_63 = vector.broadcast %broadcast_in_dim3A_62 : vector<500x1xf32> to vector<500x8xf32>
    %select_n3A_64 = arith.select %eq3A_61, %broadcast_in_dim3A_63, %broadcast_in_dim3A_51 : vector<500x8xi1>, vector<500x8xf32>
    %eq3A_65 = vector.broadcast %broadcast_in_dim3A_59 : vector<500x1xf32> to vector<500x500xf32>
    %eq3A_66 = arith.cmpf oeq, %convert_element_type3A, %eq3A_65 : vector<500x500xf32>
    %jit3A_67 = arith.constant 0xFF800000 : f32
    %broadcast_in_dim3A_68 = vector.broadcast %jit3A_67 : f32 to vector<500x500xf32>
    %select_n3A_69 = arith.select %eq3A_66, %broadcast_in_dim3A_68, %add3A_48 : vector<500x500xi1>, vector<500x500xf32>
    %reduce_max3A_70 = arith.constant dense<0xFF800000> : vector<500xf32>
    %reduce_max3A_71 = vector.multi_reduction <maximumf>, %select_n3A_69, %reduce_max3A_70 [1] : vector<500x500xf32> to vector<500xf32>
    %broadcast_in_dim3A_72 = vector.shape_cast %reduce_max3A_71 : vector<500xf32> to vector<500x1xf32>
    %ge3A_73 = vector.broadcast %broadcast_in_dim3A_72 : vector<500x1xf32> to vector<500x500xf32>
    %ge3A_74 = arith.cmpf oge, %select_n3A_69, %ge3A_73 : vector<500x500xf32>
    %jit3A_75 = arith.constant 1.000000e+09 : f32
    %broadcast_in_dim3A_76 = vector.broadcast %jit3A_75 : f32 to vector<500x500xf32>
    %select_n3A_77 = arith.select %ge3A_74, %convert_element_type3A, %broadcast_in_dim3A_76 : vector<500x500xi1>, vector<500x500xf32>
    %reduce_min3A_78 = arith.constant dense<0x7F800000> : vector<500xf32>
    %reduce_min3A_79 = vector.multi_reduction <minimumf>, %select_n3A_77, %reduce_min3A_78 [1] : vector<500x500xf32> to vector<500xf32>
    %broadcast_in_dim3A_80 = vector.shape_cast %reduce_min3A_79 : vector<500xf32> to vector<500x1xf32>
    %eq3A_81 = arith.constant 1 : i32
    %eq3A_82 = vector.broadcast %eq3A_81 : i32 to vector<500x8xi32>
    %eq3A_83 = arith.cmpi eq, %iota3A_3, %eq3A_82 : vector<500x8xi32>
    %broadcast_in_dim3A_84 = vector.shape_cast %broadcast_in_dim3A_80 : vector<500x1xf32> to vector<500x1xf32>
    %broadcast_in_dim3A_85 = vector.broadcast %broadcast_in_dim3A_84 : vector<500x1xf32> to vector<500x8xf32>
    %select_n3A_86 = arith.select %eq3A_83, %broadcast_in_dim3A_85, %select_n3A_64 : vector<500x8xi1>, vector<500x8xf32>
    %eq3A_87 = vector.broadcast %broadcast_in_dim3A_59 : vector<500x1xf32> to vector<500x500xf32>
    %eq3A_88 = arith.cmpf oeq, %convert_element_type3A, %eq3A_87 : vector<500x500xf32>
    %jit3A_89 = arith.constant 0xFF800000 : f32
    %broadcast_in_dim3A_90 = vector.broadcast %jit3A_89 : f32 to vector<500x500xf32>
    %select_n3A_91 = arith.select %eq3A_88, %broadcast_in_dim3A_90, %add3A_48 : vector<500x500xi1>, vector<500x500xf32>
    %eq3A_92 = vector.broadcast %broadcast_in_dim3A_80 : vector<500x1xf32> to vector<500x500xf32>
    %eq3A_93 = arith.cmpf oeq, %convert_element_type3A, %eq3A_92 : vector<500x500xf32>
    %jit3A_94 = arith.constant 0xFF800000 : f32
    %broadcast_in_dim3A_95 = vector.broadcast %jit3A_94 : f32 to vector<500x500xf32>
    %select_n3A_96 = arith.select %eq3A_93, %broadcast_in_dim3A_95, %select_n3A_91 : vector<500x500xi1>, vector<500x500xf32>
    %reduce_max3A_97 = arith.constant dense<0xFF800000> : vector<500xf32>
    %reduce_max3A_98 = vector.multi_reduction <maximumf>, %select_n3A_96, %reduce_max3A_97 [1] : vector<500x500xf32> to vector<500xf32>
    %broadcast_in_dim3A_99 = vector.shape_cast %reduce_max3A_98 : vector<500xf32> to vector<500x1xf32>
    %ge3A_100 = vector.broadcast %broadcast_in_dim3A_99 : vector<500x1xf32> to vector<500x500xf32>
    %ge3A_101 = arith.cmpf oge, %select_n3A_96, %ge3A_100 : vector<500x500xf32>
    %jit3A_102 = arith.constant 1.000000e+09 : f32
    %broadcast_in_dim3A_103 = vector.broadcast %jit3A_102 : f32 to vector<500x500xf32>
    %select_n3A_104 = arith.select %ge3A_101, %convert_element_type3A, %broadcast_in_dim3A_103 : vector<500x500xi1>, vector<500x500xf32>
    %reduce_min3A_105 = arith.constant dense<0x7F800000> : vector<500xf32>
    %reduce_min3A_106 = vector.multi_reduction <minimumf>, %select_n3A_104, %reduce_min3A_105 [1] : vector<500x500xf32> to vector<500xf32>
    %broadcast_in_dim3A_107 = vector.shape_cast %reduce_min3A_106 : vector<500xf32> to vector<500x1xf32>
    %eq3A_108 = arith.constant 2 : i32
    %eq3A_109 = vector.broadcast %eq3A_108 : i32 to vector<500x8xi32>
    %eq3A_110 = arith.cmpi eq, %iota3A_3, %eq3A_109 : vector<500x8xi32>
    %broadcast_in_dim3A_111 = vector.shape_cast %broadcast_in_dim3A_107 : vector<500x1xf32> to vector<500x1xf32>
    %broadcast_in_dim3A_112 = vector.broadcast %broadcast_in_dim3A_111 : vector<500x1xf32> to vector<500x8xf32>
    %select_n3A_113 = arith.select %eq3A_110, %broadcast_in_dim3A_112, %select_n3A_86 : vector<500x8xi1>, vector<500x8xf32>
    %eq3A_114 = vector.broadcast %broadcast_in_dim3A_59 : vector<500x1xf32> to vector<500x500xf32>
    %eq3A_115 = arith.cmpf oeq, %convert_element_type3A, %eq3A_114 : vector<500x500xf32>
    %jit3A_116 = arith.constant 0xFF800000 : f32
    %broadcast_in_dim3A_117 = vector.broadcast %jit3A_116 : f32 to vector<500x500xf32>
    %select_n3A_118 = arith.select %eq3A_115, %broadcast_in_dim3A_117, %add3A_48 : vector<500x500xi1>, vector<500x500xf32>
    %eq3A_119 = vector.broadcast %broadcast_in_dim3A_80 : vector<500x1xf32> to vector<500x500xf32>
    %eq3A_120 = arith.cmpf oeq, %convert_element_type3A, %eq3A_119 : vector<500x500xf32>
    %jit3A_121 = arith.constant 0xFF800000 : f32
    %broadcast_in_dim3A_122 = vector.broadcast %jit3A_121 : f32 to vector<500x500xf32>
    %select_n3A_123 = arith.select %eq3A_120, %broadcast_in_dim3A_122, %select_n3A_118 : vector<500x500xi1>, vector<500x500xf32>
    %eq3A_124 = vector.broadcast %broadcast_in_dim3A_107 : vector<500x1xf32> to vector<500x500xf32>
    %eq3A_125 = arith.cmpf oeq, %convert_element_type3A, %eq3A_124 : vector<500x500xf32>
    %jit3A_126 = arith.constant 0xFF800000 : f32
    %broadcast_in_dim3A_127 = vector.broadcast %jit3A_126 : f32 to vector<500x500xf32>
    %select_n3A_128 = arith.select %eq3A_125, %broadcast_in_dim3A_127, %select_n3A_123 : vector<500x500xi1>, vector<500x500xf32>
    %reduce_max3A_129 = arith.constant dense<0xFF800000> : vector<500xf32>
    %reduce_max3A_130 = vector.multi_reduction <maximumf>, %select_n3A_128, %reduce_max3A_129 [1] : vector<500x500xf32> to vector<500xf32>
    %broadcast_in_dim3A_131 = vector.shape_cast %reduce_max3A_130 : vector<500xf32> to vector<500x1xf32>
    %ge3A_132 = vector.broadcast %broadcast_in_dim3A_131 : vector<500x1xf32> to vector<500x500xf32>
    %ge3A_133 = arith.cmpf oge, %select_n3A_128, %ge3A_132 : vector<500x500xf32>
    %jit3A_134 = arith.constant 1.000000e+09 : f32
    %broadcast_in_dim3A_135 = vector.broadcast %jit3A_134 : f32 to vector<500x500xf32>
    %select_n3A_136 = arith.select %ge3A_133, %convert_element_type3A, %broadcast_in_dim3A_135 : vector<500x500xi1>, vector<500x500xf32>
    %reduce_min3A_137 = arith.constant dense<0x7F800000> : vector<500xf32>
    %reduce_min3A_138 = vector.multi_reduction <minimumf>, %select_n3A_136, %reduce_min3A_137 [1] : vector<500x500xf32> to vector<500xf32>
    %broadcast_in_dim3A_139 = vector.shape_cast %reduce_min3A_138 : vector<500xf32> to vector<500x1xf32>
    %eq3A_140 = arith.constant 3 : i32
    %eq3A_141 = vector.broadcast %eq3A_140 : i32 to vector<500x8xi32>
    %eq3A_142 = arith.cmpi eq, %iota3A_3, %eq3A_141 : vector<500x8xi32>
    %broadcast_in_dim3A_143 = vector.shape_cast %broadcast_in_dim3A_139 : vector<500x1xf32> to vector<500x1xf32>
    %broadcast_in_dim3A_144 = vector.broadcast %broadcast_in_dim3A_143 : vector<500x1xf32> to vector<500x8xf32>
    %select_n3A_145 = arith.select %eq3A_142, %broadcast_in_dim3A_144, %select_n3A_113 : vector<500x8xi1>, vector<500x8xf32>
    %eq3A_146 = vector.broadcast %broadcast_in_dim3A_59 : vector<500x1xf32> to vector<500x500xf32>
    %eq3A_147 = arith.cmpf oeq, %convert_element_type3A, %eq3A_146 : vector<500x500xf32>
    %jit3A_148 = arith.constant 0xFF800000 : f32
    %broadcast_in_dim3A_149 = vector.broadcast %jit3A_148 : f32 to vector<500x500xf32>
    %select_n3A_150 = arith.select %eq3A_147, %broadcast_in_dim3A_149, %add3A_48 : vector<500x500xi1>, vector<500x500xf32>
    %eq3A_151 = vector.broadcast %broadcast_in_dim3A_80 : vector<500x1xf32> to vector<500x500xf32>
    %eq3A_152 = arith.cmpf oeq, %convert_element_type3A, %eq3A_151 : vector<500x500xf32>
    %jit3A_153 = arith.constant 0xFF800000 : f32
    %broadcast_in_dim3A_154 = vector.broadcast %jit3A_153 : f32 to vector<500x500xf32>
    %select_n3A_155 = arith.select %eq3A_152, %broadcast_in_dim3A_154, %select_n3A_150 : vector<500x500xi1>, vector<500x500xf32>
    %eq3A_156 = vector.broadcast %broadcast_in_dim3A_107 : vector<500x1xf32> to vector<500x500xf32>
    %eq3A_157 = arith.cmpf oeq, %convert_element_type3A, %eq3A_156 : vector<500x500xf32>
    %jit3A_158 = arith.constant 0xFF800000 : f32
    %broadcast_in_dim3A_159 = vector.broadcast %jit3A_158 : f32 to vector<500x500xf32>
    %select_n3A_160 = arith.select %eq3A_157, %broadcast_in_dim3A_159, %select_n3A_155 : vector<500x500xi1>, vector<500x500xf32>
    %eq3A_161 = vector.broadcast %broadcast_in_dim3A_139 : vector<500x1xf32> to vector<500x500xf32>
    %eq3A_162 = arith.cmpf oeq, %convert_element_type3A, %eq3A_161 : vector<500x500xf32>
    %jit3A_163 = arith.constant 0xFF800000 : f32
    %broadcast_in_dim3A_164 = vector.broadcast %jit3A_163 : f32 to vector<500x500xf32>
    %select_n3A_165 = arith.select %eq3A_162, %broadcast_in_dim3A_164, %select_n3A_160 : vector<500x500xi1>, vector<500x500xf32>
    %reduce_max3A_166 = arith.constant dense<0xFF800000> : vector<500xf32>
    %reduce_max3A_167 = vector.multi_reduction <maximumf>, %select_n3A_165, %reduce_max3A_166 [1] : vector<500x500xf32> to vector<500xf32>
    %broadcast_in_dim3A_168 = vector.shape_cast %reduce_max3A_167 : vector<500xf32> to vector<500x1xf32>
    %ge3A_169 = vector.broadcast %broadcast_in_dim3A_168 : vector<500x1xf32> to vector<500x500xf32>
    %ge3A_170 = arith.cmpf oge, %select_n3A_165, %ge3A_169 : vector<500x500xf32>
    %jit3A_171 = arith.constant 1.000000e+09 : f32
    %broadcast_in_dim3A_172 = vector.broadcast %jit3A_171 : f32 to vector<500x500xf32>
    %select_n3A_173 = arith.select %ge3A_170, %convert_element_type3A, %broadcast_in_dim3A_172 : vector<500x500xi1>, vector<500x500xf32>
    %reduce_min3A_174 = arith.constant dense<0x7F800000> : vector<500xf32>
    %reduce_min3A_175 = vector.multi_reduction <minimumf>, %select_n3A_173, %reduce_min3A_174 [1] : vector<500x500xf32> to vector<500xf32>
    %broadcast_in_dim3A_176 = vector.shape_cast %reduce_min3A_175 : vector<500xf32> to vector<500x1xf32>
    %eq3A_177 = arith.constant 4 : i32
    %eq3A_178 = vector.broadcast %eq3A_177 : i32 to vector<500x8xi32>
    %eq3A_179 = arith.cmpi eq, %iota3A_3, %eq3A_178 : vector<500x8xi32>
    %broadcast_in_dim3A_180 = vector.shape_cast %broadcast_in_dim3A_176 : vector<500x1xf32> to vector<500x1xf32>
    %broadcast_in_dim3A_181 = vector.broadcast %broadcast_in_dim3A_180 : vector<500x1xf32> to vector<500x8xf32>
    %select_n3A_182 = arith.select %eq3A_179, %broadcast_in_dim3A_181, %select_n3A_145 : vector<500x8xi1>, vector<500x8xf32>
    %convert_element_type3A_183 = arith.fptosi %select_n3A_182 : vector<500x8xf32> to vector<500x8xi32>
    %swap3A = arith.constant 0 : index
    %swap3A_184 = arith.constant 0 : index
    %swap3A_185 = arith.constant 0 : index
    %swap3A_186 = arith.constant 0 : index
    %swap3A_187 = vector.load %arg8[%swap3A, %swap3A_184, %swap3A_185, %swap3A_186] : memref<1x8x500x8xi32, #tpu.memory_space<vmem>>, vector<1x1x500x8xi32>
    %swap3A_188 = vector.shape_cast %swap3A_187 : vector<1x1x500x8xi32> to vector<500x8xi32>
    %swap3A_189 = vector.shape_cast %convert_element_type3A_183 : vector<500x8xi32> to vector<1x1x500x8xi32>
    tpu.vector_store %arg8[%swap3A, %swap3A_184, %swap3A_185, %swap3A_186], %swap3A_189 {strides = array<i32>} : memref<1x8x500x8xi32, #tpu.memory_space<vmem>>, vector<1x1x500x8xi32>,
    %get3A_190 = arith.constant 0 : index
    %get3A_191 = arith.constant 1 : index
    %get3A_192 = arith.constant 0 : index
    %get3A_193 = arith.constant 0 : index
    %get3A_194 = vector.load %arg2[%get3A_190, %get3A_191, %get3A_192, %get3A_193] : memref<1x8x500x24xf32, #tpu.memory_space<vmem>>, vector<1x1x500x24xf32>
    %get3A_195 = vector.shape_cast %get3A_194 : vector<1x1x500x24xf32> to vector<500x24xf32>
    %dot_general3A_196 = arith.constant dense<0.000000e+00> : vector<500x10xf32>
    %dot_general3A_197 = tpu.matmul %get3A_195, %get3A_21, %dot_general3A_196 {dimension_numbers = #tpu.dot_dimension_numbers<[1], [1], [0], [0], [0, 0, 1, 0], [], []>, transpose_lhs_hint = false} : vector<500x24xf32>, vector<10x24xf32>, vector<500x10xf32> -> vector<500x10xf32>
    %broadcast_in_dim3A_198 = vector.shape_cast %get3A_18 : vector<10xf32> to vector<1x10xf32>
    %add3A_199 = vector.broadcast %broadcast_in_dim3A_198 : vector<1x10xf32> to vector<500x10xf32>
    %add3A_200 = arith.addf %dot_general3A_197, %add3A_199 : vector<500x10xf32>
    %dot_general3A_201 = arith.constant dense<0.000000e+00> : vector<500x500xf32>
    %dot_general3A_202 = tpu.matmul %add3A_200, %add3A_200, %dot_general3A_201 {dimension_numbers = #tpu.dot_dimension_numbers<[1], [1], [0], [0], [0, 0, 1, 0], [], []>, transpose_lhs_hint = false} : vector<500x10xf32>, vector<500x10xf32>, vector<500x500xf32> -> vector<500x500xf32>
    %add3A_203 = arith.addf %dot_general3A_202, %mul3A_14 : vector<500x500xf32>
    %mul3A_204 = arith.constant 0.316227764 : f32
    %mul3A_205 = vector.broadcast %mul3A_204 : f32 to vector<500x500xf32>
    %mul3A_206 = arith.mulf %add3A_203, %mul3A_205 : vector<500x500xf32>
    %logistic3A_207 = arith.negf %mul3A_206 : vector<500x500xf32>
    %logistic3A_208 = math.exp %logistic3A_207 : vector<500x500xf32>
    %logistic3A_209 = arith.constant 1.000000e+00 : f32
    %logistic3A_210 = vector.broadcast %logistic3A_209 : f32 to vector<500x500xf32>
    %logistic3A_211 = arith.addf %logistic3A_210, %logistic3A_208 : vector<500x500xf32>
    %logistic3A_212 = arith.divf %logistic3A_210, %logistic3A_211 : vector<500x500xf32>
    %mul3A_213 = arith.constant 2.000000e-03 : f32
    %mul3A_214 = vector.broadcast %mul3A_213 : f32 to vector<500x500xf32>
    %mul3A_215 = arith.mulf %mul3A_214, %logistic3A_212 : vector<500x500xf32>
    %add3A_216 = arith.addf %get3A_1, %mul3A_215 : vector<500x500xf32>
    %add3A_217 = arith.addf %add3A_49, %add3A_216 : vector<500x500xf32>
    %broadcast_in_dim3A_218 = arith.constant 0.000000e+00 : f32
    %broadcast_in_dim3A_219 = vector.broadcast %broadcast_in_dim3A_218 : f32 to vector<500x8xf32>
    %reduce_max3A_220 = arith.constant dense<0xFF800000> : vector<500xf32>
    %reduce_max3A_221 = vector.multi_reduction <maximumf>, %add3A_216, %reduce_max3A_220 [1] : vector<500x500xf32> to vector<500xf32>
    %broadcast_in_dim3A_222 = vector.shape_cast %reduce_max3A_221 : vector<500xf32> to vector<500x1xf32>
    %ge3A_223 = vector.broadcast %broadcast_in_dim3A_222 : vector<500x1xf32> to vector<500x500xf32>
    %ge3A_224 = arith.cmpf oge, %add3A_216, %ge3A_223 : vector<500x500xf32>
    %jit3A_225 = arith.constant 1.000000e+09 : f32
    %broadcast_in_dim3A_226 = vector.broadcast %jit3A_225 : f32 to vector<500x500xf32>
    %select_n3A_227 = arith.select %ge3A_224, %convert_element_type3A, %broadcast_in_dim3A_226 : vector<500x500xi1>, vector<500x500xf32>
    %reduce_min3A_228 = arith.constant dense<0x7F800000> : vector<500xf32>
    %reduce_min3A_229 = vector.multi_reduction <minimumf>, %select_n3A_227, %reduce_min3A_228 [1] : vector<500x500xf32> to vector<500xf32>
    %broadcast_in_dim3A_230 = vector.shape_cast %reduce_min3A_229 : vector<500xf32> to vector<500x1xf32>
    %eq3A_231 = arith.constant 0 : i32
    %eq3A_232 = vector.broadcast %eq3A_231 : i32 to vector<500x8xi32>
    %eq3A_233 = arith.cmpi eq, %iota3A_3, %eq3A_232 : vector<500x8xi32>
    %broadcast_in_dim3A_234 = vector.shape_cast %broadcast_in_dim3A_230 : vector<500x1xf32> to vector<500x1xf32>
    %broadcast_in_dim3A_235 = vector.broadcast %broadcast_in_dim3A_234 : vector<500x1xf32> to vector<500x8xf32>
    %select_n3A_236 = arith.select %eq3A_233, %broadcast_in_dim3A_235, %broadcast_in_dim3A_219 : vector<500x8xi1>, vector<500x8xf32>
    %eq3A_237 = vector.broadcast %broadcast_in_dim3A_230 : vector<500x1xf32> to vector<500x500xf32>
    %eq3A_238 = arith.cmpf oeq, %convert_element_type3A, %eq3A_237 : vector<500x500xf32>
    %jit3A_239 = arith.constant 0xFF800000 : f32
    %broadcast_in_dim3A_240 = vector.broadcast %jit3A_239 : f32 to vector<500x500xf32>
    %select_n3A_241 = arith.select %eq3A_238, %broadcast_in_dim3A_240, %add3A_216 : vector<500x500xi1>, vector<500x500xf32>
    %reduce_max3A_242 = arith.constant dense<0xFF800000> : vector<500xf32>
    %reduce_max3A_243 = vector.multi_reduction <maximumf>, %select_n3A_241, %reduce_max3A_242 [1] : vector<500x500xf32> to vector<500xf32>
    %broadcast_in_dim3A_244 = vector.shape_cast %reduce_max3A_243 : vector<500xf32> to vector<500x1xf32>
    %ge3A_245 = vector.broadcast %broadcast_in_dim3A_244 : vector<500x1xf32> to vector<500x500xf32>
    %ge3A_246 = arith.cmpf oge, %select_n3A_241, %ge3A_245 : vector<500x500xf32>
    %jit3A_247 = arith.constant 1.000000e+09 : f32
    %broadcast_in_dim3A_248 = vector.broadcast %jit3A_247 : f32 to vector<500x500xf32>
    %select_n3A_249 = arith.select %ge3A_246, %convert_element_type3A, %broadcast_in_dim3A_248 : vector<500x500xi1>, vector<500x500xf32>
    %reduce_min3A_250 = arith.constant dense<0x7F800000> : vector<500xf32>
    %reduce_min3A_251 = vector.multi_reduction <minimumf>, %select_n3A_249, %reduce_min3A_250 [1] : vector<500x500xf32> to vector<500xf32>
    %broadcast_in_dim3A_252 = vector.shape_cast %reduce_min3A_251 : vector<500xf32> to vector<500x1xf32>
    %eq3A_253 = arith.constant 1 : i32
    %eq3A_254 = vector.broadcast %eq3A_253 : i32 to vector<500x8xi32>
    %eq3A_255 = arith.cmpi eq, %iota3A_3, %eq3A_254 : vector<500x8xi32>
    %broadcast_in_dim3A_256 = vector.shape_cast %broadcast_in_dim3A_252 : vector<500x1xf32> to vector<500x1xf32>
    %broadcast_in_dim3A_257 = vector.broadcast %broadcast_in_dim3A_256 : vector<500x1xf32> to vector<500x8xf32>
    %select_n3A_258 = arith.select %eq3A_255, %broadcast_in_dim3A_257, %select_n3A_236 : vector<500x8xi1>, vector<500x8xf32>
    %eq3A_259 = vector.broadcast %broadcast_in_dim3A_230 : vector<500x1xf32> to vector<500x500xf32>
    %eq3A_260 = arith.cmpf oeq, %convert_element_type3A, %eq3A_259 : vector<500x500xf32>
    %jit3A_261 = arith.constant 0xFF800000 : f32
    %broadcast_in_dim3A_262 = vector.broadcast %jit3A_261 : f32 to vector<500x500xf32>
    %select_n3A_263 = arith.select %eq3A_260, %broadcast_in_dim3A_262, %add3A_216 : vector<500x500xi1>, vector<500x500xf32>
    %eq3A_264 = vector.broadcast %broadcast_in_dim3A_252 : vector<500x1xf32> to vector<500x500xf32>
    %eq3A_265 = arith.cmpf oeq, %convert_element_type3A, %eq3A_264 : vector<500x500xf32>
    %jit3A_266 = arith.constant 0xFF800000 : f32
    %broadcast_in_dim3A_267 = vector.broadcast %jit3A_266 : f32 to vector<500x500xf32>
    %select_n3A_268 = arith.select %eq3A_265, %broadcast_in_dim3A_267, %select_n3A_263 : vector<500x500xi1>, vector<500x500xf32>
    %reduce_max3A_269 = arith.constant dense<0xFF800000> : vector<500xf32>
    %reduce_max3A_270 = vector.multi_reduction <maximumf>, %select_n3A_268, %reduce_max3A_269 [1] : vector<500x500xf32> to vector<500xf32>
    %broadcast_in_dim3A_271 = vector.shape_cast %reduce_max3A_270 : vector<500xf32> to vector<500x1xf32>
    %ge3A_272 = vector.broadcast %broadcast_in_dim3A_271 : vector<500x1xf32> to vector<500x500xf32>
    %ge3A_273 = arith.cmpf oge, %select_n3A_268, %ge3A_272 : vector<500x500xf32>
    %jit3A_274 = arith.constant 1.000000e+09 : f32
    %broadcast_in_dim3A_275 = vector.broadcast %jit3A_274 : f32 to vector<500x500xf32>
    %select_n3A_276 = arith.select %ge3A_273, %convert_element_type3A, %broadcast_in_dim3A_275 : vector<500x500xi1>, vector<500x500xf32>
    %reduce_min3A_277 = arith.constant dense<0x7F800000> : vector<500xf32>
    %reduce_min3A_278 = vector.multi_reduction <minimumf>, %select_n3A_276, %reduce_min3A_277 [1] : vector<500x500xf32> to vector<500xf32>
    %broadcast_in_dim3A_279 = vector.shape_cast %reduce_min3A_278 : vector<500xf32> to vector<500x1xf32>
    %eq3A_280 = arith.constant 2 : i32
    %eq3A_281 = vector.broadcast %eq3A_280 : i32 to vector<500x8xi32>
    %eq3A_282 = arith.cmpi eq, %iota3A_3, %eq3A_281 : vector<500x8xi32>
    %broadcast_in_dim3A_283 = vector.shape_cast %broadcast_in_dim3A_279 : vector<500x1xf32> to vector<500x1xf32>
    %broadcast_in_dim3A_284 = vector.broadcast %broadcast_in_dim3A_283 : vector<500x1xf32> to vector<500x8xf32>
    %select_n3A_285 = arith.select %eq3A_282, %broadcast_in_dim3A_284, %select_n3A_258 : vector<500x8xi1>, vector<500x8xf32>
    %eq3A_286 = vector.broadcast %broadcast_in_dim3A_230 : vector<500x1xf32> to vector<500x500xf32>
    %eq3A_287 = arith.cmpf oeq, %convert_element_type3A, %eq3A_286 : vector<500x500xf32>
    %jit3A_288 = arith.constant 0xFF800000 : f32
    %broadcast_in_dim3A_289 = vector.broadcast %jit3A_288 : f32 to vector<500x500xf32>
    %select_n3A_290 = arith.select %eq3A_287, %broadcast_in_dim3A_289, %add3A_216 : vector<500x500xi1>, vector<500x500xf32>
    %eq3A_291 = vector.broadcast %broadcast_in_dim3A_252 : vector<500x1xf32> to vector<500x500xf32>
    %eq3A_292 = arith.cmpf oeq, %convert_element_type3A, %eq3A_291 : vector<500x500xf32>
    %jit3A_293 = arith.constant 0xFF800000 : f32
    %broadcast_in_dim3A_294 = vector.broadcast %jit3A_293 : f32 to vector<500x500xf32>
    %select_n3A_295 = arith.select %eq3A_292, %broadcast_in_dim3A_294, %select_n3A_290 : vector<500x500xi1>, vector<500x500xf32>
    %eq3A_296 = vector.broadcast %broadcast_in_dim3A_279 : vector<500x1xf32> to vector<500x500xf32>
    %eq3A_297 = arith.cmpf oeq, %convert_element_type3A, %eq3A_296 : vector<500x500xf32>
    %jit3A_298 = arith.constant 0xFF800000 : f32
    %broadcast_in_dim3A_299 = vector.broadcast %jit3A_298 : f32 to vector<500x500xf32>
    %select_n3A_300 = arith.select %eq3A_297, %broadcast_in_dim3A_299, %select_n3A_295 : vector<500x500xi1>, vector<500x500xf32>
    %reduce_max3A_301 = arith.constant dense<0xFF800000> : vector<500xf32>
    %reduce_max3A_302 = vector.multi_reduction <maximumf>, %select_n3A_300, %reduce_max3A_301 [1] : vector<500x500xf32> to vector<500xf32>
    %broadcast_in_dim3A_303 = vector.shape_cast %reduce_max3A_302 : vector<500xf32> to vector<500x1xf32>
    %ge3A_304 = vector.broadcast %broadcast_in_dim3A_303 : vector<500x1xf32> to vector<500x500xf32>
    %ge3A_305 = arith.cmpf oge, %select_n3A_300, %ge3A_304 : vector<500x500xf32>
    %jit3A_306 = arith.constant 1.000000e+09 : f32
    %broadcast_in_dim3A_307 = vector.broadcast %jit3A_306 : f32 to vector<500x500xf32>
    %select_n3A_308 = arith.select %ge3A_305, %convert_element_type3A, %broadcast_in_dim3A_307 : vector<500x500xi1>, vector<500x500xf32>
    %reduce_min3A_309 = arith.constant dense<0x7F800000> : vector<500xf32>
    %reduce_min3A_310 = vector.multi_reduction <minimumf>, %select_n3A_308, %reduce_min3A_309 [1] : vector<500x500xf32> to vector<500xf32>
    %broadcast_in_dim3A_311 = vector.shape_cast %reduce_min3A_310 : vector<500xf32> to vector<500x1xf32>
    %eq3A_312 = arith.constant 3 : i32
    %eq3A_313 = vector.broadcast %eq3A_312 : i32 to vector<500x8xi32>
    %eq3A_314 = arith.cmpi eq, %iota3A_3, %eq3A_313 : vector<500x8xi32>
    %broadcast_in_dim3A_315 = vector.shape_cast %broadcast_in_dim3A_311 : vector<500x1xf32> to vector<500x1xf32>
    %broadcast_in_dim3A_316 = vector.broadcast %broadcast_in_dim3A_315 : vector<500x1xf32> to vector<500x8xf32>
    %select_n3A_317 = arith.select %eq3A_314, %broadcast_in_dim3A_316, %select_n3A_285 : vector<500x8xi1>, vector<500x8xf32>
    %eq3A_318 = vector.broadcast %broadcast_in_dim3A_230 : vector<500x1xf32> to vector<500x500xf32>
    %eq3A_319 = arith.cmpf oeq, %convert_element_type3A, %eq3A_318 : vector<500x500xf32>
    %jit3A_320 = arith.constant 0xFF800000 : f32
    %broadcast_in_dim3A_321 = vector.broadcast %jit3A_320 : f32 to vector<500x500xf32>
    %select_n3A_322 = arith.select %eq3A_319, %broadcast_in_dim3A_321, %add3A_216 : vector<500x500xi1>, vector<500x500xf32>
    %eq3A_323 = vector.broadcast %broadcast_in_dim3A_252 : vector<500x1xf32> to vector<500x500xf32>
    %eq3A_324 = arith.cmpf oeq, %convert_element_type3A, %eq3A_323 : vector<500x500xf32>
    %jit3A_325 = arith.constant 0xFF800000 : f32
    %broadcast_in_dim3A_326 = vector.broadcast %jit3A_325 : f32 to vector<500x500xf32>
    %select_n3A_327 = arith.select %eq3A_324, %broadcast_in_dim3A_326, %select_n3A_322 : vector<500x500xi1>, vector<500x500xf32>
    %eq3A_328 = vector.broadcast %broadcast_in_dim3A_279 : vector<500x1xf32> to vector<500x500xf32>
    %eq3A_329 = arith.cmpf oeq, %convert_element_type3A, %eq3A_328 : vector<500x500xf32>
    %jit3A_330 = arith.constant 0xFF800000 : f32
    %broadcast_in_dim3A_331 = vector.broadcast %jit3A_330 : f32 to vector<500x500xf32>
    %select_n3A_332 = arith.select %eq3A_329, %broadcast_in_dim3A_331, %select_n3A_327 : vector<500x500xi1>, vector<500x500xf32>
    %eq3A_333 = vector.broadcast %broadcast_in_dim3A_311 : vector<500x1xf32> to vector<500x500xf32>
    %eq3A_334 = arith.cmpf oeq, %convert_element_type3A, %eq3A_333 : vector<500x500xf32>
    %jit3A_335 = arith.constant 0xFF800000 : f32
    %broadcast_in_dim3A_336 = vector.broadcast %jit3A_335 : f32 to vector<500x500xf32>
    %select_n3A_337 = arith.select %eq3A_334, %broadcast_in_dim3A_336, %select_n3A_332 : vector<500x500xi1>, vector<500x500xf32>
    %reduce_max3A_338 = arith.constant dense<0xFF800000> : vector<500xf32>
    %reduce_max3A_339 = vector.multi_reduction <maximumf>, %select_n3A_337, %reduce_max3A_338 [1] : vector<500x500xf32> to vector<500xf32>
    %broadcast_in_dim3A_340 = vector.shape_cast %reduce_max3A_339 : vector<500xf32> to vector<500x1xf32>
    %ge3A_341 = vector.broadcast %broadcast_in_dim3A_340 : vector<500x1xf32> to vector<500x500xf32>
    %ge3A_342 = arith.cmpf oge, %select_n3A_337, %ge3A_341 : vector<500x500xf32>
    %jit3A_343 = arith.constant 1.000000e+09 : f32
    %broadcast_in_dim3A_344 = vector.broadcast %jit3A_343 : f32 to vector<500x500xf32>
    %select_n3A_345 = arith.select %ge3A_342, %convert_element_type3A, %broadcast_in_dim3A_344 : vector<500x500xi1>, vector<500x500xf32>
    %reduce_min3A_346 = arith.constant dense<0x7F800000> : vector<500xf32>
    %reduce_min3A_347 = vector.multi_reduction <minimumf>, %select_n3A_345, %reduce_min3A_346 [1] : vector<500x500xf32> to vector<500xf32>
    %broadcast_in_dim3A_348 = vector.shape_cast %reduce_min3A_347 : vector<500xf32> to vector<500x1xf32>
    %eq3A_349 = arith.constant 4 : i32
    %eq3A_350 = vector.broadcast %eq3A_349 : i32 to vector<500x8xi32>
    %eq3A_351 = arith.cmpi eq, %iota3A_3, %eq3A_350 : vector<500x8xi32>
    %broadcast_in_dim3A_352 = vector.shape_cast %broadcast_in_dim3A_348 : vector<500x1xf32> to vector<500x1xf32>
    %broadcast_in_dim3A_353 = vector.broadcast %broadcast_in_dim3A_352 : vector<500x1xf32> to vector<500x8xf32>
    %select_n3A_354 = arith.select %eq3A_351, %broadcast_in_dim3A_353, %select_n3A_317 : vector<500x8xi1>, vector<500x8xf32>
    %convert_element_type3A_355 = arith.fptosi %select_n3A_354 : vector<500x8xf32> to vector<500x8xi32>
    %swap3A_356 = arith.constant 0 : index
    %swap3A_357 = arith.constant 1 : index
    %swap3A_358 = arith.constant 0 : index
    %swap3A_359 = arith.constant 0 : index
    %swap3A_360 = vector.load %arg8[%swap3A_356, %swap3A_357, %swap3A_358, %swap3A_359] : memref<1x8x500x8xi32, #tpu.memory_space<vmem>>, vector<1x1x500x8xi32>
    %swap3A_361 = vector.shape_cast %swap3A_360 : vector<1x1x500x8xi32> to vector<500x8xi32>
    %swap3A_362 = vector.shape_cast %convert_element_type3A_355 : vector<500x8xi32> to vector<1x1x500x8xi32>
    tpu.vector_store %arg8[%swap3A_356, %swap3A_357, %swap3A_358, %swap3A_359], %swap3A_362 {strides = array<i32>} : memref<1x8x500x8xi32, #tpu.memory_space<vmem>>, vector<1x1x500x8xi32>,
    %get3A_363 = arith.constant 0 : index
    %get3A_364 = arith.constant 2 : index
    %get3A_365 = arith.constant 0 : index
    %get3A_366 = arith.constant 0 : index
    %get3A_367 = vector.load %arg2[%get3A_363, %get3A_364, %get3A_365, %get3A_366] : memref<1x8x500x24xf32, #tpu.memory_space<vmem>>, vector<1x1x500x24xf32>
    %get3A_368 = vector.shape_cast %get3A_367 : vector<1x1x500x24xf32> to vector<500x24xf32>
    %dot_general3A_369 = arith.constant dense<0.000000e+00> : vector<500x10xf32>
    %dot_general3A_370 = tpu.matmul %get3A_368, %get3A_21, %dot_general3A_369 {dimension_numbers = #tpu.dot_dimension_numbers<[1], [1], [0], [0], [0, 0, 1, 0], [], []>, transpose_lhs_hint = false} : vector<500x24xf32>, vector<10x24xf32>, vector<500x10xf32> -> vector<500x10xf32>
    %broadcast_in_dim3A_371 = vector.shape_cast %get3A_18 : vector<10xf32> to vector<1x10xf32>
    %add3A_372 = vector.broadcast %broadcast_in_dim3A_371 : vector<1x10xf32> to vector<500x10xf32>
    %add3A_373 = arith.addf %dot_general3A_370, %add3A_372 : vector<500x10xf32>
    %dot_general3A_374 = arith.constant dense<0.000000e+00> : vector<500x500xf32>
    %dot_general3A_375 = tpu.matmul %add3A_373, %add3A_373, %dot_general3A_374 {dimension_numbers = #tpu.dot_dimension_numbers<[1], [1], [0], [0], [0, 0, 1, 0], [], []>, transpose_lhs_hint = false} : vector<500x10xf32>, vector<500x10xf32>, vector<500x500xf32> -> vector<500x500xf32>
    %add3A_376 = arith.addf %dot_general3A_375, %mul3A_14 : vector<500x500xf32>
    %mul3A_377 = arith.constant 0.316227764 : f32
    %mul3A_378 = vector.broadcast %mul3A_377 : f32 to vector<500x500xf32>
    %mul3A_379 = arith.mulf %add3A_376, %mul3A_378 : vector<500x500xf32>
    %logistic3A_380 = arith.negf %mul3A_379 : vector<500x500xf32>
    %logistic3A_381 = math.exp %logistic3A_380 : vector<500x500xf32>
    %logistic3A_382 = arith.constant 1.000000e+00 : f32
    %logistic3A_383 = vector.broadcast %logistic3A_382 : f32 to vector<500x500xf32>
    %logistic3A_384 = arith.addf %logistic3A_383, %logistic3A_381 : vector<500x500xf32>
    %logistic3A_385 = arith.divf %logistic3A_383, %logistic3A_384 : vector<500x500xf32>
    %mul3A_386 = arith.constant 2.000000e-03 : f32
    %mul3A_387 = vector.broadcast %mul3A_386 : f32 to vector<500x500xf32>
    %mul3A_388 = arith.mulf %mul3A_387, %logistic3A_385 : vector<500x500xf32>
    %add3A_389 = arith.addf %get3A_1, %mul3A_388 : vector<500x500xf32>
    %add3A_390 = arith.addf %add3A_217, %add3A_389 : vector<500x500xf32>
    %broadcast_in_dim3A_391 = arith.constant 0.000000e+00 : f32
    %broadcast_in_dim3A_392 = vector.broadcast %broadcast_in_dim3A_391 : f32 to vector<500x8xf32>
    %reduce_max3A_393 = arith.constant dense<0xFF800000> : vector<500xf32>
    %reduce_max3A_394 = vector.multi_reduction <maximumf>, %add3A_389, %reduce_max3A_393 [1] : vector<500x500xf32> to vector<500xf32>
    %broadcast_in_dim3A_395 = vector.shape_cast %reduce_max3A_394 : vector<500xf32> to vector<500x1xf32>
    %ge3A_396 = vector.broadcast %broadcast_in_dim3A_395 : vector<500x1xf32> to vector<500x500xf32>
    %ge3A_397 = arith.cmpf oge, %add3A_389, %ge3A_396 : vector<500x500xf32>
    %jit3A_398 = arith.constant 1.000000e+09 : f32
    %broadcast_in_dim3A_399 = vector.broadcast %jit3A_398 : f32 to vector<500x500xf32>
    %select_n3A_400 = arith.select %ge3A_397, %convert_element_type3A, %broadcast_in_dim3A_399 : vector<500x500xi1>, vector<500x500xf32>
    %reduce_min3A_401 = arith.constant dense<0x7F800000> : vector<500xf32>
    %reduce_min3A_402 = vector.multi_reduction <minimumf>, %select_n3A_400, %reduce_min3A_401 [1] : vector<500x500xf32> to vector<500xf32>
    %broadcast_in_dim3A_403 = vector.shape_cast %reduce_min3A_402 : vector<500xf32> to vector<500x1xf32>
    %eq3A_404 = arith.constant 0 : i32
    %eq3A_405 = vector.broadcast %eq3A_404 : i32 to vector<500x8xi32>
    %eq3A_406 = arith.cmpi eq, %iota3A_3, %eq3A_405 : vector<500x8xi32>
    %broadcast_in_dim3A_407 = vector.shape_cast %broadcast_in_dim3A_403 : vector<500x1xf32> to vector<500x1xf32>
    %broadcast_in_dim3A_408 = vector.broadcast %broadcast_in_dim3A_407 : vector<500x1xf32> to vector<500x8xf32>
    %select_n3A_409 = arith.select %eq3A_406, %broadcast_in_dim3A_408, %broadcast_in_dim3A_392 : vector<500x8xi1>, vector<500x8xf32>
    %eq3A_410 = vector.broadcast %broadcast_in_dim3A_403 : vector<500x1xf32> to vector<500x500xf32>
    %eq3A_411 = arith.cmpf oeq, %convert_element_type3A, %eq3A_410 : vector<500x500xf32>
    %jit3A_412 = arith.constant 0xFF800000 : f32
    %broadcast_in_dim3A_413 = vector.broadcast %jit3A_412 : f32 to vector<500x500xf32>
    %select_n3A_414 = arith.select %eq3A_411, %broadcast_in_dim3A_413, %add3A_389 : vector<500x500xi1>, vector<500x500xf32>
    %reduce_max3A_415 = arith.constant dense<0xFF800000> : vector<500xf32>
    %reduce_max3A_416 = vector.multi_reduction <maximumf>, %select_n3A_414, %reduce_max3A_415 [1] : vector<500x500xf32> to vector<500xf32>
    %broadcast_in_dim3A_417 = vector.shape_cast %reduce_max3A_416 : vector<500xf32> to vector<500x1xf32>
    %ge3A_418 = vector.broadcast %broadcast_in_dim3A_417 : vector<500x1xf32> to vector<500x500xf32>
    %ge3A_419 = arith.cmpf oge, %select_n3A_414, %ge3A_418 : vector<500x500xf32>
    %jit3A_420 = arith.constant 1.000000e+09 : f32
    %broadcast_in_dim3A_421 = vector.broadcast %jit3A_420 : f32 to vector<500x500xf32>
    %select_n3A_422 = arith.select %ge3A_419, %convert_element_type3A, %broadcast_in_dim3A_421 : vector<500x500xi1>, vector<500x500xf32>
    %reduce_min3A_423 = arith.constant dense<0x7F800000> : vector<500xf32>
    %reduce_min3A_424 = vector.multi_reduction <minimumf>, %select_n3A_422, %reduce_min3A_423 [1] : vector<500x500xf32> to vector<500xf32>
    %broadcast_in_dim3A_425 = vector.shape_cast %reduce_min3A_424 : vector<500xf32> to vector<500x1xf32>
    %eq3A_426 = arith.constant 1 : i32
    %eq3A_427 = vector.broadcast %eq3A_426 : i32 to vector<500x8xi32>
    %eq3A_428 = arith.cmpi eq, %iota3A_3, %eq3A_427 : vector<500x8xi32>
    %broadcast_in_dim3A_429 = vector.shape_cast %broadcast_in_dim3A_425 : vector<500x1xf32> to vector<500x1xf32>
    %broadcast_in_dim3A_430 = vector.broadcast %broadcast_in_dim3A_429 : vector<500x1xf32> to vector<500x8xf32>
    %select_n3A_431 = arith.select %eq3A_428, %broadcast_in_dim3A_430, %select_n3A_409 : vector<500x8xi1>, vector<500x8xf32>
    %eq3A_432 = vector.broadcast %broadcast_in_dim3A_403 : vector<500x1xf32> to vector<500x500xf32>
    %eq3A_433 = arith.cmpf oeq, %convert_element_type3A, %eq3A_432 : vector<500x500xf32>
    %jit3A_434 = arith.constant 0xFF800000 : f32
    %broadcast_in_dim3A_435 = vector.broadcast %jit3A_434 : f32 to vector<500x500xf32>
    %select_n3A_436 = arith.select %eq3A_433, %broadcast_in_dim3A_435, %add3A_389 : vector<500x500xi1>, vector<500x500xf32>
    %eq3A_437 = vector.broadcast %broadcast_in_dim3A_425 : vector<500x1xf32> to vector<500x500xf32>
    %eq3A_438 = arith.cmpf oeq, %convert_element_type3A, %eq3A_437 : vector<500x500xf32>
    %jit3A_439 = arith.constant 0xFF800000 : f32
    %broadcast_in_dim3A_440 = vector.broadcast %jit3A_439 : f32 to vector<500x500xf32>
    %select_n3A_441 = arith.select %eq3A_438, %broadcast_in_dim3A_440, %select_n3A_436 : vector<500x500xi1>, vector<500x500xf32>
    %reduce_max3A_442 = arith.constant dense<0xFF800000> : vector<500xf32>
    %reduce_max3A_443 = vector.multi_reduction <maximumf>, %select_n3A_441, %reduce_max3A_442 [1] : vector<500x500xf32> to vector<500xf32>
    %broadcast_in_dim3A_444 = vector.shape_cast %reduce_max3A_443 : vector<500xf32> to vector<500x1xf32>
    %ge3A_445 = vector.broadcast %broadcast_in_dim3A_444 : vector<500x1xf32> to vector<500x500xf32>
    %ge3A_446 = arith.cmpf oge, %select_n3A_441, %ge3A_445 : vector<500x500xf32>
    %jit3A_447 = arith.constant 1.000000e+09 : f32
    %broadcast_in_dim3A_448 = vector.broadcast %jit3A_447 : f32 to vector<500x500xf32>
    %select_n3A_449 = arith.select %ge3A_446, %convert_element_type3A, %broadcast_in_dim3A_448 : vector<500x500xi1>, vector<500x500xf32>
    %reduce_min3A_450 = arith.constant dense<0x7F800000> : vector<500xf32>
    %reduce_min3A_451 = vector.multi_reduction <minimumf>, %select_n3A_449, %reduce_min3A_450 [1] : vector<500x500xf32> to vector<500xf32>
    %broadcast_in_dim3A_452 = vector.shape_cast %reduce_min3A_451 : vector<500xf32> to vector<500x1xf32>
    %eq3A_453 = arith.constant 2 : i32
    %eq3A_454 = vector.broadcast %eq3A_453 : i32 to vector<500x8xi32>
    %eq3A_455 = arith.cmpi eq, %iota3A_3, %eq3A_454 : vector<500x8xi32>
    %broadcast_in_dim3A_456 = vector.shape_cast %broadcast_in_dim3A_452 : vector<500x1xf32> to vector<500x1xf32>
    %broadcast_in_dim3A_457 = vector.broadcast %broadcast_in_dim3A_456 : vector<500x1xf32> to vector<500x8xf32>
    %select_n3A_458 = arith.select %eq3A_455, %broadcast_in_dim3A_457, %select_n3A_431 : vector<500x8xi1>, vector<500x8xf32>
    %eq3A_459 = vector.broadcast %broadcast_in_dim3A_403 : vector<500x1xf32> to vector<500x500xf32>
    %eq3A_460 = arith.cmpf oeq, %convert_element_type3A, %eq3A_459 : vector<500x500xf32>
    %jit3A_461 = arith.constant 0xFF800000 : f32
    %broadcast_in_dim3A_462 = vector.broadcast %jit3A_461 : f32 to vector<500x500xf32>
    %select_n3A_463 = arith.select %eq3A_460, %broadcast_in_dim3A_462, %add3A_389 : vector<500x500xi1>, vector<500x500xf32>
    %eq3A_464 = vector.broadcast %broadcast_in_dim3A_425 : vector<500x1xf32> to vector<500x500xf32>
    %eq3A_465 = arith.cmpf oeq, %convert_element_type3A, %eq3A_464 : vector<500x500xf32>
    %jit3A_466 = arith.constant 0xFF800000 : f32
    %broadcast_in_dim3A_467 = vector.broadcast %jit3A_466 : f32 to vector<500x500xf32>
    %select_n3A_468 = arith.select %eq3A_465, %broadcast_in_dim3A_467, %select_n3A_463 : vector<500x500xi1>, vector<500x500xf32>
    %eq3A_469 = vector.broadcast %broadcast_in_dim3A_452 : vector<500x1xf32> to vector<500x500xf32>
    %eq3A_470 = arith.cmpf oeq, %convert_element_type3A, %eq3A_469 : vector<500x500xf32>
    %jit3A_471 = arith.constant 0xFF800000 : f32
    %broadcast_in_dim3A_472 = vector.broadcast %jit3A_471 : f32 to vector<500x500xf32>
    %select_n3A_473 = arith.select %eq3A_470, %broadcast_in_dim3A_472, %select_n3A_468 : vector<500x500xi1>, vector<500x500xf32>
    %reduce_max3A_474 = arith.constant dense<0xFF800000> : vector<500xf32>
    %reduce_max3A_475 = vector.multi_reduction <maximumf>, %select_n3A_473, %reduce_max3A_474 [1] : vector<500x500xf32> to vector<500xf32>
    %broadcast_in_dim3A_476 = vector.shape_cast %reduce_max3A_475 : vector<500xf32> to vector<500x1xf32>
    %ge3A_477 = vector.broadcast %broadcast_in_dim3A_476 : vector<500x1xf32> to vector<500x500xf32>
    %ge3A_478 = arith.cmpf oge, %select_n3A_473, %ge3A_477 : vector<500x500xf32>
    %jit3A_479 = arith.constant 1.000000e+09 : f32
    %broadcast_in_dim3A_480 = vector.broadcast %jit3A_479 : f32 to vector<500x500xf32>
    %select_n3A_481 = arith.select %ge3A_478, %convert_element_type3A, %broadcast_in_dim3A_480 : vector<500x500xi1>, vector<500x500xf32>
    %reduce_min3A_482 = arith.constant dense<0x7F800000> : vector<500xf32>
    %reduce_min3A_483 = vector.multi_reduction <minimumf>, %select_n3A_481, %reduce_min3A_482 [1] : vector<500x500xf32> to vector<500xf32>
    %broadcast_in_dim3A_484 = vector.shape_cast %reduce_min3A_483 : vector<500xf32> to vector<500x1xf32>
    %eq3A_485 = arith.constant 3 : i32
    %eq3A_486 = vector.broadcast %eq3A_485 : i32 to vector<500x8xi32>
    %eq3A_487 = arith.cmpi eq, %iota3A_3, %eq3A_486 : vector<500x8xi32>
    %broadcast_in_dim3A_488 = vector.shape_cast %broadcast_in_dim3A_484 : vector<500x1xf32> to vector<500x1xf32>
    %broadcast_in_dim3A_489 = vector.broadcast %broadcast_in_dim3A_488 : vector<500x1xf32> to vector<500x8xf32>
    %select_n3A_490 = arith.select %eq3A_487, %broadcast_in_dim3A_489, %select_n3A_458 : vector<500x8xi1>, vector<500x8xf32>
    %eq3A_491 = vector.broadcast %broadcast_in_dim3A_403 : vector<500x1xf32> to vector<500x500xf32>
    %eq3A_492 = arith.cmpf oeq, %convert_element_type3A, %eq3A_491 : vector<500x500xf32>
    %jit3A_493 = arith.constant 0xFF800000 : f32
    %broadcast_in_dim3A_494 = vector.broadcast %jit3A_493 : f32 to vector<500x500xf32>
    %select_n3A_495 = arith.select %eq3A_492, %broadcast_in_dim3A_494, %add3A_389 : vector<500x500xi1>, vector<500x500xf32>
    %eq3A_496 = vector.broadcast %broadcast_in_dim3A_425 : vector<500x1xf32> to vector<500x500xf32>
    %eq3A_497 = arith.cmpf oeq, %convert_element_type3A, %eq3A_496 : vector<500x500xf32>
    %jit3A_498 = arith.constant 0xFF800000 : f32
    %broadcast_in_dim3A_499 = vector.broadcast %jit3A_498 : f32 to vector<500x500xf32>
    %select_n3A_500 = arith.select %eq3A_497, %broadcast_in_dim3A_499, %select_n3A_495 : vector<500x500xi1>, vector<500x500xf32>
    %eq3A_501 = vector.broadcast %broadcast_in_dim3A_452 : vector<500x1xf32> to vector<500x500xf32>
    %eq3A_502 = arith.cmpf oeq, %convert_element_type3A, %eq3A_501 : vector<500x500xf32>
    %jit3A_503 = arith.constant 0xFF800000 : f32
    %broadcast_in_dim3A_504 = vector.broadcast %jit3A_503 : f32 to vector<500x500xf32>
    %select_n3A_505 = arith.select %eq3A_502, %broadcast_in_dim3A_504, %select_n3A_500 : vector<500x500xi1>, vector<500x500xf32>
    %eq3A_506 = vector.broadcast %broadcast_in_dim3A_484 : vector<500x1xf32> to vector<500x500xf32>
    %eq3A_507 = arith.cmpf oeq, %convert_element_type3A, %eq3A_506 : vector<500x500xf32>
    %jit3A_508 = arith.constant 0xFF800000 : f32
    %broadcast_in_dim3A_509 = vector.broadcast %jit3A_508 : f32 to vector<500x500xf32>
    %select_n3A_510 = arith.select %eq3A_507, %broadcast_in_dim3A_509, %select_n3A_505 : vector<500x500xi1>, vector<500x500xf32>
    %reduce_max3A_511 = arith.constant dense<0xFF800000> : vector<500xf32>
    %reduce_max3A_512 = vector.multi_reduction <maximumf>, %select_n3A_510, %reduce_max3A_511 [1] : vector<500x500xf32> to vector<500xf32>
    %broadcast_in_dim3A_513 = vector.shape_cast %reduce_max3A_512 : vector<500xf32> to vector<500x1xf32>
    %ge3A_514 = vector.broadcast %broadcast_in_dim3A_513 : vector<500x1xf32> to vector<500x500xf32>
    %ge3A_515 = arith.cmpf oge, %select_n3A_510, %ge3A_514 : vector<500x500xf32>
    %jit3A_516 = arith.constant 1.000000e+09 : f32
    %broadcast_in_dim3A_517 = vector.broadcast %jit3A_516 : f32 to vector<500x500xf32>
    %select_n3A_518 = arith.select %ge3A_515, %convert_element_type3A, %broadcast_in_dim3A_517 : vector<500x500xi1>, vector<500x500xf32>
    %reduce_min3A_519 = arith.constant dense<0x7F800000> : vector<500xf32>
    %reduce_min3A_520 = vector.multi_reduction <minimumf>, %select_n3A_518, %reduce_min3A_519 [1] : vector<500x500xf32> to vector<500xf32>
    %broadcast_in_dim3A_521 = vector.shape_cast %reduce_min3A_520 : vector<500xf32> to vector<500x1xf32>
    %eq3A_522 = arith.constant 4 : i32
    %eq3A_523 = vector.broadcast %eq3A_522 : i32 to vector<500x8xi32>
    %eq3A_524 = arith.cmpi eq, %iota3A_3, %eq3A_523 : vector<500x8xi32>
    %broadcast_in_dim3A_525 = vector.shape_cast %broadcast_in_dim3A_521 : vector<500x1xf32> to vector<500x1xf32>
    %broadcast_in_dim3A_526 = vector.broadcast %broadcast_in_dim3A_525 : vector<500x1xf32> to vector<500x8xf32>
    %select_n3A_527 = arith.select %eq3A_524, %broadcast_in_dim3A_526, %select_n3A_490 : vector<500x8xi1>, vector<500x8xf32>
    %convert_element_type3A_528 = arith.fptosi %select_n3A_527 : vector<500x8xf32> to vector<500x8xi32>
    %swap3A_529 = arith.constant 0 : index
    %swap3A_530 = arith.constant 2 : index
    %swap3A_531 = arith.constant 0 : index
    %swap3A_532 = arith.constant 0 : index
    %swap3A_533 = vector.load %arg8[%swap3A_529, %swap3A_530, %swap3A_531, %swap3A_532] : memref<1x8x500x8xi32, #tpu.memory_space<vmem>>, vector<1x1x500x8xi32>
    %swap3A_534 = vector.shape_cast %swap3A_533 : vector<1x1x500x8xi32> to vector<500x8xi32>
    %swap3A_535 = vector.shape_cast %convert_element_type3A_528 : vector<500x8xi32> to vector<1x1x500x8xi32>
    tpu.vector_store %arg8[%swap3A_529, %swap3A_530, %swap3A_531, %swap3A_532], %swap3A_535 {strides = array<i32>} : memref<1x8x500x8xi32, #tpu.memory_space<vmem>>, vector<1x1x500x8xi32>,
    %get3A_536 = arith.constant 0 : index
    %get3A_537 = arith.constant 3 : index
    %get3A_538 = arith.constant 0 : index
    %get3A_539 = arith.constant 0 : index
    %get3A_540 = vector.load %arg2[%get3A_536, %get3A_537, %get3A_538, %get3A_539] : memref<1x8x500x24xf32, #tpu.memory_space<vmem>>, vector<1x1x500x24xf32>
    %get3A_541 = vector.shape_cast %get3A_540 : vector<1x1x500x24xf32> to vector<500x24xf32>
    %dot_general3A_542 = arith.constant dense<0.000000e+00> : vector<500x10xf32>
    %dot_general3A_543 = tpu.matmul %get3A_541, %get3A_21, %dot_general3A_542 {dimension_numbers = #tpu.dot_dimension_numbers<[1], [1], [0], [0], [0, 0, 1, 0], [], []>, transpose_lhs_hint = false} : vector<500x24xf32>, vector<10x24xf32>, vector<500x10xf32> -> vector<500x10xf32>
    %broadcast_in_dim3A_544 = vector.shape_cast %get3A_18 : vector<10xf32> to vector<1x10xf32>
    %add3A_545 = vector.broadcast %broadcast_in_dim3A_544 : vector<1x10xf32> to vector<500x10xf32>
    %add3A_546 = arith.addf %dot_general3A_543, %add3A_545 : vector<500x10xf32>
    %dot_general3A_547 = arith.constant dense<0.000000e+00> : vector<500x500xf32>
    %dot_general3A_548 = tpu.matmul %add3A_546, %add3A_546, %dot_general3A_547 {dimension_numbers = #tpu.dot_dimension_numbers<[1], [1], [0], [0], [0, 0, 1, 0], [], []>, transpose_lhs_hint = false} : vector<500x10xf32>, vector<500x10xf32>, vector<500x500xf32> -> vector<500x500xf32>
    %add3A_549 = arith.addf %dot_general3A_548, %mul3A_14 : vector<500x500xf32>
    %mul3A_550 = arith.constant 0.316227764 : f32
    %mul3A_551 = vector.broadcast %mul3A_550 : f32 to vector<500x500xf32>
    %mul3A_552 = arith.mulf %add3A_549, %mul3A_551 : vector<500x500xf32>
    %logistic3A_553 = arith.negf %mul3A_552 : vector<500x500xf32>
    %logistic3A_554 = math.exp %logistic3A_553 : vector<500x500xf32>
    %logistic3A_555 = arith.constant 1.000000e+00 : f32
    %logistic3A_556 = vector.broadcast %logistic3A_555 : f32 to vector<500x500xf32>
    %logistic3A_557 = arith.addf %logistic3A_556, %logistic3A_554 : vector<500x500xf32>
    %logistic3A_558 = arith.divf %logistic3A_556, %logistic3A_557 : vector<500x500xf32>
    %mul3A_559 = arith.constant 2.000000e-03 : f32
    %mul3A_560 = vector.broadcast %mul3A_559 : f32 to vector<500x500xf32>
    %mul3A_561 = arith.mulf %mul3A_560, %logistic3A_558 : vector<500x500xf32>
    %add3A_562 = arith.addf %get3A_1, %mul3A_561 : vector<500x500xf32>
    %add3A_563 = arith.addf %add3A_390, %add3A_562 : vector<500x500xf32>
    %broadcast_in_dim3A_564 = arith.constant 0.000000e+00 : f32
    %broadcast_in_dim3A_565 = vector.broadcast %broadcast_in_dim3A_564 : f32 to vector<500x8xf32>
    %reduce_max3A_566 = arith.constant dense<0xFF800000> : vector<500xf32>
    %reduce_max3A_567 = vector.multi_reduction <maximumf>, %add3A_562, %reduce_max3A_566 [1] : vector<500x500xf32> to vector<500xf32>
    %broadcast_in_dim3A_568 = vector.shape_cast %reduce_max3A_567 : vector<500xf32> to vector<500x1xf32>
    %ge3A_569 = vector.broadcast %broadcast_in_dim3A_568 : vector<500x1xf32> to vector<500x500xf32>
    %ge3A_570 = arith.cmpf oge, %add3A_562, %ge3A_569 : vector<500x500xf32>
    %jit3A_571 = arith.constant 1.000000e+09 : f32
    %broadcast_in_dim3A_572 = vector.broadcast %jit3A_571 : f32 to vector<500x500xf32>
    %select_n3A_573 = arith.select %ge3A_570, %convert_element_type3A, %broadcast_in_dim3A_572 : vector<500x500xi1>, vector<500x500xf32>
    %reduce_min3A_574 = arith.constant dense<0x7F800000> : vector<500xf32>
    %reduce_min3A_575 = vector.multi_reduction <minimumf>, %select_n3A_573, %reduce_min3A_574 [1] : vector<500x500xf32> to vector<500xf32>
    %broadcast_in_dim3A_576 = vector.shape_cast %reduce_min3A_575 : vector<500xf32> to vector<500x1xf32>
    %eq3A_577 = arith.constant 0 : i32
    %eq3A_578 = vector.broadcast %eq3A_577 : i32 to vector<500x8xi32>
    %eq3A_579 = arith.cmpi eq, %iota3A_3, %eq3A_578 : vector<500x8xi32>
    %broadcast_in_dim3A_580 = vector.shape_cast %broadcast_in_dim3A_576 : vector<500x1xf32> to vector<500x1xf32>
    %broadcast_in_dim3A_581 = vector.broadcast %broadcast_in_dim3A_580 : vector<500x1xf32> to vector<500x8xf32>
    %select_n3A_582 = arith.select %eq3A_579, %broadcast_in_dim3A_581, %broadcast_in_dim3A_565 : vector<500x8xi1>, vector<500x8xf32>
    %eq3A_583 = vector.broadcast %broadcast_in_dim3A_576 : vector<500x1xf32> to vector<500x500xf32>
    %eq3A_584 = arith.cmpf oeq, %convert_element_type3A, %eq3A_583 : vector<500x500xf32>
    %jit3A_585 = arith.constant 0xFF800000 : f32
    %broadcast_in_dim3A_586 = vector.broadcast %jit3A_585 : f32 to vector<500x500xf32>
    %select_n3A_587 = arith.select %eq3A_584, %broadcast_in_dim3A_586, %add3A_562 : vector<500x500xi1>, vector<500x500xf32>
    %reduce_max3A_588 = arith.constant dense<0xFF800000> : vector<500xf32>
    %reduce_max3A_589 = vector.multi_reduction <maximumf>, %select_n3A_587, %reduce_max3A_588 [1] : vector<500x500xf32> to vector<500xf32>
    %broadcast_in_dim3A_590 = vector.shape_cast %reduce_max3A_589 : vector<500xf32> to vector<500x1xf32>
    %ge3A_591 = vector.broadcast %broadcast_in_dim3A_590 : vector<500x1xf32> to vector<500x500xf32>
    %ge3A_592 = arith.cmpf oge, %select_n3A_587, %ge3A_591 : vector<500x500xf32>
    %jit3A_593 = arith.constant 1.000000e+09 : f32
    %broadcast_in_dim3A_594 = vector.broadcast %jit3A_593 : f32 to vector<500x500xf32>
    %select_n3A_595 = arith.select %ge3A_592, %convert_element_type3A, %broadcast_in_dim3A_594 : vector<500x500xi1>, vector<500x500xf32>
    %reduce_min3A_596 = arith.constant dense<0x7F800000> : vector<500xf32>
    %reduce_min3A_597 = vector.multi_reduction <minimumf>, %select_n3A_595, %reduce_min3A_596 [1] : vector<500x500xf32> to vector<500xf32>
    %broadcast_in_dim3A_598 = vector.shape_cast %reduce_min3A_597 : vector<500xf32> to vector<500x1xf32>
    %eq3A_599 = arith.constant 1 : i32
    %eq3A_600 = vector.broadcast %eq3A_599 : i32 to vector<500x8xi32>
    %eq3A_601 = arith.cmpi eq, %iota3A_3, %eq3A_600 : vector<500x8xi32>
    %broadcast_in_dim3A_602 = vector.shape_cast %broadcast_in_dim3A_598 : vector<500x1xf32> to vector<500x1xf32>
    %broadcast_in_dim3A_603 = vector.broadcast %broadcast_in_dim3A_602 : vector<500x1xf32> to vector<500x8xf32>
    %select_n3A_604 = arith.select %eq3A_601, %broadcast_in_dim3A_603, %select_n3A_582 : vector<500x8xi1>, vector<500x8xf32>
    %eq3A_605 = vector.broadcast %broadcast_in_dim3A_576 : vector<500x1xf32> to vector<500x500xf32>
    %eq3A_606 = arith.cmpf oeq, %convert_element_type3A, %eq3A_605 : vector<500x500xf32>
    %jit3A_607 = arith.constant 0xFF800000 : f32
    %broadcast_in_dim3A_608 = vector.broadcast %jit3A_607 : f32 to vector<500x500xf32>
    %select_n3A_609 = arith.select %eq3A_606, %broadcast_in_dim3A_608, %add3A_562 : vector<500x500xi1>, vector<500x500xf32>
    %eq3A_610 = vector.broadcast %broadcast_in_dim3A_598 : vector<500x1xf32> to vector<500x500xf32>
    %eq3A_611 = arith.cmpf oeq, %convert_element_type3A, %eq3A_610 : vector<500x500xf32>
    %jit3A_612 = arith.constant 0xFF800000 : f32
    %broadcast_in_dim3A_613 = vector.broadcast %jit3A_612 : f32 to vector<500x500xf32>
    %select_n3A_614 = arith.select %eq3A_611, %broadcast_in_dim3A_613, %select_n3A_609 : vector<500x500xi1>, vector<500x500xf32>
    %reduce_max3A_615 = arith.constant dense<0xFF800000> : vector<500xf32>
    %reduce_max3A_616 = vector.multi_reduction <maximumf>, %select_n3A_614, %reduce_max3A_615 [1] : vector<500x500xf32> to vector<500xf32>
    %broadcast_in_dim3A_617 = vector.shape_cast %reduce_max3A_616 : vector<500xf32> to vector<500x1xf32>
    %ge3A_618 = vector.broadcast %broadcast_in_dim3A_617 : vector<500x1xf32> to vector<500x500xf32>
    %ge3A_619 = arith.cmpf oge, %select_n3A_614, %ge3A_618 : vector<500x500xf32>
    %jit3A_620 = arith.constant 1.000000e+09 : f32
    %broadcast_in_dim3A_621 = vector.broadcast %jit3A_620 : f32 to vector<500x500xf32>
    %select_n3A_622 = arith.select %ge3A_619, %convert_element_type3A, %broadcast_in_dim3A_621 : vector<500x500xi1>, vector<500x500xf32>
    %reduce_min3A_623 = arith.constant dense<0x7F800000> : vector<500xf32>
    %reduce_min3A_624 = vector.multi_reduction <minimumf>, %select_n3A_622, %reduce_min3A_623 [1] : vector<500x500xf32> to vector<500xf32>
    %broadcast_in_dim3A_625 = vector.shape_cast %reduce_min3A_624 : vector<500xf32> to vector<500x1xf32>
    %eq3A_626 = arith.constant 2 : i32
    %eq3A_627 = vector.broadcast %eq3A_626 : i32 to vector<500x8xi32>
    %eq3A_628 = arith.cmpi eq, %iota3A_3, %eq3A_627 : vector<500x8xi32>
    %broadcast_in_dim3A_629 = vector.shape_cast %broadcast_in_dim3A_625 : vector<500x1xf32> to vector<500x1xf32>
    %broadcast_in_dim3A_630 = vector.broadcast %broadcast_in_dim3A_629 : vector<500x1xf32> to vector<500x8xf32>
    %select_n3A_631 = arith.select %eq3A_628, %broadcast_in_dim3A_630, %select_n3A_604 : vector<500x8xi1>, vector<500x8xf32>
    %eq3A_632 = vector.broadcast %broadcast_in_dim3A_576 : vector<500x1xf32> to vector<500x500xf32>
    %eq3A_633 = arith.cmpf oeq, %convert_element_type3A, %eq3A_632 : vector<500x500xf32>
    %jit3A_634 = arith.constant 0xFF800000 : f32
    %broadcast_in_dim3A_635 = vector.broadcast %jit3A_634 : f32 to vector<500x500xf32>
    %select_n3A_636 = arith.select %eq3A_633, %broadcast_in_dim3A_635, %add3A_562 : vector<500x500xi1>, vector<500x500xf32>
    %eq3A_637 = vector.broadcast %broadcast_in_dim3A_598 : vector<500x1xf32> to vector<500x500xf32>
    %eq3A_638 = arith.cmpf oeq, %convert_element_type3A, %eq3A_637 : vector<500x500xf32>
    %jit3A_639 = arith.constant 0xFF800000 : f32
    %broadcast_in_dim3A_640 = vector.broadcast %jit3A_639 : f32 to vector<500x500xf32>
    %select_n3A_641 = arith.select %eq3A_638, %broadcast_in_dim3A_640, %select_n3A_636 : vector<500x500xi1>, vector<500x500xf32>
    %eq3A_642 = vector.broadcast %broadcast_in_dim3A_625 : vector<500x1xf32> to vector<500x500xf32>
    %eq3A_643 = arith.cmpf oeq, %convert_element_type3A, %eq3A_642 : vector<500x500xf32>
    %jit3A_644 = arith.constant 0xFF800000 : f32
    %broadcast_in_dim3A_645 = vector.broadcast %jit3A_644 : f32 to vector<500x500xf32>
    %select_n3A_646 = arith.select %eq3A_643, %broadcast_in_dim3A_645, %select_n3A_641 : vector<500x500xi1>, vector<500x500xf32>
    %reduce_max3A_647 = arith.constant dense<0xFF800000> : vector<500xf32>
    %reduce_max3A_648 = vector.multi_reduction <maximumf>, %select_n3A_646, %reduce_max3A_647 [1] : vector<500x500xf32> to vector<500xf32>
    %broadcast_in_dim3A_649 = vector.shape_cast %reduce_max3A_648 : vector<500xf32> to vector<500x1xf32>
    %ge3A_650 = vector.broadcast %broadcast_in_dim3A_649 : vector<500x1xf32> to vector<500x500xf32>
    %ge3A_651 = arith.cmpf oge, %select_n3A_646, %ge3A_650 : vector<500x500xf32>
    %jit3A_652 = arith.constant 1.000000e+09 : f32
    %broadcast_in_dim3A_653 = vector.broadcast %jit3A_652 : f32 to vector<500x500xf32>
    %select_n3A_654 = arith.select %ge3A_651, %convert_element_type3A, %broadcast_in_dim3A_653 : vector<500x500xi1>, vector<500x500xf32>
    %reduce_min3A_655 = arith.constant dense<0x7F800000> : vector<500xf32>
    %reduce_min3A_656 = vector.multi_reduction <minimumf>, %select_n3A_654, %reduce_min3A_655 [1] : vector<500x500xf32> to vector<500xf32>
    %broadcast_in_dim3A_657 = vector.shape_cast %reduce_min3A_656 : vector<500xf32> to vector<500x1xf32>
    %eq3A_658 = arith.constant 3 : i32
    %eq3A_659 = vector.broadcast %eq3A_658 : i32 to vector<500x8xi32>
    %eq3A_660 = arith.cmpi eq, %iota3A_3, %eq3A_659 : vector<500x8xi32>
    %broadcast_in_dim3A_661 = vector.shape_cast %broadcast_in_dim3A_657 : vector<500x1xf32> to vector<500x1xf32>
    %broadcast_in_dim3A_662 = vector.broadcast %broadcast_in_dim3A_661 : vector<500x1xf32> to vector<500x8xf32>
    %select_n3A_663 = arith.select %eq3A_660, %broadcast_in_dim3A_662, %select_n3A_631 : vector<500x8xi1>, vector<500x8xf32>
    %eq3A_664 = vector.broadcast %broadcast_in_dim3A_576 : vector<500x1xf32> to vector<500x500xf32>
    %eq3A_665 = arith.cmpf oeq, %convert_element_type3A, %eq3A_664 : vector<500x500xf32>
    %jit3A_666 = arith.constant 0xFF800000 : f32
    %broadcast_in_dim3A_667 = vector.broadcast %jit3A_666 : f32 to vector<500x500xf32>
    %select_n3A_668 = arith.select %eq3A_665, %broadcast_in_dim3A_667, %add3A_562 : vector<500x500xi1>, vector<500x500xf32>
    %eq3A_669 = vector.broadcast %broadcast_in_dim3A_598 : vector<500x1xf32> to vector<500x500xf32>
    %eq3A_670 = arith.cmpf oeq, %convert_element_type3A, %eq3A_669 : vector<500x500xf32>
    %jit3A_671 = arith.constant 0xFF800000 : f32
    %broadcast_in_dim3A_672 = vector.broadcast %jit3A_671 : f32 to vector<500x500xf32>
    %select_n3A_673 = arith.select %eq3A_670, %broadcast_in_dim3A_672, %select_n3A_668 : vector<500x500xi1>, vector<500x500xf32>
    %eq3A_674 = vector.broadcast %broadcast_in_dim3A_625 : vector<500x1xf32> to vector<500x500xf32>
    %eq3A_675 = arith.cmpf oeq, %convert_element_type3A, %eq3A_674 : vector<500x500xf32>
    %jit3A_676 = arith.constant 0xFF800000 : f32
    %broadcast_in_dim3A_677 = vector.broadcast %jit3A_676 : f32 to vector<500x500xf32>
    %select_n3A_678 = arith.select %eq3A_675, %broadcast_in_dim3A_677, %select_n3A_673 : vector<500x500xi1>, vector<500x500xf32>
    %eq3A_679 = vector.broadcast %broadcast_in_dim3A_657 : vector<500x1xf32> to vector<500x500xf32>
    %eq3A_680 = arith.cmpf oeq, %convert_element_type3A, %eq3A_679 : vector<500x500xf32>
    %jit3A_681 = arith.constant 0xFF800000 : f32
    %broadcast_in_dim3A_682 = vector.broadcast %jit3A_681 : f32 to vector<500x500xf32>
    %select_n3A_683 = arith.select %eq3A_680, %broadcast_in_dim3A_682, %select_n3A_678 : vector<500x500xi1>, vector<500x500xf32>
    %reduce_max3A_684 = arith.constant dense<0xFF800000> : vector<500xf32>
    %reduce_max3A_685 = vector.multi_reduction <maximumf>, %select_n3A_683, %reduce_max3A_684 [1] : vector<500x500xf32> to vector<500xf32>
    %broadcast_in_dim3A_686 = vector.shape_cast %reduce_max3A_685 : vector<500xf32> to vector<500x1xf32>
    %ge3A_687 = vector.broadcast %broadcast_in_dim3A_686 : vector<500x1xf32> to vector<500x500xf32>
    %ge3A_688 = arith.cmpf oge, %select_n3A_683, %ge3A_687 : vector<500x500xf32>
    %jit3A_689 = arith.constant 1.000000e+09 : f32
    %broadcast_in_dim3A_690 = vector.broadcast %jit3A_689 : f32 to vector<500x500xf32>
    %select_n3A_691 = arith.select %ge3A_688, %convert_element_type3A, %broadcast_in_dim3A_690 : vector<500x500xi1>, vector<500x500xf32>
    %reduce_min3A_692 = arith.constant dense<0x7F800000> : vector<500xf32>
    %reduce_min3A_693 = vector.multi_reduction <minimumf>, %select_n3A_691, %reduce_min3A_692 [1] : vector<500x500xf32> to vector<500xf32>
    %broadcast_in_dim3A_694 = vector.shape_cast %reduce_min3A_693 : vector<500xf32> to vector<500x1xf32>
    %eq3A_695 = arith.constant 4 : i32
    %eq3A_696 = vector.broadcast %eq3A_695 : i32 to vector<500x8xi32>
    %eq3A_697 = arith.cmpi eq, %iota3A_3, %eq3A_696 : vector<500x8xi32>
    %broadcast_in_dim3A_698 = vector.shape_cast %broadcast_in_dim3A_694 : vector<500x1xf32> to vector<500x1xf32>
    %broadcast_in_dim3A_699 = vector.broadcast %broadcast_in_dim3A_698 : vector<500x1xf32> to vector<500x8xf32>
    %select_n3A_700 = arith.select %eq3A_697, %broadcast_in_dim3A_699, %select_n3A_663 : vector<500x8xi1>, vector<500x8xf32>
    %convert_element_type3A_701 = arith.fptosi %select_n3A_700 : vector<500x8xf32> to vector<500x8xi32>
    %swap3A_702 = arith.constant 0 : index
    %swap3A_703 = arith.constant 3 : index
    %swap3A_704 = arith.constant 0 : index
    %swap3A_705 = arith.constant 0 : index
    %swap3A_706 = vector.load %arg8[%swap3A_702, %swap3A_703, %swap3A_704, %swap3A_705] : memref<1x8x500x8xi32, #tpu.memory_space<vmem>>, vector<1x1x500x8xi32>
    %swap3A_707 = vector.shape_cast %swap3A_706 : vector<1x1x500x8xi32> to vector<500x8xi32>
    %swap3A_708 = vector.shape_cast %convert_element_type3A_701 : vector<500x8xi32> to vector<1x1x500x8xi32>
    tpu.vector_store %arg8[%swap3A_702, %swap3A_703, %swap3A_704, %swap3A_705], %swap3A_708 {strides = array<i32>} : memref<1x8x500x8xi32, #tpu.memory_space<vmem>>, vector<1x1x500x8xi32>,
    %get3A_709 = arith.constant 0 : index
    %get3A_710 = arith.constant 4 : index
    %get3A_711 = arith.constant 0 : index
    %get3A_712 = arith.constant 0 : index
    %get3A_713 = vector.load %arg2[%get3A_709, %get3A_710, %get3A_711, %get3A_712] : memref<1x8x500x24xf32, #tpu.memory_space<vmem>>, vector<1x1x500x24xf32>
    %get3A_714 = vector.shape_cast %get3A_713 : vector<1x1x500x24xf32> to vector<500x24xf32>
    %dot_general3A_715 = arith.constant dense<0.000000e+00> : vector<500x10xf32>
    %dot_general3A_716 = tpu.matmul %get3A_714, %get3A_21, %dot_general3A_715 {dimension_numbers = #tpu.dot_dimension_numbers<[1], [1], [0], [0], [0, 0, 1, 0], [], []>, transpose_lhs_hint = false} : vector<500x24xf32>, vector<10x24xf32>, vector<500x10xf32> -> vector<500x10xf32>
    %broadcast_in_dim3A_717 = vector.shape_cast %get3A_18 : vector<10xf32> to vector<1x10xf32>
    %add3A_718 = vector.broadcast %broadcast_in_dim3A_717 : vector<1x10xf32> to vector<500x10xf32>
    %add3A_719 = arith.addf %dot_general3A_716, %add3A_718 : vector<500x10xf32>
    %dot_general3A_720 = arith.constant dense<0.000000e+00> : vector<500x500xf32>
    %dot_general3A_721 = tpu.matmul %add3A_719, %add3A_719, %dot_general3A_720 {dimension_numbers = #tpu.dot_dimension_numbers<[1], [1], [0], [0], [0, 0, 1, 0], [], []>, transpose_lhs_hint = false} : vector<500x10xf32>, vector<500x10xf32>, vector<500x500xf32> -> vector<500x500xf32>
    %add3A_722 = arith.addf %dot_general3A_721, %mul3A_14 : vector<500x500xf32>
    %mul3A_723 = arith.constant 0.316227764 : f32
    %mul3A_724 = vector.broadcast %mul3A_723 : f32 to vector<500x500xf32>
    %mul3A_725 = arith.mulf %add3A_722, %mul3A_724 : vector<500x500xf32>
    %logistic3A_726 = arith.negf %mul3A_725 : vector<500x500xf32>
    %logistic3A_727 = math.exp %logistic3A_726 : vector<500x500xf32>
    %logistic3A_728 = arith.constant 1.000000e+00 : f32
    %logistic3A_729 = vector.broadcast %logistic3A_728 : f32 to vector<500x500xf32>
    %logistic3A_730 = arith.addf %logistic3A_729, %logistic3A_727 : vector<500x500xf32>
    %logistic3A_731 = arith.divf %logistic3A_729, %logistic3A_730 : vector<500x500xf32>
    %mul3A_732 = arith.constant 2.000000e-03 : f32
    %mul3A_733 = vector.broadcast %mul3A_732 : f32 to vector<500x500xf32>
    %mul3A_734 = arith.mulf %mul3A_733, %logistic3A_731 : vector<500x500xf32>
    %add3A_735 = arith.addf %get3A_1, %mul3A_734 : vector<500x500xf32>
    %add3A_736 = arith.addf %add3A_563, %add3A_735 : vector<500x500xf32>
    %broadcast_in_dim3A_737 = arith.constant 0.000000e+00 : f32
    %broadcast_in_dim3A_738 = vector.broadcast %broadcast_in_dim3A_737 : f32 to vector<500x8xf32>
    %reduce_max3A_739 = arith.constant dense<0xFF800000> : vector<500xf32>
    %reduce_max3A_740 = vector.multi_reduction <maximumf>, %add3A_735, %reduce_max3A_739 [1] : vector<500x500xf32> to vector<500xf32>
    %broadcast_in_dim3A_741 = vector.shape_cast %reduce_max3A_740 : vector<500xf32> to vector<500x1xf32>
    %ge3A_742 = vector.broadcast %broadcast_in_dim3A_741 : vector<500x1xf32> to vector<500x500xf32>
    %ge3A_743 = arith.cmpf oge, %add3A_735, %ge3A_742 : vector<500x500xf32>
    %jit3A_744 = arith.constant 1.000000e+09 : f32
    %broadcast_in_dim3A_745 = vector.broadcast %jit3A_744 : f32 to vector<500x500xf32>
    %select_n3A_746 = arith.select %ge3A_743, %convert_element_type3A, %broadcast_in_dim3A_745 : vector<500x500xi1>, vector<500x500xf32>
    %reduce_min3A_747 = arith.constant dense<0x7F800000> : vector<500xf32>
    %reduce_min3A_748 = vector.multi_reduction <minimumf>, %select_n3A_746, %reduce_min3A_747 [1] : vector<500x500xf32> to vector<500xf32>
    %broadcast_in_dim3A_749 = vector.shape_cast %reduce_min3A_748 : vector<500xf32> to vector<500x1xf32>
    %eq3A_750 = arith.constant 0 : i32
    %eq3A_751 = vector.broadcast %eq3A_750 : i32 to vector<500x8xi32>
    %eq3A_752 = arith.cmpi eq, %iota3A_3, %eq3A_751 : vector<500x8xi32>
    %broadcast_in_dim3A_753 = vector.shape_cast %broadcast_in_dim3A_749 : vector<500x1xf32> to vector<500x1xf32>
    %broadcast_in_dim3A_754 = vector.broadcast %broadcast_in_dim3A_753 : vector<500x1xf32> to vector<500x8xf32>
    %select_n3A_755 = arith.select %eq3A_752, %broadcast_in_dim3A_754, %broadcast_in_dim3A_738 : vector<500x8xi1>, vector<500x8xf32>
    %eq3A_756 = vector.broadcast %broadcast_in_dim3A_749 : vector<500x1xf32> to vector<500x500xf32>
    %eq3A_757 = arith.cmpf oeq, %convert_element_type3A, %eq3A_756 : vector<500x500xf32>
    %jit3A_758 = arith.constant 0xFF800000 : f32
    %broadcast_in_dim3A_759 = vector.broadcast %jit3A_758 : f32 to vector<500x500xf32>
    %select_n3A_760 = arith.select %eq3A_757, %broadcast_in_dim3A_759, %add3A_735 : vector<500x500xi1>, vector<500x500xf32>
    %reduce_max3A_761 = arith.constant dense<0xFF800000> : vector<500xf32>
    %reduce_max3A_762 = vector.multi_reduction <maximumf>, %select_n3A_760, %reduce_max3A_761 [1] : vector<500x500xf32> to vector<500xf32>
    %broadcast_in_dim3A_763 = vector.shape_cast %reduce_max3A_762 : vector<500xf32> to vector<500x1xf32>
    %ge3A_764 = vector.broadcast %broadcast_in_dim3A_763 : vector<500x1xf32> to vector<500x500xf32>
    %ge3A_765 = arith.cmpf oge, %select_n3A_760, %ge3A_764 : vector<500x500xf32>
    %jit3A_766 = arith.constant 1.000000e+09 : f32
    %broadcast_in_dim3A_767 = vector.broadcast %jit3A_766 : f32 to vector<500x500xf32>
    %select_n3A_768 = arith.select %ge3A_765, %convert_element_type3A, %broadcast_in_dim3A_767 : vector<500x500xi1>, vector<500x500xf32>
    %reduce_min3A_769 = arith.constant dense<0x7F800000> : vector<500xf32>
    %reduce_min3A_770 = vector.multi_reduction <minimumf>, %select_n3A_768, %reduce_min3A_769 [1] : vector<500x500xf32> to vector<500xf32>
    %broadcast_in_dim3A_771 = vector.shape_cast %reduce_min3A_770 : vector<500xf32> to vector<500x1xf32>
    %eq3A_772 = arith.constant 1 : i32
    %eq3A_773 = vector.broadcast %eq3A_772 : i32 to vector<500x8xi32>
    %eq3A_774 = arith.cmpi eq, %iota3A_3, %eq3A_773 : vector<500x8xi32>
    %broadcast_in_dim3A_775 = vector.shape_cast %broadcast_in_dim3A_771 : vector<500x1xf32> to vector<500x1xf32>
    %broadcast_in_dim3A_776 = vector.broadcast %broadcast_in_dim3A_775 : vector<500x1xf32> to vector<500x8xf32>
    %select_n3A_777 = arith.select %eq3A_774, %broadcast_in_dim3A_776, %select_n3A_755 : vector<500x8xi1>, vector<500x8xf32>
    %eq3A_778 = vector.broadcast %broadcast_in_dim3A_749 : vector<500x1xf32> to vector<500x500xf32>
    %eq3A_779 = arith.cmpf oeq, %convert_element_type3A, %eq3A_778 : vector<500x500xf32>
    %jit3A_780 = arith.constant 0xFF800000 : f32
    %broadcast_in_dim3A_781 = vector.broadcast %jit3A_780 : f32 to vector<500x500xf32>
    %select_n3A_782 = arith.select %eq3A_779, %broadcast_in_dim3A_781, %add3A_735 : vector<500x500xi1>, vector<500x500xf32>
    %eq3A_783 = vector.broadcast %broadcast_in_dim3A_771 : vector<500x1xf32> to vector<500x500xf32>
    %eq3A_784 = arith.cmpf oeq, %convert_element_type3A, %eq3A_783 : vector<500x500xf32>
    %jit3A_785 = arith.constant 0xFF800000 : f32
    %broadcast_in_dim3A_786 = vector.broadcast %jit3A_785 : f32 to vector<500x500xf32>
    %select_n3A_787 = arith.select %eq3A_784, %broadcast_in_dim3A_786, %select_n3A_782 : vector<500x500xi1>, vector<500x500xf32>
    %reduce_max3A_788 = arith.constant dense<0xFF800000> : vector<500xf32>
    %reduce_max3A_789 = vector.multi_reduction <maximumf>, %select_n3A_787, %reduce_max3A_788 [1] : vector<500x500xf32> to vector<500xf32>
    %broadcast_in_dim3A_790 = vector.shape_cast %reduce_max3A_789 : vector<500xf32> to vector<500x1xf32>
    %ge3A_791 = vector.broadcast %broadcast_in_dim3A_790 : vector<500x1xf32> to vector<500x500xf32>
    %ge3A_792 = arith.cmpf oge, %select_n3A_787, %ge3A_791 : vector<500x500xf32>
    %jit3A_793 = arith.constant 1.000000e+09 : f32
    %broadcast_in_dim3A_794 = vector.broadcast %jit3A_793 : f32 to vector<500x500xf32>
    %select_n3A_795 = arith.select %ge3A_792, %convert_element_type3A, %broadcast_in_dim3A_794 : vector<500x500xi1>, vector<500x500xf32>
    %reduce_min3A_796 = arith.constant dense<0x7F800000> : vector<500xf32>
    %reduce_min3A_797 = vector.multi_reduction <minimumf>, %select_n3A_795, %reduce_min3A_796 [1] : vector<500x500xf32> to vector<500xf32>
    %broadcast_in_dim3A_798 = vector.shape_cast %reduce_min3A_797 : vector<500xf32> to vector<500x1xf32>
    %eq3A_799 = arith.constant 2 : i32
    %eq3A_800 = vector.broadcast %eq3A_799 : i32 to vector<500x8xi32>
    %eq3A_801 = arith.cmpi eq, %iota3A_3, %eq3A_800 : vector<500x8xi32>
    %broadcast_in_dim3A_802 = vector.shape_cast %broadcast_in_dim3A_798 : vector<500x1xf32> to vector<500x1xf32>
    %broadcast_in_dim3A_803 = vector.broadcast %broadcast_in_dim3A_802 : vector<500x1xf32> to vector<500x8xf32>
    %select_n3A_804 = arith.select %eq3A_801, %broadcast_in_dim3A_803, %select_n3A_777 : vector<500x8xi1>, vector<500x8xf32>
    %eq3A_805 = vector.broadcast %broadcast_in_dim3A_749 : vector<500x1xf32> to vector<500x500xf32>
    %eq3A_806 = arith.cmpf oeq, %convert_element_type3A, %eq3A_805 : vector<500x500xf32>
    %jit3A_807 = arith.constant 0xFF800000 : f32
    %broadcast_in_dim3A_808 = vector.broadcast %jit3A_807 : f32 to vector<500x500xf32>
    %select_n3A_809 = arith.select %eq3A_806, %broadcast_in_dim3A_808, %add3A_735 : vector<500x500xi1>, vector<500x500xf32>
    %eq3A_810 = vector.broadcast %broadcast_in_dim3A_771 : vector<500x1xf32> to vector<500x500xf32>
    %eq3A_811 = arith.cmpf oeq, %convert_element_type3A, %eq3A_810 : vector<500x500xf32>
    %jit3A_812 = arith.constant 0xFF800000 : f32
    %broadcast_in_dim3A_813 = vector.broadcast %jit3A_812 : f32 to vector<500x500xf32>
    %select_n3A_814 = arith.select %eq3A_811, %broadcast_in_dim3A_813, %select_n3A_809 : vector<500x500xi1>, vector<500x500xf32>
    %eq3A_815 = vector.broadcast %broadcast_in_dim3A_798 : vector<500x1xf32> to vector<500x500xf32>
    %eq3A_816 = arith.cmpf oeq, %convert_element_type3A, %eq3A_815 : vector<500x500xf32>
    %jit3A_817 = arith.constant 0xFF800000 : f32
    %broadcast_in_dim3A_818 = vector.broadcast %jit3A_817 : f32 to vector<500x500xf32>
    %select_n3A_819 = arith.select %eq3A_816, %broadcast_in_dim3A_818, %select_n3A_814 : vector<500x500xi1>, vector<500x500xf32>
    %reduce_max3A_820 = arith.constant dense<0xFF800000> : vector<500xf32>
    %reduce_max3A_821 = vector.multi_reduction <maximumf>, %select_n3A_819, %reduce_max3A_820 [1] : vector<500x500xf32> to vector<500xf32>
    %broadcast_in_dim3A_822 = vector.shape_cast %reduce_max3A_821 : vector<500xf32> to vector<500x1xf32>
    %ge3A_823 = vector.broadcast %broadcast_in_dim3A_822 : vector<500x1xf32> to vector<500x500xf32>
    %ge3A_824 = arith.cmpf oge, %select_n3A_819, %ge3A_823 : vector<500x500xf32>
    %jit3A_825 = arith.constant 1.000000e+09 : f32
    %broadcast_in_dim3A_826 = vector.broadcast %jit3A_825 : f32 to vector<500x500xf32>
    %select_n3A_827 = arith.select %ge3A_824, %convert_element_type3A, %broadcast_in_dim3A_826 : vector<500x500xi1>, vector<500x500xf32>
    %reduce_min3A_828 = arith.constant dense<0x7F800000> : vector<500xf32>
    %reduce_min3A_829 = vector.multi_reduction <minimumf>, %select_n3A_827, %reduce_min3A_828 [1] : vector<500x500xf32> to vector<500xf32>
    %broadcast_in_dim3A_830 = vector.shape_cast %reduce_min3A_829 : vector<500xf32> to vector<500x1xf32>
    %eq3A_831 = arith.constant 3 : i32
    %eq3A_832 = vector.broadcast %eq3A_831 : i32 to vector<500x8xi32>
    %eq3A_833 = arith.cmpi eq, %iota3A_3, %eq3A_832 : vector<500x8xi32>
    %broadcast_in_dim3A_834 = vector.shape_cast %broadcast_in_dim3A_830 : vector<500x1xf32> to vector<500x1xf32>
    %broadcast_in_dim3A_835 = vector.broadcast %broadcast_in_dim3A_834 : vector<500x1xf32> to vector<500x8xf32>
    %select_n3A_836 = arith.select %eq3A_833, %broadcast_in_dim3A_835, %select_n3A_804 : vector<500x8xi1>, vector<500x8xf32>
    %eq3A_837 = vector.broadcast %broadcast_in_dim3A_749 : vector<500x1xf32> to vector<500x500xf32>
    %eq3A_838 = arith.cmpf oeq, %convert_element_type3A, %eq3A_837 : vector<500x500xf32>
    %jit3A_839 = arith.constant 0xFF800000 : f32
    %broadcast_in_dim3A_840 = vector.broadcast %jit3A_839 : f32 to vector<500x500xf32>
    %select_n3A_841 = arith.select %eq3A_838, %broadcast_in_dim3A_840, %add3A_735 : vector<500x500xi1>, vector<500x500xf32>
    %eq3A_842 = vector.broadcast %broadcast_in_dim3A_771 : vector<500x1xf32> to vector<500x500xf32>
    %eq3A_843 = arith.cmpf oeq, %convert_element_type3A, %eq3A_842 : vector<500x500xf32>
    %jit3A_844 = arith.constant 0xFF800000 : f32
    %broadcast_in_dim3A_845 = vector.broadcast %jit3A_844 : f32 to vector<500x500xf32>
    %select_n3A_846 = arith.select %eq3A_843, %broadcast_in_dim3A_845, %select_n3A_841 : vector<500x500xi1>, vector<500x500xf32>
    %eq3A_847 = vector.broadcast %broadcast_in_dim3A_798 : vector<500x1xf32> to vector<500x500xf32>
    %eq3A_848 = arith.cmpf oeq, %convert_element_type3A, %eq3A_847 : vector<500x500xf32>
    %jit3A_849 = arith.constant 0xFF800000 : f32
    %broadcast_in_dim3A_850 = vector.broadcast %jit3A_849 : f32 to vector<500x500xf32>
    %select_n3A_851 = arith.select %eq3A_848, %broadcast_in_dim3A_850, %select_n3A_846 : vector<500x500xi1>, vector<500x500xf32>
    %eq3A_852 = vector.broadcast %broadcast_in_dim3A_830 : vector<500x1xf32> to vector<500x500xf32>
    %eq3A_853 = arith.cmpf oeq, %convert_element_type3A, %eq3A_852 : vector<500x500xf32>
    %jit3A_854 = arith.constant 0xFF800000 : f32
    %broadcast_in_dim3A_855 = vector.broadcast %jit3A_854 : f32 to vector<500x500xf32>
    %select_n3A_856 = arith.select %eq3A_853, %broadcast_in_dim3A_855, %select_n3A_851 : vector<500x500xi1>, vector<500x500xf32>
    %reduce_max3A_857 = arith.constant dense<0xFF800000> : vector<500xf32>
    %reduce_max3A_858 = vector.multi_reduction <maximumf>, %select_n3A_856, %reduce_max3A_857 [1] : vector<500x500xf32> to vector<500xf32>
    %broadcast_in_dim3A_859 = vector.shape_cast %reduce_max3A_858 : vector<500xf32> to vector<500x1xf32>
    %ge3A_860 = vector.broadcast %broadcast_in_dim3A_859 : vector<500x1xf32> to vector<500x500xf32>
    %ge3A_861 = arith.cmpf oge, %select_n3A_856, %ge3A_860 : vector<500x500xf32>
    %jit3A_862 = arith.constant 1.000000e+09 : f32
    %broadcast_in_dim3A_863 = vector.broadcast %jit3A_862 : f32 to vector<500x500xf32>
    %select_n3A_864 = arith.select %ge3A_861, %convert_element_type3A, %broadcast_in_dim3A_863 : vector<500x500xi1>, vector<500x500xf32>
    %reduce_min3A_865 = arith.constant dense<0x7F800000> : vector<500xf32>
    %reduce_min3A_866 = vector.multi_reduction <minimumf>, %select_n3A_864, %reduce_min3A_865 [1] : vector<500x500xf32> to vector<500xf32>
    %broadcast_in_dim3A_867 = vector.shape_cast %reduce_min3A_866 : vector<500xf32> to vector<500x1xf32>
    %eq3A_868 = arith.constant 4 : i32
    %eq3A_869 = vector.broadcast %eq3A_868 : i32 to vector<500x8xi32>
    %eq3A_870 = arith.cmpi eq, %iota3A_3, %eq3A_869 : vector<500x8xi32>
    %broadcast_in_dim3A_871 = vector.shape_cast %broadcast_in_dim3A_867 : vector<500x1xf32> to vector<500x1xf32>
    %broadcast_in_dim3A_872 = vector.broadcast %broadcast_in_dim3A_871 : vector<500x1xf32> to vector<500x8xf32>
    %select_n3A_873 = arith.select %eq3A_870, %broadcast_in_dim3A_872, %select_n3A_836 : vector<500x8xi1>, vector<500x8xf32>
    %convert_element_type3A_874 = arith.fptosi %select_n3A_873 : vector<500x8xf32> to vector<500x8xi32>
    %swap3A_875 = arith.constant 0 : index
    %swap3A_876 = arith.constant 4 : index
    %swap3A_877 = arith.constant 0 : index
    %swap3A_878 = arith.constant 0 : index
    %swap3A_879 = vector.load %arg8[%swap3A_875, %swap3A_876, %swap3A_877, %swap3A_878] : memref<1x8x500x8xi32, #tpu.memory_space<vmem>>, vector<1x1x500x8xi32>
    %swap3A_880 = vector.shape_cast %swap3A_879 : vector<1x1x500x8xi32> to vector<500x8xi32>
    %swap3A_881 = vector.shape_cast %convert_element_type3A_874 : vector<500x8xi32> to vector<1x1x500x8xi32>
    tpu.vector_store %arg8[%swap3A_875, %swap3A_876, %swap3A_877, %swap3A_878], %swap3A_881 {strides = array<i32>} : memref<1x8x500x8xi32, #tpu.memory_space<vmem>>, vector<1x1x500x8xi32>,
    %get3A_882 = arith.constant 0 : index
    %get3A_883 = arith.constant 5 : index
    %get3A_884 = arith.constant 0 : index
    %get3A_885 = arith.constant 0 : index
    %get3A_886 = vector.load %arg2[%get3A_882, %get3A_883, %get3A_884, %get3A_885] : memref<1x8x500x24xf32, #tpu.memory_space<vmem>>, vector<1x1x500x24xf32>
    %get3A_887 = vector.shape_cast %get3A_886 : vector<1x1x500x24xf32> to vector<500x24xf32>
    %dot_general3A_888 = arith.constant dense<0.000000e+00> : vector<500x10xf32>
    %dot_general3A_889 = tpu.matmul %get3A_887, %get3A_21, %dot_general3A_888 {dimension_numbers = #tpu.dot_dimension_numbers<[1], [1], [0], [0], [0, 0, 1, 0], [], []>, transpose_lhs_hint = false} : vector<500x24xf32>, vector<10x24xf32>, vector<500x10xf32> -> vector<500x10xf32>
    %broadcast_in_dim3A_890 = vector.shape_cast %get3A_18 : vector<10xf32> to vector<1x10xf32>
    %add3A_891 = vector.broadcast %broadcast_in_dim3A_890 : vector<1x10xf32> to vector<500x10xf32>
    %add3A_892 = arith.addf %dot_general3A_889, %add3A_891 : vector<500x10xf32>
    %dot_general3A_893 = arith.constant dense<0.000000e+00> : vector<500x500xf32>
    %dot_general3A_894 = tpu.matmul %add3A_892, %add3A_892, %dot_general3A_893 {dimension_numbers = #tpu.dot_dimension_numbers<[1], [1], [0], [0], [0, 0, 1, 0], [], []>, transpose_lhs_hint = false} : vector<500x10xf32>, vector<500x10xf32>, vector<500x500xf32> -> vector<500x500xf32>
    %add3A_895 = arith.addf %dot_general3A_894, %mul3A_14 : vector<500x500xf32>
    %mul3A_896 = arith.constant 0.316227764 : f32
    %mul3A_897 = vector.broadcast %mul3A_896 : f32 to vector<500x500xf32>
    %mul3A_898 = arith.mulf %add3A_895, %mul3A_897 : vector<500x500xf32>
    %logistic3A_899 = arith.negf %mul3A_898 : vector<500x500xf32>
    %logistic3A_900 = math.exp %logistic3A_899 : vector<500x500xf32>
    %logistic3A_901 = arith.constant 1.000000e+00 : f32
    %logistic3A_902 = vector.broadcast %logistic3A_901 : f32 to vector<500x500xf32>
    %logistic3A_903 = arith.addf %logistic3A_902, %logistic3A_900 : vector<500x500xf32>
    %logistic3A_904 = arith.divf %logistic3A_902, %logistic3A_903 : vector<500x500xf32>
    %mul3A_905 = arith.constant 2.000000e-03 : f32
    %mul3A_906 = vector.broadcast %mul3A_905 : f32 to vector<500x500xf32>
    %mul3A_907 = arith.mulf %mul3A_906, %logistic3A_904 : vector<500x500xf32>
    %add3A_908 = arith.addf %get3A_1, %mul3A_907 : vector<500x500xf32>
    %add3A_909 = arith.addf %add3A_736, %add3A_908 : vector<500x500xf32>
    %broadcast_in_dim3A_910 = arith.constant 0.000000e+00 : f32
    %broadcast_in_dim3A_911 = vector.broadcast %broadcast_in_dim3A_910 : f32 to vector<500x8xf32>
    %reduce_max3A_912 = arith.constant dense<0xFF800000> : vector<500xf32>
    %reduce_max3A_913 = vector.multi_reduction <maximumf>, %add3A_908, %reduce_max3A_912 [1] : vector<500x500xf32> to vector<500xf32>
    %broadcast_in_dim3A_914 = vector.shape_cast %reduce_max3A_913 : vector<500xf32> to vector<500x1xf32>
    %ge3A_915 = vector.broadcast %broadcast_in_dim3A_914 : vector<500x1xf32> to vector<500x500xf32>
    %ge3A_916 = arith.cmpf oge, %add3A_908, %ge3A_915 : vector<500x500xf32>
    %jit3A_917 = arith.constant 1.000000e+09 : f32
    %broadcast_in_dim3A_918 = vector.broadcast %jit3A_917 : f32 to vector<500x500xf32>
    %select_n3A_919 = arith.select %ge3A_916, %convert_element_type3A, %broadcast_in_dim3A_918 : vector<500x500xi1>, vector<500x500xf32>
    %reduce_min3A_920 = arith.constant dense<0x7F800000> : vector<500xf32>
    %reduce_min3A_921 = vector.multi_reduction <minimumf>, %select_n3A_919, %reduce_min3A_920 [1] : vector<500x500xf32> to vector<500xf32>
    %broadcast_in_dim3A_922 = vector.shape_cast %reduce_min3A_921 : vector<500xf32> to vector<500x1xf32>
    %eq3A_923 = arith.constant 0 : i32
    %eq3A_924 = vector.broadcast %eq3A_923 : i32 to vector<500x8xi32>
    %eq3A_925 = arith.cmpi eq, %iota3A_3, %eq3A_924 : vector<500x8xi32>
    %broadcast_in_dim3A_926 = vector.shape_cast %broadcast_in_dim3A_922 : vector<500x1xf32> to vector<500x1xf32>
    %broadcast_in_dim3A_927 = vector.broadcast %broadcast_in_dim3A_926 : vector<500x1xf32> to vector<500x8xf32>
    %select_n3A_928 = arith.select %eq3A_925, %broadcast_in_dim3A_927, %broadcast_in_dim3A_911 : vector<500x8xi1>, vector<500x8xf32>
    %eq3A_929 = vector.broadcast %broadcast_in_dim3A_922 : vector<500x1xf32> to vector<500x500xf32>
    %eq3A_930 = arith.cmpf oeq, %convert_element_type3A, %eq3A_929 : vector<500x500xf32>
    %jit3A_931 = arith.constant 0xFF800000 : f32
    %broadcast_in_dim3A_932 = vector.broadcast %jit3A_931 : f32 to vector<500x500xf32>
    %select_n3A_933 = arith.select %eq3A_930, %broadcast_in_dim3A_932, %add3A_908 : vector<500x500xi1>, vector<500x500xf32>
    %reduce_max3A_934 = arith.constant dense<0xFF800000> : vector<500xf32>
    %reduce_max3A_935 = vector.multi_reduction <maximumf>, %select_n3A_933, %reduce_max3A_934 [1] : vector<500x500xf32> to vector<500xf32>
    %broadcast_in_dim3A_936 = vector.shape_cast %reduce_max3A_935 : vector<500xf32> to vector<500x1xf32>
    %ge3A_937 = vector.broadcast %broadcast_in_dim3A_936 : vector<500x1xf32> to vector<500x500xf32>
    %ge3A_938 = arith.cmpf oge, %select_n3A_933, %ge3A_937 : vector<500x500xf32>
    %jit3A_939 = arith.constant 1.000000e+09 : f32
    %broadcast_in_dim3A_940 = vector.broadcast %jit3A_939 : f32 to vector<500x500xf32>
    %select_n3A_941 = arith.select %ge3A_938, %convert_element_type3A, %broadcast_in_dim3A_940 : vector<500x500xi1>, vector<500x500xf32>
    %reduce_min3A_942 = arith.constant dense<0x7F800000> : vector<500xf32>
    %reduce_min3A_943 = vector.multi_reduction <minimumf>, %select_n3A_941, %reduce_min3A_942 [1] : vector<500x500xf32> to vector<500xf32>
    %broadcast_in_dim3A_944 = vector.shape_cast %reduce_min3A_943 : vector<500xf32> to vector<500x1xf32>
    %eq3A_945 = arith.constant 1 : i32
    %eq3A_946 = vector.broadcast %eq3A_945 : i32 to vector<500x8xi32>
    %eq3A_947 = arith.cmpi eq, %iota3A_3, %eq3A_946 : vector<500x8xi32>
    %broadcast_in_dim3A_948 = vector.shape_cast %broadcast_in_dim3A_944 : vector<500x1xf32> to vector<500x1xf32>
    %broadcast_in_dim3A_949 = vector.broadcast %broadcast_in_dim3A_948 : vector<500x1xf32> to vector<500x8xf32>
    %select_n3A_950 = arith.select %eq3A_947, %broadcast_in_dim3A_949, %select_n3A_928 : vector<500x8xi1>, vector<500x8xf32>
    %eq3A_951 = vector.broadcast %broadcast_in_dim3A_922 : vector<500x1xf32> to vector<500x500xf32>
    %eq3A_952 = arith.cmpf oeq, %convert_element_type3A, %eq3A_951 : vector<500x500xf32>
    %jit3A_953 = arith.constant 0xFF800000 : f32
    %broadcast_in_dim3A_954 = vector.broadcast %jit3A_953 : f32 to vector<500x500xf32>
    %select_n3A_955 = arith.select %eq3A_952, %broadcast_in_dim3A_954, %add3A_908 : vector<500x500xi1>, vector<500x500xf32>
    %eq3A_956 = vector.broadcast %broadcast_in_dim3A_944 : vector<500x1xf32> to vector<500x500xf32>
    %eq3A_957 = arith.cmpf oeq, %convert_element_type3A, %eq3A_956 : vector<500x500xf32>
    %jit3A_958 = arith.constant 0xFF800000 : f32
    %broadcast_in_dim3A_959 = vector.broadcast %jit3A_958 : f32 to vector<500x500xf32>
    %select_n3A_960 = arith.select %eq3A_957, %broadcast_in_dim3A_959, %select_n3A_955 : vector<500x500xi1>, vector<500x500xf32>
    %reduce_max3A_961 = arith.constant dense<0xFF800000> : vector<500xf32>
    %reduce_max3A_962 = vector.multi_reduction <maximumf>, %select_n3A_960, %reduce_max3A_961 [1] : vector<500x500xf32> to vector<500xf32>
    %broadcast_in_dim3A_963 = vector.shape_cast %reduce_max3A_962 : vector<500xf32> to vector<500x1xf32>
    %ge3A_964 = vector.broadcast %broadcast_in_dim3A_963 : vector<500x1xf32> to vector<500x500xf32>
    %ge3A_965 = arith.cmpf oge, %select_n3A_960, %ge3A_964 : vector<500x500xf32>
    %jit3A_966 = arith.constant 1.000000e+09 : f32
    %broadcast_in_dim3A_967 = vector.broadcast %jit3A_966 : f32 to vector<500x500xf32>
    %select_n3A_968 = arith.select %ge3A_965, %convert_element_type3A, %broadcast_in_dim3A_967 : vector<500x500xi1>, vector<500x500xf32>
    %reduce_min3A_969 = arith.constant dense<0x7F800000> : vector<500xf32>
    %reduce_min3A_970 = vector.multi_reduction <minimumf>, %select_n3A_968, %reduce_min3A_969 [1] : vector<500x500xf32> to vector<500xf32>
    %broadcast_in_dim3A_971 = vector.shape_cast %reduce_min3A_970 : vector<500xf32> to vector<500x1xf32>
    %eq3A_972 = arith.constant 2 : i32
    %eq3A_973 = vector.broadcast %eq3A_972 : i32 to vector<500x8xi32>
    %eq3A_974 = arith.cmpi eq, %iota3A_3, %eq3A_973 : vector<500x8xi32>
    %broadcast_in_dim3A_975 = vector.shape_cast %broadcast_in_dim3A_971 : vector<500x1xf32> to vector<500x1xf32>
    %broadcast_in_dim3A_976 = vector.broadcast %broadcast_in_dim3A_975 : vector<500x1xf32> to vector<500x8xf32>
    %select_n3A_977 = arith.select %eq3A_974, %broadcast_in_dim3A_976, %select_n3A_950 : vector<500x8xi1>, vector<500x8xf32>
    %eq3A_978 = vector.broadcast %broadcast_in_dim3A_922 : vector<500x1xf32> to vector<500x500xf32>
    %eq3A_979 = arith.cmpf oeq, %convert_element_type3A, %eq3A_978 : vector<500x500xf32>
    %jit3A_980 = arith.constant 0xFF800000 : f32
    %broadcast_in_dim3A_981 = vector.broadcast %jit3A_980 : f32 to vector<500x500xf32>
    %select_n3A_982 = arith.select %eq3A_979, %broadcast_in_dim3A_981, %add3A_908 : vector<500x500xi1>, vector<500x500xf32>
    %eq3A_983 = vector.broadcast %broadcast_in_dim3A_944 : vector<500x1xf32> to vector<500x500xf32>
    %eq3A_984 = arith.cmpf oeq, %convert_element_type3A, %eq3A_983 : vector<500x500xf32>
    %jit3A_985 = arith.constant 0xFF800000 : f32
    %broadcast_in_dim3A_986 = vector.broadcast %jit3A_985 : f32 to vector<500x500xf32>
    %select_n3A_987 = arith.select %eq3A_984, %broadcast_in_dim3A_986, %select_n3A_982 : vector<500x500xi1>, vector<500x500xf32>
    %eq3A_988 = vector.broadcast %broadcast_in_dim3A_971 : vector<500x1xf32> to vector<500x500xf32>
    %eq3A_989 = arith.cmpf oeq, %convert_element_type3A, %eq3A_988 : vector<500x500xf32>
    %jit3A_990 = arith.constant 0xFF800000 : f32
    %broadcast_in_dim3A_991 = vector.broadcast %jit3A_990 : f32 to vector<500x500xf32>
    %select_n3A_992 = arith.select %eq3A_989, %broadcast_in_dim3A_991, %select_n3A_987 : vector<500x500xi1>, vector<500x500xf32>
    %reduce_max3A_993 = arith.constant dense<0xFF800000> : vector<500xf32>
    %reduce_max3A_994 = vector.multi_reduction <maximumf>, %select_n3A_992, %reduce_max3A_993 [1] : vector<500x500xf32> to vector<500xf32>
    %broadcast_in_dim3A_995 = vector.shape_cast %reduce_max3A_994 : vector<500xf32> to vector<500x1xf32>
    %ge3A_996 = vector.broadcast %broadcast_in_dim3A_995 : vector<500x1xf32> to vector<500x500xf32>
    %ge3A_997 = arith.cmpf oge, %select_n3A_992, %ge3A_996 : vector<500x500xf32>
    %jit3A_998 = arith.constant 1.000000e+09 : f32
    %broadcast_in_dim3A_999 = vector.broadcast %jit3A_998 : f32 to vector<500x500xf32>
    %select_n3A_1000 = arith.select %ge3A_997, %convert_element_type3A, %broadcast_in_dim3A_999 : vector<500x500xi1>, vector<500x500xf32>
    %reduce_min3A_1001 = arith.constant dense<0x7F800000> : vector<500xf32>
    %reduce_min3A_1002 = vector.multi_reduction <minimumf>, %select_n3A_1000, %reduce_min3A_1001 [1] : vector<500x500xf32> to vector<500xf32>
    %broadcast_in_dim3A_1003 = vector.shape_cast %reduce_min3A_1002 : vector<500xf32> to vector<500x1xf32>
    %eq3A_1004 = arith.constant 3 : i32
    %eq3A_1005 = vector.broadcast %eq3A_1004 : i32 to vector<500x8xi32>
    %eq3A_1006 = arith.cmpi eq, %iota3A_3, %eq3A_1005 : vector<500x8xi32>
    %broadcast_in_dim3A_1007 = vector.shape_cast %broadcast_in_dim3A_1003 : vector<500x1xf32> to vector<500x1xf32>
    %broadcast_in_dim3A_1008 = vector.broadcast %broadcast_in_dim3A_1007 : vector<500x1xf32> to vector<500x8xf32>
    %select_n3A_1009 = arith.select %eq3A_1006, %broadcast_in_dim3A_1008, %select_n3A_977 : vector<500x8xi1>, vector<500x8xf32>
    %eq3A_1010 = vector.broadcast %broadcast_in_dim3A_922 : vector<500x1xf32> to vector<500x500xf32>
    %eq3A_1011 = arith.cmpf oeq, %convert_element_type3A, %eq3A_1010 : vector<500x500xf32>
    %jit3A_1012 = arith.constant 0xFF800000 : f32
    %broadcast_in_dim3A_1013 = vector.broadcast %jit3A_1012 : f32 to vector<500x500xf32>
    %select_n3A_1014 = arith.select %eq3A_1011, %broadcast_in_dim3A_1013, %add3A_908 : vector<500x500xi1>, vector<500x500xf32>
    %eq3A_1015 = vector.broadcast %broadcast_in_dim3A_944 : vector<500x1xf32> to vector<500x500xf32>
    %eq3A_1016 = arith.cmpf oeq, %convert_element_type3A, %eq3A_1015 : vector<500x500xf32>
    %jit3A_1017 = arith.constant 0xFF800000 : f32
    %broadcast_in_dim3A_1018 = vector.broadcast %jit3A_1017 : f32 to vector<500x500xf32>
    %select_n3A_1019 = arith.select %eq3A_1016, %broadcast_in_dim3A_1018, %select_n3A_1014 : vector<500x500xi1>, vector<500x500xf32>
    %eq3A_1020 = vector.broadcast %broadcast_in_dim3A_971 : vector<500x1xf32> to vector<500x500xf32>
    %eq3A_1021 = arith.cmpf oeq, %convert_element_type3A, %eq3A_1020 : vector<500x500xf32>
    %jit3A_1022 = arith.constant 0xFF800000 : f32
    %broadcast_in_dim3A_1023 = vector.broadcast %jit3A_1022 : f32 to vector<500x500xf32>
    %select_n3A_1024 = arith.select %eq3A_1021, %broadcast_in_dim3A_1023, %select_n3A_1019 : vector<500x500xi1>, vector<500x500xf32>
    %eq3A_1025 = vector.broadcast %broadcast_in_dim3A_1003 : vector<500x1xf32> to vector<500x500xf32>
    %eq3A_1026 = arith.cmpf oeq, %convert_element_type3A, %eq3A_1025 : vector<500x500xf32>
    %jit3A_1027 = arith.constant 0xFF800000 : f32
    %broadcast_in_dim3A_1028 = vector.broadcast %jit3A_1027 : f32 to vector<500x500xf32>
    %select_n3A_1029 = arith.select %eq3A_1026, %broadcast_in_dim3A_1028, %select_n3A_1024 : vector<500x500xi1>, vector<500x500xf32>
    %reduce_max3A_1030 = arith.constant dense<0xFF800000> : vector<500xf32>
    %reduce_max3A_1031 = vector.multi_reduction <maximumf>, %select_n3A_1029, %reduce_max3A_1030 [1] : vector<500x500xf32> to vector<500xf32>
    %broadcast_in_dim3A_1032 = vector.shape_cast %reduce_max3A_1031 : vector<500xf32> to vector<500x1xf32>
    %ge3A_1033 = vector.broadcast %broadcast_in_dim3A_1032 : vector<500x1xf32> to vector<500x500xf32>
    %ge3A_1034 = arith.cmpf oge, %select_n3A_1029, %ge3A_1033 : vector<500x500xf32>
    %jit3A_1035 = arith.constant 1.000000e+09 : f32
    %broadcast_in_dim3A_1036 = vector.broadcast %jit3A_1035 : f32 to vector<500x500xf32>
    %select_n3A_1037 = arith.select %ge3A_1034, %convert_element_type3A, %broadcast_in_dim3A_1036 : vector<500x500xi1>, vector<500x500xf32>
    %reduce_min3A_1038 = arith.constant dense<0x7F800000> : vector<500xf32>
    %reduce_min3A_1039 = vector.multi_reduction <minimumf>, %select_n3A_1037, %reduce_min3A_1038 [1] : vector<500x500xf32> to vector<500xf32>
    %broadcast_in_dim3A_1040 = vector.shape_cast %reduce_min3A_1039 : vector<500xf32> to vector<500x1xf32>
    %eq3A_1041 = arith.constant 4 : i32
    %eq3A_1042 = vector.broadcast %eq3A_1041 : i32 to vector<500x8xi32>
    %eq3A_1043 = arith.cmpi eq, %iota3A_3, %eq3A_1042 : vector<500x8xi32>
    %broadcast_in_dim3A_1044 = vector.shape_cast %broadcast_in_dim3A_1040 : vector<500x1xf32> to vector<500x1xf32>
    %broadcast_in_dim3A_1045 = vector.broadcast %broadcast_in_dim3A_1044 : vector<500x1xf32> to vector<500x8xf32>
    %select_n3A_1046 = arith.select %eq3A_1043, %broadcast_in_dim3A_1045, %select_n3A_1009 : vector<500x8xi1>, vector<500x8xf32>
    %convert_element_type3A_1047 = arith.fptosi %select_n3A_1046 : vector<500x8xf32> to vector<500x8xi32>
    %swap3A_1048 = arith.constant 0 : index
    %swap3A_1049 = arith.constant 5 : index
    %swap3A_1050 = arith.constant 0 : index
    %swap3A_1051 = arith.constant 0 : index
    %swap3A_1052 = vector.load %arg8[%swap3A_1048, %swap3A_1049, %swap3A_1050, %swap3A_1051] : memref<1x8x500x8xi32, #tpu.memory_space<vmem>>, vector<1x1x500x8xi32>
    %swap3A_1053 = vector.shape_cast %swap3A_1052 : vector<1x1x500x8xi32> to vector<500x8xi32>
    %swap3A_1054 = vector.shape_cast %convert_element_type3A_1047 : vector<500x8xi32> to vector<1x1x500x8xi32>
    tpu.vector_store %arg8[%swap3A_1048, %swap3A_1049, %swap3A_1050, %swap3A_1051], %swap3A_1054 {strides = array<i32>} : memref<1x8x500x8xi32, #tpu.memory_space<vmem>>, vector<1x1x500x8xi32>,
    %get3A_1055 = arith.constant 0 : index
    %get3A_1056 = arith.constant 6 : index
    %get3A_1057 = arith.constant 0 : index
    %get3A_1058 = arith.constant 0 : index
    %get3A_1059 = vector.load %arg2[%get3A_1055, %get3A_1056, %get3A_1057, %get3A_1058] : memref<1x8x500x24xf32, #tpu.memory_space<vmem>>, vector<1x1x500x24xf32>
    %get3A_1060 = vector.shape_cast %get3A_1059 : vector<1x1x500x24xf32> to vector<500x24xf32>
    %dot_general3A_1061 = arith.constant dense<0.000000e+00> : vector<500x10xf32>
    %dot_general3A_1062 = tpu.matmul %get3A_1060, %get3A_21, %dot_general3A_1061 {dimension_numbers = #tpu.dot_dimension_numbers<[1], [1], [0], [0], [0, 0, 1, 0], [], []>, transpose_lhs_hint = false} : vector<500x24xf32>, vector<10x24xf32>, vector<500x10xf32> -> vector<500x10xf32>
    %broadcast_in_dim3A_1063 = vector.shape_cast %get3A_18 : vector<10xf32> to vector<1x10xf32>
    %add3A_1064 = vector.broadcast %broadcast_in_dim3A_1063 : vector<1x10xf32> to vector<500x10xf32>
    %add3A_1065 = arith.addf %dot_general3A_1062, %add3A_1064 : vector<500x10xf32>
    %dot_general3A_1066 = arith.constant dense<0.000000e+00> : vector<500x500xf32>
    %dot_general3A_1067 = tpu.matmul %add3A_1065, %add3A_1065, %dot_general3A_1066 {dimension_numbers = #tpu.dot_dimension_numbers<[1], [1], [0], [0], [0, 0, 1, 0], [], []>, transpose_lhs_hint = false} : vector<500x10xf32>, vector<500x10xf32>, vector<500x500xf32> -> vector<500x500xf32>
    %add3A_1068 = arith.addf %dot_general3A_1067, %mul3A_14 : vector<500x500xf32>
    %mul3A_1069 = arith.constant 0.316227764 : f32
    %mul3A_1070 = vector.broadcast %mul3A_1069 : f32 to vector<500x500xf32>
    %mul3A_1071 = arith.mulf %add3A_1068, %mul3A_1070 : vector<500x500xf32>
    %logistic3A_1072 = arith.negf %mul3A_1071 : vector<500x500xf32>
    %logistic3A_1073 = math.exp %logistic3A_1072 : vector<500x500xf32>
    %logistic3A_1074 = arith.constant 1.000000e+00 : f32
    %logistic3A_1075 = vector.broadcast %logistic3A_1074 : f32 to vector<500x500xf32>
    %logistic3A_1076 = arith.addf %logistic3A_1075, %logistic3A_1073 : vector<500x500xf32>
    %logistic3A_1077 = arith.divf %logistic3A_1075, %logistic3A_1076 : vector<500x500xf32>
    %mul3A_1078 = arith.constant 2.000000e-03 : f32
    %mul3A_1079 = vector.broadcast %mul3A_1078 : f32 to vector<500x500xf32>
    %mul3A_1080 = arith.mulf %mul3A_1079, %logistic3A_1077 : vector<500x500xf32>
    %add3A_1081 = arith.addf %get3A_1, %mul3A_1080 : vector<500x500xf32>
    %add3A_1082 = arith.addf %add3A_909, %add3A_1081 : vector<500x500xf32>
    %broadcast_in_dim3A_1083 = arith.constant 0.000000e+00 : f32
    %broadcast_in_dim3A_1084 = vector.broadcast %broadcast_in_dim3A_1083 : f32 to vector<500x8xf32>
    %reduce_max3A_1085 = arith.constant dense<0xFF800000> : vector<500xf32>
    %reduce_max3A_1086 = vector.multi_reduction <maximumf>, %add3A_1081, %reduce_max3A_1085 [1] : vector<500x500xf32> to vector<500xf32>
    %broadcast_in_dim3A_1087 = vector.shape_cast %reduce_max3A_1086 : vector<500xf32> to vector<500x1xf32>
    %ge3A_1088 = vector.broadcast %broadcast_in_dim3A_1087 : vector<500x1xf32> to vector<500x500xf32>
    %ge3A_1089 = arith.cmpf oge, %add3A_1081, %ge3A_1088 : vector<500x500xf32>
    %jit3A_1090 = arith.constant 1.000000e+09 : f32
    %broadcast_in_dim3A_1091 = vector.broadcast %jit3A_1090 : f32 to vector<500x500xf32>
    %select_n3A_1092 = arith.select %ge3A_1089, %convert_element_type3A, %broadcast_in_dim3A_1091 : vector<500x500xi1>, vector<500x500xf32>
    %reduce_min3A_1093 = arith.constant dense<0x7F800000> : vector<500xf32>
    %reduce_min3A_1094 = vector.multi_reduction <minimumf>, %select_n3A_1092, %reduce_min3A_1093 [1] : vector<500x500xf32> to vector<500xf32>
    %broadcast_in_dim3A_1095 = vector.shape_cast %reduce_min3A_1094 : vector<500xf32> to vector<500x1xf32>
    %eq3A_1096 = arith.constant 0 : i32
    %eq3A_1097 = vector.broadcast %eq3A_1096 : i32 to vector<500x8xi32>
    %eq3A_1098 = arith.cmpi eq, %iota3A_3, %eq3A_1097 : vector<500x8xi32>
    %broadcast_in_dim3A_1099 = vector.shape_cast %broadcast_in_dim3A_1095 : vector<500x1xf32> to vector<500x1xf32>
    %broadcast_in_dim3A_1100 = vector.broadcast %broadcast_in_dim3A_1099 : vector<500x1xf32> to vector<500x8xf32>
    %select_n3A_1101 = arith.select %eq3A_1098, %broadcast_in_dim3A_1100, %broadcast_in_dim3A_1084 : vector<500x8xi1>, vector<500x8xf32>
    %eq3A_1102 = vector.broadcast %broadcast_in_dim3A_1095 : vector<500x1xf32> to vector<500x500xf32>
    %eq3A_1103 = arith.cmpf oeq, %convert_element_type3A, %eq3A_1102 : vector<500x500xf32>
    %jit3A_1104 = arith.constant 0xFF800000 : f32
    %broadcast_in_dim3A_1105 = vector.broadcast %jit3A_1104 : f32 to vector<500x500xf32>
    %select_n3A_1106 = arith.select %eq3A_1103, %broadcast_in_dim3A_1105, %add3A_1081 : vector<500x500xi1>, vector<500x500xf32>
    %reduce_max3A_1107 = arith.constant dense<0xFF800000> : vector<500xf32>
    %reduce_max3A_1108 = vector.multi_reduction <maximumf>, %select_n3A_1106, %reduce_max3A_1107 [1] : vector<500x500xf32> to vector<500xf32>
    %broadcast_in_dim3A_1109 = vector.shape_cast %reduce_max3A_1108 : vector<500xf32> to vector<500x1xf32>
    %ge3A_1110 = vector.broadcast %broadcast_in_dim3A_1109 : vector<500x1xf32> to vector<500x500xf32>
    %ge3A_1111 = arith.cmpf oge, %select_n3A_1106, %ge3A_1110 : vector<500x500xf32>
    %jit3A_1112 = arith.constant 1.000000e+09 : f32
    %broadcast_in_dim3A_1113 = vector.broadcast %jit3A_1112 : f32 to vector<500x500xf32>
    %select_n3A_1114 = arith.select %ge3A_1111, %convert_element_type3A, %broadcast_in_dim3A_1113 : vector<500x500xi1>, vector<500x500xf32>
    %reduce_min3A_1115 = arith.constant dense<0x7F800000> : vector<500xf32>
    %reduce_min3A_1116 = vector.multi_reduction <minimumf>, %select_n3A_1114, %reduce_min3A_1115 [1] : vector<500x500xf32> to vector<500xf32>
    %broadcast_in_dim3A_1117 = vector.shape_cast %reduce_min3A_1116 : vector<500xf32> to vector<500x1xf32>
    %eq3A_1118 = arith.constant 1 : i32
    %eq3A_1119 = vector.broadcast %eq3A_1118 : i32 to vector<500x8xi32>
    %eq3A_1120 = arith.cmpi eq, %iota3A_3, %eq3A_1119 : vector<500x8xi32>
    %broadcast_in_dim3A_1121 = vector.shape_cast %broadcast_in_dim3A_1117 : vector<500x1xf32> to vector<500x1xf32>
    %broadcast_in_dim3A_1122 = vector.broadcast %broadcast_in_dim3A_1121 : vector<500x1xf32> to vector<500x8xf32>
    %select_n3A_1123 = arith.select %eq3A_1120, %broadcast_in_dim3A_1122, %select_n3A_1101 : vector<500x8xi1>, vector<500x8xf32>
    %eq3A_1124 = vector.broadcast %broadcast_in_dim3A_1095 : vector<500x1xf32> to vector<500x500xf32>
    %eq3A_1125 = arith.cmpf oeq, %convert_element_type3A, %eq3A_1124 : vector<500x500xf32>
    %jit3A_1126 = arith.constant 0xFF800000 : f32
    %broadcast_in_dim3A_1127 = vector.broadcast %jit3A_1126 : f32 to vector<500x500xf32>
    %select_n3A_1128 = arith.select %eq3A_1125, %broadcast_in_dim3A_1127, %add3A_1081 : vector<500x500xi1>, vector<500x500xf32>
    %eq3A_1129 = vector.broadcast %broadcast_in_dim3A_1117 : vector<500x1xf32> to vector<500x500xf32>
    %eq3A_1130 = arith.cmpf oeq, %convert_element_type3A, %eq3A_1129 : vector<500x500xf32>
    %jit3A_1131 = arith.constant 0xFF800000 : f32
    %broadcast_in_dim3A_1132 = vector.broadcast %jit3A_1131 : f32 to vector<500x500xf32>
    %select_n3A_1133 = arith.select %eq3A_1130, %broadcast_in_dim3A_1132, %select_n3A_1128 : vector<500x500xi1>, vector<500x500xf32>
    %reduce_max3A_1134 = arith.constant dense<0xFF800000> : vector<500xf32>
    %reduce_max3A_1135 = vector.multi_reduction <maximumf>, %select_n3A_1133, %reduce_max3A_1134 [1] : vector<500x500xf32> to vector<500xf32>
    %broadcast_in_dim3A_1136 = vector.shape_cast %reduce_max3A_1135 : vector<500xf32> to vector<500x1xf32>
    %ge3A_1137 = vector.broadcast %broadcast_in_dim3A_1136 : vector<500x1xf32> to vector<500x500xf32>
    %ge3A_1138 = arith.cmpf oge, %select_n3A_1133, %ge3A_1137 : vector<500x500xf32>
    %jit3A_1139 = arith.constant 1.000000e+09 : f32
    %broadcast_in_dim3A_1140 = vector.broadcast %jit3A_1139 : f32 to vector<500x500xf32>
    %select_n3A_1141 = arith.select %ge3A_1138, %convert_element_type3A, %broadcast_in_dim3A_1140 : vector<500x500xi1>, vector<500x500xf32>
    %reduce_min3A_1142 = arith.constant dense<0x7F800000> : vector<500xf32>
    %reduce_min3A_1143 = vector.multi_reduction <minimumf>, %select_n3A_1141, %reduce_min3A_1142 [1] : vector<500x500xf32> to vector<500xf32>
    %broadcast_in_dim3A_1144 = vector.shape_cast %reduce_min3A_1143 : vector<500xf32> to vector<500x1xf32>
    %eq3A_1145 = arith.constant 2 : i32
    %eq3A_1146 = vector.broadcast %eq3A_1145 : i32 to vector<500x8xi32>
    %eq3A_1147 = arith.cmpi eq, %iota3A_3, %eq3A_1146 : vector<500x8xi32>
    %broadcast_in_dim3A_1148 = vector.shape_cast %broadcast_in_dim3A_1144 : vector<500x1xf32> to vector<500x1xf32>
    %broadcast_in_dim3A_1149 = vector.broadcast %broadcast_in_dim3A_1148 : vector<500x1xf32> to vector<500x8xf32>
    %select_n3A_1150 = arith.select %eq3A_1147, %broadcast_in_dim3A_1149, %select_n3A_1123 : vector<500x8xi1>, vector<500x8xf32>
    %eq3A_1151 = vector.broadcast %broadcast_in_dim3A_1095 : vector<500x1xf32> to vector<500x500xf32>
    %eq3A_1152 = arith.cmpf oeq, %convert_element_type3A, %eq3A_1151 : vector<500x500xf32>
    %jit3A_1153 = arith.constant 0xFF800000 : f32
    %broadcast_in_dim3A_1154 = vector.broadcast %jit3A_1153 : f32 to vector<500x500xf32>
    %select_n3A_1155 = arith.select %eq3A_1152, %broadcast_in_dim3A_1154, %add3A_1081 : vector<500x500xi1>, vector<500x500xf32>
    %eq3A_1156 = vector.broadcast %broadcast_in_dim3A_1117 : vector<500x1xf32> to vector<500x500xf32>
    %eq3A_1157 = arith.cmpf oeq, %convert_element_type3A, %eq3A_1156 : vector<500x500xf32>
    %jit3A_1158 = arith.constant 0xFF800000 : f32
    %broadcast_in_dim3A_1159 = vector.broadcast %jit3A_1158 : f32 to vector<500x500xf32>
    %select_n3A_1160 = arith.select %eq3A_1157, %broadcast_in_dim3A_1159, %select_n3A_1155 : vector<500x500xi1>, vector<500x500xf32>
    %eq3A_1161 = vector.broadcast %broadcast_in_dim3A_1144 : vector<500x1xf32> to vector<500x500xf32>
    %eq3A_1162 = arith.cmpf oeq, %convert_element_type3A, %eq3A_1161 : vector<500x500xf32>
    %jit3A_1163 = arith.constant 0xFF800000 : f32
    %broadcast_in_dim3A_1164 = vector.broadcast %jit3A_1163 : f32 to vector<500x500xf32>
    %select_n3A_1165 = arith.select %eq3A_1162, %broadcast_in_dim3A_1164, %select_n3A_1160 : vector<500x500xi1>, vector<500x500xf32>
    %reduce_max3A_1166 = arith.constant dense<0xFF800000> : vector<500xf32>
    %reduce_max3A_1167 = vector.multi_reduction <maximumf>, %select_n3A_1165, %reduce_max3A_1166 [1] : vector<500x500xf32> to vector<500xf32>
    %broadcast_in_dim3A_1168 = vector.shape_cast %reduce_max3A_1167 : vector<500xf32> to vector<500x1xf32>
    %ge3A_1169 = vector.broadcast %broadcast_in_dim3A_1168 : vector<500x1xf32> to vector<500x500xf32>
    %ge3A_1170 = arith.cmpf oge, %select_n3A_1165, %ge3A_1169 : vector<500x500xf32>
    %jit3A_1171 = arith.constant 1.000000e+09 : f32
    %broadcast_in_dim3A_1172 = vector.broadcast %jit3A_1171 : f32 to vector<500x500xf32>
    %select_n3A_1173 = arith.select %ge3A_1170, %convert_element_type3A, %broadcast_in_dim3A_1172 : vector<500x500xi1>, vector<500x500xf32>
    %reduce_min3A_1174 = arith.constant dense<0x7F800000> : vector<500xf32>
    %reduce_min3A_1175 = vector.multi_reduction <minimumf>, %select_n3A_1173, %reduce_min3A_1174 [1] : vector<500x500xf32> to vector<500xf32>
    %broadcast_in_dim3A_1176 = vector.shape_cast %reduce_min3A_1175 : vector<500xf32> to vector<500x1xf32>
    %eq3A_1177 = arith.constant 3 : i32
    %eq3A_1178 = vector.broadcast %eq3A_1177 : i32 to vector<500x8xi32>
    %eq3A_1179 = arith.cmpi eq, %iota3A_3, %eq3A_1178 : vector<500x8xi32>
    %broadcast_in_dim3A_1180 = vector.shape_cast %broadcast_in_dim3A_1176 : vector<500x1xf32> to vector<500x1xf32>
    %broadcast_in_dim3A_1181 = vector.broadcast %broadcast_in_dim3A_1180 : vector<500x1xf32> to vector<500x8xf32>
    %select_n3A_1182 = arith.select %eq3A_1179, %broadcast_in_dim3A_1181, %select_n3A_1150 : vector<500x8xi1>, vector<500x8xf32>
    %eq3A_1183 = vector.broadcast %broadcast_in_dim3A_1095 : vector<500x1xf32> to vector<500x500xf32>
    %eq3A_1184 = arith.cmpf oeq, %convert_element_type3A, %eq3A_1183 : vector<500x500xf32>
    %jit3A_1185 = arith.constant 0xFF800000 : f32
    %broadcast_in_dim3A_1186 = vector.broadcast %jit3A_1185 : f32 to vector<500x500xf32>
    %select_n3A_1187 = arith.select %eq3A_1184, %broadcast_in_dim3A_1186, %add3A_1081 : vector<500x500xi1>, vector<500x500xf32>
    %eq3A_1188 = vector.broadcast %broadcast_in_dim3A_1117 : vector<500x1xf32> to vector<500x500xf32>
    %eq3A_1189 = arith.cmpf oeq, %convert_element_type3A, %eq3A_1188 : vector<500x500xf32>
    %jit3A_1190 = arith.constant 0xFF800000 : f32
    %broadcast_in_dim3A_1191 = vector.broadcast %jit3A_1190 : f32 to vector<500x500xf32>
    %select_n3A_1192 = arith.select %eq3A_1189, %broadcast_in_dim3A_1191, %select_n3A_1187 : vector<500x500xi1>, vector<500x500xf32>
    %eq3A_1193 = vector.broadcast %broadcast_in_dim3A_1144 : vector<500x1xf32> to vector<500x500xf32>
    %eq3A_1194 = arith.cmpf oeq, %convert_element_type3A, %eq3A_1193 : vector<500x500xf32>
    %jit3A_1195 = arith.constant 0xFF800000 : f32
    %broadcast_in_dim3A_1196 = vector.broadcast %jit3A_1195 : f32 to vector<500x500xf32>
    %select_n3A_1197 = arith.select %eq3A_1194, %broadcast_in_dim3A_1196, %select_n3A_1192 : vector<500x500xi1>, vector<500x500xf32>
    %eq3A_1198 = vector.broadcast %broadcast_in_dim3A_1176 : vector<500x1xf32> to vector<500x500xf32>
    %eq3A_1199 = arith.cmpf oeq, %convert_element_type3A, %eq3A_1198 : vector<500x500xf32>
    %jit3A_1200 = arith.constant 0xFF800000 : f32
    %broadcast_in_dim3A_1201 = vector.broadcast %jit3A_1200 : f32 to vector<500x500xf32>
    %select_n3A_1202 = arith.select %eq3A_1199, %broadcast_in_dim3A_1201, %select_n3A_1197 : vector<500x500xi1>, vector<500x500xf32>
    %reduce_max3A_1203 = arith.constant dense<0xFF800000> : vector<500xf32>
    %reduce_max3A_1204 = vector.multi_reduction <maximumf>, %select_n3A_1202, %reduce_max3A_1203 [1] : vector<500x500xf32> to vector<500xf32>
    %broadcast_in_dim3A_1205 = vector.shape_cast %reduce_max3A_1204 : vector<500xf32> to vector<500x1xf32>
    %ge3A_1206 = vector.broadcast %broadcast_in_dim3A_1205 : vector<500x1xf32> to vector<500x500xf32>
    %ge3A_1207 = arith.cmpf oge, %select_n3A_1202, %ge3A_1206 : vector<500x500xf32>
    %jit3A_1208 = arith.constant 1.000000e+09 : f32
    %broadcast_in_dim3A_1209 = vector.broadcast %jit3A_1208 : f32 to vector<500x500xf32>
    %select_n3A_1210 = arith.select %ge3A_1207, %convert_element_type3A, %broadcast_in_dim3A_1209 : vector<500x500xi1>, vector<500x500xf32>
    %reduce_min3A_1211 = arith.constant dense<0x7F800000> : vector<500xf32>
    %reduce_min3A_1212 = vector.multi_reduction <minimumf>, %select_n3A_1210, %reduce_min3A_1211 [1] : vector<500x500xf32> to vector<500xf32>
    %broadcast_in_dim3A_1213 = vector.shape_cast %reduce_min3A_1212 : vector<500xf32> to vector<500x1xf32>
    %eq3A_1214 = arith.constant 4 : i32
    %eq3A_1215 = vector.broadcast %eq3A_1214 : i32 to vector<500x8xi32>
    %eq3A_1216 = arith.cmpi eq, %iota3A_3, %eq3A_1215 : vector<500x8xi32>
    %broadcast_in_dim3A_1217 = vector.shape_cast %broadcast_in_dim3A_1213 : vector<500x1xf32> to vector<500x1xf32>
    %broadcast_in_dim3A_1218 = vector.broadcast %broadcast_in_dim3A_1217 : vector<500x1xf32> to vector<500x8xf32>
    %select_n3A_1219 = arith.select %eq3A_1216, %broadcast_in_dim3A_1218, %select_n3A_1182 : vector<500x8xi1>, vector<500x8xf32>
    %convert_element_type3A_1220 = arith.fptosi %select_n3A_1219 : vector<500x8xf32> to vector<500x8xi32>
    %swap3A_1221 = arith.constant 0 : index
    %swap3A_1222 = arith.constant 6 : index
    %swap3A_1223 = arith.constant 0 : index
    %swap3A_1224 = arith.constant 0 : index
    %swap3A_1225 = vector.load %arg8[%swap3A_1221, %swap3A_1222, %swap3A_1223, %swap3A_1224] : memref<1x8x500x8xi32, #tpu.memory_space<vmem>>, vector<1x1x500x8xi32>
    %swap3A_1226 = vector.shape_cast %swap3A_1225 : vector<1x1x500x8xi32> to vector<500x8xi32>
    %swap3A_1227 = vector.shape_cast %convert_element_type3A_1220 : vector<500x8xi32> to vector<1x1x500x8xi32>
    tpu.vector_store %arg8[%swap3A_1221, %swap3A_1222, %swap3A_1223, %swap3A_1224], %swap3A_1227 {strides = array<i32>} : memref<1x8x500x8xi32, #tpu.memory_space<vmem>>, vector<1x1x500x8xi32>,
    %get3A_1228 = arith.constant 0 : index
    %get3A_1229 = arith.constant 7 : index
    %get3A_1230 = arith.constant 0 : index
    %get3A_1231 = arith.constant 0 : index
    %get3A_1232 = vector.load %arg2[%get3A_1228, %get3A_1229, %get3A_1230, %get3A_1231] : memref<1x8x500x24xf32, #tpu.memory_space<vmem>>, vector<1x1x500x24xf32>
    %get3A_1233 = vector.shape_cast %get3A_1232 : vector<1x1x500x24xf32> to vector<500x24xf32>
    %dot_general3A_1234 = arith.constant dense<0.000000e+00> : vector<500x10xf32>
    %dot_general3A_1235 = tpu.matmul %get3A_1233, %get3A_21, %dot_general3A_1234 {dimension_numbers = #tpu.dot_dimension_numbers<[1], [1], [0], [0], [0, 0, 1, 0], [], []>, transpose_lhs_hint = false} : vector<500x24xf32>, vector<10x24xf32>, vector<500x10xf32> -> vector<500x10xf32>
    %broadcast_in_dim3A_1236 = vector.shape_cast %get3A_18 : vector<10xf32> to vector<1x10xf32>
    %add3A_1237 = vector.broadcast %broadcast_in_dim3A_1236 : vector<1x10xf32> to vector<500x10xf32>
    %add3A_1238 = arith.addf %dot_general3A_1235, %add3A_1237 : vector<500x10xf32>
    %dot_general3A_1239 = arith.constant dense<0.000000e+00> : vector<500x500xf32>
    %dot_general3A_1240 = tpu.matmul %add3A_1238, %add3A_1238, %dot_general3A_1239 {dimension_numbers = #tpu.dot_dimension_numbers<[1], [1], [0], [0], [0, 0, 1, 0], [], []>, transpose_lhs_hint = false} : vector<500x10xf32>, vector<500x10xf32>, vector<500x500xf32> -> vector<500x500xf32>
    %add3A_1241 = arith.addf %dot_general3A_1240, %mul3A_14 : vector<500x500xf32>
    %mul3A_1242 = arith.constant 0.316227764 : f32
    %mul3A_1243 = vector.broadcast %mul3A_1242 : f32 to vector<500x500xf32>
    %mul3A_1244 = arith.mulf %add3A_1241, %mul3A_1243 : vector<500x500xf32>
    %logistic3A_1245 = arith.negf %mul3A_1244 : vector<500x500xf32>
    %logistic3A_1246 = math.exp %logistic3A_1245 : vector<500x500xf32>
    %logistic3A_1247 = arith.constant 1.000000e+00 : f32
    %logistic3A_1248 = vector.broadcast %logistic3A_1247 : f32 to vector<500x500xf32>
    %logistic3A_1249 = arith.addf %logistic3A_1248, %logistic3A_1246 : vector<500x500xf32>
    %logistic3A_1250 = arith.divf %logistic3A_1248, %logistic3A_1249 : vector<500x500xf32>
    %mul3A_1251 = arith.constant 2.000000e-03 : f32
    %mul3A_1252 = vector.broadcast %mul3A_1251 : f32 to vector<500x500xf32>
    %mul3A_1253 = arith.mulf %mul3A_1252, %logistic3A_1250 : vector<500x500xf32>
    %add3A_1254 = arith.addf %get3A_1, %mul3A_1253 : vector<500x500xf32>
    %add3A_1255 = arith.addf %add3A_1082, %add3A_1254 : vector<500x500xf32>
    %broadcast_in_dim3A_1256 = arith.constant 0.000000e+00 : f32
    %broadcast_in_dim3A_1257 = vector.broadcast %broadcast_in_dim3A_1256 : f32 to vector<500x8xf32>
    %reduce_max3A_1258 = arith.constant dense<0xFF800000> : vector<500xf32>
    %reduce_max3A_1259 = vector.multi_reduction <maximumf>, %add3A_1254, %reduce_max3A_1258 [1] : vector<500x500xf32> to vector<500xf32>
    %broadcast_in_dim3A_1260 = vector.shape_cast %reduce_max3A_1259 : vector<500xf32> to vector<500x1xf32>
    %ge3A_1261 = vector.broadcast %broadcast_in_dim3A_1260 : vector<500x1xf32> to vector<500x500xf32>
    %ge3A_1262 = arith.cmpf oge, %add3A_1254, %ge3A_1261 : vector<500x500xf32>
    %jit3A_1263 = arith.constant 1.000000e+09 : f32
    %broadcast_in_dim3A_1264 = vector.broadcast %jit3A_1263 : f32 to vector<500x500xf32>
    %select_n3A_1265 = arith.select %ge3A_1262, %convert_element_type3A, %broadcast_in_dim3A_1264 : vector<500x500xi1>, vector<500x500xf32>
    %reduce_min3A_1266 = arith.constant dense<0x7F800000> : vector<500xf32>
    %reduce_min3A_1267 = vector.multi_reduction <minimumf>, %select_n3A_1265, %reduce_min3A_1266 [1] : vector<500x500xf32> to vector<500xf32>
    %broadcast_in_dim3A_1268 = vector.shape_cast %reduce_min3A_1267 : vector<500xf32> to vector<500x1xf32>
    %eq3A_1269 = arith.constant 0 : i32
    %eq3A_1270 = vector.broadcast %eq3A_1269 : i32 to vector<500x8xi32>
    %eq3A_1271 = arith.cmpi eq, %iota3A_3, %eq3A_1270 : vector<500x8xi32>
    %broadcast_in_dim3A_1272 = vector.shape_cast %broadcast_in_dim3A_1268 : vector<500x1xf32> to vector<500x1xf32>
    %broadcast_in_dim3A_1273 = vector.broadcast %broadcast_in_dim3A_1272 : vector<500x1xf32> to vector<500x8xf32>
    %select_n3A_1274 = arith.select %eq3A_1271, %broadcast_in_dim3A_1273, %broadcast_in_dim3A_1257 : vector<500x8xi1>, vector<500x8xf32>
    %eq3A_1275 = vector.broadcast %broadcast_in_dim3A_1268 : vector<500x1xf32> to vector<500x500xf32>
    %eq3A_1276 = arith.cmpf oeq, %convert_element_type3A, %eq3A_1275 : vector<500x500xf32>
    %jit3A_1277 = arith.constant 0xFF800000 : f32
    %broadcast_in_dim3A_1278 = vector.broadcast %jit3A_1277 : f32 to vector<500x500xf32>
    %select_n3A_1279 = arith.select %eq3A_1276, %broadcast_in_dim3A_1278, %add3A_1254 : vector<500x500xi1>, vector<500x500xf32>
    %reduce_max3A_1280 = arith.constant dense<0xFF800000> : vector<500xf32>
    %reduce_max3A_1281 = vector.multi_reduction <maximumf>, %select_n3A_1279, %reduce_max3A_1280 [1] : vector<500x500xf32> to vector<500xf32>
    %broadcast_in_dim3A_1282 = vector.shape_cast %reduce_max3A_1281 : vector<500xf32> to vector<500x1xf32>
    %ge3A_1283 = vector.broadcast %broadcast_in_dim3A_1282 : vector<500x1xf32> to vector<500x500xf32>
    %ge3A_1284 = arith.cmpf oge, %select_n3A_1279, %ge3A_1283 : vector<500x500xf32>
    %jit3A_1285 = arith.constant 1.000000e+09 : f32
    %broadcast_in_dim3A_1286 = vector.broadcast %jit3A_1285 : f32 to vector<500x500xf32>
    %select_n3A_1287 = arith.select %ge3A_1284, %convert_element_type3A, %broadcast_in_dim3A_1286 : vector<500x500xi1>, vector<500x500xf32>
    %reduce_min3A_1288 = arith.constant dense<0x7F800000> : vector<500xf32>
    %reduce_min3A_1289 = vector.multi_reduction <minimumf>, %select_n3A_1287, %reduce_min3A_1288 [1] : vector<500x500xf32> to vector<500xf32>
    %broadcast_in_dim3A_1290 = vector.shape_cast %reduce_min3A_1289 : vector<500xf32> to vector<500x1xf32>
    %eq3A_1291 = arith.constant 1 : i32
    %eq3A_1292 = vector.broadcast %eq3A_1291 : i32 to vector<500x8xi32>
    %eq3A_1293 = arith.cmpi eq, %iota3A_3, %eq3A_1292 : vector<500x8xi32>
    %broadcast_in_dim3A_1294 = vector.shape_cast %broadcast_in_dim3A_1290 : vector<500x1xf32> to vector<500x1xf32>
    %broadcast_in_dim3A_1295 = vector.broadcast %broadcast_in_dim3A_1294 : vector<500x1xf32> to vector<500x8xf32>
    %select_n3A_1296 = arith.select %eq3A_1293, %broadcast_in_dim3A_1295, %select_n3A_1274 : vector<500x8xi1>, vector<500x8xf32>
    %eq3A_1297 = vector.broadcast %broadcast_in_dim3A_1268 : vector<500x1xf32> to vector<500x500xf32>
    %eq3A_1298 = arith.cmpf oeq, %convert_element_type3A, %eq3A_1297 : vector<500x500xf32>
    %jit3A_1299 = arith.constant 0xFF800000 : f32
    %broadcast_in_dim3A_1300 = vector.broadcast %jit3A_1299 : f32 to vector<500x500xf32>
    %select_n3A_1301 = arith.select %eq3A_1298, %broadcast_in_dim3A_1300, %add3A_1254 : vector<500x500xi1>, vector<500x500xf32>
    %eq3A_1302 = vector.broadcast %broadcast_in_dim3A_1290 : vector<500x1xf32> to vector<500x500xf32>
    %eq3A_1303 = arith.cmpf oeq, %convert_element_type3A, %eq3A_1302 : vector<500x500xf32>
    %jit3A_1304 = arith.constant 0xFF800000 : f32
    %broadcast_in_dim3A_1305 = vector.broadcast %jit3A_1304 : f32 to vector<500x500xf32>
    %select_n3A_1306 = arith.select %eq3A_1303, %broadcast_in_dim3A_1305, %select_n3A_1301 : vector<500x500xi1>, vector<500x500xf32>
    %reduce_max3A_1307 = arith.constant dense<0xFF800000> : vector<500xf32>
    %reduce_max3A_1308 = vector.multi_reduction <maximumf>, %select_n3A_1306, %reduce_max3A_1307 [1] : vector<500x500xf32> to vector<500xf32>
    %broadcast_in_dim3A_1309 = vector.shape_cast %reduce_max3A_1308 : vector<500xf32> to vector<500x1xf32>
    %ge3A_1310 = vector.broadcast %broadcast_in_dim3A_1309 : vector<500x1xf32> to vector<500x500xf32>
    %ge3A_1311 = arith.cmpf oge, %select_n3A_1306, %ge3A_1310 : vector<500x500xf32>
    %jit3A_1312 = arith.constant 1.000000e+09 : f32
    %broadcast_in_dim3A_1313 = vector.broadcast %jit3A_1312 : f32 to vector<500x500xf32>
    %select_n3A_1314 = arith.select %ge3A_1311, %convert_element_type3A, %broadcast_in_dim3A_1313 : vector<500x500xi1>, vector<500x500xf32>
    %reduce_min3A_1315 = arith.constant dense<0x7F800000> : vector<500xf32>
    %reduce_min3A_1316 = vector.multi_reduction <minimumf>, %select_n3A_1314, %reduce_min3A_1315 [1] : vector<500x500xf32> to vector<500xf32>
    %broadcast_in_dim3A_1317 = vector.shape_cast %reduce_min3A_1316 : vector<500xf32> to vector<500x1xf32>
    %eq3A_1318 = arith.constant 2 : i32
    %eq3A_1319 = vector.broadcast %eq3A_1318 : i32 to vector<500x8xi32>
    %eq3A_1320 = arith.cmpi eq, %iota3A_3, %eq3A_1319 : vector<500x8xi32>
    %broadcast_in_dim3A_1321 = vector.shape_cast %broadcast_in_dim3A_1317 : vector<500x1xf32> to vector<500x1xf32>
    %broadcast_in_dim3A_1322 = vector.broadcast %broadcast_in_dim3A_1321 : vector<500x1xf32> to vector<500x8xf32>
    %select_n3A_1323 = arith.select %eq3A_1320, %broadcast_in_dim3A_1322, %select_n3A_1296 : vector<500x8xi1>, vector<500x8xf32>
    %eq3A_1324 = vector.broadcast %broadcast_in_dim3A_1268 : vector<500x1xf32> to vector<500x500xf32>
    %eq3A_1325 = arith.cmpf oeq, %convert_element_type3A, %eq3A_1324 : vector<500x500xf32>
    %jit3A_1326 = arith.constant 0xFF800000 : f32
    %broadcast_in_dim3A_1327 = vector.broadcast %jit3A_1326 : f32 to vector<500x500xf32>
    %select_n3A_1328 = arith.select %eq3A_1325, %broadcast_in_dim3A_1327, %add3A_1254 : vector<500x500xi1>, vector<500x500xf32>
    %eq3A_1329 = vector.broadcast %broadcast_in_dim3A_1290 : vector<500x1xf32> to vector<500x500xf32>
    %eq3A_1330 = arith.cmpf oeq, %convert_element_type3A, %eq3A_1329 : vector<500x500xf32>
    %jit3A_1331 = arith.constant 0xFF800000 : f32
    %broadcast_in_dim3A_1332 = vector.broadcast %jit3A_1331 : f32 to vector<500x500xf32>
    %select_n3A_1333 = arith.select %eq3A_1330, %broadcast_in_dim3A_1332, %select_n3A_1328 : vector<500x500xi1>, vector<500x500xf32>
    %eq3A_1334 = vector.broadcast %broadcast_in_dim3A_1317 : vector<500x1xf32> to vector<500x500xf32>
    %eq3A_1335 = arith.cmpf oeq, %convert_element_type3A, %eq3A_1334 : vector<500x500xf32>
    %jit3A_1336 = arith.constant 0xFF800000 : f32
    %broadcast_in_dim3A_1337 = vector.broadcast %jit3A_1336 : f32 to vector<500x500xf32>
    %select_n3A_1338 = arith.select %eq3A_1335, %broadcast_in_dim3A_1337, %select_n3A_1333 : vector<500x500xi1>, vector<500x500xf32>
    %reduce_max3A_1339 = arith.constant dense<0xFF800000> : vector<500xf32>
    %reduce_max3A_1340 = vector.multi_reduction <maximumf>, %select_n3A_1338, %reduce_max3A_1339 [1] : vector<500x500xf32> to vector<500xf32>
    %broadcast_in_dim3A_1341 = vector.shape_cast %reduce_max3A_1340 : vector<500xf32> to vector<500x1xf32>
    %ge3A_1342 = vector.broadcast %broadcast_in_dim3A_1341 : vector<500x1xf32> to vector<500x500xf32>
    %ge3A_1343 = arith.cmpf oge, %select_n3A_1338, %ge3A_1342 : vector<500x500xf32>
    %jit3A_1344 = arith.constant 1.000000e+09 : f32
    %broadcast_in_dim3A_1345 = vector.broadcast %jit3A_1344 : f32 to vector<500x500xf32>
    %select_n3A_1346 = arith.select %ge3A_1343, %convert_element_type3A, %broadcast_in_dim3A_1345 : vector<500x500xi1>, vector<500x500xf32>
    %reduce_min3A_1347 = arith.constant dense<0x7F800000> : vector<500xf32>
    %reduce_min3A_1348 = vector.multi_reduction <minimumf>, %select_n3A_1346, %reduce_min3A_1347 [1] : vector<500x500xf32> to vector<500xf32>
    %broadcast_in_dim3A_1349 = vector.shape_cast %reduce_min3A_1348 : vector<500xf32> to vector<500x1xf32>
    %eq3A_1350 = arith.constant 3 : i32
    %eq3A_1351 = vector.broadcast %eq3A_1350 : i32 to vector<500x8xi32>
    %eq3A_1352 = arith.cmpi eq, %iota3A_3, %eq3A_1351 : vector<500x8xi32>
    %broadcast_in_dim3A_1353 = vector.shape_cast %broadcast_in_dim3A_1349 : vector<500x1xf32> to vector<500x1xf32>
    %broadcast_in_dim3A_1354 = vector.broadcast %broadcast_in_dim3A_1353 : vector<500x1xf32> to vector<500x8xf32>
    %select_n3A_1355 = arith.select %eq3A_1352, %broadcast_in_dim3A_1354, %select_n3A_1323 : vector<500x8xi1>, vector<500x8xf32>
    %eq3A_1356 = vector.broadcast %broadcast_in_dim3A_1268 : vector<500x1xf32> to vector<500x500xf32>
    %eq3A_1357 = arith.cmpf oeq, %convert_element_type3A, %eq3A_1356 : vector<500x500xf32>
    %jit3A_1358 = arith.constant 0xFF800000 : f32
    %broadcast_in_dim3A_1359 = vector.broadcast %jit3A_1358 : f32 to vector<500x500xf32>
    %select_n3A_1360 = arith.select %eq3A_1357, %broadcast_in_dim3A_1359, %add3A_1254 : vector<500x500xi1>, vector<500x500xf32>
    %eq3A_1361 = vector.broadcast %broadcast_in_dim3A_1290 : vector<500x1xf32> to vector<500x500xf32>
    %eq3A_1362 = arith.cmpf oeq, %convert_element_type3A, %eq3A_1361 : vector<500x500xf32>
    %jit3A_1363 = arith.constant 0xFF800000 : f32
    %broadcast_in_dim3A_1364 = vector.broadcast %jit3A_1363 : f32 to vector<500x500xf32>
    %select_n3A_1365 = arith.select %eq3A_1362, %broadcast_in_dim3A_1364, %select_n3A_1360 : vector<500x500xi1>, vector<500x500xf32>
    %eq3A_1366 = vector.broadcast %broadcast_in_dim3A_1317 : vector<500x1xf32> to vector<500x500xf32>
    %eq3A_1367 = arith.cmpf oeq, %convert_element_type3A, %eq3A_1366 : vector<500x500xf32>
    %jit3A_1368 = arith.constant 0xFF800000 : f32
    %broadcast_in_dim3A_1369 = vector.broadcast %jit3A_1368 : f32 to vector<500x500xf32>
    %select_n3A_1370 = arith.select %eq3A_1367, %broadcast_in_dim3A_1369, %select_n3A_1365 : vector<500x500xi1>, vector<500x500xf32>
    %eq3A_1371 = vector.broadcast %broadcast_in_dim3A_1349 : vector<500x1xf32> to vector<500x500xf32>
    %eq3A_1372 = arith.cmpf oeq, %convert_element_type3A, %eq3A_1371 : vector<500x500xf32>
    %jit3A_1373 = arith.constant 0xFF800000 : f32
    %broadcast_in_dim3A_1374 = vector.broadcast %jit3A_1373 : f32 to vector<500x500xf32>
    %select_n3A_1375 = arith.select %eq3A_1372, %broadcast_in_dim3A_1374, %select_n3A_1370 : vector<500x500xi1>, vector<500x500xf32>
    %reduce_max3A_1376 = arith.constant dense<0xFF800000> : vector<500xf32>
    %reduce_max3A_1377 = vector.multi_reduction <maximumf>, %select_n3A_1375, %reduce_max3A_1376 [1] : vector<500x500xf32> to vector<500xf32>
    %broadcast_in_dim3A_1378 = vector.shape_cast %reduce_max3A_1377 : vector<500xf32> to vector<500x1xf32>
    %ge3A_1379 = vector.broadcast %broadcast_in_dim3A_1378 : vector<500x1xf32> to vector<500x500xf32>
    %ge3A_1380 = arith.cmpf oge, %select_n3A_1375, %ge3A_1379 : vector<500x500xf32>
    %jit3A_1381 = arith.constant 1.000000e+09 : f32
    %broadcast_in_dim3A_1382 = vector.broadcast %jit3A_1381 : f32 to vector<500x500xf32>
    %select_n3A_1383 = arith.select %ge3A_1380, %convert_element_type3A, %broadcast_in_dim3A_1382 : vector<500x500xi1>, vector<500x500xf32>
    %reduce_min3A_1384 = arith.constant dense<0x7F800000> : vector<500xf32>
    %reduce_min3A_1385 = vector.multi_reduction <minimumf>, %select_n3A_1383, %reduce_min3A_1384 [1] : vector<500x500xf32> to vector<500xf32>
    %broadcast_in_dim3A_1386 = vector.shape_cast %reduce_min3A_1385 : vector<500xf32> to vector<500x1xf32>
    %eq3A_1387 = arith.constant 4 : i32
    %eq3A_1388 = vector.broadcast %eq3A_1387 : i32 to vector<500x8xi32>
    %eq3A_1389 = arith.cmpi eq, %iota3A_3, %eq3A_1388 : vector<500x8xi32>
    %broadcast_in_dim3A_1390 = vector.shape_cast %broadcast_in_dim3A_1386 : vector<500x1xf32> to vector<500x1xf32>
    %broadcast_in_dim3A_1391 = vector.broadcast %broadcast_in_dim3A_1390 : vector<500x1xf32> to vector<500x8xf32>
    %select_n3A_1392 = arith.select %eq3A_1389, %broadcast_in_dim3A_1391, %select_n3A_1355 : vector<500x8xi1>, vector<500x8xf32>
    %convert_element_type3A_1393 = arith.fptosi %select_n3A_1392 : vector<500x8xf32> to vector<500x8xi32>
    %swap3A_1394 = arith.constant 0 : index
    %swap3A_1395 = arith.constant 7 : index
    %swap3A_1396 = arith.constant 0 : index
    %swap3A_1397 = arith.constant 0 : index
    %swap3A_1398 = vector.load %arg8[%swap3A_1394, %swap3A_1395, %swap3A_1396, %swap3A_1397] : memref<1x8x500x8xi32, #tpu.memory_space<vmem>>, vector<1x1x500x8xi32>
    %swap3A_1399 = vector.shape_cast %swap3A_1398 : vector<1x1x500x8xi32> to vector<500x8xi32>
    %swap3A_1400 = vector.shape_cast %convert_element_type3A_1393 : vector<500x8xi32> to vector<1x1x500x8xi32>
    tpu.vector_store %arg8[%swap3A_1394, %swap3A_1395, %swap3A_1396, %swap3A_1397], %swap3A_1400 {strides = array<i32>} : memref<1x8x500x8xi32, #tpu.memory_space<vmem>>, vector<1x1x500x8xi32>,
    %swap3A_1401 = arith.constant 0 : index
    %swap3A_1402 = arith.constant 0 : index
    %swap3A_1403 = arith.constant 0 : index
    %swap3A_1404 = vector.load %arg7[%swap3A_1401, %swap3A_1402, %swap3A_1403] : memref<1x500x500xf32, #tpu.memory_space<vmem>>, vector<1x500x500xf32>
    %swap3A_1405 = vector.shape_cast %swap3A_1404 : vector<1x500x500xf32> to vector<500x500xf32>
    %swap3A_1406 = vector.shape_cast %add3A_1255 : vector<500x500xf32> to vector<1x500x500xf32>
    tpu.vector_store %arg7[%swap3A_1401, %swap3A_1402, %swap3A_1403], %swap3A_1406 {strides = array<i32>} : memref<1x500x500xf32, #tpu.memory_space<vmem>>, vector<1x500x500xf32>,
    return
  }
  func.func @transform_0(%arg0: i32) -> (i32, i32) {
    %c0_i32 = arith.constant 0 : i32
    %c0_i32_0 = arith.constant 0 : i32
    %c0_i32_1 = arith.constant 0 : i32
    return %c0_i32, %c0_i32_0 : i32, i32
  }
  func.func @transform_1(%arg0: i32) -> (i32, i32, i32, i32) {
    %c0_i32 = arith.constant 0 : i32
    %c0_i32_0 = arith.constant 0 : i32
    %c0_i32_1 = arith.constant 0 : i32
    %c0_i32_2 = arith.constant 0 : i32
    return %arg0, %c0_i32, %c0_i32_0, %c0_i32_1 : i32, i32, i32, i32
  }
  func.func @transform_2(%arg0: i32) -> (i32, i32) {
    %c0_i32 = arith.constant 0 : i32
    %c0_i32_0 = arith.constant 0 : i32
    %c0_i32_1 = arith.constant 0 : i32
    return %c0_i32, %c0_i32_0 : i32, i32
  }
  func.func @transform_3(%arg0: i32) -> (i32, i32) {
    %c0_i32 = arith.constant 0 : i32
    %c0_i32_0 = arith.constant 0 : i32
    %c0_i32_1 = arith.constant 0 : i32
    return %c0_i32, %c0_i32_0 : i32, i32
  }
  func.func @transform_4(%arg0: i32) -> (i32, i32) {
    %c0_i32 = arith.constant 0 : i32
    %c0_i32_0 = arith.constant 0 : i32
    %c0_i32_1 = arith.constant 0 : i32
    return %c0_i32, %c0_i32_0 : i32, i32
  }
  func.func @transform_5(%arg0: i32) -> (i32, i32) {
    %c0_i32 = arith.constant 0 : i32
    %c0_i32_0 = arith.constant 0 : i32
    %c0_i32_1 = arith.constant 0 : i32
    return %c0_i32, %c0_i32_0 : i32, i32
  }
  func.func @transform_6(%arg0: i32) -> (i32, i32, i32) {
    %c0_i32 = arith.constant 0 : i32
    %c0_i32_0 = arith.constant 0 : i32
    %c0_i32_1 = arith.constant 0 : i32
    return %arg0, %c0_i32, %c0_i32_0 : i32, i32, i32
  }
  func.func @transform_7(%arg0: i32) -> (i32, i32, i32, i32) {
    %c0_i32 = arith.constant 0 : i32
    %c0_i32_0 = arith.constant 0 : i32
    %c0_i32_1 = arith.constant 0 : i32
    %c0_i32_2 = arith.constant 0 : i32
    return %arg0, %c0_i32, %c0_i32_0, %c0_i32_1 : i32, i32, i32, i32
  }
}

module attributes {stable_mosaic.version = 14 : i64} {
  func.func @_tc_einsum_body(%arg0: i32, %arg1: memref<1x500x500xf32, #tpu.memory_space<vmem>>, %arg2: memref<1x500x768xf32, #tpu.memory_space<vmem>>, %arg3: memref<1x500x768xf32, #tpu.memory_space<vmem>>) attributes {dimension_semantics = [#tpu.dimension_semantics<arbitrary>], iteration_bounds = array<i64: 8>, scalar_prefetch = 0 : i64, scratch_operands = 0 : i64, tpu.core_type = #tpu.core_type<tc>, window_params = [{transform_indices = @transform_0, window_bounds = array<i64: 1, 500, 500>}, {transform_indices = @transform_1, window_bounds = array<i64: 1, 500, 768>}, {transform_indices = @transform_2, window_bounds = array<i64: 1, 500, 768>}]} {
    %get3A = arith.constant 0 : index
    %get3A_0 = arith.constant 0 : index
    %get3A_1 = arith.constant 0 : index
    %get3A_2 = vector.load %arg1[%get3A, %get3A_0, %get3A_1] : memref<1x500x500xf32, #tpu.memory_space<vmem>>, vector<1x500x500xf32>
    %get3A_3 = vector.shape_cast %get3A_2 : vector<1x500x500xf32> to vector<500x500xf32>
    %get3A_4 = arith.constant 0 : index
    %get3A_5 = arith.constant 0 : index
    %get3A_6 = arith.constant 0 : index
    %get3A_7 = vector.load %arg2[%get3A_4, %get3A_5, %get3A_6] : memref<1x500x768xf32, #tpu.memory_space<vmem>>, vector<1x500x768xf32>
    %get3A_8 = vector.shape_cast %get3A_7 : vector<1x500x768xf32> to vector<500x768xf32>
    %dot_general3A = arith.constant dense<0.000000e+00> : vector<500x768xf32>
    %dot_general3A_9 = tpu.matmul %get3A_3, %get3A_8, %dot_general3A {dimension_numbers = #tpu.dot_dimension_numbers<[1], [0], [0], [1], [0, 0, 1, 1], [], []>, transpose_lhs_hint = false} : vector<500x500xf32>, vector<500x768xf32>, vector<500x768xf32> -> vector<500x768xf32>
    %swap3A = arith.constant 0 : index
    %swap3A_10 = arith.constant 0 : index
    %swap3A_11 = arith.constant 0 : index
    %swap3A_12 = vector.load %arg3[%swap3A, %swap3A_10, %swap3A_11] : memref<1x500x768xf32, #tpu.memory_space<vmem>>, vector<1x500x768xf32>
    %swap3A_13 = vector.shape_cast %swap3A_12 : vector<1x500x768xf32> to vector<500x768xf32>
    %swap3A_14 = vector.shape_cast %dot_general3A_9 : vector<500x768xf32> to vector<1x500x768xf32>
    tpu.vector_store %arg3[%swap3A, %swap3A_10, %swap3A_11], %swap3A_14 {strides = array<i32>} : memref<1x500x768xf32, #tpu.memory_space<vmem>>, vector<1x500x768xf32>,
    return
  }
  func.func @transform_0(%arg0: i32) -> (i32, i32, i32) {
    %c0_i32 = arith.constant 0 : i32
    %c0_i32_0 = arith.constant 0 : i32
    %c0_i32_1 = arith.constant 0 : i32
    return %arg0, %c0_i32, %c0_i32_0 : i32, i32, i32
  }
  func.func @transform_1(%arg0: i32) -> (i32, i32, i32) {
    %c0_i32 = arith.constant 0 : i32
    %c0_i32_0 = arith.constant 0 : i32
    %c0_i32_1 = arith.constant 0 : i32
    return %arg0, %c0_i32, %c0_i32_0 : i32, i32, i32
  }
  func.func @transform_2(%arg0: i32) -> (i32, i32, i32) {
    %c0_i32 = arith.constant 0 : i32
    %c0_i32_0 = arith.constant 0 : i32
    %c0_i32_1 = arith.constant 0 : i32
    return %arg0, %c0_i32, %c0_i32_0 : i32, i32, i32
  }
}

</mosaic_0001>

<sc_bundles>
// kernel: kernel.5.cloned.1.call-start
scs
__scs_entry_jumppad:
0x0: {  	(pc) =	sbr.rel $0x88, $3  }
0x1: {  	(tag) =	ssettag $0x0;
	lr =	simm.s32 $0x1  }
0x2: {  	[smem:$0x3F9A] =	sst lr;
	_ =	strace $0xD0000000  }
0x3: {  	_ = 	snop  }
0x4: {  	_ = 	snop  }
0x5: {  	_ = 	snop  }
0x6: {  	_ = 	snop  }
0x7: {  	_ = 	snop  }
__scs_overlays_trampoline_lowered:
0x8: {  	[smem:$0x3FA9] =	sst s0  }
0x9: {  	[smem:$0x3FAA] =	sst s1  }
0xa: {  	[smem:$0x3FAB] =	sst s2  }
0xb: {  	[smem:$0x3FAC] =	sst s3  }
0xc: {  	[smem:$0x3FAD] =	sst s4  }
0xd: {  	[smem:$0x3FAE] =	sst s5  }
0xe: {  	[smem:$0x3FAF] =	sst s6  }
0xf: {  	[smem:$0x3FB0] =	sst s7  }
0x10: {  	[smem:$0x3FB1] =	sst s8  }
0x11: {  	[smem:$0x3FB2] =	sst s9;
	s0 =	simm.s32 @!p0 $0x0  }
0x12: {  	s1 =	sld [smem:$0x3F98];
	s0 =	simm.s32 @p0 $0x1  }
0x13: {  	[smem:$0x3FB3] =	sst s0;
	s0 =	simm.s32 @!p1 $0x0  }
0x14: {  	s2 =	sld [smem:$0x3F97];
	s0 =	simm.s32 @p1 $0x1  }
0x15: {  	[smem:$0x3FB4] =	sst s0;
	s0 =	simm.s32 @!p2 $0x0  }
0x16: {  	s3 =	sld [smem:$0x3FDB];
	s0 =	simm.s32 @p2 $0x1  }
0x17: {  	s4 =	simm.s32 $0x1BF5;
	[smem:$0x3FB6] =	sst s0  }
0x18: {  	s0 =	sld [smem:$0x3F99];
	_ =	swait.ge [sflag:s4], $0x0  }
0x19: {  	s7 =	sld [smem:$0x3F9A]  }
0x1a: {  	s8 =	sadd.s32 $0xFFFFE003, lr  }
0x1b: {  	s9 =	sadd.s32 $0xFFFFFEF7, lr;
	s5 =	simm.s32 $0xFFFFFFFF;
	p2 =	slt.u32 s8, $0xFFFFF086  }
0x1c: {  	p1 =	slt.u32 s9, $0xF7A;
	s5 =	simm.s32 @!p2 $0x0  }
0x1d: {  	s5 =	simm.s32 @p1 $0x1;
	p0 =	seq.s32 s7, s2  }
0x1e: {  	s7 =	smul.u32 @!p0 $0xF7A, s2;
	p2 =	seq.s32 @!p0 s5, $0x0  }
0x1f: {  	s9 =	smul.u32 $0xF7A, s1;
	s8 =	simm.s32 @!p0 $0x1BF5;
	p2 =	por !p2, p0  }
0x20: {  	[sflag:s8] =	ssyncset.s32 @!p0 $0xFFFFF086;
	s6 =	sadd.s32 @!p0 s3, s7;
	s7 =	simm.s32 @!p0 $0x108  }
0x21: {  	s3 =	sadd.s32 s3, s9;
	s6 =	sadd.s32 @!p0 $0x88, s6;
	s7 =	simm.s32 @p2 $0x1082  }
0x22: {  	[simem:s7], [sflag:s8] =	dma.local @!p0 [hbm:s6], $0xF7A  }
0x23: {  	s9 =	sor.u32 $0xD0000000, s2;
	s6 =	simm.s32 $0x108;
	_ =	swait.ge @!p0 [sflag:s8], $0x0  }
0x24: {  	s3 =	sadd.s32 $0x88, s3;
	s6 =	simm.s32 @!p1 $0x1082;
	[sflag:s4] =	ssyncset.s32 $0xFFFFF086  }
0x25: {  	[simem:s6], [sflag:s4] =	dma.local [hbm:s3], $0xF7A  }
0x26: {  	[smem:$0x3F9A] =	sst s1;
	(tag) =	ssettag s2;
	_ =	strace s9  }
0x27: {  	s1 =	sld [smem:$0x3FAA]  }
0x28: {  	s2 =	sld [smem:$0x3FAB]  }
0x29: {  	s4 =	sld [smem:$0x3FAD]  }
0x2a: {  	p0 =	seq.s32 s5, $0x0;
	s5 =	sld [smem:$0x3FAE]  }
0x2b: {  	s6 =	sld [smem:$0x3FAF]  }
0x2c: {  	s7 =	sld [smem:$0x3FB0]  }
0x2d: {  	s3 =	simm.s32 $0x108;
	s8 =	sld [smem:$0x3FB1]  }
0x2e: {  	s3 =	simm.s32 @!p0 $0x1082;
	s9 =	sld [smem:$0x3FB2]  }
0x2f: {  	lr =	sadd.s32 s0, s3;
	s0 =	sld [smem:$0x3FA9]  }
0x30: {  	s3 =	sld [smem:$0x3FAC]  }
0x31: {  	[smem:$0x3FB5] =	sst s10  }
0x32: {  	s10 =	sld [smem:$0x3FB3];
	_ =	sdelay $0x3  }
0x33: {  	p0 =	seq.s32 s10, $0x1;
	s10 =	sld [smem:$0x3FB5];
	_ =	sdelay $0x3  }
0x34: {  	[smem:$0x3FB5] =	sst s10  }
0x35: {  	s10 =	sld [smem:$0x3FB4];
	_ =	sdelay $0x3  }
0x36: {  	p1 =	seq.s32 s10, $0x1;
	s10 =	sld [smem:$0x3FB5];
	_ =	sdelay $0x3  }
0x37: {  	[smem:$0x3FB5] =	sst s10  }
0x38: {  	s10 =	sld [smem:$0x3FB6]  }
0x39: {  	_ = 	snop;
	(pc) =	sbr.ind lr, $3  }
0x3a: {  	_ = 	snop  }
0x3b: {  	_ = 	snop  }
0x3c: {  	p2 =	seq.s32 s10, $0x1;
	s10 =	sld [smem:$0x3FB5]  }
0x3d: {  	_ =	shalt  }
0x3e: {  	_ =	shalt  }
0x3f: {  	_ =	shalt  }
0x40: {  	_ =	shalt  }
0x41: {  	_ =	shalt  }
0x42: {  	_ =	shalt  }
0x43: {  	_ =	shalt  }
0x44: {  	_ =	shalt  }
0x45: {  	_ =	shalt  }
0x46: {  	_ =	shalt  }
0x47: {  	_ =	shalt  }
0x48: {  	_ =	shalt  }
0x49: {  	_ =	shalt  }
0x4a: {  	_ =	shalt  }
0x4b: {  	_ =	shalt  }
0x4c: {  	_ =	shalt  }
0x4d: {  	_ =	shalt  }
0x4e: {  	_ =	shalt  }
0x4f: {  	_ =	shalt  }
0x50: {  	_ =	shalt  }
0x51: {  	_ =	shalt  }
0x52: {  	_ =	shalt  }
0x53: {  	_ =	shalt  }
0x54: {  	_ =	shalt  }
0x55: {  	_ =	shalt  }
0x56: {  	_ =	shalt  }
0x57: {  	_ =	shalt  }
0x58: {  	_ =	shalt  }
0x59: {  	_ =	shalt  }
0x5a: {  	_ =	shalt  }
0x5b: {  	_ =	shalt  }
0x5c: {  	_ =	shalt  }
0x5d: {  	_ =	shalt  }
0x5e: {  	_ =	shalt  }
0x5f: {  	_ =	shalt  }
0x60: {  	_ =	shalt  }
0x61: {  	_ =	shalt  }
0x62: {  	_ =	shalt  }
0x63: {  	_ =	shalt  }
0x64: {  	_ =	shalt  }
0x65: {  	_ =	shalt  }
0x66: {  	_ =	shalt  }
0x67: {  	_ =	shalt  }
0x68: {  	_ =	shalt  }
0x69: {  	_ =	shalt  }
0x6a: {  	_ =	shalt  }
0x6b: {  	_ =	shalt  }
0x6c: {  	_ =	shalt  }
0x6d: {  	_ =	shalt  }
0x6e: {  	_ =	shalt  }
0x6f: {  	_ =	shalt  }
0x70: {  	_ =	shalt  }
0x71: {  	_ =	shalt  }
0x72: {  	_ =	shalt  }
0x73: {  	_ =	shalt  }
0x74: {  	_ =	shalt  }
0x75: {  	_ =	shalt  }
0x76: {  	_ =	shalt  }
0x77: {  	_ =	shalt  }
0x78: {  	_ =	shalt  }
0x79: {  	_ =	shalt  }
0x7a: {  	_ =	shalt  }
0x7b: {  	_ =	shalt  }
0x7c: {  	_ =	shalt  }
0x7d: {  	_ =	shalt  }
0x7e: {  	_ =	shalt  }
0x7f: {  	_ =	shalt  }
0x80: {  	_ =	shalt  }
0x81: {  	_ =	shalt  }
0x82: {  	_ =	shalt  }
0x83: {  	_ =	shalt  }
0x84: {  	_ =	shalt  }
0x85: {  	_ =	shalt  }
0x86: {  	_ =	shalt  }
0x87: {  	_ =	shalt  }
.Lfunc_end0:
.L_simem_size_0:
called_computation_lowered:
.L_overlay_start_0:
0x88: {  	s2 =	sld [smem:$0x3FD9]  }
0x89: {  	s3 =	sld [smem:$0x3FFE];
	_ =	sdelay $0x1  }
0x8a: {  	s1 =	srdreg.scid  }
0x8b: {  	s0 =	sand.u32 $0x1, s1  }
0x8c: {  	s14 =	sshll.u32 s0, $0xA;
	s2 =	sadd.s32 s3, s2  }
0x8d: {  	s2 =	sadd.s32 s2, s14  }
0x8e: {  	[smem:$0x3FC1] =	sst s2  }
0x8f: {  	_ = 	snop  }
0x90: {  	s2 =	sld [smem:$0x3FD0];
	_ =	sdelay $0x2  }
0x91: {  	s15 =	simm.s32 $0xA;
	s4 =	simm.s32 $0x10  }
0x92: {  	[smem:s4], [sflag:s15] =	dma.local [hbm:s2], $0x1  }
0x93: {  	_ =	swait.eq [sflag:s15], $0x1  }
0x94: {  	[sflag:s15] =	ssyncset.done $0x0  }
0x95: {  	[sflag:s15] =	ssyncadd.s32 $0xFFFFFFFF  }
0x96: {  	s16 =	sld [smem:$0x11];
	(tm) =	ssettm $0x1  }
0x97: {  	s17 =	sld [smem:$0x3FFB];
	_ =	sdelay $0x3  }
0x98: {  	_ =	strace s17  }
0x99: {  	s3 =	sld [smem:$0x3FFC];
	_ =	sdelay $0x3  }
0x9a: {  	_ =	strace s3  }
0x9b: {  	s3 =	sld [smem:$0x3FFD];
	_ =	sdelay $0x3  }
0x9c: {  	_ =	strace s3  }
0x9d: {  	_ =	strace $0x8FFFFFFF  }
0x9e: {  	s18 =	sld [smem:$0x3FDB];
	_ =	sdelay $0x1  }
0x9f: {  	s19 =	simm.s32 $_scs_section_size  }
0xa0: {  	s5 =	simm.s32 $_size__tile_overlayer_lowered;
	s6 =	simm.s32 $_tile_overlayer_lowered  }
0xa1: {  	s22 =	simm.s32 $0x1BFF;
	s21 =	sshll.u32 s6, $0x1;
	s3 =	sadd.s32 s19, s18  }
0xa2: {  	s7 =	simm.s32 $0x0;
	s20 =	sshll.u32 s5, $0x1;
	s5 =	sadd.s32 s21, s3  }
0xa3: {  	[timem:s7], [sflag:s22] =	dma.local [hbm:s5], s20  }
0xa4: {  	_ =	swait.ge [sflag:s22], s20  }
0xa5: {  	s4 =	ssub.s32 $0x0, s20;
	[sflag:s22] =	ssyncset.done $0x0  }
0xa6: {  	[sflag:s22] =	ssyncadd.s32 s4;
	_ =	sdelay $0x1  }
0xa7: {  	s23 =	simm.s32 $0x1B8B  }
0xa8: {  	_ =	swait.ge [sflag:s23], $0x1  }
0xa9: {  	[sflag:s23] =	ssyncset.done $0x0  }
0xaa: {  	s25 =	simm.s32 $0x1B8E;
	s24 =	sld [smem:$0x3FFE];
	[sflag:s23] =	ssyncadd.s32 $0xFFFFFFFF  }
0xab: {  	s26 =	simm.s32 $execute0_lowered;
	[smem:$0x3FD2] =	sst s25  }
0xac: {  	s5 =	sshll.u32 s26, $0x1;
	_ =	strace $0x80000046;
	[dreg:$0x1] =	wrdreg $0xFFFFFFFF  }
0xad: {  	s28 =	simm.s32 $_size_execute0_lowered;
	s3 =	sadd.s32 s3, s5;
	[dreg:$0x0] =	wrdreg $0x0  }
0xae: {  	s5 =	sshll.u32 s28, $0x1;
	[dreg:$0x2] =	wrdreg s3  }
0xaf: {  	[dreg:$0x3] =	wrdreg s5  }
0xb0: {  	[dreg:$0x4] =	wrdreg $0xC0  }
0xb1: {  	_ =	task [dreg:s7], $0x5FFFF  }
0xb2: {  	[dreg:$0x1] =	wrdreg $0xFFFFFFFF  }
0xb3: {  	[dreg:$0x0] =	wrdreg $0x60  }
0xb4: {  	[dreg:$0x2] =	wrdreg s16  }
0xb5: {  	[dreg:$0x3] =	wrdreg s24  }
0xb6: {  	[dreg:$0x4] =	wrdreg $0x9  }
0xb7: {  	_ =	task.clear_ibuf [dreg:s7], $0x5FFFF;
	_ =	strace $0x90000046  }
0xb8: {  	s29 =	simm.s32 $0x9;
	_ =	strace $0x80000048  }
0xb9: {  	_ =	swait.ge [sflag:s29], $0x1  }
0xba: {  	[sflag:s29] =	ssyncadd.s32 $0xFFFFFFFF  }
0xbb: {  	_ =	strace $0x90000048  }
0xbc: {  	_ =	sfence  }
0xbd: {  	s30 =	sld [smem:$0x0];
	_ =	sdelay $0x2  }
0xbe: {  	s31 =	sshll.u32 s1, $0xD;
	s1 =	sshrl.u32 s1, $0x2  }
0xbf: {  	s3 =	sand.u32 $0x4000, s31;
	s1 =	sadd.s32 s1, s30  }
0xc0: {  	s0 =	sor.u32 s3, s0;
	s1 =	sshll.u32 s1, $0x11  }
0xc1: {  	s0 =	sor.u32 s1, s0  }
0xc2: {  	s0 =	sadd.s32 $0x8F2B, s0  }
0xc3: {  	[sflag:s0] =	ssyncadd.remote.s32 $0x1  }
0xc4: {  	_ =	sfence.sel $0xFFFF  }
0xc5: {  	[dreg:$0x0] =	wrdreg $0xFFFFFFFF;
	(pc) =	sbr.abs _section_cstart, $3  }
0xc6: {  	[dreg:$0x1] =	wrdreg $0xFFFFFFFF  }
0xc7: {  	_ =	task.clear_ibuf [dreg:s7], $0x2FFFF;
	_ =	strace $0x9FFFFFFF  }
0xc8: {  	(tm) =	ssettm $0x7FFFFFFF  }
0xc9: {  	_ =	shalt  }
tec
execute0_lowered:
.L_overlay_start_1:
0x0: {  	(tag) =	ssettag $0x1  }
0x1: {  	s6 =	rddreg [dreg:$0x0]  }
0x2: {  	s3 =	rddreg [dreg:$0x1]  }
0x3: {  	s0 =	rddreg [dreg:$0x2];
	s1 =	simm.s32 $0x0  }
0x4: {  	s4 =	srdreg.scid;
	s2 =	stileid.u32;
	s14 =	simm.s32 $0x3F00  }
0x5: {  	s15 =	simm.s32 $0x0;
	[smem:$0x7FF] =	sst s1;
	s7 =	sadd.s32 $0x1E00, s3  }
0x6: {  	s4 =	sand.u32 $0x1, s4;
	s8 =	sshll.u32 s2, $0x9;
	s9 =	sshrl.u32 s2, $0x1  }
0x7: {  	s11 =	sadd.s32 $0x9E00, s3;
	_ =	strace $0x80000047;
	s5 =	ssub.s32 $0x2, s4  }
0x8: {  	s4 =	sshll.u32 s4, $0x8;
	s10 =	smul.u32 $0x17800, s9;
	s8 =	sand.u32 $0x200, s8  }
0x9: {  	s25 =	sshll.u32 s9, $0xF;
	s23 =	sshrl.u32 s5, $0x1;
	s4 =	sor.u32 s4, s8  }
0xa: {  	s12 =	ssub.s32 s5, s23;
	s24 =	sor.u32 s10, s4;
	s9 =	sor.u32 s25, s4  }
0xb: {  	s13 =	sor.u32 $0x80, s4;
	s26 =	sshrl.u32 s24, $0x3;
	s28 =	sshrl.u32 s9, $0x3  }
0xc: {  	s29 =	sor.u32 s10, s13;
	s30 =	sor.u32 s25, s13;
	s10 =	simm.s32 $0x80  }
0xd: {  	s13 =	simm.s32 $0x2F00;
	s3 =	sadd.s32 s6, s26;
	s4 =	sadd.s32 s7, s28  }
0xe: {  	s9 =	sshrl.u32 s29, $0x3;
	s5 =	sadd.s32 s11, s26;
	s31 =	sshrl.u32 s30, $0x3  }
0xf: {  	s6 =	sadd.s32 s6, s9;
	s7 =	sadd.s32 s7, s31;
	s8 =	sadd.s32 s11, s9  }
0x10: {  	v0 =	vlaneseq.u32;
	s9 =	smax.u32 s12, $0x1;
	s11 =	simm.s32 $0x400;
	s12 =	simm.s32 $0x1  }
.LBB2_1:
0x11: {  	[tilespmem:s1], [sflag:$0x1] =	stream.strided.gather [hbm4b:s3+s10], $0x2F00, s11, s10, $0x38;
	[tilespmem:$0x6E00] =	vst v63  }
0x12: {  	_ =	swait.ge [sflag:s12], $0x2F00  }
0x13: {  	[sflag:s12] =	ssyncset.done $0x0  }
0x14: {  	[sflag:s12] =	ssyncadd.s32 $0xFFFFD100  }
0x15: {  	[tilespmem:s13], [sflag:$0x1] =	stream.strided.gather [hbm4b:s4+s10], $0x1000, s11, s10, $0x38;
	[tilespmem:$0x6E00] =	vst v63  }
0x16: {  	_ =	swait.ge [sflag:s12], $0x1000  }
0x17: {  	[sflag:s12] =	ssyncset.done $0x0  }
0x18: {  	s16 =	simm.s32 $0x0;
	[sflag:s12] =	ssyncadd.s32 $0xFFFFF000  }
.LBB2_2:
0x19: {  	v34 =	vor.u32 s16, v0  }
0x1a: {  	vm0 =	vlt.u32 v34, $0x1F4  }
0x1b: {  	v26 =	vshll.u32 v34, $0x3;
	_ =	sdelay $0x4  }
0x1c: {  	v0 =	vld.idx.msk [tilespmem:v26+s13+$0x0], vm0;
	_ =	sdelay $0x4  }
0x1d: {  	v0 =	vmul.u32 $0x18, v0;
	_ =	sdelay $0x1  }
0x1e: {  	v2 =	vor.u32 $0x1, v0;
	_ =	sdelay $0x4  }
0x1f: {  	v15 =	vld.idx.msk [tilespmem:v2+s1+$0x0], vm0;
	v2 =	vor.u32 $0x6, v0;
	_ =	sdelay $0x4  }
0x20: {  	v12 =	vld.idx.msk [tilespmem:v2+s1+$0x0], vm0;
	v2 =	vadd.s32 $0xB, v0;
	_ =	sdelay $0x4  }
0x21: {  	v25 =	vld.idx.msk [tilespmem:v2+s1+$0x0], vm0;
	v2 =	vadd.s32 $0xF, v0;
	_ =	sdelay $0x3  }
0x22: {  	v3 =	vor.u32 $0x2, v0  }
0x23: {  	v57 =	vadd.s32 $0x11, v0;
	v1 =	vld.idx.msk [tilespmem:v2+s1+$0x0], vm0;
	_ =	sdelay $0x3  }
0x24: {  	v10 =	vld.idx.msk [tilespmem:v3+s1+$0x0], vm0;
	v3 =	vor.u32 $0x7, v0  }
0x25: {  	v7 =	vadd.s32 $0x12, v0;
	[tilespmem:$0x1FD80] =	vst v1;
	v1 =	vld.idx.msk [tilespmem:v57+s1+$0x0], vm0;
	_ =	sdelay $0x3  }
0x26: {  	v22 =	vld.idx.msk [tilespmem:v3+s1+$0x0], vm0;
	v3 =	vadd.s32 $0xC, v0  }
0x27: {  	v58 =	vadd.s32 $0x13, v0;
	[tilespmem:$0x1FDA0] =	vst v1;
	v1 =	vld.idx.msk [tilespmem:v7+s1+$0x0], vm0;
	_ =	sdelay $0x3  }
0x28: {  	v16 =	vld.idx.msk [tilespmem:v3+s1+$0x0], vm0;
	v3 =	vadd.s32 $0x10, v0  }
0x29: {  	v2 =	vadd.s32 $0x14, v0;
	[tilespmem:$0x1FDB0] =	vst v1;
	v1 =	vld.idx.msk [tilespmem:v58+s1+$0x0], vm0  }
0x2a: {  	v5 =	vor.u32 $0x4, v0  }
0x2b: {  	v55 =	vor.u32 $0x1, v26;
	_ =	sdelay $0x1  }
0x2c: {  	v31 =	vld.idx.msk [tilespmem:v3+s1+$0x0], vm0  }
0x2d: {  	v3 =	vadd.s32 $0x15, v0;
	[tilespmem:$0x1FDD0] =	vst v1;
	v1 =	vld.idx.msk [tilespmem:v2+s1+$0x0], vm0  }
0x2e: {  	v11 =	vld.idx.msk [tilespmem:v5+s1+$0x0], vm0  }
0x2f: {  	v5 =	vld.idx.msk [tilespmem:v55+s13+$0x0], vm0;
	_ =	sdelay $0x2  }
0x30: {  	v59 =	vadd.s32 $0x16, v0;
	[tilespmem:$0x1FDE0] =	vst v1;
	v1 =	vld.idx.msk [tilespmem:v3+s1+$0x0], vm0;
	_ =	sdelay $0x1  }
0x31: {  	v5 =	vmul.u32 $0x18, v5  }
0x32: {  	v53 =	vadd.s32 $0xA, v0  }
0x33: {  	v2 =	vor.u32 $0x1, v5  }
0x34: {  	v62 =	vadd.s32 $0x8, v5;
	[tilespmem:$0x1FE00] =	vst v1;
	v1 =	vld.idx.msk [tilespmem:v59+s1+$0x0], vm0;
	_ =	sdelay $0x2  }
0x35: {  	v14 =	vld.idx.msk [tilespmem:v53+s1+$0x0], vm0;
	v3 =	vor.u32 $0x2, v5  }
0x36: {  	v53 =	vld.idx.msk [tilespmem:v2+s1+$0x0], vm0;
	v2 =	vor.u32 $0x6, v5  }
0x37: {  	v63 =	vadd.s32 $0xA, v5;
	[tilespmem:$0x1FE10] =	vst v1;
	v1 =	vld.idx.msk [tilespmem:v62+s1+$0x0], vm0;
	_ =	sdelay $0x2  }
0x38: {  	v56 =	vadd.s32 $0xE, v0;
	v20 =	vld.idx.msk [tilespmem:v3+s1+$0x0], vm0  }
0x39: {  	v3 =	vor.u32 $0x7, v5;
	v29 =	vld.idx.msk [tilespmem:v2+s1+$0x0], vm0  }
0x3a: {  	v2 =	vadd.s32 $0xB, v5;
	[tilespmem:$0x1FD20] =	vst v1;
	v1 =	vld.idx.msk [tilespmem:v63+s1+$0x0], vm0;
	_ =	sdelay $0x1  }
0x3b: {  	v4 =	vor.u32 $0x3, v0;
	v6 =	vor.u32 $0x5, v0;
	v51 =	vadd.s32 $0x8, v0;
	v9 =	vld.idx.msk [tilespmem:v0+s1+$0x0], vm0  }
0x3c: {  	v52 =	vadd.s32 $0x9, v0;
	v54 =	vadd.s32 $0xD, v0;
	v30 =	vld.idx.msk [tilespmem:v56+s1+$0x0], vm0;
	v0 =	vadd.s32 $0x17, v0  }
0x3d: {  	v56 =	vld.idx.msk [tilespmem:v3+s1+$0x0], vm0  }
0x3e: {  	v3 =	vadd.s32 $0xC, v5;
	[tilespmem:$0x1FD40] =	vst v1;
	v1 =	vld.idx.msk [tilespmem:v2+s1+$0x0], vm0;
	_ =	sdelay $0x2  }
0x3f: {  	v0 =	vld.idx.msk [tilespmem:v0+s1+$0x0], vm0;
	_ =	sdelay $0x1  }
0x40: {  	v27 =	vadd.s32 $0xE, v5;
	[tilespmem:$0x1FD50] =	vst v1;
	v1 =	vld.idx.msk [tilespmem:v3+s1+$0x0], vm0;
	_ =	sdelay $0x2  }
0x41: {  	[tilespmem:$0x1FE30] =	vst v0;
	v0 =	vor.u32 $0x4, v5  }
0x42: {  	v2 =	vadd.s32 $0xF, v5  }
0x43: {  	v3 =	vadd.s32 $0x10, v5;
	[tilespmem:$0x1FD60] =	vst v1;
	v1 =	vld.idx.msk [tilespmem:v27+s1+$0x0], vm0;
	_ =	sdelay $0x1  }
0x44: {  	v19 =	vor.u32 $0x2, v26  }
0x45: {  	v23 =	vld.idx.msk [tilespmem:v0+s1+$0x0], vm0;
	v0 =	vadd.s32 $0x9, v5  }
0x46: {  	v62 =	vld.idx.msk [tilespmem:v2+s1+$0x0], vm0  }
0x47: {  	v2 =	vadd.s32 $0x14, v5;
	[tilespmem:$0x1FD70] =	vst v1;
	v1 =	vld.idx.msk [tilespmem:v3+s1+$0x0], vm0  }
0x48: {  	v18 =	vld.idx.msk [tilespmem:v4+s1+$0x0], vm0  }
0x49: {  	v4 =	vld.idx.msk [tilespmem:v19+s13+$0x0], vm0  }
0x4a: {  	v0 =	vld.idx.msk [tilespmem:v0+s1+$0x0], vm0;
	_ =	sdelay $0x1  }
0x4b: {  	v35 =	vadd.s32 $0x16, v5;
	[tilespmem:$0x1FD90] =	vst v1;
	v1 =	vld.idx.msk [tilespmem:v2+s1+$0x0], vm0;
	_ =	sdelay $0x2  }
0x4c: {  	v4 =	vmul.u32 $0x18, v4;
	[tilespmem:$0x1FD30] =	vst v0;
	v0 =	vadd.s32 $0xD, v5;
	_ =	sdelay $0x1  }
0x4d: {  	v36 =	vor.u32 $0x1, v4;
	[tilespmem:$0x1FDF0] =	vst v1;
	v1 =	vld.idx.msk [tilespmem:v35+s1+$0x0], vm0;
	_ =	sdelay $0x2  }
0x4e: {  	v45 =	vld.idx.msk [tilespmem:v0+s1+$0x0], vm0;
	v0 =	vadd.s32 $0x12, v5  }
0x4f: {  	v3 =	vadd.s32 $0x15, v5  }
0x50: {  	v2 =	vor.u32 $0x2, v4;
	[tilespmem:$0x1FE20] =	vst v1;
	v1 =	vld.idx.msk [tilespmem:v36+s1+$0x0], vm0;
	_ =	sdelay $0x2  }
0x51: {  	v0 =	vld.idx.msk [tilespmem:v0+s1+$0x0], vm0  }
0x52: {  	v49 =	vld.idx.msk [tilespmem:v3+s1+$0x0], vm0  }
0x53: {  	v3 =	vor.u32 $0x3, v4;
	[tilespmem:$0x1FE40] =	vst v1;
	v1 =	vld.idx.msk [tilespmem:v2+s1+$0x0], vm0;
	_ =	sdelay $0x3  }
0x54: {  	[tilespmem:$0x1FDC0] =	vst v0;
	v0 =	vadd.s32 $0x17, v5  }
0x55: {  	v37 =	vor.u32 $0x4, v4;
	[tilespmem:$0x1FE50] =	vst v1;
	v1 =	vld.idx.msk [tilespmem:v3+s1+$0x0], vm0;
	_ =	sdelay $0x2  }
0x56: {  	v13 =	vld.idx.msk [tilespmem:v51+s1+$0x0], vm0  }
0x57: {  	v51 =	vld.idx.msk [tilespmem:v0+s1+$0x0], vm0;
	v0 =	vor.u32 $0x5, v4  }
0x58: {  	v38 =	vor.u32 $0x6, v4;
	[tilespmem:$0x1FE60] =	vst v1;
	v1 =	vld.idx.msk [tilespmem:v37+s1+$0x0], vm0;
	_ =	sdelay $0x3  }
0x59: {  	v0 =	vld.idx.msk [tilespmem:v0+s1+$0x0], vm0  }
0x5a: {  	v2 =	vor.u32 $0x7, v4;
	[tilespmem:$0x1FE70] =	vst v1;
	v1 =	vld.idx.msk [tilespmem:v38+s1+$0x0], vm0;
	_ =	sdelay $0x3  }
0x5b: {  	[tilespmem:$0x1FE80] =	vst v0;
	v0 =	vadd.s32 $0xA, v4  }
0x5c: {  	[tilespmem:$0x1FE90] =	vst v1;
	v1 =	vld.idx.msk [tilespmem:v2+s1+$0x0], vm0;
	v2 =	vadd.s32 $0xC, v4;
	_ =	sdelay $0x2  }
0x5d: {  	v41 =	vor.u32 $0x3, v26  }
0x5e: {  	v57 =	vld.idx.msk [tilespmem:v0+s1+$0x0], vm0;
	v0 =	vadd.s32 $0xE, v4  }
0x5f: {  	v58 =	vld.idx.msk [tilespmem:v2+s1+$0x0], vm0;
	v2 =	vadd.s32 $0x10, v4;
	_ =	sdelay $0x1  }
0x60: {  	v39 =	vadd.s32 $0x9, v4  }
0x61: {  	v43 =	vld.idx.msk [tilespmem:v41+s13+$0x0], vm0  }
0x62: {  	v46 =	vld.idx.msk [tilespmem:v0+s1+$0x0], vm0  }
0x63: {  	v0 =	vld.idx.msk [tilespmem:v2+s1+$0x0], vm0;
	_ =	sdelay $0x1  }
0x64: {  	v40 =	vadd.s32 $0xB, v4;
	[tilespmem:$0x1FEA0] =	vst v1;
	v1 =	vld.idx.msk [tilespmem:v39+s1+$0x0], vm0;
	_ =	sdelay $0x2  }
0x65: {  	[tilespmem:$0x1FED0] =	vst v0;
	v0 =	vmul.u32 $0x18, v43;
	_ =	sdelay $0x1  }
0x66: {  	[tilespmem:$0x1FEB0] =	vst v1;
	v1 =	vld.idx.msk [tilespmem:v40+s1+$0x0], vm0;
	v36 =	vor.u32 $0x2, v0;
	_ =	sdelay $0x3  }
0x67: {  	v21 =	vld.idx.msk [tilespmem:v6+s1+$0x0], vm0;
	v60 =	vor.u32 $0x3, v5  }
0x68: {  	[tilespmem:$0x1FEC0] =	vst v1;
	v37 =	vor.u32 $0x3, v0;
	v1 =	vld.idx.msk [tilespmem:v36+s1+$0x0], vm0  }
0x69: {  	v24 =	vld.idx.msk [tilespmem:v52+s1+$0x0], vm0;
	v3 =	vadd.s32 $0x8, v4  }
0x6a: {  	v28 =	vld.idx.msk [tilespmem:v54+s1+$0x0], vm0;
	v61 =	vor.u32 $0x5, v5  }
0x6b: {  	v33 =	vadd.s32 $0x13, v5;
	v17 =	vld.idx.msk [tilespmem:v5+s1+$0x0], vm0  }
0x6c: {  	v54 =	vld.idx.msk [tilespmem:v60+s1+$0x0], vm0  }
0x6d: {  	v38 =	vor.u32 $0x4, v0;
	[tilespmem:$0x1FEE0] =	vst v1;
	v1 =	vld.idx.msk [tilespmem:v37+s1+$0x0], vm0  }
0x6e: {  	v52 =	vld.idx.msk [tilespmem:v3+s1+$0x0], vm0;
	v3 =	vadd.s32 $0xD, v4  }
0x6f: {  	v8 =	vadd.s32 $0x12, v4;
	v55 =	vld.idx.msk [tilespmem:v61+s1+$0x0], vm0  }
0x70: {  	v42 =	vadd.s32 $0xF, v4;
	v48 =	vld.idx.msk [tilespmem:v33+s1+$0x0], vm0  }
0x71: {  	v54 =	vmax.f32 v18, v54;
	v18 =	vmax.f32 v11, v23;
	v11 =	vld [tilespmem:$0x1FD30]  }
0x72: {  	[tilespmem:$0x1FEF0] =	vst v1;
	v1 =	vld.idx.msk [tilespmem:v38+s1+$0x0], vm0  }
0x73: {  	v60 =	vld.idx.msk [tilespmem:v3+s1+$0x0], vm0;
	v3 =	vadd.s32 $0x11, v4  }
0x74: {  	v32 =	vadd.s32 $0x11, v5;
	v50 =	vld.idx.msk [tilespmem:v8+s1+$0x0], vm0  }
0x75: {  	v59 =	vld.idx.msk [tilespmem:v42+s1+$0x0], vm0  }
0x76: {  	v45 =	vmax.f32 v28, v45;
	v28 =	vld [tilespmem:$0x1FD80];
	v2 =	vadd.s32 $0x14, v4  }
0x77: {  	v53 =	vmax.f32 v15, v53;
	v15 =	vmax.f32 v24, v11;
	v11 =	vld [tilespmem:$0x1FE10];
	[tilespmem:$0x1FF00] =	vst v1;
	v1 =	vadd.s32 $0xA, v0  }
0x78: {  	v61 =	vld.idx.msk [tilespmem:v3+s1+$0x0], vm0;
	v3 =	vadd.s32 $0x15, v4  }
0x79: {  	v19 =	vadd.s32 $0x16, v4;
	v63 =	vld.idx.msk [tilespmem:v32+s1+$0x0], vm0  }
0x7a: {  	v32 =	vld.idx.msk [tilespmem:v4+s1+$0x0], vm0;
	v27 =	vadd.s32 $0x17, v4  }
0x7b: {  	v47 =	vadd.s32 $0x13, v4;
	v41 =	vld.idx.msk [tilespmem:v2+s1+$0x0], vm0  }
0x7c: {  	v2 =	vadd.s32 $0xB, v0;
	v1 =	vld.idx.msk [tilespmem:v1+s1+$0x0], vm0  }
0x7d: {  	v44 =	vld.idx.msk [tilespmem:v3+s1+$0x0], vm0;
	v3 =	vadd.s32 $0xC, v0  }
0x7e: {  	v40 =	vld.idx.msk [tilespmem:v19+s1+$0x0], vm0;
	v19 =	vadd.s32 $0xD, v0  }
0x7f: {  	v33 =	vor.u32 $0x4, v26;
	v42 =	vld.idx.msk [tilespmem:v27+s1+$0x0], vm0  }
0x80: {  	v43 =	vld.idx.msk [tilespmem:v47+s1+$0x0], vm0;
	v35 =	vor.u32 $0x1, v0  }
0x81: {  	v8 =	vadd.s32 $0x9, v0;
	[tilespmem:$0x1FF20] =	vst v1;
	v1 =	vld.idx.msk [tilespmem:v2+s1+$0x0], vm0  }
0x82: {  	v6 =	vor.u32 $0x7, v0;
	v2 =	vld.idx.msk [tilespmem:v3+s1+$0x0], vm0  }
0x83: {  	v38 =	vadd.s32 $0xE, v0;
	v3 =	vld.idx.msk [tilespmem:v19+s1+$0x0], vm0  }
0x84: {  	v19 =	vld.idx.msk [tilespmem:v33+s13+$0x0], vm0  }
0x85: {  	v5 =	vor.u32 $0x6, v0;
	v47 =	vld.idx.msk [tilespmem:v35+s1+$0x0], vm0  }
0x86: {  	v26 =	vadd.s32 $0x12, v0;
	v27 =	vld.idx.msk [tilespmem:v8+s1+$0x0], vm0  }
0x87: {  	v36 =	vld.idx.msk [tilespmem:v6+s1+$0x0], vm0  }
0x88: {  	v6 =	vld.idx.msk [tilespmem:v38+s1+$0x0], vm0  }
0x89: {  	v4 =	vmul.u32 $0x18, v19;
	v19 =	vmax.f32 v9, v17;
	v17 =	vmax.f32 v10, v20;
	v10 =	vld [tilespmem:$0x1FD20]  }
0x8a: {  	v7 =	vadd.s32 $0x8, v0;
	v35 =	vld.idx.msk [tilespmem:v5+s1+$0x0], vm0  }
0x8b: {  	v5 =	vld.idx.msk [tilespmem:v26+s1+$0x0], vm0;
	[tilespmem:$0x1FF10] =	vst v27;
	v27 =	vadd.s32 $0x16, v0  }
0x8c: {  	v56 =	vmax.f32 v22, v56;
	v22 =	vld [tilespmem:$0x1FD50];
	v38 =	vor.u32 $0x4, v4  }
0x8d: {  	v62 =	vmax.f32 v28, v62;
	v28 =	vld [tilespmem:$0x1FDE0]  }
0x8e: {  	[tilespmem:$0x1FF60] =	vst v6;
	v6 =	vmax.f32 v13, v10;
	v13 =	vld [tilespmem:$0x1FD40]  }
0x8f: {  	v37 =	vld.idx.msk [tilespmem:v7+s1+$0x0], vm0  }
0x90: {  	[tilespmem:$0x1FFA0] =	vst v5;
	v5 =	vld.idx.msk [tilespmem:v27+s1+$0x0], vm0  }
0x91: {  	v27 =	vld.idx.msk [tilespmem:v38+s1+$0x0], vm0  }
0x92: {  	v39 =	vor.u32 $0x5, v0;
	v38 =	vld [tilespmem:$0x1FDB0]  }
0x93: {  	v7 =	vmax.f32 v14, v13;
	v13 =	vld [tilespmem:$0x1FDC0]  }
0x94: {  	v24 =	vld [tilespmem:$0x1FD60]  }
0x95: {  	v59 =	vmax.f32 v62, v59;
	v62 =	vld [tilespmem:$0x1FED0];
	[tilespmem:$0x1FF40] =	vst v2;
	v2 =	vadd.s32 $0x10, v0  }
0x96: {  	v26 =	vld [tilespmem:$0x1FD70]  }
0x97: {  	v39 =	vld.idx.msk [tilespmem:v39+s1+$0x0], vm0  }
0x98: {  	v13 =	vmax.f32 v38, v13;
	v38 =	vld [tilespmem:$0x1FE20]  }
0x99: {  	v33 =	vld.idx.msk [tilespmem:v0+s1+$0x0], vm0;
	[tilespmem:$0x1FF30] =	vst v1;
	v1 =	vadd.s32 $0xF, v0  }
0x9a: {  	[tilespmem:$0x1FF50] =	vst v3;
	v3 =	vadd.s32 $0x11, v0;
	v2 =	vld.idx.msk [tilespmem:v2+s1+$0x0], vm0  }
0x9b: {  	v9 =	vmax.f32 v30, v26;
	v30 =	vld [tilespmem:$0x1FD90]  }
0x9c: {  	v26 =	vld [tilespmem:$0x1FDD0]  }
0x9d: {  	v11 =	vmax.f32 v11, v38;
	v38 =	vld [tilespmem:$0x1FE30]  }
0x9e: {  	v1 =	vld.idx.msk [tilespmem:v1+s1+$0x0], vm0  }
0x9f: {  	v3 =	vld.idx.msk [tilespmem:v3+s1+$0x0], vm0;
	[tilespmem:$0x1FF80] =	vst v2;
	v2 =	vadd.s32 $0x14, v0  }
0xa0: {  	v8 =	vmax.f32 v16, v24;
	[tilespmem:$0x1FFE0] =	vst v5;
	v5 =	vadd.s32 $0x9, v4;
	v16 =	vmax.f32 v31, v30;
	v31 =	vld [tilespmem:$0x1FDA0]  }
0xa1: {  	v9 =	vmax.f32 v9, v46;
	v46 =	vadd.s32 $0x16, v4;
	v30 =	vld [tilespmem:$0x1FDF0]  }
0xa2: {  	v51 =	vmax.f32 v38, v51;
	v38 =	vld [tilespmem:$0x1FE40]  }
0xa3: {  	v45 =	vmax.f32 v45, v60;
	v60 =	vld.idx.msk [tilespmem:v4+s1+$0x0], vm0  }
0xa4: {  	v2 =	vld.idx.msk [tilespmem:v2+s1+$0x0], vm0  }
0xa5: {  	v19 =	vmax.f32 v19, v32;
	v48 =	vmax.f32 v26, v48;
	v26 =	vld.idx.msk [tilespmem:v5+s1+$0x0], vm0;
	v5 =	vadd.s32 $0xE, v4  }
0xa6: {  	v19 =	vmax.f32 v19, v33;
	v33 =	vld.idx.msk [tilespmem:v46+s1+$0x0], vm0;
	[tilespmem:$0x1FF70] =	vst v1;
	v1 =	vadd.s32 $0x13, v0  }
0xa7: {  	v32 =	vmax.f32 v53, v38;
	v38 =	vld [tilespmem:$0x1FE70]  }
0xa8: {  	[tilespmem:$0x1FF90] =	vst v3;
	v3 =	vadd.s32 $0x15, v0;
	v63 =	vmax.f32 v31, v63;
	v31 =	vld [tilespmem:$0x1FE00]  }
0xa9: {  	v61 =	vmax.f32 v63, v61;
	v63 =	vld [tilespmem:$0x1FEE0];
	[tilespmem:$0x1FFC0] =	vst v2;
	v2 =	vor.u32 $0x2, v4  }
0xaa: {  	v0 =	vadd.s32 $0x17, v0;
	v5 =	vld.idx.msk [tilespmem:v5+s1+$0x0], vm0  }
0xab: {  	v6 =	vmax.f32 v6, v52;
	v52 =	vadd.s32 $0x13, v4;
	v1 =	vld.idx.msk [tilespmem:v1+s1+$0x0], vm0  }
0xac: {  	v18 =	vmax.f32 v18, v38;
	v38 =	vld [tilespmem:$0x1FE80]  }
0xad: {  	v7 =	vmax.f32 v7, v57;
	v57 =	vadd.s32 $0x14, v4;
	v3 =	vld.idx.msk [tilespmem:v3+s1+$0x0], vm0  }
0xae: {  	v55 =	vmax.f32 v21, v55;
	v21 =	vld.idx.msk [tilespmem:v2+s1+$0x0], vm0;
	v2 =	vor.u32 $0x7, v4  }
0xaf: {  	v8 =	vmax.f32 v8, v58;
	v58 =	vadd.s32 $0x15, v4;
	v0 =	vld.idx.msk [tilespmem:v0+s1+$0x0], vm0  }
0xb0: {  	v13 =	vmax.f32 v13, v50;
	v50 =	vld.idx.msk [tilespmem:v52+s1+$0x0], vm0;
	[tilespmem:$0x1FFB0] =	vst v1;
	v1 =	vor.u32 $0x1, v4  }
0xb1: {  	v10 =	vmax.f32 v28, v30;
	v55 =	vmax.f32 v55, v38;
	v38 =	vld [tilespmem:$0x1FE90]  }
0xb2: {  	v10 =	vmax.f32 v10, v41;
	v41 =	vld.idx.msk [tilespmem:v57+s1+$0x0], vm0;
	[tilespmem:$0x1FFD0] =	vst v3;
	v3 =	vor.u32 $0x3, v4  }
0xb3: {  	v14 =	vmax.f32 v25, v22;
	v22 =	vld.idx.msk [tilespmem:v2+s1+$0x0], vm0;
	v2 =	vadd.s32 $0xC, v4  }
0xb4: {  	v11 =	vmax.f32 v11, v40;
	v40 =	vld.idx.msk [tilespmem:v58+s1+$0x0], vm0  }
0xb5: {  	v12 =	vmax.f32 v12, v29;
	[tilespmem:$0x1FFF0] =	vst v0;
	v0 =	vor.u32 $0x5, v4;
	v20 =	vld.idx.msk [tilespmem:v1+s1+$0x0], vm0  }
0xb6: {  	v12 =	vmax.f32 v12, v38;
	v38 =	vld [tilespmem:$0x1FEA0]  }
0xb7: {  	v1 =	vor.u32 $0x6, v4;
	v23 =	vld.idx.msk [tilespmem:v3+s1+$0x0], vm0  }
0xb8: {  	v49 =	vmax.f32 v31, v49;
	v3 =	vadd.s32 $0x8, v4;
	v31 =	vld.idx.msk [tilespmem:v2+s1+$0x0], vm0  }
0xb9: {  	v2 =	vld [tilespmem:$0x1FE50]  }
0xba: {  	v25 =	vld.idx.msk [tilespmem:v0+s1+$0x0], vm0;
	v0 =	vadd.s32 $0xA, v4  }
0xbb: {  	v56 =	vmax.f32 v56, v38;
	v38 =	vld [tilespmem:$0x1FEB0]  }
0xbc: {  	v29 =	vld.idx.msk [tilespmem:v1+s1+$0x0], vm0  }
0xbd: {  	v1 =	vadd.s32 $0xB, v4;
	v24 =	vld.idx.msk [tilespmem:v3+s1+$0x0], vm0  }
0xbe: {  	v3 =	vadd.s32 $0xD, v4;
	v17 =	vmax.f32 v17, v2;
	v2 =	vld [tilespmem:$0x1FE60]  }
0xbf: {  	v28 =	vld.idx.msk [tilespmem:v0+s1+$0x0], vm0;
	v0 =	vadd.s32 $0xF, v4  }
0xc0: {  	v15 =	vmax.f32 v15, v38;
	v38 =	vld [tilespmem:$0x1FEC0]  }
0xc1: {  	v42 =	vmax.f32 v51, v42;
	v51 =	vld [tilespmem:$0x1FF00];
	v53 =	vadd.s32 $0x11, v4  }
0xc2: {  	v30 =	vld.idx.msk [tilespmem:v1+s1+$0x0], vm0;
	v1 =	vadd.s32 $0x10, v4  }
0xc3: {  	v34 =	vmul.u32 $0x18, v34;
	v3 =	vld.idx.msk [tilespmem:v3+s1+$0x0], vm0;
	v54 =	vmax.f32 v54, v2;
	v2 =	vadd.s32 $0x12, v4  }
0xc4: {  	v0 =	vld.idx.msk [tilespmem:v0+s1+$0x0], vm0;
	v4 =	vadd.s32 $0x17, v4  }
0xc5: {  	v16 =	vmax.f32 v16, v62;
	v52 =	vor.u32 $0x1, v34;
	v14 =	vmax.f32 v14, v38;
	v38 =	vld [tilespmem:$0x1FEF0]  }
0xc6: {  	v43 =	vmax.f32 v48, v43;
	v62 =	vor.u32 $0x4, v34;
	v57 =	vor.u32 $0x2, v34;
	v53 =	vld.idx.msk [tilespmem:v53+s1+$0x0], vm0  }
0xc7: {  	v19 =	vmax.f32 v19, v60;
	v58 =	vor.u32 $0x3, v34;
	v32 =	vmax.f32 v32, v47;
	v1 =	vld.idx.msk [tilespmem:v1+s1+$0x0], vm0  }
0xc8: {  	v20 =	vmax.f32 v32, v20;
	v32 =	vor.u32 $0x5, v34;
	v17 =	vmax.f32 v17, v63;
	v2 =	vld.idx.msk [tilespmem:v2+s1+$0x0], vm0  }
0xc9: {  	v17 =	vmax.f32 v17, v21;
	v12 =	vmax.f32 v12, v35;
	v4 =	vld.idx.msk [tilespmem:v4+s1+$0x0], vm0;
	[tilespmem:v34+s14+$0x0] =	vst.idx.msk vm0, v19  }
0xca: {  	v48 =	vor.u32 $0x6, v34;
	v12 =	vmax.f32 v12, v29;
	[tilespmem:v52+s14+$0x0] =	vst.idx.msk vm0, v20;
	v20 =	vmax.f32 v54, v38  }
0xcb: {  	v29 =	vld [tilespmem:$0x1FF10];
	[tilespmem:v57+s14+$0x0] =	vst.idx.msk vm0, v17;
	v17 =	vmax.f32 v18, v51;
	v54 =	vor.u32 $0x7, v34;
	v52 =	vmax.f32 v20, v23  }
0xcc: {  	v55 =	vmax.f32 v55, v39;
	v35 =	vld [tilespmem:$0x1FF20];
	v57 =	vadd.s32 $0x8, v34;
	v17 =	vmax.f32 v17, v27;
	[tilespmem:v58+s14+$0x0] =	vst.idx.msk vm0, v52  }
0xcd: {  	v60 =	vadd.s32 $0x9, v34;
	v38 =	vld [tilespmem:$0x1FF30];
	v58 =	vmax.f32 v55, v25;
	[tilespmem:v62+s14+$0x0] =	vst.idx.msk vm0, v17  }
0xce: {  	v46 =	vld [tilespmem:$0x1FF40];
	v63 =	vadd.s32 $0xA, v34;
	v62 =	vmax.f32 v56, v36;
	[tilespmem:v32+s14+$0x0] =	vst.idx.msk vm0, v58  }
0xcf: {  	v6 =	vmax.f32 v6, v37;
	v27 =	vadd.s32 $0xB, v34;
	v25 =	vmax.f32 v62, v22;
	[tilespmem:v48+s14+$0x0] =	vst.idx.msk vm0, v12;
	v48 =	vld [tilespmem:$0x1FF50]  }
0xd0: {  	v6 =	vmax.f32 v6, v24;
	v32 =	vadd.s32 $0xC, v34;
	v12 =	vmax.f32 v15, v29;
	[tilespmem:v54+s14+$0x0] =	vst.idx.msk vm0, v25  }
0xd1: {  	v37 =	vadd.s32 $0xD, v34;
	v36 =	vmax.f32 v12, v26;
	[tilespmem:v57+s14+$0x0] =	vst.idx.msk vm0, v6;
	v6 =	vmax.f32 v7, v35  }
0xd2: {  	v7 =	vmax.f32 v14, v38;
	[tilespmem:v60+s14+$0x0] =	vst.idx.msk vm0, v36;
	v6 =	vmax.f32 v6, v28  }
0xd3: {  	v7 =	vmax.f32 v7, v30;
	[tilespmem:v63+s14+$0x0] =	vst.idx.msk vm0, v6;
	v6 =	vmax.f32 v8, v46  }
0xd4: {  	[tilespmem:v27+s14+$0x0] =	vst.idx.msk vm0, v7;
	v7 =	vmax.f32 v45, v48;
	v6 =	vmax.f32 v6, v31  }
0xd5: {  	v51 =	vld [tilespmem:$0x1FF60];
	[tilespmem:v32+s14+$0x0] =	vst.idx.msk vm0, v6;
	v3 =	vmax.f32 v7, v3  }
0xd6: {  	[tilespmem:v37+s14+$0x0] =	vst.idx.msk vm0, v3;
	v3 =	vld [tilespmem:$0x1FF70]  }
0xd7: {  	v56 =	vld [tilespmem:$0x1FF90]  }
0xd8: {  	v39 =	vadd.s32 $0xE, v34;
	v55 =	vld [tilespmem:$0x1FF80]  }
0xd9: {  	v47 =	vadd.s32 $0xF, v34  }
0xda: {  	v44 =	vmax.f32 v49, v44;
	v49 =	vadd.s32 $0x10, v34;
	v57 =	vld [tilespmem:$0x1FFA0]  }
0xdb: {  	v52 =	vadd.s32 $0x11, v34;
	v6 =	vmax.f32 v9, v51;
	v3 =	vmax.f32 v59, v3;
	v59 =	vld [tilespmem:$0x1FFB0]  }
0xdc: {  	v54 =	vadd.s32 $0x12, v34;
	v9 =	vmax.f32 v61, v56;
	v61 =	vld [tilespmem:$0x1FFC0];
	v5 =	vmax.f32 v6, v5  }
0xdd: {  	[tilespmem:v39+s14+$0x0] =	vst.idx.msk vm0, v5;
	v5 =	vmax.f32 v16, v55;
	v0 =	vmax.f32 v3, v0;
	v3 =	vadd.s32 $0x13, v34  }
0xde: {  	v1 =	vmax.f32 v5, v1;
	[tilespmem:v47+s14+$0x0] =	vst.idx.msk vm0, v0;
	v0 =	vadd.s32 $0x14, v34  }
0xdf: {  	v58 =	vmax.f32 v9, v53;
	v5 =	vmax.f32 v13, v57;
	[tilespmem:v49+s14+$0x0] =	vst.idx.msk vm0, v1  }
0xe0: {  	v2 =	vmax.f32 v5, v2;
	[tilespmem:v52+s14+$0x0] =	vst.idx.msk vm0, v58;
	v9 =	vmax.f32 v43, v59  }
0xe1: {  	v63 =	vld [tilespmem:$0x1FFD0];
	v7 =	vmax.f32 v10, v61;
	[tilespmem:v54+s14+$0x0] =	vst.idx.msk vm0, v2;
	v62 =	vmax.f32 v9, v50  }
0xe2: {  	v7 =	vmax.f32 v7, v41;
	[tilespmem:v3+s14+$0x0] =	vst.idx.msk vm0, v62;
	v3 =	vld [tilespmem:$0x1FFE0]  }
0xe3: {  	v1 =	vadd.s32 $0x15, v34;
	[tilespmem:v0+s14+$0x0] =	vst.idx.msk vm0, v7;
	v0 =	vld [tilespmem:$0x1FFF0]  }
0xe4: {  	v60 =	vadd.s32 $0x16, v34  }
0xe5: {  	p0 =	sne.s32 s16, $0x1F0;
	v2 =	vadd.s32 $0x17, v34  }
.Ltmp0:
0xe6: {  	v6 =	vmax.f32 v44, v63;
	(pc) =	sbr.rel @p0 .LBB2_2-.Ltmp0, $4  }
0xe7: {  	v6 =	vmax.f32 v6, v40;
	v3 =	vmax.f32 v11, v3  }
0xe8: {  	[tilespmem:v1+s14+$0x0] =	vst.idx.msk vm0, v6;
	v0 =	vmax.f32 v42, v0;
	v3 =	vmax.f32 v3, v33  }
0xe9: {  	v0 =	vmax.f32 v0, v4;
	[tilespmem:v60+s14+$0x0] =	vst.idx.msk vm0, v3  }
0xea: {  	s16 =	sadd.s32 $0x10, s16;
	[tilespmem:v2+s14+$0x0] =	vst.idx.msk vm0, v0;
	v0 =	vlaneseq.u32  }
0xeb: {  	[hbm4b:s5+s10] =	stream.strided.scatter [tilespmem:s14], [sflag:$0x1], $0x2F00, s11, s10, $0x38;
	[tilespmem:$0x6E00] =	vst v63  }
0xec: {  	_ =	swait.ge [sflag:s12], $0x2F00  }
0xed: {  	[sflag:s12] =	ssyncset.done $0x0  }
0xee: {  	s16 =	simm.s32 $0x0;
	[sflag:s12] =	ssyncadd.s32 $0xFFFFD100  }
0xef: {  	[tilespmem:s16], [sflag:$0x1] =	stream.strided.gather [hbm4b:s6+s10], $0x2F00, s11, s10, $0x38;
	[tilespmem:$0x6E00] =	vst v63  }
0xf0: {  	_ =	swait.ge [sflag:s12], $0x2F00  }
0xf1: {  	[sflag:s12] =	ssyncset.done $0x0  }
0xf2: {  	[sflag:s12] =	ssyncadd.s32 $0xFFFFD100  }
0xf3: {  	[tilespmem:s13], [sflag:$0x1] =	stream.strided.gather [hbm4b:s7+s10], $0x1000, s11, s10, $0x38;
	[tilespmem:$0x6E00] =	vst v63  }
0xf4: {  	_ =	swait.ge [sflag:s12], $0x1000  }
0xf5: {  	[sflag:s12] =	ssyncset.done $0x0  }
0xf6: {  	[sflag:s12] =	ssyncadd.s32 $0xFFFFF000  }
.LBB2_4:
0xf7: {  	v34 =	vor.u32 s16, v0  }
0xf8: {  	vm0 =	vlt.u32 v34, $0x1F4  }
0xf9: {  	v26 =	vshll.u32 v34, $0x3;
	_ =	sdelay $0x4  }
0xfa: {  	v0 =	vld.idx.msk [tilespmem:v26+s13+$0x0], vm0;
	_ =	sdelay $0x4  }
0xfb: {  	v0 =	vmul.u32 $0x18, v0;
	_ =	sdelay $0x1  }
0xfc: {  	v2 =	vor.u32 $0x1, v0;
	_ =	sdelay $0x4  }
0xfd: {  	v15 =	vld.idx.msk [tilespmem:v2+s1+$0x0], vm0;
	v2 =	vor.u32 $0x6, v0;
	_ =	sdelay $0x4  }
0xfe: {  	v12 =	vld.idx.msk [tilespmem:v2+s1+$0x0], vm0;
	v2 =	vadd.s32 $0xB, v0;
	_ =	sdelay $0x4  }
0xff: {  	v25 =	vld.idx.msk [tilespmem:v2+s1+$0x0], vm0;
	v2 =	vadd.s32 $0xF, v0;
	_ =	sdelay $0x3  }
0x100: {  	v3 =	vor.u32 $0x2, v0  }
0x101: {  	v57 =	vadd.s32 $0x11, v0;
	v1 =	vld.idx.msk [tilespmem:v2+s1+$0x0], vm0;
	_ =	sdelay $0x3  }
0x102: {  	v10 =	vld.idx.msk [tilespmem:v3+s1+$0x0], vm0;
	v3 =	vor.u32 $0x7, v0  }
0x103: {  	v7 =	vadd.s32 $0x12, v0;
	[tilespmem:$0x1FAA0] =	vst v1;
	v1 =	vld.idx.msk [tilespmem:v57+s1+$0x0], vm0;
	_ =	sdelay $0x3  }
0x104: {  	v22 =	vld.idx.msk [tilespmem:v3+s1+$0x0], vm0;
	v3 =	vadd.s32 $0xC, v0  }
0x105: {  	v58 =	vadd.s32 $0x13, v0;
	[tilespmem:$0x1FAC0] =	vst v1;
	v1 =	vld.idx.msk [tilespmem:v7+s1+$0x0], vm0;
	_ =	sdelay $0x3  }
0x106: {  	v16 =	vld.idx.msk [tilespmem:v3+s1+$0x0], vm0;
	v3 =	vadd.s32 $0x10, v0  }
0x107: {  	v2 =	vadd.s32 $0x14, v0;
	[tilespmem:$0x1FAD0] =	vst v1;
	v1 =	vld.idx.msk [tilespmem:v58+s1+$0x0], vm0  }
0x108: {  	v5 =	vor.u32 $0x4, v0  }
0x109: {  	v55 =	vor.u32 $0x1, v26;
	_ =	sdelay $0x1  }
0x10a: {  	v31 =	vld.idx.msk [tilespmem:v3+s1+$0x0], vm0  }
0x10b: {  	v3 =	vadd.s32 $0x15, v0;
	[tilespmem:$0x1FAF0] =	vst v1;
	v1 =	vld.idx.msk [tilespmem:v2+s1+$0x0], vm0  }
0x10c: {  	v11 =	vld.idx.msk [tilespmem:v5+s1+$0x0], vm0  }
0x10d: {  	v5 =	vld.idx.msk [tilespmem:v55+s13+$0x0], vm0;
	_ =	sdelay $0x2  }
0x10e: {  	v59 =	vadd.s32 $0x16, v0;
	[tilespmem:$0x1FB00] =	vst v1;
	v1 =	vld.idx.msk [tilespmem:v3+s1+$0x0], vm0;
	_ =	sdelay $0x1  }
0x10f: {  	v5 =	vmul.u32 $0x18, v5  }
0x110: {  	v53 =	vadd.s32 $0xA, v0  }
0x111: {  	v2 =	vor.u32 $0x1, v5  }
0x112: {  	v62 =	vadd.s32 $0x8, v5;
	[tilespmem:$0x1FB20] =	vst v1;
	v1 =	vld.idx.msk [tilespmem:v59+s1+$0x0], vm0;
	_ =	sdelay $0x2  }
0x113: {  	v14 =	vld.idx.msk [tilespmem:v53+s1+$0x0], vm0;
	v3 =	vor.u32 $0x2, v5  }
0x114: {  	v53 =	vld.idx.msk [tilespmem:v2+s1+$0x0], vm0;
	v2 =	vor.u32 $0x6, v5  }
0x115: {  	v63 =	vadd.s32 $0xA, v5;
	[tilespmem:$0x1FB30] =	vst v1;
	v1 =	vld.idx.msk [tilespmem:v62+s1+$0x0], vm0;
	_ =	sdelay $0x2  }
0x116: {  	v56 =	vadd.s32 $0xE, v0;
	v20 =	vld.idx.msk [tilespmem:v3+s1+$0x0], vm0  }
0x117: {  	v3 =	vor.u32 $0x7, v5;
	v29 =	vld.idx.msk [tilespmem:v2+s1+$0x0], vm0  }
0x118: {  	v2 =	vadd.s32 $0xB, v5;
	[tilespmem:$0x1FA40] =	vst v1;
	v1 =	vld.idx.msk [tilespmem:v63+s1+$0x0], vm0;
	_ =	sdelay $0x1  }
0x119: {  	v4 =	vor.u32 $0x3, v0;
	v6 =	vor.u32 $0x5, v0;
	v51 =	vadd.s32 $0x8, v0;
	v9 =	vld.idx.msk [tilespmem:v0+s1+$0x0], vm0  }
0x11a: {  	v52 =	vadd.s32 $0x9, v0;
	v54 =	vadd.s32 $0xD, v0;
	v30 =	vld.idx.msk [tilespmem:v56+s1+$0x0], vm0;
	v0 =	vadd.s32 $0x17, v0  }
0x11b: {  	v56 =	vld.idx.msk [tilespmem:v3+s1+$0x0], vm0  }
0x11c: {  	v3 =	vadd.s32 $0xC, v5;
	[tilespmem:$0x1FA60] =	vst v1;
	v1 =	vld.idx.msk [tilespmem:v2+s1+$0x0], vm0;
	_ =	sdelay $0x2  }
0x11d: {  	v0 =	vld.idx.msk [tilespmem:v0+s1+$0x0], vm0;
	_ =	sdelay $0x1  }
0x11e: {  	v27 =	vadd.s32 $0xE, v5;
	[tilespmem:$0x1FA70] =	vst v1;
	v1 =	vld.idx.msk [tilespmem:v3+s1+$0x0], vm0;
	_ =	sdelay $0x2  }
0x11f: {  	[tilespmem:$0x1FB50] =	vst v0;
	v0 =	vor.u32 $0x4, v5  }
0x120: {  	v2 =	vadd.s32 $0xF, v5  }
0x121: {  	v3 =	vadd.s32 $0x10, v5;
	[tilespmem:$0x1FA80] =	vst v1;
	v1 =	vld.idx.msk [tilespmem:v27+s1+$0x0], vm0;
	_ =	sdelay $0x1  }
0x122: {  	v19 =	vor.u32 $0x2, v26  }
0x123: {  	v23 =	vld.idx.msk [tilespmem:v0+s1+$0x0], vm0;
	v0 =	vadd.s32 $0x9, v5  }
0x124: {  	v62 =	vld.idx.msk [tilespmem:v2+s1+$0x0], vm0  }
0x125: {  	v2 =	vadd.s32 $0x14, v5;
	[tilespmem:$0x1FA90] =	vst v1;
	v1 =	vld.idx.msk [tilespmem:v3+s1+$0x0], vm0  }
0x126: {  	v18 =	vld.idx.msk [tilespmem:v4+s1+$0x0], vm0  }
0x127: {  	v4 =	vld.idx.msk [tilespmem:v19+s13+$0x0], vm0  }
0x128: {  	v0 =	vld.idx.msk [tilespmem:v0+s1+$0x0], vm0;
	_ =	sdelay $0x1  }
0x129: {  	v35 =	vadd.s32 $0x16, v5;
	[tilespmem:$0x1FAB0] =	vst v1;
	v1 =	vld.idx.msk [tilespmem:v2+s1+$0x0], vm0;
	_ =	sdelay $0x2  }
0x12a: {  	v4 =	vmul.u32 $0x18, v4;
	[tilespmem:$0x1FA50] =	vst v0;
	v0 =	vadd.s32 $0xD, v5;
	_ =	sdelay $0x1  }
0x12b: {  	v36 =	vor.u32 $0x1, v4;
	[tilespmem:$0x1FB10] =	vst v1;
	v1 =	vld.idx.msk [tilespmem:v35+s1+$0x0], vm0;
	_ =	sdelay $0x2  }
0x12c: {  	v45 =	vld.idx.msk [tilespmem:v0+s1+$0x0], vm0;
	v0 =	vadd.s32 $0x12, v5  }
0x12d: {  	v3 =	vadd.s32 $0x15, v5  }
0x12e: {  	v2 =	vor.u32 $0x2, v4;
	[tilespmem:$0x1FB40] =	vst v1;
	v1 =	vld.idx.msk [tilespmem:v36+s1+$0x0], vm0;
	_ =	sdelay $0x2  }
0x12f: {  	v0 =	vld.idx.msk [tilespmem:v0+s1+$0x0], vm0  }
0x130: {  	v49 =	vld.idx.msk [tilespmem:v3+s1+$0x0], vm0  }
0x131: {  	v3 =	vor.u32 $0x3, v4;
	[tilespmem:$0x1FB60] =	vst v1;
	v1 =	vld.idx.msk [tilespmem:v2+s1+$0x0], vm0;
	_ =	sdelay $0x3  }
0x132: {  	[tilespmem:$0x1FAE0] =	vst v0;
	v0 =	vadd.s32 $0x17, v5  }
0x133: {  	v37 =	vor.u32 $0x4, v4;
	[tilespmem:$0x1FB70] =	vst v1;
	v1 =	vld.idx.msk [tilespmem:v3+s1+$0x0], vm0;
	_ =	sdelay $0x2  }
0x134: {  	v13 =	vld.idx.msk [tilespmem:v51+s1+$0x0], vm0  }
0x135: {  	v51 =	vld.idx.msk [tilespmem:v0+s1+$0x0], vm0;
	v0 =	vor.u32 $0x5, v4  }
0x136: {  	v38 =	vor.u32 $0x6, v4;
	[tilespmem:$0x1FB80] =	vst v1;
	v1 =	vld.idx.msk [tilespmem:v37+s1+$0x0], vm0;
	_ =	sdelay $0x3  }
0x137: {  	v0 =	vld.idx.msk [tilespmem:v0+s1+$0x0], vm0  }
0x138: {  	v2 =	vor.u32 $0x7, v4;
	[tilespmem:$0x1FB90] =	vst v1;
	v1 =	vld.idx.msk [tilespmem:v38+s1+$0x0], vm0;
	_ =	sdelay $0x3  }
0x139: {  	[tilespmem:$0x1FBA0] =	vst v0;
	v0 =	vadd.s32 $0xA, v4  }
0x13a: {  	[tilespmem:$0x1FBB0] =	vst v1;
	v1 =	vld.idx.msk [tilespmem:v2+s1+$0x0], vm0;
	v2 =	vadd.s32 $0xC, v4;
	_ =	sdelay $0x2  }
0x13b: {  	v41 =	vor.u32 $0x3, v26  }
0x13c: {  	v57 =	vld.idx.msk [tilespmem:v0+s1+$0x0], vm0;
	v0 =	vadd.s32 $0xE, v4  }
0x13d: {  	v58 =	vld.idx.msk [tilespmem:v2+s1+$0x0], vm0;
	v2 =	vadd.s32 $0x10, v4;
	_ =	sdelay $0x1  }
0x13e: {  	v39 =	vadd.s32 $0x9, v4  }
0x13f: {  	v43 =	vld.idx.msk [tilespmem:v41+s13+$0x0], vm0  }
0x140: {  	v46 =	vld.idx.msk [tilespmem:v0+s1+$0x0], vm0  }
0x141: {  	v0 =	vld.idx.msk [tilespmem:v2+s1+$0x0], vm0;
	_ =	sdelay $0x1  }
0x142: {  	v40 =	vadd.s32 $0xB, v4;
	[tilespmem:$0x1FBC0] =	vst v1;
	v1 =	vld.idx.msk [tilespmem:v39+s1+$0x0], vm0;
	_ =	sdelay $0x2  }
0x143: {  	[tilespmem:$0x1FBF0] =	vst v0;
	v0 =	vmul.u32 $0x18, v43;
	_ =	sdelay $0x1  }
0x144: {  	[tilespmem:$0x1FBD0] =	vst v1;
	v1 =	vld.idx.msk [tilespmem:v40+s1+$0x0], vm0;
	v36 =	vor.u32 $0x2, v0;
	_ =	sdelay $0x3  }
0x145: {  	v21 =	vld.idx.msk [tilespmem:v6+s1+$0x0], vm0;
	v60 =	vor.u32 $0x3, v5  }
0x146: {  	[tilespmem:$0x1FBE0] =	vst v1;
	v37 =	vor.u32 $0x3, v0;
	v1 =	vld.idx.msk [tilespmem:v36+s1+$0x0], vm0  }
0x147: {  	v24 =	vld.idx.msk [tilespmem:v52+s1+$0x0], vm0;
	v3 =	vadd.s32 $0x8, v4  }
0x148: {  	v28 =	vld.idx.msk [tilespmem:v54+s1+$0x0], vm0;
	v61 =	vor.u32 $0x5, v5  }
0x149: {  	v33 =	vadd.s32 $0x13, v5;
	v17 =	vld.idx.msk [tilespmem:v5+s1+$0x0], vm0  }
0x14a: {  	v54 =	vld.idx.msk [tilespmem:v60+s1+$0x0], vm0  }
0x14b: {  	v38 =	vor.u32 $0x4, v0;
	[tilespmem:$0x1FC00] =	vst v1;
	v1 =	vld.idx.msk [tilespmem:v37+s1+$0x0], vm0  }
0x14c: {  	v52 =	vld.idx.msk [tilespmem:v3+s1+$0x0], vm0;
	v3 =	vadd.s32 $0xD, v4  }
0x14d: {  	v8 =	vadd.s32 $0x12, v4;
	v55 =	vld.idx.msk [tilespmem:v61+s1+$0x0], vm0  }
0x14e: {  	v42 =	vadd.s32 $0xF, v4;
	v48 =	vld.idx.msk [tilespmem:v33+s1+$0x0], vm0  }
0x14f: {  	v54 =	vmax.f32 v18, v54;
	v18 =	vmax.f32 v11, v23;
	v11 =	vld [tilespmem:$0x1FA50]  }
0x150: {  	[tilespmem:$0x1FC10] =	vst v1;
	v1 =	vld.idx.msk [tilespmem:v38+s1+$0x0], vm0  }
0x151: {  	v60 =	vld.idx.msk [tilespmem:v3+s1+$0x0], vm0;
	v3 =	vadd.s32 $0x11, v4  }
0x152: {  	v32 =	vadd.s32 $0x11, v5;
	v50 =	vld.idx.msk [tilespmem:v8+s1+$0x0], vm0  }
0x153: {  	v59 =	vld.idx.msk [tilespmem:v42+s1+$0x0], vm0  }
0x154: {  	v45 =	vmax.f32 v28, v45;
	v28 =	vld [tilespmem:$0x1FAA0];
	v2 =	vadd.s32 $0x14, v4  }
0x155: {  	v53 =	vmax.f32 v15, v53;
	v15 =	vmax.f32 v24, v11;
	v11 =	vld [tilespmem:$0x1FB30];
	[tilespmem:$0x1FC20] =	vst v1;
	v1 =	vadd.s32 $0xA, v0  }
0x156: {  	v61 =	vld.idx.msk [tilespmem:v3+s1+$0x0], vm0;
	v3 =	vadd.s32 $0x15, v4  }
0x157: {  	v19 =	vadd.s32 $0x16, v4;
	v63 =	vld.idx.msk [tilespmem:v32+s1+$0x0], vm0  }
0x158: {  	v32 =	vld.idx.msk [tilespmem:v4+s1+$0x0], vm0;
	v27 =	vadd.s32 $0x17, v4  }
0x159: {  	v47 =	vadd.s32 $0x13, v4;
	v41 =	vld.idx.msk [tilespmem:v2+s1+$0x0], vm0  }
0x15a: {  	v2 =	vadd.s32 $0xB, v0;
	v1 =	vld.idx.msk [tilespmem:v1+s1+$0x0], vm0  }
0x15b: {  	v44 =	vld.idx.msk [tilespmem:v3+s1+$0x0], vm0;
	v3 =	vadd.s32 $0xC, v0  }
0x15c: {  	v40 =	vld.idx.msk [tilespmem:v19+s1+$0x0], vm0;
	v19 =	vadd.s32 $0xD, v0  }
0x15d: {  	v33 =	vor.u32 $0x4, v26;
	v42 =	vld.idx.msk [tilespmem:v27+s1+$0x0], vm0  }
0x15e: {  	v43 =	vld.idx.msk [tilespmem:v47+s1+$0x0], vm0;
	v35 =	vor.u32 $0x1, v0  }
0x15f: {  	v8 =	vadd.s32 $0x9, v0;
	[tilespmem:$0x1FC40] =	vst v1;
	v1 =	vld.idx.msk [tilespmem:v2+s1+$0x0], vm0  }
0x160: {  	v6 =	vor.u32 $0x7, v0;
	v2 =	vld.idx.msk [tilespmem:v3+s1+$0x0], vm0  }
0x161: {  	v38 =	vadd.s32 $0xE, v0;
	v3 =	vld.idx.msk [tilespmem:v19+s1+$0x0], vm0  }
0x162: {  	v19 =	vld.idx.msk [tilespmem:v33+s13+$0x0], vm0  }
0x163: {  	v5 =	vor.u32 $0x6, v0;
	v47 =	vld.idx.msk [tilespmem:v35+s1+$0x0], vm0  }
0x164: {  	v26 =	vadd.s32 $0x12, v0;
	v27 =	vld.idx.msk [tilespmem:v8+s1+$0x0], vm0  }
0x165: {  	v36 =	vld.idx.msk [tilespmem:v6+s1+$0x0], vm0  }
0x166: {  	v6 =	vld.idx.msk [tilespmem:v38+s1+$0x0], vm0  }
0x167: {  	v4 =	vmul.u32 $0x18, v19;
	v19 =	vmax.f32 v9, v17;
	v17 =	vmax.f32 v10, v20;
	v10 =	vld [tilespmem:$0x1FA40]  }
0x168: {  	v7 =	vadd.s32 $0x8, v0;
	v35 =	vld.idx.msk [tilespmem:v5+s1+$0x0], vm0  }
0x169: {  	v5 =	vld.idx.msk [tilespmem:v26+s1+$0x0], vm0;
	[tilespmem:$0x1FC30] =	vst v27;
	v27 =	vadd.s32 $0x16, v0  }
0x16a: {  	v56 =	vmax.f32 v22, v56;
	v22 =	vld [tilespmem:$0x1FA70];
	v38 =	vor.u32 $0x4, v4  }
0x16b: {  	v62 =	vmax.f32 v28, v62;
	v28 =	vld [tilespmem:$0x1FB00]  }
0x16c: {  	[tilespmem:$0x1FC80] =	vst v6;
	v6 =	vmax.f32 v13, v10;
	v13 =	vld [tilespmem:$0x1FA60]  }
0x16d: {  	v37 =	vld.idx.msk [tilespmem:v7+s1+$0x0], vm0  }
0x16e: {  	[tilespmem:$0x1FCC0] =	vst v5;
	v5 =	vld.idx.msk [tilespmem:v27+s1+$0x0], vm0  }
0x16f: {  	v27 =	vld.idx.msk [tilespmem:v38+s1+$0x0], vm0  }
0x170: {  	v39 =	vor.u32 $0x5, v0;
	v38 =	vld [tilespmem:$0x1FAD0]  }
0x171: {  	v7 =	vmax.f32 v14, v13;
	v13 =	vld [tilespmem:$0x1FAE0]  }
0x172: {  	v24 =	vld [tilespmem:$0x1FA80]  }
0x173: {  	v59 =	vmax.f32 v62, v59;
	v62 =	vld [tilespmem:$0x1FBF0];
	[tilespmem:$0x1FC60] =	vst v2;
	v2 =	vadd.s32 $0x10, v0  }
0x174: {  	v26 =	vld [tilespmem:$0x1FA90]  }
0x175: {  	v39 =	vld.idx.msk [tilespmem:v39+s1+$0x0], vm0  }
0x176: {  	v13 =	vmax.f32 v38, v13;
	v38 =	vld [tilespmem:$0x1FB40]  }
0x177: {  	v33 =	vld.idx.msk [tilespmem:v0+s1+$0x0], vm0;
	[tilespmem:$0x1FC50] =	vst v1;
	v1 =	vadd.s32 $0xF, v0  }
0x178: {  	[tilespmem:$0x1FC70] =	vst v3;
	v3 =	vadd.s32 $0x11, v0;
	v2 =	vld.idx.msk [tilespmem:v2+s1+$0x0], vm0  }
0x179: {  	v9 =	vmax.f32 v30, v26;
	v30 =	vld [tilespmem:$0x1FAB0]  }
0x17a: {  	v26 =	vld [tilespmem:$0x1FAF0]  }
0x17b: {  	v11 =	vmax.f32 v11, v38;
	v38 =	vld [tilespmem:$0x1FB50]  }
0x17c: {  	v1 =	vld.idx.msk [tilespmem:v1+s1+$0x0], vm0  }
0x17d: {  	v3 =	vld.idx.msk [tilespmem:v3+s1+$0x0], vm0;
	[tilespmem:$0x1FCA0] =	vst v2;
	v2 =	vadd.s32 $0x14, v0  }
0x17e: {  	v8 =	vmax.f32 v16, v24;
	[tilespmem:$0x1FD00] =	vst v5;
	v5 =	vadd.s32 $0x9, v4;
	v16 =	vmax.f32 v31, v30;
	v31 =	vld [tilespmem:$0x1FAC0]  }
0x17f: {  	v9 =	vmax.f32 v9, v46;
	v46 =	vadd.s32 $0x16, v4;
	v30 =	vld [tilespmem:$0x1FB10]  }
0x180: {  	v51 =	vmax.f32 v38, v51;
	v38 =	vld [tilespmem:$0x1FB60]  }
0x181: {  	v45 =	vmax.f32 v45, v60;
	v60 =	vld.idx.msk [tilespmem:v4+s1+$0x0], vm0  }
0x182: {  	v2 =	vld.idx.msk [tilespmem:v2+s1+$0x0], vm0  }
0x183: {  	v19 =	vmax.f32 v19, v32;
	v48 =	vmax.f32 v26, v48;
	v26 =	vld.idx.msk [tilespmem:v5+s1+$0x0], vm0;
	v5 =	vadd.s32 $0xE, v4  }
0x184: {  	v19 =	vmax.f32 v19, v33;
	v33 =	vld.idx.msk [tilespmem:v46+s1+$0x0], vm0;
	[tilespmem:$0x1FC90] =	vst v1;
	v1 =	vadd.s32 $0x13, v0  }
0x185: {  	v32 =	vmax.f32 v53, v38;
	v38 =	vld [tilespmem:$0x1FB90]  }
0x186: {  	[tilespmem:$0x1FCB0] =	vst v3;
	v3 =	vadd.s32 $0x15, v0;
	v63 =	vmax.f32 v31, v63;
	v31 =	vld [tilespmem:$0x1FB20]  }
0x187: {  	v61 =	vmax.f32 v63, v61;
	v63 =	vld [tilespmem:$0x1FC00];
	[tilespmem:$0x1FCE0] =	vst v2;
	v2 =	vor.u32 $0x2, v4  }
0x188: {  	v0 =	vadd.s32 $0x17, v0;
	v5 =	vld.idx.msk [tilespmem:v5+s1+$0x0], vm0  }
0x189: {  	v6 =	vmax.f32 v6, v52;
	v52 =	vadd.s32 $0x13, v4;
	v1 =	vld.idx.msk [tilespmem:v1+s1+$0x0], vm0  }
0x18a: {  	v18 =	vmax.f32 v18, v38;
	v38 =	vld [tilespmem:$0x1FBA0]  }
0x18b: {  	v7 =	vmax.f32 v7, v57;
	v57 =	vadd.s32 $0x14, v4;
	v3 =	vld.idx.msk [tilespmem:v3+s1+$0x0], vm0  }
0x18c: {  	v55 =	vmax.f32 v21, v55;
	v21 =	vld.idx.msk [tilespmem:v2+s1+$0x0], vm0;
	v2 =	vor.u32 $0x7, v4  }
0x18d: {  	v8 =	vmax.f32 v8, v58;
	v58 =	vadd.s32 $0x15, v4;
	v0 =	vld.idx.msk [tilespmem:v0+s1+$0x0], vm0  }
0x18e: {  	v13 =	vmax.f32 v13, v50;
	v50 =	vld.idx.msk [tilespmem:v52+s1+$0x0], vm0;
	[tilespmem:$0x1FCD0] =	vst v1;
	v1 =	vor.u32 $0x1, v4  }
0x18f: {  	v10 =	vmax.f32 v28, v30;
	v55 =	vmax.f32 v55, v38;
	v38 =	vld [tilespmem:$0x1FBB0]  }
0x190: {  	v10 =	vmax.f32 v10, v41;
	v41 =	vld.idx.msk [tilespmem:v57+s1+$0x0], vm0;
	[tilespmem:$0x1FCF0] =	vst v3;
	v3 =	vor.u32 $0x3, v4  }
0x191: {  	v14 =	vmax.f32 v25, v22;
	v22 =	vld.idx.msk [tilespmem:v2+s1+$0x0], vm0;
	v2 =	vadd.s32 $0xC, v4  }
0x192: {  	v11 =	vmax.f32 v11, v40;
	v40 =	vld.idx.msk [tilespmem:v58+s1+$0x0], vm0  }
0x193: {  	v12 =	vmax.f32 v12, v29;
	[tilespmem:$0x1FD10] =	vst v0;
	v0 =	vor.u32 $0x5, v4;
	v20 =	vld.idx.msk [tilespmem:v1+s1+$0x0], vm0  }
0x194: {  	v12 =	vmax.f32 v12, v38;
	v38 =	vld [tilespmem:$0x1FBC0]  }
0x195: {  	v1 =	vor.u32 $0x6, v4;
	v23 =	vld.idx.msk [tilespmem:v3+s1+$0x0], vm0  }
0x196: {  	v49 =	vmax.f32 v31, v49;
	v3 =	vadd.s32 $0x8, v4;
	v31 =	vld.idx.msk [tilespmem:v2+s1+$0x0], vm0  }
0x197: {  	v2 =	vld [tilespmem:$0x1FB70]  }
0x198: {  	v25 =	vld.idx.msk [tilespmem:v0+s1+$0x0], vm0;
	v0 =	vadd.s32 $0xA, v4  }
0x199: {  	v56 =	vmax.f32 v56, v38;
	v38 =	vld [tilespmem:$0x1FBD0]  }
0x19a: {  	v29 =	vld.idx.msk [tilespmem:v1+s1+$0x0], vm0  }
0x19b: {  	v1 =	vadd.s32 $0xB, v4;
	v24 =	vld.idx.msk [tilespmem:v3+s1+$0x0], vm0  }
0x19c: {  	v3 =	vadd.s32 $0xD, v4;
	v17 =	vmax.f32 v17, v2;
	v2 =	vld [tilespmem:$0x1FB80]  }
0x19d: {  	v28 =	vld.idx.msk [tilespmem:v0+s1+$0x0], vm0;
	v0 =	vadd.s32 $0xF, v4  }
0x19e: {  	v15 =	vmax.f32 v15, v38;
	v38 =	vld [tilespmem:$0x1FBE0]  }
0x19f: {  	v42 =	vmax.f32 v51, v42;
	v51 =	vld [tilespmem:$0x1FC20];
	v53 =	vadd.s32 $0x11, v4  }
0x1a0: {  	v30 =	vld.idx.msk [tilespmem:v1+s1+$0x0], vm0;
	v1 =	vadd.s32 $0x10, v4  }
0x1a1: {  	v34 =	vmul.u32 $0x18, v34;
	v3 =	vld.idx.msk [tilespmem:v3+s1+$0x0], vm0;
	v54 =	vmax.f32 v54, v2;
	v2 =	vadd.s32 $0x12, v4  }
0x1a2: {  	v0 =	vld.idx.msk [tilespmem:v0+s1+$0x0], vm0;
	v4 =	vadd.s32 $0x17, v4  }
0x1a3: {  	v16 =	vmax.f32 v16, v62;
	v52 =	vor.u32 $0x1, v34;
	v14 =	vmax.f32 v14, v38;
	v38 =	vld [tilespmem:$0x1FC10]  }
0x1a4: {  	v43 =	vmax.f32 v48, v43;
	v62 =	vor.u32 $0x4, v34;
	v57 =	vor.u32 $0x2, v34;
	v53 =	vld.idx.msk [tilespmem:v53+s1+$0x0], vm0  }
0x1a5: {  	v19 =	vmax.f32 v19, v60;
	v58 =	vor.u32 $0x3, v34;
	v32 =	vmax.f32 v32, v47;
	v1 =	vld.idx.msk [tilespmem:v1+s1+$0x0], vm0  }
0x1a6: {  	v20 =	vmax.f32 v32, v20;
	v32 =	vor.u32 $0x5, v34;
	v17 =	vmax.f32 v17, v63;
	v2 =	vld.idx.msk [tilespmem:v2+s1+$0x0], vm0  }
0x1a7: {  	v17 =	vmax.f32 v17, v21;
	v12 =	vmax.f32 v12, v35;
	v4 =	vld.idx.msk [tilespmem:v4+s1+$0x0], vm0;
	[tilespmem:v34+s14+$0x0] =	vst.idx.msk vm0, v19  }
0x1a8: {  	v48 =	vor.u32 $0x6, v34;
	v12 =	vmax.f32 v12, v29;
	[tilespmem:v52+s14+$0x0] =	vst.idx.msk vm0, v20;
	v20 =	vmax.f32 v54, v38  }
0x1a9: {  	v29 =	vld [tilespmem:$0x1FC30];
	[tilespmem:v57+s14+$0x0] =	vst.idx.msk vm0, v17;
	v17 =	vmax.f32 v18, v51;
	v54 =	vor.u32 $0x7, v34;
	v52 =	vmax.f32 v20, v23  }
0x1aa: {  	v55 =	vmax.f32 v55, v39;
	v35 =	vld [tilespmem:$0x1FC40];
	v57 =	vadd.s32 $0x8, v34;
	v17 =	vmax.f32 v17, v27;
	[tilespmem:v58+s14+$0x0] =	vst.idx.msk vm0, v52  }
0x1ab: {  	v60 =	vadd.s32 $0x9, v34;
	v38 =	vld [tilespmem:$0x1FC50];
	v58 =	vmax.f32 v55, v25;
	[tilespmem:v62+s14+$0x0] =	vst.idx.msk vm0, v17  }
0x1ac: {  	v46 =	vld [tilespmem:$0x1FC60];
	v63 =	vadd.s32 $0xA, v34;
	v62 =	vmax.f32 v56, v36;
	[tilespmem:v32+s14+$0x0] =	vst.idx.msk vm0, v58  }
0x1ad: {  	v6 =	vmax.f32 v6, v37;
	v27 =	vadd.s32 $0xB, v34;
	v25 =	vmax.f32 v62, v22;
	[tilespmem:v48+s14+$0x0] =	vst.idx.msk vm0, v12;
	v48 =	vld [tilespmem:$0x1FC70]  }
0x1ae: {  	v6 =	vmax.f32 v6, v24;
	v32 =	vadd.s32 $0xC, v34;
	v12 =	vmax.f32 v15, v29;
	[tilespmem:v54+s14+$0x0] =	vst.idx.msk vm0, v25  }
0x1af: {  	v37 =	vadd.s32 $0xD, v34;
	v36 =	vmax.f32 v12, v26;
	[tilespmem:v57+s14+$0x0] =	vst.idx.msk vm0, v6;
	v6 =	vmax.f32 v7, v35  }
0x1b0: {  	v7 =	vmax.f32 v14, v38;
	[tilespmem:v60+s14+$0x0] =	vst.idx.msk vm0, v36;
	v6 =	vmax.f32 v6, v28  }
0x1b1: {  	v7 =	vmax.f32 v7, v30;
	[tilespmem:v63+s14+$0x0] =	vst.idx.msk vm0, v6;
	v6 =	vmax.f32 v8, v46  }
0x1b2: {  	[tilespmem:v27+s14+$0x0] =	vst.idx.msk vm0, v7;
	v7 =	vmax.f32 v45, v48;
	v6 =	vmax.f32 v6, v31  }
0x1b3: {  	v51 =	vld [tilespmem:$0x1FC80];
	[tilespmem:v32+s14+$0x0] =	vst.idx.msk vm0, v6;
	v3 =	vmax.f32 v7, v3  }
0x1b4: {  	[tilespmem:v37+s14+$0x0] =	vst.idx.msk vm0, v3;
	v3 =	vld [tilespmem:$0x1FC90]  }
0x1b5: {  	v56 =	vld [tilespmem:$0x1FCB0]  }
0x1b6: {  	v39 =	vadd.s32 $0xE, v34;
	v55 =	vld [tilespmem:$0x1FCA0]  }
0x1b7: {  	v47 =	vadd.s32 $0xF, v34  }
0x1b8: {  	v44 =	vmax.f32 v49, v44;
	v49 =	vadd.s32 $0x10, v34;
	v57 =	vld [tilespmem:$0x1FCC0]  }
0x1b9: {  	v52 =	vadd.s32 $0x11, v34;
	v6 =	vmax.f32 v9, v51;
	v3 =	vmax.f32 v59, v3;
	v59 =	vld [tilespmem:$0x1FCD0]  }
0x1ba: {  	v54 =	vadd.s32 $0x12, v34;
	v9 =	vmax.f32 v61, v56;
	v61 =	vld [tilespmem:$0x1FCE0];
	v5 =	vmax.f32 v6, v5  }
0x1bb: {  	[tilespmem:v39+s14+$0x0] =	vst.idx.msk vm0, v5;
	v5 =	vmax.f32 v16, v55;
	v0 =	vmax.f32 v3, v0;
	v3 =	vadd.s32 $0x13, v34  }
0x1bc: {  	v1 =	vmax.f32 v5, v1;
	[tilespmem:v47+s14+$0x0] =	vst.idx.msk vm0, v0;
	v0 =	vadd.s32 $0x14, v34  }
0x1bd: {  	v58 =	vmax.f32 v9, v53;
	v5 =	vmax.f32 v13, v57;
	[tilespmem:v49+s14+$0x0] =	vst.idx.msk vm0, v1  }
0x1be: {  	v2 =	vmax.f32 v5, v2;
	[tilespmem:v52+s14+$0x0] =	vst.idx.msk vm0, v58;
	v9 =	vmax.f32 v43, v59  }
0x1bf: {  	v63 =	vld [tilespmem:$0x1FCF0];
	v7 =	vmax.f32 v10, v61;
	[tilespmem:v54+s14+$0x0] =	vst.idx.msk vm0, v2;
	v62 =	vmax.f32 v9, v50  }
0x1c0: {  	v7 =	vmax.f32 v7, v41;
	[tilespmem:v3+s14+$0x0] =	vst.idx.msk vm0, v62;
	v3 =	vld [tilespmem:$0x1FD00]  }
0x1c1: {  	v1 =	vadd.s32 $0x15, v34;
	[tilespmem:v0+s14+$0x0] =	vst.idx.msk vm0, v7;
	v0 =	vld [tilespmem:$0x1FD10]  }
0x1c2: {  	v60 =	vadd.s32 $0x16, v34  }
0x1c3: {  	p0 =	sne.s32 s16, $0x1F0;
	v2 =	vadd.s32 $0x17, v34  }
.Ltmp1:
0x1c4: {  	v6 =	vmax.f32 v44, v63;
	(pc) =	sbr.rel @p0 .LBB2_4-.Ltmp1, $4  }
0x1c5: {  	v6 =	vmax.f32 v6, v40;
	v3 =	vmax.f32 v11, v3  }
0x1c6: {  	[tilespmem:v1+s14+$0x0] =	vst.idx.msk vm0, v6;
	v0 =	vmax.f32 v42, v0;
	v3 =	vmax.f32 v3, v33  }
0x1c7: {  	v0 =	vmax.f32 v0, v4;
	[tilespmem:v60+s14+$0x0] =	vst.idx.msk vm0, v3  }
0x1c8: {  	s16 =	sadd.s32 $0x10, s16;
	[tilespmem:v2+s14+$0x0] =	vst.idx.msk vm0, v0;
	v0 =	vlaneseq.u32  }
0x1c9: {  	s15 =	sadd.s32 $0x1, s15  }
0x1ca: {  	p0 =	sne.s32 s15, s9  }
.Ltmp2:
0x1cb: {  	_ = 	snop;
	(pc) =	sbr.rel @p0 .LBB2_1-.Ltmp2, $4  }
0x1cc: {  	[hbm4b:s8+s10] =	stream.strided.scatter [tilespmem:s14], [sflag:$0x1], $0x2F00, s11, s10, $0x38;
	[tilespmem:$0x6E00] =	vst v63  }
0x1cd: {  	_ =	swait.ge [sflag:s12], $0x2F00  }
0x1ce: {  	[sflag:s12] =	ssyncset.done $0x0  }
0x1cf: {  	[sflag:s12] =	ssyncadd.s32 $0xFFFFD100  }
0x1d0: {  	_ =	sfence.sel $0x180000  }
0x1d1: {  	[bflag:$0x0] =	sbarrier.arrive $0xFFFF  }
0x1d2: {  	p0 =	sne.s32 s2, $0x0;
	_ =	strace $0x90000047  }
0x1d3: {  	s0 =	sadd.s32 @!p0 $0x100000, s0;
	[bflag:$0x2] =	sbarrier.arrive $0xFFFF  }
0x1d4: {  	[sflag:s0] =	ssyncadd.tile.s32 @!p0 $0x1;
	_ =	shalt  }
.Lfunc_end2:
_tile_overlayer_lowered:
.L_overlay_start_2:
0x1d5: {  	(tag) =	ssettag $0x2  }
0x1d6: {  	s0 =	rddreg [dreg:$0x0];
	s2 =	stileid.u32  }
0x1d7: {  	s1 =	rddreg [dreg:$0x1];
	p0 =	sne.s32 s2, $0x0  }
0x1d8: {  	s3 =	rddreg [dreg:$0x2];
	[bflag:$0x3] =	sbarrier.arrive $0xFFFF;
	s2 =	simm.s32 @!p0 $0x1C01  }
0x1d9: {  	[timem:s3], [sflag:s2] =	dma.local @!p0 [hbm:s0], s1  }
0x1da: {  	s0 =	simm.s32 @!p0 $0x1  }
0x1db: {  	_ =	swait.ge @!p0 [sflag:s0], s1  }
0x1dc: {  	s1 =	ssub.s32 @!p0 $0x0, s1;
	[sflag:s0] =	ssyncset.done @!p0 $0x0  }
0x1dd: {  	[sflag:s0] =	ssyncadd.s32 @!p0 s1  }
0x1de: {  	[bflag:$0x3] =	sbarrier.arrive $0xFFFF  }
0x1df: {  	_ =	shalt  }

</sc_bundles>
